<compile_context>
chip_gen: v7x
topology: tpu7x:2x2x1
jax: 0.10.2.dev20260603
libtpu: 0.0.44.dev20260713+nightly
codegen_flags: <defaults>
</compile_context>

<pallas_src>
import functools

import jax
import jax.numpy as jnp
from jax import lax
from jax.experimental import pallas as pl
from jax.experimental.pallas import tpu as pltpu
from jax.experimental.pallas import tpu_sc as plsc

_K = 8
_E = 64
_T = 32768
_NC = 2
_NS = 16
_L = 16
_NW = _NC * _NS
_TPW = _T // _NW


def _router_body(lt_hbm, lg_hbm, w_hbm, id_hbm, hist_hbm,
                 in_v, w_stage, id_stage, hist_v, hist_red,
                 sem_i, sem_o):
    wid = lax.axis_index("s") * _NC + lax.axis_index("c")
    tok0 = wid * _TPW

    lane = lax.iota(jnp.int32, 16)
    ones = jnp.ones((_L,), jnp.float32)
    neg_inf = jnp.full((_L,), -jnp.inf, jnp.float32)
    zeros_i = jnp.zeros((_L,), jnp.int32)

    _Q = _TPW // 4
    in_descs = [
        pltpu.async_copy(lt_hbm.at[:, pl.ds(tok0 + q * _Q, _Q)],
                         in_v.at[:, pl.ds(q * _Q, _Q)], sem_i)
        for q in range(4)]

    for b in range(_L):
        for c in range(_E // _L):
            hist_v[b, pl.ds(c * _L, _L)] = jnp.zeros((_L,), jnp.float32)

    in_descs[0].wait()
    pltpu.async_copy(in_v.at[:, pl.ds(0, _Q)],
                     lg_hbm.at[:, pl.ds(tok0, _Q)], sem_o)

    _GPQ = _Q // _L

    def group_body(g, carry2):
        for q in range(1, 4):
            @pl.when(g == q * _GPQ)
            def _wait_quarter(q=q):
                in_descs[q].wait()
                pltpu.async_copy(in_v.at[:, pl.ds(q * _Q, _Q)],
                                 lg_hbm.at[:, pl.ds(tok0 + q * _Q, _Q)],
                                 sem_o)

        base = g * _L
        rows = base + lane

        ks = [neg_inf] * _K
        for e in range(_E):
            v = in_v[e, pl.ds(base, _L)]
            vb = plsc.bitcast(v, jnp.int32)
            c = plsc.bitcast((vb & jnp.int32(~63)) | jnp.int32(e),
                             jnp.float32)
            for j in range(_K):
                hi = jnp.maximum(ks[j], c)
                if j < _K - 1:
                    c = jnp.minimum(ks[j], c)
                ks[j] = hi

        ids = [plsc.bitcast(ks[j], jnp.int32) & 63 for j in range(_K)]
        vs = [plsc.load_gather(in_v, [ids[j], rows]) for j in range(_K)]

        es = [ones] + [jnp.exp(vs[j] - vs[0]) for j in range(1, _K)]
        s = es[0]
        for j in range(1, _K):
            s = s + es[j]
        r = 1.0 / s

        w_stage[0, pl.ds(base, _L)] = r
        id_stage[0, pl.ds(base, _L)] = ids[0]
        plsc.addupdate_scatter(hist_v, [lane, ids[0]], ones)
        for j in range(1, _K):
            w_stage[j, pl.ds(base, _L)] = es[j] * r
            id_stage[j, pl.ds(base, _L)] = ids[j]
            plsc.addupdate_scatter(hist_v, [lane, ids[j]], ones)
        return carry2

    lax.fori_loop(0, _TPW // _L, group_body, 0)
    pltpu.sync_copy(w_stage, w_hbm.at[:, pl.ds(tok0, _TPW)])
    pltpu.sync_copy(id_stage, id_hbm.at[:, pl.ds(tok0, _TPW)])
    for q in range(4):
        pltpu.make_async_copy(in_v.at[:, pl.ds(q * _Q, _Q)],
                              lg_hbm.at[:, pl.ds(tok0 + q * _Q, _Q)],
                              sem_o).wait()

    for c in range(_E // _L):
        acc = hist_v[0, pl.ds(c * _L, _L)]
        for rr in range(1, _L):
            acc = acc + hist_v[rr, pl.ds(c * _L, _L)]
        hist_red[pl.ds(c * _L, _L)] = acc
    pltpu.sync_copy(hist_red, hist_hbm.at[wid])


_router = functools.partial(
    pl.kernel,
    out_type=(
        jax.ShapeDtypeStruct((_E, _T), jnp.float32),
        jax.ShapeDtypeStruct((_K, _T), jnp.float32),
        jax.ShapeDtypeStruct((_K, _T), jnp.int32),
        jax.ShapeDtypeStruct((_NW, _E), jnp.float32),
    ),
    mesh=plsc.VectorSubcoreMesh(core_axis_name="c", subcore_axis_name="s"),
    compiler_params=pltpu.CompilerParams(needs_layout_passes=False),
    scratch_types=[
        pltpu.VMEM((_E, _TPW), jnp.float32),
        pltpu.VMEM((_K, _TPW), jnp.float32),
        pltpu.VMEM((_K, _TPW), jnp.int32),
        pltpu.VMEM((_L, _E), jnp.float32),
        pltpu.VMEM((_E,), jnp.float32),
        pltpu.SemaphoreType.DMA,
        pltpu.SemaphoreType.DMA,
    ],
)(_router_body)


def _hist_reduce_body(p_ref, o_ref):
    o_ref[...] = jnp.sum(p_ref[...], axis=0, keepdims=True)


def _hist_reduce(partials):
    out = pl.pallas_call(
        _hist_reduce_body,
        out_shape=jax.ShapeDtypeStruct((1, _E), jnp.float32),
    )(partials)
    return out.reshape(_E)


@jax.jit
def kernel(logits):
    lg_t, w_t, id_t, partials = _router(logits.T)
    tokens_per_expert = _hist_reduce(partials)
    return (lg_t.T, w_t.T, id_t.T, tokens_per_expert)

# --- scband reference (transcript-rebuilt; emitter-appended) ---
"""Pipeline reference for scband-greedy-router-30107720745190 (READ-ONLY COPY).

The authoritative reference and input builder live on the scoring server;
editing this copy changes nothing except your own understanding.
"""

import jax, jax.numpy as jnp
import numpy as np

TOP_K = 8
N_EXPERTS = 64
NORM_TOPK_PROB = True
NUM_TOKENS = 32768


def setup_inputs(seed: int = 0) -> dict:
    key = jax.random.key(seed)
    logits = jax.random.normal(key, (NUM_TOKENS, N_EXPERTS), dtype=jnp.float32)
    return {"logits": logits}


def reference(logits):
    # routing_weights = softmax(logits, dim=1, dtype=float32)
    routing_weights = jax.nn.softmax(logits.astype(jnp.float32), axis=1)
    # topk over experts
    topk_weights, topk_ids = jax.lax.top_k(routing_weights, TOP_K)
    if NORM_TOPK_PROB:
        topk_weights = topk_weights / jnp.sum(topk_weights, axis=-1, keepdims=True)
    # torch.histc(topk_ids, bins=E, min=0, max=E) on integer ids in [0, E)
    # is equivalent to a bincount with E bins
    tokens_per_expert = jnp.bincount(
        topk_ids.reshape(-1).astype(jnp.int32), length=N_EXPERTS
    ).astype(jnp.float32)
    return (logits, topk_weights, topk_ids, tokens_per_expert)

if __name__ == "__main__":
    import jax
    _d = setup_inputs()
    print(jax.jit(kernel)(*tuple(_d.values())))

</pallas_src>

<mosaic_0001>
#map = affine_map<(d0, d1) -> (0, 0)>
module attributes {stable_mosaic.version = 14 : i64} {
  func.func @_router_body(%arg0: i32, %arg1: i32, %arg2: memref<64x32768xf32, #tpu.memory_space<hbm>>, %arg3: memref<64x32768xf32, #tpu.memory_space<hbm>>, %arg4: memref<8x32768xf32, #tpu.memory_space<hbm>>, %arg5: memref<8x32768xi32, #tpu.memory_space<hbm>>, %arg6: memref<32x64xf32, #tpu.memory_space<hbm>>, %arg7: memref<64x1024xf32, #tpu.memory_space<vmem>>, %arg8: memref<8x1024xf32, #tpu.memory_space<vmem>>, %arg9: memref<8x1024xi32, #tpu.memory_space<vmem>>, %arg10: memref<16x64xf32, #tpu.memory_space<vmem>>, %arg11: memref<64xf32, #tpu.memory_space<vmem>>, %arg12: memref<!tpu.dma_semaphore, #tpu.memory_space<semaphore_mem>>, %arg13: memref<!tpu.dma_semaphore, #tpu.memory_space<semaphore_mem>>) attributes {dimension_semantics = [#tpu.dimension_semantics<core_parallel>, #tpu.dimension_semantics<subcore_parallel>], iteration_bounds = array<i64: 2, 16>, scalar_prefetch = 0 : i64, scratch_operands = 7 : i64, tpu.core_type = #tpu.core_type<sc_vector_subcore>, window_params = [{transform_indices = #map}, {transform_indices = #map}, {transform_indices = #map}, {transform_indices = #map}, {transform_indices = #map}]} {
    %mul3A = arith.constant 2 : i32
    %mul3A_0 = arith.muli %arg1, %mul3A : i32
    %add3A = arith.addi %mul3A_0, %arg0 : i32
    %mul3A_1 = arith.constant 1024 : i32
    %mul3A_2 = arith.muli %add3A, %mul3A_1 : i32
    %iota3A = tpu.iota {dimensions = array<i32: 0>} : vector<16xi32>
    %broadcast_in_dim3A = arith.constant 1.000000e+00 : f32
    %broadcast_in_dim3A_3 = vector.broadcast %broadcast_in_dim3A : f32 to vector<16xf32>
    %broadcast_in_dim3A_4 = arith.constant 0xFF800000 : f32
    %broadcast_in_dim3A_5 = vector.broadcast %broadcast_in_dim3A_4 : f32 to vector<16xf32>
    %broadcast_in_dim3A_6 = arith.constant 0 : i32
    %broadcast_in_dim3A_7 = vector.broadcast %broadcast_in_dim3A_6 : i32 to vector<16xi32>
    %add3A_8 = arith.constant 0 : i32
    %add3A_9 = arith.addi %mul3A_2, %add3A_8 : i32
    %dma_start3A = arith.constant 0 : i32
    %dma_start3A_10 = arith.constant 0 : i32
    %dma_start3A_11 = tpu.memref_slice %arg7[%dma_start3A, %dma_start3A_10] : memref<64x1024xf32, #tpu.memory_space<vmem>> -> memref<64x256xf32, #tpu.memory_space<vmem>>
    %dma_start3A_12 = arith.constant 0 : i32
    %dma_start3A_13 = tpu.memref_slice %arg2[%dma_start3A_12, %add3A_9] : memref<64x32768xf32, #tpu.memory_space<hbm>> -> memref<64x256xf32, #tpu.memory_space<hbm>>
    %dma_start3A_14 = arith.constant 0 : i32
    %dma_start3A_15 = arith.constant 0 : i32
    %dma_start3A_16 = tpu.memref_slice %arg7[%dma_start3A_14, %dma_start3A_15] : memref<64x1024xf32, #tpu.memory_space<vmem>> -> memref<64x256xf32, #tpu.memory_space<vmem>>
    %dma_start3A_17 = arith.constant 0 : i32
    %dma_start3A_18 = tpu.memref_slice %arg2[%dma_start3A_17, %add3A_9] : memref<64x32768xf32, #tpu.memory_space<hbm>> -> memref<64x256xf32, #tpu.memory_space<hbm>>
    tpu.enqueue_dma source(%dma_start3A_18 : memref<64x256xf32, #tpu.memory_space<hbm>>) target(%dma_start3A_16 : memref<64x256xf32, #tpu.memory_space<vmem>>) target_semaphore(%arg12 : memref<!tpu.dma_semaphore, #tpu.memory_space<semaphore_mem>>)
    %add3A_19 = arith.constant 256 : i32
    %add3A_20 = arith.addi %mul3A_2, %add3A_19 : i32
    %dma_start3A_21 = arith.constant 0 : i32
    %dma_start3A_22 = arith.constant 256 : i32
    %dma_start3A_23 = tpu.memref_slice %arg7[%dma_start3A_21, %dma_start3A_22] : memref<64x1024xf32, #tpu.memory_space<vmem>> -> memref<64x256xf32, #tpu.memory_space<vmem>>
    %dma_start3A_24 = arith.constant 0 : i32
    %dma_start3A_25 = tpu.memref_slice %arg2[%dma_start3A_24, %add3A_20] : memref<64x32768xf32, #tpu.memory_space<hbm>> -> memref<64x256xf32, #tpu.memory_space<hbm>>
    %dma_start3A_26 = arith.constant 0 : i32
    %dma_start3A_27 = arith.constant 256 : i32
    %dma_start3A_28 = tpu.memref_slice %arg7[%dma_start3A_26, %dma_start3A_27] : memref<64x1024xf32, #tpu.memory_space<vmem>> -> memref<64x256xf32, #tpu.memory_space<vmem>>
    %dma_start3A_29 = arith.constant 0 : i32
    %dma_start3A_30 = tpu.memref_slice %arg2[%dma_start3A_29, %add3A_20] : memref<64x32768xf32, #tpu.memory_space<hbm>> -> memref<64x256xf32, #tpu.memory_space<hbm>>
    tpu.enqueue_dma source(%dma_start3A_30 : memref<64x256xf32, #tpu.memory_space<hbm>>) target(%dma_start3A_28 : memref<64x256xf32, #tpu.memory_space<vmem>>) target_semaphore(%arg12 : memref<!tpu.dma_semaphore, #tpu.memory_space<semaphore_mem>>)
    %add3A_31 = arith.constant 512 : i32
    %add3A_32 = arith.addi %mul3A_2, %add3A_31 : i32
    %dma_start3A_33 = arith.constant 0 : i32
    %dma_start3A_34 = arith.constant 512 : i32
    %dma_start3A_35 = tpu.memref_slice %arg7[%dma_start3A_33, %dma_start3A_34] : memref<64x1024xf32, #tpu.memory_space<vmem>> -> memref<64x256xf32, #tpu.memory_space<vmem>>
    %dma_start3A_36 = arith.constant 0 : i32
    %dma_start3A_37 = tpu.memref_slice %arg2[%dma_start3A_36, %add3A_32] : memref<64x32768xf32, #tpu.memory_space<hbm>> -> memref<64x256xf32, #tpu.memory_space<hbm>>
    %dma_start3A_38 = arith.constant 0 : i32
    %dma_start3A_39 = arith.constant 512 : i32
    %dma_start3A_40 = tpu.memref_slice %arg7[%dma_start3A_38, %dma_start3A_39] : memref<64x1024xf32, #tpu.memory_space<vmem>> -> memref<64x256xf32, #tpu.memory_space<vmem>>
    %dma_start3A_41 = arith.constant 0 : i32
    %dma_start3A_42 = tpu.memref_slice %arg2[%dma_start3A_41, %add3A_32] : memref<64x32768xf32, #tpu.memory_space<hbm>> -> memref<64x256xf32, #tpu.memory_space<hbm>>
    tpu.enqueue_dma source(%dma_start3A_42 : memref<64x256xf32, #tpu.memory_space<hbm>>) target(%dma_start3A_40 : memref<64x256xf32, #tpu.memory_space<vmem>>) target_semaphore(%arg12 : memref<!tpu.dma_semaphore, #tpu.memory_space<semaphore_mem>>)
    %add3A_43 = arith.constant 768 : i32
    %add3A_44 = arith.addi %mul3A_2, %add3A_43 : i32
    %dma_start3A_45 = arith.constant 0 : i32
    %dma_start3A_46 = arith.constant 768 : i32
    %dma_start3A_47 = tpu.memref_slice %arg7[%dma_start3A_45, %dma_start3A_46] : memref<64x1024xf32, #tpu.memory_space<vmem>> -> memref<64x256xf32, #tpu.memory_space<vmem>>
    %dma_start3A_48 = arith.constant 0 : i32
    %dma_start3A_49 = tpu.memref_slice %arg2[%dma_start3A_48, %add3A_44] : memref<64x32768xf32, #tpu.memory_space<hbm>> -> memref<64x256xf32, #tpu.memory_space<hbm>>
    %dma_start3A_50 = arith.constant 0 : i32
    %dma_start3A_51 = arith.constant 768 : i32
    %dma_start3A_52 = tpu.memref_slice %arg7[%dma_start3A_50, %dma_start3A_51] : memref<64x1024xf32, #tpu.memory_space<vmem>> -> memref<64x256xf32, #tpu.memory_space<vmem>>
    %dma_start3A_53 = arith.constant 0 : i32
    %dma_start3A_54 = tpu.memref_slice %arg2[%dma_start3A_53, %add3A_44] : memref<64x32768xf32, #tpu.memory_space<hbm>> -> memref<64x256xf32, #tpu.memory_space<hbm>>
    tpu.enqueue_dma source(%dma_start3A_54 : memref<64x256xf32, #tpu.memory_space<hbm>>) target(%dma_start3A_52 : memref<64x256xf32, #tpu.memory_space<vmem>>) target_semaphore(%arg12 : memref<!tpu.dma_semaphore, #tpu.memory_space<semaphore_mem>>)
    %broadcast_in_dim3A_55 = arith.constant 0.000000e+00 : f32
    %broadcast_in_dim3A_56 = vector.broadcast %broadcast_in_dim3A_55 : f32 to vector<16xf32>
    %swap3A = arith.constant 0 : i32
    %swap3A_57 = arith.index_cast %swap3A : i32 to index
    %swap3A_58 = arith.constant 0 : index
    %swap3A_59 = tpu.vector_load %arg10[%swap3A_57, %swap3A_58] {strides = array<i32>} : memref<16x64xf32, #tpu.memory_space<vmem>>, vector<16xf32>,
    tpu.vector_store %arg10[%swap3A_57, %swap3A_58], %broadcast_in_dim3A_56 {strides = array<i32>} : memref<16x64xf32, #tpu.memory_space<vmem>>, vector<16xf32>,
    %broadcast_in_dim3A_60 = arith.constant 0.000000e+00 : f32
    %broadcast_in_dim3A_61 = vector.broadcast %broadcast_in_dim3A_60 : f32 to vector<16xf32>
    %swap3A_62 = arith.constant 0 : i32
    %swap3A_63 = arith.index_cast %swap3A_62 : i32 to index
    %swap3A_64 = arith.constant 16 : index
    %swap3A_65 = tpu.vector_load %arg10[%swap3A_63, %swap3A_64] {strides = array<i32>} : memref<16x64xf32, #tpu.memory_space<vmem>>, vector<16xf32>,
    tpu.vector_store %arg10[%swap3A_63, %swap3A_64], %broadcast_in_dim3A_61 {strides = array<i32>} : memref<16x64xf32, #tpu.memory_space<vmem>>, vector<16xf32>,
    %broadcast_in_dim3A_66 = arith.constant 0.000000e+00 : f32
    %broadcast_in_dim3A_67 = vector.broadcast %broadcast_in_dim3A_66 : f32 to vector<16xf32>
    %swap3A_68 = arith.constant 0 : i32
    %swap3A_69 = arith.index_cast %swap3A_68 : i32 to index
    %swap3A_70 = arith.constant 32 : index
    %swap3A_71 = tpu.vector_load %arg10[%swap3A_69, %swap3A_70] {strides = array<i32>} : memref<16x64xf32, #tpu.memory_space<vmem>>, vector<16xf32>,
    tpu.vector_store %arg10[%swap3A_69, %swap3A_70], %broadcast_in_dim3A_67 {strides = array<i32>} : memref<16x64xf32, #tpu.memory_space<vmem>>, vector<16xf32>,
    %broadcast_in_dim3A_72 = arith.constant 0.000000e+00 : f32
    %broadcast_in_dim3A_73 = vector.broadcast %broadcast_in_dim3A_72 : f32 to vector<16xf32>
    %swap3A_74 = arith.constant 0 : i32
    %swap3A_75 = arith.index_cast %swap3A_74 : i32 to index
    %swap3A_76 = arith.constant 48 : index
    %swap3A_77 = tpu.vector_load %arg10[%swap3A_75, %swap3A_76] {strides = array<i32>} : memref<16x64xf32, #tpu.memory_space<vmem>>, vector<16xf32>,
    tpu.vector_store %arg10[%swap3A_75, %swap3A_76], %broadcast_in_dim3A_73 {strides = array<i32>} : memref<16x64xf32, #tpu.memory_space<vmem>>, vector<16xf32>,
    %broadcast_in_dim3A_78 = arith.constant 0.000000e+00 : f32
    %broadcast_in_dim3A_79 = vector.broadcast %broadcast_in_dim3A_78 : f32 to vector<16xf32>
    %swap3A_80 = arith.constant 1 : i32
    %swap3A_81 = arith.index_cast %swap3A_80 : i32 to index
    %swap3A_82 = arith.constant 0 : index
    %swap3A_83 = tpu.vector_load %arg10[%swap3A_81, %swap3A_82] {strides = array<i32>} : memref<16x64xf32, #tpu.memory_space<vmem>>, vector<16xf32>,
    tpu.vector_store %arg10[%swap3A_81, %swap3A_82], %broadcast_in_dim3A_79 {strides = array<i32>} : memref<16x64xf32, #tpu.memory_space<vmem>>, vector<16xf32>,
    %broadcast_in_dim3A_84 = arith.constant 0.000000e+00 : f32
    %broadcast_in_dim3A_85 = vector.broadcast %broadcast_in_dim3A_84 : f32 to vector<16xf32>
    %swap3A_86 = arith.constant 1 : i32
    %swap3A_87 = arith.index_cast %swap3A_86 : i32 to index
    %swap3A_88 = arith.constant 16 : index
    %swap3A_89 = tpu.vector_load %arg10[%swap3A_87, %swap3A_88] {strides = array<i32>} : memref<16x64xf32, #tpu.memory_space<vmem>>, vector<16xf32>,
    tpu.vector_store %arg10[%swap3A_87, %swap3A_88], %broadcast_in_dim3A_85 {strides = array<i32>} : memref<16x64xf32, #tpu.memory_space<vmem>>, vector<16xf32>,
    %broadcast_in_dim3A_90 = arith.constant 0.000000e+00 : f32
    %broadcast_in_dim3A_91 = vector.broadcast %broadcast_in_dim3A_90 : f32 to vector<16xf32>
    %swap3A_92 = arith.constant 1 : i32
    %swap3A_93 = arith.index_cast %swap3A_92 : i32 to index
    %swap3A_94 = arith.constant 32 : index
    %swap3A_95 = tpu.vector_load %arg10[%swap3A_93, %swap3A_94] {strides = array<i32>} : memref<16x64xf32, #tpu.memory_space<vmem>>, vector<16xf32>,
    tpu.vector_store %arg10[%swap3A_93, %swap3A_94], %broadcast_in_dim3A_91 {strides = array<i32>} : memref<16x64xf32, #tpu.memory_space<vmem>>, vector<16xf32>,
    %broadcast_in_dim3A_96 = arith.constant 0.000000e+00 : f32
    %broadcast_in_dim3A_97 = vector.broadcast %broadcast_in_dim3A_96 : f32 to vector<16xf32>
    %swap3A_98 = arith.constant 1 : i32
    %swap3A_99 = arith.index_cast %swap3A_98 : i32 to index
    %swap3A_100 = arith.constant 48 : index
    %swap3A_101 = tpu.vector_load %arg10[%swap3A_99, %swap3A_100] {strides = array<i32>} : memref<16x64xf32, #tpu.memory_space<vmem>>, vector<16xf32>,
    tpu.vector_store %arg10[%swap3A_99, %swap3A_100], %broadcast_in_dim3A_97 {strides = array<i32>} : memref<16x64xf32, #tpu.memory_space<vmem>>, vector<16xf32>,
    %broadcast_in_dim3A_102 = arith.constant 0.000000e+00 : f32
    %broadcast_in_dim3A_103 = vector.broadcast %broadcast_in_dim3A_102 : f32 to vector<16xf32>
    %swap3A_104 = arith.constant 2 : i32
    %swap3A_105 = arith.index_cast %swap3A_104 : i32 to index
    %swap3A_106 = arith.constant 0 : index
    %swap3A_107 = tpu.vector_load %arg10[%swap3A_105, %swap3A_106] {strides = array<i32>} : memref<16x64xf32, #tpu.memory_space<vmem>>, vector<16xf32>,
    tpu.vector_store %arg10[%swap3A_105, %swap3A_106], %broadcast_in_dim3A_103 {strides = array<i32>} : memref<16x64xf32, #tpu.memory_space<vmem>>, vector<16xf32>,
    %broadcast_in_dim3A_108 = arith.constant 0.000000e+00 : f32
    %broadcast_in_dim3A_109 = vector.broadcast %broadcast_in_dim3A_108 : f32 to vector<16xf32>
    %swap3A_110 = arith.constant 2 : i32
    %swap3A_111 = arith.index_cast %swap3A_110 : i32 to index
    %swap3A_112 = arith.constant 16 : index
    %swap3A_113 = tpu.vector_load %arg10[%swap3A_111, %swap3A_112] {strides = array<i32>} : memref<16x64xf32, #tpu.memory_space<vmem>>, vector<16xf32>,
    tpu.vector_store %arg10[%swap3A_111, %swap3A_112], %broadcast_in_dim3A_109 {strides = array<i32>} : memref<16x64xf32, #tpu.memory_space<vmem>>, vector<16xf32>,
    %broadcast_in_dim3A_114 = arith.constant 0.000000e+00 : f32
    %broadcast_in_dim3A_115 = vector.broadcast %broadcast_in_dim3A_114 : f32 to vector<16xf32>
    %swap3A_116 = arith.constant 2 : i32
    %swap3A_117 = arith.index_cast %swap3A_116 : i32 to index
    %swap3A_118 = arith.constant 32 : index
    %swap3A_119 = tpu.vector_load %arg10[%swap3A_117, %swap3A_118] {strides = array<i32>} : memref<16x64xf32, #tpu.memory_space<vmem>>, vector<16xf32>,
    tpu.vector_store %arg10[%swap3A_117, %swap3A_118], %broadcast_in_dim3A_115 {strides = array<i32>} : memref<16x64xf32, #tpu.memory_space<vmem>>, vector<16xf32>,
    %broadcast_in_dim3A_120 = arith.constant 0.000000e+00 : f32
    %broadcast_in_dim3A_121 = vector.broadcast %broadcast_in_dim3A_120 : f32 to vector<16xf32>
    %swap3A_122 = arith.constant 2 : i32
    %swap3A_123 = arith.index_cast %swap3A_122 : i32 to index
    %swap3A_124 = arith.constant 48 : index
    %swap3A_125 = tpu.vector_load %arg10[%swap3A_123, %swap3A_124] {strides = array<i32>} : memref<16x64xf32, #tpu.memory_space<vmem>>, vector<16xf32>,
    tpu.vector_store %arg10[%swap3A_123, %swap3A_124], %broadcast_in_dim3A_121 {strides = array<i32>} : memref<16x64xf32, #tpu.memory_space<vmem>>, vector<16xf32>,
    %broadcast_in_dim3A_126 = arith.constant 0.000000e+00 : f32
    %broadcast_in_dim3A_127 = vector.broadcast %broadcast_in_dim3A_126 : f32 to vector<16xf32>
    %swap3A_128 = arith.constant 3 : i32
    %swap3A_129 = arith.index_cast %swap3A_128 : i32 to index
    %swap3A_130 = arith.constant 0 : index
    %swap3A_131 = tpu.vector_load %arg10[%swap3A_129, %swap3A_130] {strides = array<i32>} : memref<16x64xf32, #tpu.memory_space<vmem>>, vector<16xf32>,
    tpu.vector_store %arg10[%swap3A_129, %swap3A_130], %broadcast_in_dim3A_127 {strides = array<i32>} : memref<16x64xf32, #tpu.memory_space<vmem>>, vector<16xf32>,
    %broadcast_in_dim3A_132 = arith.constant 0.000000e+00 : f32
    %broadcast_in_dim3A_133 = vector.broadcast %broadcast_in_dim3A_132 : f32 to vector<16xf32>
    %swap3A_134 = arith.constant 3 : i32
    %swap3A_135 = arith.index_cast %swap3A_134 : i32 to index
    %swap3A_136 = arith.constant 16 : index
    %swap3A_137 = tpu.vector_load %arg10[%swap3A_135, %swap3A_136] {strides = array<i32>} : memref<16x64xf32, #tpu.memory_space<vmem>>, vector<16xf32>,
    tpu.vector_store %arg10[%swap3A_135, %swap3A_136], %broadcast_in_dim3A_133 {strides = array<i32>} : memref<16x64xf32, #tpu.memory_space<vmem>>, vector<16xf32>,
    %broadcast_in_dim3A_138 = arith.constant 0.000000e+00 : f32
    %broadcast_in_dim3A_139 = vector.broadcast %broadcast_in_dim3A_138 : f32 to vector<16xf32>
    %swap3A_140 = arith.constant 3 : i32
    %swap3A_141 = arith.index_cast %swap3A_140 : i32 to index
    %swap3A_142 = arith.constant 32 : index
    %swap3A_143 = tpu.vector_load %arg10[%swap3A_141, %swap3A_142] {strides = array<i32>} : memref<16x64xf32, #tpu.memory_space<vmem>>, vector<16xf32>,
    tpu.vector_store %arg10[%swap3A_141, %swap3A_142], %broadcast_in_dim3A_139 {strides = array<i32>} : memref<16x64xf32, #tpu.memory_space<vmem>>, vector<16xf32>,
    %broadcast_in_dim3A_144 = arith.constant 0.000000e+00 : f32
    %broadcast_in_dim3A_145 = vector.broadcast %broadcast_in_dim3A_144 : f32 to vector<16xf32>
    %swap3A_146 = arith.constant 3 : i32
    %swap3A_147 = arith.index_cast %swap3A_146 : i32 to index
    %swap3A_148 = arith.constant 48 : index
    %swap3A_149 = tpu.vector_load %arg10[%swap3A_147, %swap3A_148] {strides = array<i32>} : memref<16x64xf32, #tpu.memory_space<vmem>>, vector<16xf32>,
    tpu.vector_store %arg10[%swap3A_147, %swap3A_148], %broadcast_in_dim3A_145 {strides = array<i32>} : memref<16x64xf32, #tpu.memory_space<vmem>>, vector<16xf32>,
    %broadcast_in_dim3A_150 = arith.constant 0.000000e+00 : f32
    %broadcast_in_dim3A_151 = vector.broadcast %broadcast_in_dim3A_150 : f32 to vector<16xf32>
    %swap3A_152 = arith.constant 4 : i32
    %swap3A_153 = arith.index_cast %swap3A_152 : i32 to index
    %swap3A_154 = arith.constant 0 : index
    %swap3A_155 = tpu.vector_load %arg10[%swap3A_153, %swap3A_154] {strides = array<i32>} : memref<16x64xf32, #tpu.memory_space<vmem>>, vector<16xf32>,
    tpu.vector_store %arg10[%swap3A_153, %swap3A_154], %broadcast_in_dim3A_151 {strides = array<i32>} : memref<16x64xf32, #tpu.memory_space<vmem>>, vector<16xf32>,
    %broadcast_in_dim3A_156 = arith.constant 0.000000e+00 : f32
    %broadcast_in_dim3A_157 = vector.broadcast %broadcast_in_dim3A_156 : f32 to vector<16xf32>
    %swap3A_158 = arith.constant 4 : i32
    %swap3A_159 = arith.index_cast %swap3A_158 : i32 to index
    %swap3A_160 = arith.constant 16 : index
    %swap3A_161 = tpu.vector_load %arg10[%swap3A_159, %swap3A_160] {strides = array<i32>} : memref<16x64xf32, #tpu.memory_space<vmem>>, vector<16xf32>,
    tpu.vector_store %arg10[%swap3A_159, %swap3A_160], %broadcast_in_dim3A_157 {strides = array<i32>} : memref<16x64xf32, #tpu.memory_space<vmem>>, vector<16xf32>,
    %broadcast_in_dim3A_162 = arith.constant 0.000000e+00 : f32
    %broadcast_in_dim3A_163 = vector.broadcast %broadcast_in_dim3A_162 : f32 to vector<16xf32>
    %swap3A_164 = arith.constant 4 : i32
    %swap3A_165 = arith.index_cast %swap3A_164 : i32 to index
    %swap3A_166 = arith.constant 32 : index
    %swap3A_167 = tpu.vector_load %arg10[%swap3A_165, %swap3A_166] {strides = array<i32>} : memref<16x64xf32, #tpu.memory_space<vmem>>, vector<16xf32>,
    tpu.vector_store %arg10[%swap3A_165, %swap3A_166], %broadcast_in_dim3A_163 {strides = array<i32>} : memref<16x64xf32, #tpu.memory_space<vmem>>, vector<16xf32>,
    %broadcast_in_dim3A_168 = arith.constant 0.000000e+00 : f32
    %broadcast_in_dim3A_169 = vector.broadcast %broadcast_in_dim3A_168 : f32 to vector<16xf32>
    %swap3A_170 = arith.constant 4 : i32
    %swap3A_171 = arith.index_cast %swap3A_170 : i32 to index
    %swap3A_172 = arith.constant 48 : index
    %swap3A_173 = tpu.vector_load %arg10[%swap3A_171, %swap3A_172] {strides = array<i32>} : memref<16x64xf32, #tpu.memory_space<vmem>>, vector<16xf32>,
    tpu.vector_store %arg10[%swap3A_171, %swap3A_172], %broadcast_in_dim3A_169 {strides = array<i32>} : memref<16x64xf32, #tpu.memory_space<vmem>>, vector<16xf32>,
    %broadcast_in_dim3A_174 = arith.constant 0.000000e+00 : f32
    %broadcast_in_dim3A_175 = vector.broadcast %broadcast_in_dim3A_174 : f32 to vector<16xf32>
    %swap3A_176 = arith.constant 5 : i32
    %swap3A_177 = arith.index_cast %swap3A_176 : i32 to index
    %swap3A_178 = arith.constant 0 : index
    %swap3A_179 = tpu.vector_load %arg10[%swap3A_177, %swap3A_178] {strides = array<i32>} : memref<16x64xf32, #tpu.memory_space<vmem>>, vector<16xf32>,
    tpu.vector_store %arg10[%swap3A_177, %swap3A_178], %broadcast_in_dim3A_175 {strides = array<i32>} : memref<16x64xf32, #tpu.memory_space<vmem>>, vector<16xf32>,
    %broadcast_in_dim3A_180 = arith.constant 0.000000e+00 : f32
    %broadcast_in_dim3A_181 = vector.broadcast %broadcast_in_dim3A_180 : f32 to vector<16xf32>
    %swap3A_182 = arith.constant 5 : i32
    %swap3A_183 = arith.index_cast %swap3A_182 : i32 to index
    %swap3A_184 = arith.constant 16 : index
    %swap3A_185 = tpu.vector_load %arg10[%swap3A_183, %swap3A_184] {strides = array<i32>} : memref<16x64xf32, #tpu.memory_space<vmem>>, vector<16xf32>,
    tpu.vector_store %arg10[%swap3A_183, %swap3A_184], %broadcast_in_dim3A_181 {strides = array<i32>} : memref<16x64xf32, #tpu.memory_space<vmem>>, vector<16xf32>,
    %broadcast_in_dim3A_186 = arith.constant 0.000000e+00 : f32
    %broadcast_in_dim3A_187 = vector.broadcast %broadcast_in_dim3A_186 : f32 to vector<16xf32>
    %swap3A_188 = arith.constant 5 : i32
    %swap3A_189 = arith.index_cast %swap3A_188 : i32 to index
    %swap3A_190 = arith.constant 32 : index
    %swap3A_191 = tpu.vector_load %arg10[%swap3A_189, %swap3A_190] {strides = array<i32>} : memref<16x64xf32, #tpu.memory_space<vmem>>, vector<16xf32>,
    tpu.vector_store %arg10[%swap3A_189, %swap3A_190], %broadcast_in_dim3A_187 {strides = array<i32>} : memref<16x64xf32, #tpu.memory_space<vmem>>, vector<16xf32>,
    %broadcast_in_dim3A_192 = arith.constant 0.000000e+00 : f32
    %broadcast_in_dim3A_193 = vector.broadcast %broadcast_in_dim3A_192 : f32 to vector<16xf32>
    %swap3A_194 = arith.constant 5 : i32
    %swap3A_195 = arith.index_cast %swap3A_194 : i32 to index
    %swap3A_196 = arith.constant 48 : index
    %swap3A_197 = tpu.vector_load %arg10[%swap3A_195, %swap3A_196] {strides = array<i32>} : memref<16x64xf32, #tpu.memory_space<vmem>>, vector<16xf32>,
    tpu.vector_store %arg10[%swap3A_195, %swap3A_196], %broadcast_in_dim3A_193 {strides = array<i32>} : memref<16x64xf32, #tpu.memory_space<vmem>>, vector<16xf32>,
    %broadcast_in_dim3A_198 = arith.constant 0.000000e+00 : f32
    %broadcast_in_dim3A_199 = vector.broadcast %broadcast_in_dim3A_198 : f32 to vector<16xf32>
    %swap3A_200 = arith.constant 6 : i32
    %swap3A_201 = arith.index_cast %swap3A_200 : i32 to index
    %swap3A_202 = arith.constant 0 : index
    %swap3A_203 = tpu.vector_load %arg10[%swap3A_201, %swap3A_202] {strides = array<i32>} : memref<16x64xf32, #tpu.memory_space<vmem>>, vector<16xf32>,
    tpu.vector_store %arg10[%swap3A_201, %swap3A_202], %broadcast_in_dim3A_199 {strides = array<i32>} : memref<16x64xf32, #tpu.memory_space<vmem>>, vector<16xf32>,
    %broadcast_in_dim3A_204 = arith.constant 0.000000e+00 : f32
    %broadcast_in_dim3A_205 = vector.broadcast %broadcast_in_dim3A_204 : f32 to vector<16xf32>
    %swap3A_206 = arith.constant 6 : i32
    %swap3A_207 = arith.index_cast %swap3A_206 : i32 to index
    %swap3A_208 = arith.constant 16 : index
    %swap3A_209 = tpu.vector_load %arg10[%swap3A_207, %swap3A_208] {strides = array<i32>} : memref<16x64xf32, #tpu.memory_space<vmem>>, vector<16xf32>,
    tpu.vector_store %arg10[%swap3A_207, %swap3A_208], %broadcast_in_dim3A_205 {strides = array<i32>} : memref<16x64xf32, #tpu.memory_space<vmem>>, vector<16xf32>,
    %broadcast_in_dim3A_210 = arith.constant 0.000000e+00 : f32
    %broadcast_in_dim3A_211 = vector.broadcast %broadcast_in_dim3A_210 : f32 to vector<16xf32>
    %swap3A_212 = arith.constant 6 : i32
    %swap3A_213 = arith.index_cast %swap3A_212 : i32 to index
    %swap3A_214 = arith.constant 32 : index
    %swap3A_215 = tpu.vector_load %arg10[%swap3A_213, %swap3A_214] {strides = array<i32>} : memref<16x64xf32, #tpu.memory_space<vmem>>, vector<16xf32>,
    tpu.vector_store %arg10[%swap3A_213, %swap3A_214], %broadcast_in_dim3A_211 {strides = array<i32>} : memref<16x64xf32, #tpu.memory_space<vmem>>, vector<16xf32>,
    %broadcast_in_dim3A_216 = arith.constant 0.000000e+00 : f32
    %broadcast_in_dim3A_217 = vector.broadcast %broadcast_in_dim3A_216 : f32 to vector<16xf32>
    %swap3A_218 = arith.constant 6 : i32
    %swap3A_219 = arith.index_cast %swap3A_218 : i32 to index
    %swap3A_220 = arith.constant 48 : index
    %swap3A_221 = tpu.vector_load %arg10[%swap3A_219, %swap3A_220] {strides = array<i32>} : memref<16x64xf32, #tpu.memory_space<vmem>>, vector<16xf32>,
    tpu.vector_store %arg10[%swap3A_219, %swap3A_220], %broadcast_in_dim3A_217 {strides = array<i32>} : memref<16x64xf32, #tpu.memory_space<vmem>>, vector<16xf32>,
    %broadcast_in_dim3A_222 = arith.constant 0.000000e+00 : f32
    %broadcast_in_dim3A_223 = vector.broadcast %broadcast_in_dim3A_222 : f32 to vector<16xf32>
    %swap3A_224 = arith.constant 7 : i32
    %swap3A_225 = arith.index_cast %swap3A_224 : i32 to index
    %swap3A_226 = arith.constant 0 : index
    %swap3A_227 = tpu.vector_load %arg10[%swap3A_225, %swap3A_226] {strides = array<i32>} : memref<16x64xf32, #tpu.memory_space<vmem>>, vector<16xf32>,
    tpu.vector_store %arg10[%swap3A_225, %swap3A_226], %broadcast_in_dim3A_223 {strides = array<i32>} : memref<16x64xf32, #tpu.memory_space<vmem>>, vector<16xf32>,
    %broadcast_in_dim3A_228 = arith.constant 0.000000e+00 : f32
    %broadcast_in_dim3A_229 = vector.broadcast %broadcast_in_dim3A_228 : f32 to vector<16xf32>
    %swap3A_230 = arith.constant 7 : i32
    %swap3A_231 = arith.index_cast %swap3A_230 : i32 to index
    %swap3A_232 = arith.constant 16 : index
    %swap3A_233 = tpu.vector_load %arg10[%swap3A_231, %swap3A_232] {strides = array<i32>} : memref<16x64xf32, #tpu.memory_space<vmem>>, vector<16xf32>,
    tpu.vector_store %arg10[%swap3A_231, %swap3A_232], %broadcast_in_dim3A_229 {strides = array<i32>} : memref<16x64xf32, #tpu.memory_space<vmem>>, vector<16xf32>,
    %broadcast_in_dim3A_234 = arith.constant 0.000000e+00 : f32
    %broadcast_in_dim3A_235 = vector.broadcast %broadcast_in_dim3A_234 : f32 to vector<16xf32>
    %swap3A_236 = arith.constant 7 : i32
    %swap3A_237 = arith.index_cast %swap3A_236 : i32 to index
    %swap3A_238 = arith.constant 32 : index
    %swap3A_239 = tpu.vector_load %arg10[%swap3A_237, %swap3A_238] {strides = array<i32>} : memref<16x64xf32, #tpu.memory_space<vmem>>, vector<16xf32>,
    tpu.vector_store %arg10[%swap3A_237, %swap3A_238], %broadcast_in_dim3A_235 {strides = array<i32>} : memref<16x64xf32, #tpu.memory_space<vmem>>, vector<16xf32>,
    %broadcast_in_dim3A_240 = arith.constant 0.000000e+00 : f32
    %broadcast_in_dim3A_241 = vector.broadcast %broadcast_in_dim3A_240 : f32 to vector<16xf32>
    %swap3A_242 = arith.constant 7 : i32
    %swap3A_243 = arith.index_cast %swap3A_242 : i32 to index
    %swap3A_244 = arith.constant 48 : index
    %swap3A_245 = tpu.vector_load %arg10[%swap3A_243, %swap3A_244] {strides = array<i32>} : memref<16x64xf32, #tpu.memory_space<vmem>>, vector<16xf32>,
    tpu.vector_store %arg10[%swap3A_243, %swap3A_244], %broadcast_in_dim3A_241 {strides = array<i32>} : memref<16x64xf32, #tpu.memory_space<vmem>>, vector<16xf32>,
    %broadcast_in_dim3A_246 = arith.constant 0.000000e+00 : f32
    %broadcast_in_dim3A_247 = vector.broadcast %broadcast_in_dim3A_246 : f32 to vector<16xf32>
    %swap3A_248 = arith.constant 8 : i32
    %swap3A_249 = arith.index_cast %swap3A_248 : i32 to index
    %swap3A_250 = arith.constant 0 : index
    %swap3A_251 = tpu.vector_load %arg10[%swap3A_249, %swap3A_250] {strides = array<i32>} : memref<16x64xf32, #tpu.memory_space<vmem>>, vector<16xf32>,
    tpu.vector_store %arg10[%swap3A_249, %swap3A_250], %broadcast_in_dim3A_247 {strides = array<i32>} : memref<16x64xf32, #tpu.memory_space<vmem>>, vector<16xf32>,
    %broadcast_in_dim3A_252 = arith.constant 0.000000e+00 : f32
    %broadcast_in_dim3A_253 = vector.broadcast %broadcast_in_dim3A_252 : f32 to vector<16xf32>
    %swap3A_254 = arith.constant 8 : i32
    %swap3A_255 = arith.index_cast %swap3A_254 : i32 to index
    %swap3A_256 = arith.constant 16 : index
    %swap3A_257 = tpu.vector_load %arg10[%swap3A_255, %swap3A_256] {strides = array<i32>} : memref<16x64xf32, #tpu.memory_space<vmem>>, vector<16xf32>,
    tpu.vector_store %arg10[%swap3A_255, %swap3A_256], %broadcast_in_dim3A_253 {strides = array<i32>} : memref<16x64xf32, #tpu.memory_space<vmem>>, vector<16xf32>,
    %broadcast_in_dim3A_258 = arith.constant 0.000000e+00 : f32
    %broadcast_in_dim3A_259 = vector.broadcast %broadcast_in_dim3A_258 : f32 to vector<16xf32>
    %swap3A_260 = arith.constant 8 : i32
    %swap3A_261 = arith.index_cast %swap3A_260 : i32 to index
    %swap3A_262 = arith.constant 32 : index
    %swap3A_263 = tpu.vector_load %arg10[%swap3A_261, %swap3A_262] {strides = array<i32>} : memref<16x64xf32, #tpu.memory_space<vmem>>, vector<16xf32>,
    tpu.vector_store %arg10[%swap3A_261, %swap3A_262], %broadcast_in_dim3A_259 {strides = array<i32>} : memref<16x64xf32, #tpu.memory_space<vmem>>, vector<16xf32>,
    %broadcast_in_dim3A_264 = arith.constant 0.000000e+00 : f32
    %broadcast_in_dim3A_265 = vector.broadcast %broadcast_in_dim3A_264 : f32 to vector<16xf32>
    %swap3A_266 = arith.constant 8 : i32
    %swap3A_267 = arith.index_cast %swap3A_266 : i32 to index
    %swap3A_268 = arith.constant 48 : index
    %swap3A_269 = tpu.vector_load %arg10[%swap3A_267, %swap3A_268] {strides = array<i32>} : memref<16x64xf32, #tpu.memory_space<vmem>>, vector<16xf32>,
    tpu.vector_store %arg10[%swap3A_267, %swap3A_268], %broadcast_in_dim3A_265 {strides = array<i32>} : memref<16x64xf32, #tpu.memory_space<vmem>>, vector<16xf32>,
    %broadcast_in_dim3A_270 = arith.constant 0.000000e+00 : f32
    %broadcast_in_dim3A_271 = vector.broadcast %broadcast_in_dim3A_270 : f32 to vector<16xf32>
    %swap3A_272 = arith.constant 9 : i32
    %swap3A_273 = arith.index_cast %swap3A_272 : i32 to index
    %swap3A_274 = arith.constant 0 : index
    %swap3A_275 = tpu.vector_load %arg10[%swap3A_273, %swap3A_274] {strides = array<i32>} : memref<16x64xf32, #tpu.memory_space<vmem>>, vector<16xf32>,
    tpu.vector_store %arg10[%swap3A_273, %swap3A_274], %broadcast_in_dim3A_271 {strides = array<i32>} : memref<16x64xf32, #tpu.memory_space<vmem>>, vector<16xf32>,
    %broadcast_in_dim3A_276 = arith.constant 0.000000e+00 : f32
    %broadcast_in_dim3A_277 = vector.broadcast %broadcast_in_dim3A_276 : f32 to vector<16xf32>
    %swap3A_278 = arith.constant 9 : i32
    %swap3A_279 = arith.index_cast %swap3A_278 : i32 to index
    %swap3A_280 = arith.constant 16 : index
    %swap3A_281 = tpu.vector_load %arg10[%swap3A_279, %swap3A_280] {strides = array<i32>} : memref<16x64xf32, #tpu.memory_space<vmem>>, vector<16xf32>,
    tpu.vector_store %arg10[%swap3A_279, %swap3A_280], %broadcast_in_dim3A_277 {strides = array<i32>} : memref<16x64xf32, #tpu.memory_space<vmem>>, vector<16xf32>,
    %broadcast_in_dim3A_282 = arith.constant 0.000000e+00 : f32
    %broadcast_in_dim3A_283 = vector.broadcast %broadcast_in_dim3A_282 : f32 to vector<16xf32>
    %swap3A_284 = arith.constant 9 : i32
    %swap3A_285 = arith.index_cast %swap3A_284 : i32 to index
    %swap3A_286 = arith.constant 32 : index
    %swap3A_287 = tpu.vector_load %arg10[%swap3A_285, %swap3A_286] {strides = array<i32>} : memref<16x64xf32, #tpu.memory_space<vmem>>, vector<16xf32>,
    tpu.vector_store %arg10[%swap3A_285, %swap3A_286], %broadcast_in_dim3A_283 {strides = array<i32>} : memref<16x64xf32, #tpu.memory_space<vmem>>, vector<16xf32>,
    %broadcast_in_dim3A_288 = arith.constant 0.000000e+00 : f32
    %broadcast_in_dim3A_289 = vector.broadcast %broadcast_in_dim3A_288 : f32 to vector<16xf32>
    %swap3A_290 = arith.constant 9 : i32
    %swap3A_291 = arith.index_cast %swap3A_290 : i32 to index
    %swap3A_292 = arith.constant 48 : index
    %swap3A_293 = tpu.vector_load %arg10[%swap3A_291, %swap3A_292] {strides = array<i32>} : memref<16x64xf32, #tpu.memory_space<vmem>>, vector<16xf32>,
    tpu.vector_store %arg10[%swap3A_291, %swap3A_292], %broadcast_in_dim3A_289 {strides = array<i32>} : memref<16x64xf32, #tpu.memory_space<vmem>>, vector<16xf32>,
    %broadcast_in_dim3A_294 = arith.constant 0.000000e+00 : f32
    %broadcast_in_dim3A_295 = vector.broadcast %broadcast_in_dim3A_294 : f32 to vector<16xf32>
    %swap3A_296 = arith.constant 10 : i32
    %swap3A_297 = arith.index_cast %swap3A_296 : i32 to index
    %swap3A_298 = arith.constant 0 : index
    %swap3A_299 = tpu.vector_load %arg10[%swap3A_297, %swap3A_298] {strides = array<i32>} : memref<16x64xf32, #tpu.memory_space<vmem>>, vector<16xf32>,
    tpu.vector_store %arg10[%swap3A_297, %swap3A_298], %broadcast_in_dim3A_295 {strides = array<i32>} : memref<16x64xf32, #tpu.memory_space<vmem>>, vector<16xf32>,
    %broadcast_in_dim3A_300 = arith.constant 0.000000e+00 : f32
    %broadcast_in_dim3A_301 = vector.broadcast %broadcast_in_dim3A_300 : f32 to vector<16xf32>
    %swap3A_302 = arith.constant 10 : i32
    %swap3A_303 = arith.index_cast %swap3A_302 : i32 to index
    %swap3A_304 = arith.constant 16 : index
    %swap3A_305 = tpu.vector_load %arg10[%swap3A_303, %swap3A_304] {strides = array<i32>} : memref<16x64xf32, #tpu.memory_space<vmem>>, vector<16xf32>,
    tpu.vector_store %arg10[%swap3A_303, %swap3A_304], %broadcast_in_dim3A_301 {strides = array<i32>} : memref<16x64xf32, #tpu.memory_space<vmem>>, vector<16xf32>,
    %broadcast_in_dim3A_306 = arith.constant 0.000000e+00 : f32
    %broadcast_in_dim3A_307 = vector.broadcast %broadcast_in_dim3A_306 : f32 to vector<16xf32>
    %swap3A_308 = arith.constant 10 : i32
    %swap3A_309 = arith.index_cast %swap3A_308 : i32 to index
    %swap3A_310 = arith.constant 32 : index
    %swap3A_311 = tpu.vector_load %arg10[%swap3A_309, %swap3A_310] {strides = array<i32>} : memref<16x64xf32, #tpu.memory_space<vmem>>, vector<16xf32>,
    tpu.vector_store %arg10[%swap3A_309, %swap3A_310], %broadcast_in_dim3A_307 {strides = array<i32>} : memref<16x64xf32, #tpu.memory_space<vmem>>, vector<16xf32>,
    %broadcast_in_dim3A_312 = arith.constant 0.000000e+00 : f32
    %broadcast_in_dim3A_313 = vector.broadcast %broadcast_in_dim3A_312 : f32 to vector<16xf32>
    %swap3A_314 = arith.constant 10 : i32
    %swap3A_315 = arith.index_cast %swap3A_314 : i32 to index
    %swap3A_316 = arith.constant 48 : index
    %swap3A_317 = tpu.vector_load %arg10[%swap3A_315, %swap3A_316] {strides = array<i32>} : memref<16x64xf32, #tpu.memory_space<vmem>>, vector<16xf32>,
    tpu.vector_store %arg10[%swap3A_315, %swap3A_316], %broadcast_in_dim3A_313 {strides = array<i32>} : memref<16x64xf32, #tpu.memory_space<vmem>>, vector<16xf32>,
    %broadcast_in_dim3A_318 = arith.constant 0.000000e+00 : f32
    %broadcast_in_dim3A_319 = vector.broadcast %broadcast_in_dim3A_318 : f32 to vector<16xf32>
    %swap3A_320 = arith.constant 11 : i32
    %swap3A_321 = arith.index_cast %swap3A_320 : i32 to index
    %swap3A_322 = arith.constant 0 : index
    %swap3A_323 = tpu.vector_load %arg10[%swap3A_321, %swap3A_322] {strides = array<i32>} : memref<16x64xf32, #tpu.memory_space<vmem>>, vector<16xf32>,
    tpu.vector_store %arg10[%swap3A_321, %swap3A_322], %broadcast_in_dim3A_319 {strides = array<i32>} : memref<16x64xf32, #tpu.memory_space<vmem>>, vector<16xf32>,
    %broadcast_in_dim3A_324 = arith.constant 0.000000e+00 : f32
    %broadcast_in_dim3A_325 = vector.broadcast %broadcast_in_dim3A_324 : f32 to vector<16xf32>
    %swap3A_326 = arith.constant 11 : i32
    %swap3A_327 = arith.index_cast %swap3A_326 : i32 to index
    %swap3A_328 = arith.constant 16 : index
    %swap3A_329 = tpu.vector_load %arg10[%swap3A_327, %swap3A_328] {strides = array<i32>} : memref<16x64xf32, #tpu.memory_space<vmem>>, vector<16xf32>,
    tpu.vector_store %arg10[%swap3A_327, %swap3A_328], %broadcast_in_dim3A_325 {strides = array<i32>} : memref<16x64xf32, #tpu.memory_space<vmem>>, vector<16xf32>,
    %broadcast_in_dim3A_330 = arith.constant 0.000000e+00 : f32
    %broadcast_in_dim3A_331 = vector.broadcast %broadcast_in_dim3A_330 : f32 to vector<16xf32>
    %swap3A_332 = arith.constant 11 : i32
    %swap3A_333 = arith.index_cast %swap3A_332 : i32 to index
    %swap3A_334 = arith.constant 32 : index
    %swap3A_335 = tpu.vector_load %arg10[%swap3A_333, %swap3A_334] {strides = array<i32>} : memref<16x64xf32, #tpu.memory_space<vmem>>, vector<16xf32>,
    tpu.vector_store %arg10[%swap3A_333, %swap3A_334], %broadcast_in_dim3A_331 {strides = array<i32>} : memref<16x64xf32, #tpu.memory_space<vmem>>, vector<16xf32>,
    %broadcast_in_dim3A_336 = arith.constant 0.000000e+00 : f32
    %broadcast_in_dim3A_337 = vector.broadcast %broadcast_in_dim3A_336 : f32 to vector<16xf32>
    %swap3A_338 = arith.constant 11 : i32
    %swap3A_339 = arith.index_cast %swap3A_338 : i32 to index
    %swap3A_340 = arith.constant 48 : index
    %swap3A_341 = tpu.vector_load %arg10[%swap3A_339, %swap3A_340] {strides = array<i32>} : memref<16x64xf32, #tpu.memory_space<vmem>>, vector<16xf32>,
    tpu.vector_store %arg10[%swap3A_339, %swap3A_340], %broadcast_in_dim3A_337 {strides = array<i32>} : memref<16x64xf32, #tpu.memory_space<vmem>>, vector<16xf32>,
    %broadcast_in_dim3A_342 = arith.constant 0.000000e+00 : f32
    %broadcast_in_dim3A_343 = vector.broadcast %broadcast_in_dim3A_342 : f32 to vector<16xf32>
    %swap3A_344 = arith.constant 12 : i32
    %swap3A_345 = arith.index_cast %swap3A_344 : i32 to index
    %swap3A_346 = arith.constant 0 : index
    %swap3A_347 = tpu.vector_load %arg10[%swap3A_345, %swap3A_346] {strides = array<i32>} : memref<16x64xf32, #tpu.memory_space<vmem>>, vector<16xf32>,
    tpu.vector_store %arg10[%swap3A_345, %swap3A_346], %broadcast_in_dim3A_343 {strides = array<i32>} : memref<16x64xf32, #tpu.memory_space<vmem>>, vector<16xf32>,
    %broadcast_in_dim3A_348 = arith.constant 0.000000e+00 : f32
    %broadcast_in_dim3A_349 = vector.broadcast %broadcast_in_dim3A_348 : f32 to vector<16xf32>
    %swap3A_350 = arith.constant 12 : i32
    %swap3A_351 = arith.index_cast %swap3A_350 : i32 to index
    %swap3A_352 = arith.constant 16 : index
    %swap3A_353 = tpu.vector_load %arg10[%swap3A_351, %swap3A_352] {strides = array<i32>} : memref<16x64xf32, #tpu.memory_space<vmem>>, vector<16xf32>,
    tpu.vector_store %arg10[%swap3A_351, %swap3A_352], %broadcast_in_dim3A_349 {strides = array<i32>} : memref<16x64xf32, #tpu.memory_space<vmem>>, vector<16xf32>,
    %broadcast_in_dim3A_354 = arith.constant 0.000000e+00 : f32
    %broadcast_in_dim3A_355 = vector.broadcast %broadcast_in_dim3A_354 : f32 to vector<16xf32>
    %swap3A_356 = arith.constant 12 : i32
    %swap3A_357 = arith.index_cast %swap3A_356 : i32 to index
    %swap3A_358 = arith.constant 32 : index
    %swap3A_359 = tpu.vector_load %arg10[%swap3A_357, %swap3A_358] {strides = array<i32>} : memref<16x64xf32, #tpu.memory_space<vmem>>, vector<16xf32>,
    tpu.vector_store %arg10[%swap3A_357, %swap3A_358], %broadcast_in_dim3A_355 {strides = array<i32>} : memref<16x64xf32, #tpu.memory_space<vmem>>, vector<16xf32>,
    %broadcast_in_dim3A_360 = arith.constant 0.000000e+00 : f32
    %broadcast_in_dim3A_361 = vector.broadcast %broadcast_in_dim3A_360 : f32 to vector<16xf32>
    %swap3A_362 = arith.constant 12 : i32
    %swap3A_363 = arith.index_cast %swap3A_362 : i32 to index
    %swap3A_364 = arith.constant 48 : index
    %swap3A_365 = tpu.vector_load %arg10[%swap3A_363, %swap3A_364] {strides = array<i32>} : memref<16x64xf32, #tpu.memory_space<vmem>>, vector<16xf32>,
    tpu.vector_store %arg10[%swap3A_363, %swap3A_364], %broadcast_in_dim3A_361 {strides = array<i32>} : memref<16x64xf32, #tpu.memory_space<vmem>>, vector<16xf32>,
    %broadcast_in_dim3A_366 = arith.constant 0.000000e+00 : f32
    %broadcast_in_dim3A_367 = vector.broadcast %broadcast_in_dim3A_366 : f32 to vector<16xf32>
    %swap3A_368 = arith.constant 13 : i32
    %swap3A_369 = arith.index_cast %swap3A_368 : i32 to index
    %swap3A_370 = arith.constant 0 : index
    %swap3A_371 = tpu.vector_load %arg10[%swap3A_369, %swap3A_370] {strides = array<i32>} : memref<16x64xf32, #tpu.memory_space<vmem>>, vector<16xf32>,
    tpu.vector_store %arg10[%swap3A_369, %swap3A_370], %broadcast_in_dim3A_367 {strides = array<i32>} : memref<16x64xf32, #tpu.memory_space<vmem>>, vector<16xf32>,
    %broadcast_in_dim3A_372 = arith.constant 0.000000e+00 : f32
    %broadcast_in_dim3A_373 = vector.broadcast %broadcast_in_dim3A_372 : f32 to vector<16xf32>
    %swap3A_374 = arith.constant 13 : i32
    %swap3A_375 = arith.index_cast %swap3A_374 : i32 to index
    %swap3A_376 = arith.constant 16 : index
    %swap3A_377 = tpu.vector_load %arg10[%swap3A_375, %swap3A_376] {strides = array<i32>} : memref<16x64xf32, #tpu.memory_space<vmem>>, vector<16xf32>,
    tpu.vector_store %arg10[%swap3A_375, %swap3A_376], %broadcast_in_dim3A_373 {strides = array<i32>} : memref<16x64xf32, #tpu.memory_space<vmem>>, vector<16xf32>,
    %broadcast_in_dim3A_378 = arith.constant 0.000000e+00 : f32
    %broadcast_in_dim3A_379 = vector.broadcast %broadcast_in_dim3A_378 : f32 to vector<16xf32>
    %swap3A_380 = arith.constant 13 : i32
    %swap3A_381 = arith.index_cast %swap3A_380 : i32 to index
    %swap3A_382 = arith.constant 32 : index
    %swap3A_383 = tpu.vector_load %arg10[%swap3A_381, %swap3A_382] {strides = array<i32>} : memref<16x64xf32, #tpu.memory_space<vmem>>, vector<16xf32>,
    tpu.vector_store %arg10[%swap3A_381, %swap3A_382], %broadcast_in_dim3A_379 {strides = array<i32>} : memref<16x64xf32, #tpu.memory_space<vmem>>, vector<16xf32>,
    %broadcast_in_dim3A_384 = arith.constant 0.000000e+00 : f32
    %broadcast_in_dim3A_385 = vector.broadcast %broadcast_in_dim3A_384 : f32 to vector<16xf32>
    %swap3A_386 = arith.constant 13 : i32
    %swap3A_387 = arith.index_cast %swap3A_386 : i32 to index
    %swap3A_388 = arith.constant 48 : index
    %swap3A_389 = tpu.vector_load %arg10[%swap3A_387, %swap3A_388] {strides = array<i32>} : memref<16x64xf32, #tpu.memory_space<vmem>>, vector<16xf32>,
    tpu.vector_store %arg10[%swap3A_387, %swap3A_388], %broadcast_in_dim3A_385 {strides = array<i32>} : memref<16x64xf32, #tpu.memory_space<vmem>>, vector<16xf32>,
    %broadcast_in_dim3A_390 = arith.constant 0.000000e+00 : f32
    %broadcast_in_dim3A_391 = vector.broadcast %broadcast_in_dim3A_390 : f32 to vector<16xf32>
    %swap3A_392 = arith.constant 14 : i32
    %swap3A_393 = arith.index_cast %swap3A_392 : i32 to index
    %swap3A_394 = arith.constant 0 : index
    %swap3A_395 = tpu.vector_load %arg10[%swap3A_393, %swap3A_394] {strides = array<i32>} : memref<16x64xf32, #tpu.memory_space<vmem>>, vector<16xf32>,
    tpu.vector_store %arg10[%swap3A_393, %swap3A_394], %broadcast_in_dim3A_391 {strides = array<i32>} : memref<16x64xf32, #tpu.memory_space<vmem>>, vector<16xf32>,
    %broadcast_in_dim3A_396 = arith.constant 0.000000e+00 : f32
    %broadcast_in_dim3A_397 = vector.broadcast %broadcast_in_dim3A_396 : f32 to vector<16xf32>
    %swap3A_398 = arith.constant 14 : i32
    %swap3A_399 = arith.index_cast %swap3A_398 : i32 to index
    %swap3A_400 = arith.constant 16 : index
    %swap3A_401 = tpu.vector_load %arg10[%swap3A_399, %swap3A_400] {strides = array<i32>} : memref<16x64xf32, #tpu.memory_space<vmem>>, vector<16xf32>,
    tpu.vector_store %arg10[%swap3A_399, %swap3A_400], %broadcast_in_dim3A_397 {strides = array<i32>} : memref<16x64xf32, #tpu.memory_space<vmem>>, vector<16xf32>,
    %broadcast_in_dim3A_402 = arith.constant 0.000000e+00 : f32
    %broadcast_in_dim3A_403 = vector.broadcast %broadcast_in_dim3A_402 : f32 to vector<16xf32>
    %swap3A_404 = arith.constant 14 : i32
    %swap3A_405 = arith.index_cast %swap3A_404 : i32 to index
    %swap3A_406 = arith.constant 32 : index
    %swap3A_407 = tpu.vector_load %arg10[%swap3A_405, %swap3A_406] {strides = array<i32>} : memref<16x64xf32, #tpu.memory_space<vmem>>, vector<16xf32>,
    tpu.vector_store %arg10[%swap3A_405, %swap3A_406], %broadcast_in_dim3A_403 {strides = array<i32>} : memref<16x64xf32, #tpu.memory_space<vmem>>, vector<16xf32>,
    %broadcast_in_dim3A_408 = arith.constant 0.000000e+00 : f32
    %broadcast_in_dim3A_409 = vector.broadcast %broadcast_in_dim3A_408 : f32 to vector<16xf32>
    %swap3A_410 = arith.constant 14 : i32
    %swap3A_411 = arith.index_cast %swap3A_410 : i32 to index
    %swap3A_412 = arith.constant 48 : index
    %swap3A_413 = tpu.vector_load %arg10[%swap3A_411, %swap3A_412] {strides = array<i32>} : memref<16x64xf32, #tpu.memory_space<vmem>>, vector<16xf32>,
    tpu.vector_store %arg10[%swap3A_411, %swap3A_412], %broadcast_in_dim3A_409 {strides = array<i32>} : memref<16x64xf32, #tpu.memory_space<vmem>>, vector<16xf32>,
    %broadcast_in_dim3A_414 = arith.constant 0.000000e+00 : f32
    %broadcast_in_dim3A_415 = vector.broadcast %broadcast_in_dim3A_414 : f32 to vector<16xf32>
    %swap3A_416 = arith.constant 15 : i32
    %swap3A_417 = arith.index_cast %swap3A_416 : i32 to index
    %swap3A_418 = arith.constant 0 : index
    %swap3A_419 = tpu.vector_load %arg10[%swap3A_417, %swap3A_418] {strides = array<i32>} : memref<16x64xf32, #tpu.memory_space<vmem>>, vector<16xf32>,
    tpu.vector_store %arg10[%swap3A_417, %swap3A_418], %broadcast_in_dim3A_415 {strides = array<i32>} : memref<16x64xf32, #tpu.memory_space<vmem>>, vector<16xf32>,
    %broadcast_in_dim3A_420 = arith.constant 0.000000e+00 : f32
    %broadcast_in_dim3A_421 = vector.broadcast %broadcast_in_dim3A_420 : f32 to vector<16xf32>
    %swap3A_422 = arith.constant 15 : i32
    %swap3A_423 = arith.index_cast %swap3A_422 : i32 to index
    %swap3A_424 = arith.constant 16 : index
    %swap3A_425 = tpu.vector_load %arg10[%swap3A_423, %swap3A_424] {strides = array<i32>} : memref<16x64xf32, #tpu.memory_space<vmem>>, vector<16xf32>,
    tpu.vector_store %arg10[%swap3A_423, %swap3A_424], %broadcast_in_dim3A_421 {strides = array<i32>} : memref<16x64xf32, #tpu.memory_space<vmem>>, vector<16xf32>,
    %broadcast_in_dim3A_426 = arith.constant 0.000000e+00 : f32
    %broadcast_in_dim3A_427 = vector.broadcast %broadcast_in_dim3A_426 : f32 to vector<16xf32>
    %swap3A_428 = arith.constant 15 : i32
    %swap3A_429 = arith.index_cast %swap3A_428 : i32 to index
    %swap3A_430 = arith.constant 32 : index
    %swap3A_431 = tpu.vector_load %arg10[%swap3A_429, %swap3A_430] {strides = array<i32>} : memref<16x64xf32, #tpu.memory_space<vmem>>, vector<16xf32>,
    tpu.vector_store %arg10[%swap3A_429, %swap3A_430], %broadcast_in_dim3A_427 {strides = array<i32>} : memref<16x64xf32, #tpu.memory_space<vmem>>, vector<16xf32>,
    %broadcast_in_dim3A_432 = arith.constant 0.000000e+00 : f32
    %broadcast_in_dim3A_433 = vector.broadcast %broadcast_in_dim3A_432 : f32 to vector<16xf32>
    %swap3A_434 = arith.constant 15 : i32
    %swap3A_435 = arith.index_cast %swap3A_434 : i32 to index
    %swap3A_436 = arith.constant 48 : index
    %swap3A_437 = tpu.vector_load %arg10[%swap3A_435, %swap3A_436] {strides = array<i32>} : memref<16x64xf32, #tpu.memory_space<vmem>>, vector<16xf32>,
    tpu.vector_store %arg10[%swap3A_435, %swap3A_436], %broadcast_in_dim3A_433 {strides = array<i32>} : memref<16x64xf32, #tpu.memory_space<vmem>>, vector<16xf32>,
    %dma_wait3A = arith.constant 0 : i32
    %dma_wait3A_438 = arith.constant 0 : i32
    %dma_wait3A_439 = tpu.memref_slice %arg7[%dma_wait3A, %dma_wait3A_438] : memref<64x1024xf32, #tpu.memory_space<vmem>> -> memref<64x256xf32, #tpu.memory_space<vmem>>
    %dma_wait3A_440 = arith.constant 0 : i32
    %dma_wait3A_441 = tpu.memref_slice %arg2[%dma_wait3A_440, %add3A_9] : memref<64x32768xf32, #tpu.memory_space<hbm>> -> memref<64x256xf32, #tpu.memory_space<hbm>>
    %dma_wait3A_442 = arith.constant 0 : i32
    %dma_wait3A_443 = arith.constant 0 : i32
    %dma_wait3A_444 = tpu.memref_slice %arg7[%dma_wait3A_442, %dma_wait3A_443] : memref<64x1024xf32, #tpu.memory_space<vmem>> -> memref<64x256xf32, #tpu.memory_space<vmem>>
    %dma_wait3A_445 = arith.constant 0 : i32
    %dma_wait3A_446 = tpu.memref_slice %arg2[%dma_wait3A_445, %add3A_9] : memref<64x32768xf32, #tpu.memory_space<hbm>> -> memref<64x256xf32, #tpu.memory_space<hbm>>
    tpu.wait_dma2 semaphore(%arg12 : memref<!tpu.dma_semaphore, #tpu.memory_space<semaphore_mem>>) src(%dma_wait3A_446 : memref<64x256xf32, #tpu.memory_space<hbm>>) dst(%dma_wait3A_444 : memref<64x256xf32, #tpu.memory_space<vmem>>)
    %dma_start3A_447 = arith.constant 0 : i32
    %dma_start3A_448 = arith.constant 0 : i32
    %dma_start3A_449 = tpu.memref_slice %arg7[%dma_start3A_447, %dma_start3A_448] : memref<64x1024xf32, #tpu.memory_space<vmem>> -> memref<64x256xf32, #tpu.memory_space<vmem>>
    %dma_start3A_450 = arith.constant 0 : i32
    %dma_start3A_451 = tpu.memref_slice %arg3[%dma_start3A_450, %mul3A_2] : memref<64x32768xf32, #tpu.memory_space<hbm>> -> memref<64x256xf32, #tpu.memory_space<hbm>>
    %dma_start3A_452 = arith.constant 0 : i32
    %dma_start3A_453 = tpu.memref_slice %arg3[%dma_start3A_452, %mul3A_2] : memref<64x32768xf32, #tpu.memory_space<hbm>> -> memref<64x256xf32, #tpu.memory_space<hbm>>
    %dma_start3A_454 = arith.constant 0 : i32
    %dma_start3A_455 = arith.constant 0 : i32
    %dma_start3A_456 = tpu.memref_slice %arg7[%dma_start3A_454, %dma_start3A_455] : memref<64x1024xf32, #tpu.memory_space<vmem>> -> memref<64x256xf32, #tpu.memory_space<vmem>>
    tpu.enqueue_dma source(%dma_start3A_456 : memref<64x256xf32, #tpu.memory_space<vmem>>) target(%dma_start3A_453 : memref<64x256xf32, #tpu.memory_space<hbm>>) target_semaphore(%arg13 : memref<!tpu.dma_semaphore, #tpu.memory_space<semaphore_mem>>)
    %scan3A = arith.constant 0 : i32
    %scan3A_457 = arith.constant 0 : i32
    %scan3A_458 = arith.constant 64 : i32
    %scan3A_459 = arith.addi %scan3A_457, %scan3A_458 : i32
    %scan3A_460 = arith.constant 1 : i32
    scf.for %scan3A_833 = %scan3A_457 to %scan3A_459 step %scan3A_460  : i32 {
      %eq3A = arith.constant 16 : i32
      %eq3A_834 = arith.cmpi eq, %scan3A_833, %eq3A : i32
      %convert_element_type3A = arith.extui %eq3A_834 : i1 to i32
      %cond3A = arith.constant 0 : i32
      %cond3A_835 = arith.cmpi ne, %convert_element_type3A, %cond3A : i32
      scf.if %cond3A_835 {
        %dma_wait3A_2704 = arith.constant 0 : i32
        %dma_wait3A_2705 = arith.constant 256 : i32
        %dma_wait3A_2706 = tpu.memref_slice %arg7[%dma_wait3A_2704, %dma_wait3A_2705] : memref<64x1024xf32, #tpu.memory_space<vmem>> -> memref<64x256xf32, #tpu.memory_space<vmem>>
        %dma_wait3A_2707 = arith.constant 0 : i32
        %dma_wait3A_2708 = tpu.memref_slice %arg2[%dma_wait3A_2707, %add3A_20] : memref<64x32768xf32, #tpu.memory_space<hbm>> -> memref<64x256xf32, #tpu.memory_space<hbm>>
        %dma_wait3A_2709 = arith.constant 0 : i32
        %dma_wait3A_2710 = arith.constant 256 : i32
        %dma_wait3A_2711 = tpu.memref_slice %arg7[%dma_wait3A_2709, %dma_wait3A_2710] : memref<64x1024xf32, #tpu.memory_space<vmem>> -> memref<64x256xf32, #tpu.memory_space<vmem>>
        %dma_wait3A_2712 = arith.constant 0 : i32
        %dma_wait3A_2713 = tpu.memref_slice %arg2[%dma_wait3A_2712, %add3A_20] : memref<64x32768xf32, #tpu.memory_space<hbm>> -> memref<64x256xf32, #tpu.memory_space<hbm>>
        tpu.wait_dma2 semaphore(%arg12 : memref<!tpu.dma_semaphore, #tpu.memory_space<semaphore_mem>>) src(%dma_wait3A_2713 : memref<64x256xf32, #tpu.memory_space<hbm>>) dst(%dma_wait3A_2711 : memref<64x256xf32, #tpu.memory_space<vmem>>)
        %add3A_2714 = arith.constant 256 : i32
        %add3A_2715 = arith.addi %mul3A_2, %add3A_2714 : i32
        %dma_start3A_2716 = arith.constant 0 : i32
        %dma_start3A_2717 = arith.constant 256 : i32
        %dma_start3A_2718 = tpu.memref_slice %arg7[%dma_start3A_2716, %dma_start3A_2717] : memref<64x1024xf32, #tpu.memory_space<vmem>> -> memref<64x256xf32, #tpu.memory_space<vmem>>
        %dma_start3A_2719 = arith.constant 0 : i32
        %dma_start3A_2720 = tpu.memref_slice %arg3[%dma_start3A_2719, %add3A_2715] : memref<64x32768xf32, #tpu.memory_space<hbm>> -> memref<64x256xf32, #tpu.memory_space<hbm>>
        %dma_start3A_2721 = arith.constant 0 : i32
        %dma_start3A_2722 = tpu.memref_slice %arg3[%dma_start3A_2721, %add3A_2715] : memref<64x32768xf32, #tpu.memory_space<hbm>> -> memref<64x256xf32, #tpu.memory_space<hbm>>
        %dma_start3A_2723 = arith.constant 0 : i32
        %dma_start3A_2724 = arith.constant 256 : i32
        %dma_start3A_2725 = tpu.memref_slice %arg7[%dma_start3A_2723, %dma_start3A_2724] : memref<64x1024xf32, #tpu.memory_space<vmem>> -> memref<64x256xf32, #tpu.memory_space<vmem>>
        tpu.enqueue_dma source(%dma_start3A_2725 : memref<64x256xf32, #tpu.memory_space<vmem>>) target(%dma_start3A_2722 : memref<64x256xf32, #tpu.memory_space<hbm>>) target_semaphore(%arg13 : memref<!tpu.dma_semaphore, #tpu.memory_space<semaphore_mem>>)
      } else {
      }
      %eq3A_836 = arith.constant 32 : i32
      %eq3A_837 = arith.cmpi eq, %scan3A_833, %eq3A_836 : i32
      %convert_element_type3A_838 = arith.extui %eq3A_837 : i1 to i32
      %cond3A_839 = arith.constant 0 : i32
      %cond3A_840 = arith.cmpi ne, %convert_element_type3A_838, %cond3A_839 : i32
      scf.if %cond3A_840 {
        %dma_wait3A_2704 = arith.constant 0 : i32
        %dma_wait3A_2705 = arith.constant 512 : i32
        %dma_wait3A_2706 = tpu.memref_slice %arg7[%dma_wait3A_2704, %dma_wait3A_2705] : memref<64x1024xf32, #tpu.memory_space<vmem>> -> memref<64x256xf32, #tpu.memory_space<vmem>>
        %dma_wait3A_2707 = arith.constant 0 : i32
        %dma_wait3A_2708 = tpu.memref_slice %arg2[%dma_wait3A_2707, %add3A_32] : memref<64x32768xf32, #tpu.memory_space<hbm>> -> memref<64x256xf32, #tpu.memory_space<hbm>>
        %dma_wait3A_2709 = arith.constant 0 : i32
        %dma_wait3A_2710 = arith.constant 512 : i32
        %dma_wait3A_2711 = tpu.memref_slice %arg7[%dma_wait3A_2709, %dma_wait3A_2710] : memref<64x1024xf32, #tpu.memory_space<vmem>> -> memref<64x256xf32, #tpu.memory_space<vmem>>
        %dma_wait3A_2712 = arith.constant 0 : i32
        %dma_wait3A_2713 = tpu.memref_slice %arg2[%dma_wait3A_2712, %add3A_32] : memref<64x32768xf32, #tpu.memory_space<hbm>> -> memref<64x256xf32, #tpu.memory_space<hbm>>
        tpu.wait_dma2 semaphore(%arg12 : memref<!tpu.dma_semaphore, #tpu.memory_space<semaphore_mem>>) src(%dma_wait3A_2713 : memref<64x256xf32, #tpu.memory_space<hbm>>) dst(%dma_wait3A_2711 : memref<64x256xf32, #tpu.memory_space<vmem>>)
        %add3A_2714 = arith.constant 512 : i32
        %add3A_2715 = arith.addi %mul3A_2, %add3A_2714 : i32
        %dma_start3A_2716 = arith.constant 0 : i32
        %dma_start3A_2717 = arith.constant 512 : i32
        %dma_start3A_2718 = tpu.memref_slice %arg7[%dma_start3A_2716, %dma_start3A_2717] : memref<64x1024xf32, #tpu.memory_space<vmem>> -> memref<64x256xf32, #tpu.memory_space<vmem>>
        %dma_start3A_2719 = arith.constant 0 : i32
        %dma_start3A_2720 = tpu.memref_slice %arg3[%dma_start3A_2719, %add3A_2715] : memref<64x32768xf32, #tpu.memory_space<hbm>> -> memref<64x256xf32, #tpu.memory_space<hbm>>
        %dma_start3A_2721 = arith.constant 0 : i32
        %dma_start3A_2722 = tpu.memref_slice %arg3[%dma_start3A_2721, %add3A_2715] : memref<64x32768xf32, #tpu.memory_space<hbm>> -> memref<64x256xf32, #tpu.memory_space<hbm>>
        %dma_start3A_2723 = arith.constant 0 : i32
        %dma_start3A_2724 = arith.constant 512 : i32
        %dma_start3A_2725 = tpu.memref_slice %arg7[%dma_start3A_2723, %dma_start3A_2724] : memref<64x1024xf32, #tpu.memory_space<vmem>> -> memref<64x256xf32, #tpu.memory_space<vmem>>
        tpu.enqueue_dma source(%dma_start3A_2725 : memref<64x256xf32, #tpu.memory_space<vmem>>) target(%dma_start3A_2722 : memref<64x256xf32, #tpu.memory_space<hbm>>) target_semaphore(%arg13 : memref<!tpu.dma_semaphore, #tpu.memory_space<semaphore_mem>>)
      } else {
      }
      %eq3A_841 = arith.constant 48 : i32
      %eq3A_842 = arith.cmpi eq, %scan3A_833, %eq3A_841 : i32
      %convert_element_type3A_843 = arith.extui %eq3A_842 : i1 to i32
      %cond3A_844 = arith.constant 0 : i32
      %cond3A_845 = arith.cmpi ne, %convert_element_type3A_843, %cond3A_844 : i32
      scf.if %cond3A_845 {
        %dma_wait3A_2704 = arith.constant 0 : i32
        %dma_wait3A_2705 = arith.constant 768 : i32
        %dma_wait3A_2706 = tpu.memref_slice %arg7[%dma_wait3A_2704, %dma_wait3A_2705] : memref<64x1024xf32, #tpu.memory_space<vmem>> -> memref<64x256xf32, #tpu.memory_space<vmem>>
        %dma_wait3A_2707 = arith.constant 0 : i32
        %dma_wait3A_2708 = tpu.memref_slice %arg2[%dma_wait3A_2707, %add3A_44] : memref<64x32768xf32, #tpu.memory_space<hbm>> -> memref<64x256xf32, #tpu.memory_space<hbm>>
        %dma_wait3A_2709 = arith.constant 0 : i32
        %dma_wait3A_2710 = arith.constant 768 : i32
        %dma_wait3A_2711 = tpu.memref_slice %arg7[%dma_wait3A_2709, %dma_wait3A_2710] : memref<64x1024xf32, #tpu.memory_space<vmem>> -> memref<64x256xf32, #tpu.memory_space<vmem>>
        %dma_wait3A_2712 = arith.constant 0 : i32
        %dma_wait3A_2713 = tpu.memref_slice %arg2[%dma_wait3A_2712, %add3A_44] : memref<64x32768xf32, #tpu.memory_space<hbm>> -> memref<64x256xf32, #tpu.memory_space<hbm>>
        tpu.wait_dma2 semaphore(%arg12 : memref<!tpu.dma_semaphore, #tpu.memory_space<semaphore_mem>>) src(%dma_wait3A_2713 : memref<64x256xf32, #tpu.memory_space<hbm>>) dst(%dma_wait3A_2711 : memref<64x256xf32, #tpu.memory_space<vmem>>)
        %add3A_2714 = arith.constant 768 : i32
        %add3A_2715 = arith.addi %mul3A_2, %add3A_2714 : i32
        %dma_start3A_2716 = arith.constant 0 : i32
        %dma_start3A_2717 = arith.constant 768 : i32
        %dma_start3A_2718 = tpu.memref_slice %arg7[%dma_start3A_2716, %dma_start3A_2717] : memref<64x1024xf32, #tpu.memory_space<vmem>> -> memref<64x256xf32, #tpu.memory_space<vmem>>
        %dma_start3A_2719 = arith.constant 0 : i32
        %dma_start3A_2720 = tpu.memref_slice %arg3[%dma_start3A_2719, %add3A_2715] : memref<64x32768xf32, #tpu.memory_space<hbm>> -> memref<64x256xf32, #tpu.memory_space<hbm>>
        %dma_start3A_2721 = arith.constant 0 : i32
        %dma_start3A_2722 = tpu.memref_slice %arg3[%dma_start3A_2721, %add3A_2715] : memref<64x32768xf32, #tpu.memory_space<hbm>> -> memref<64x256xf32, #tpu.memory_space<hbm>>
        %dma_start3A_2723 = arith.constant 0 : i32
        %dma_start3A_2724 = arith.constant 768 : i32
        %dma_start3A_2725 = tpu.memref_slice %arg7[%dma_start3A_2723, %dma_start3A_2724] : memref<64x1024xf32, #tpu.memory_space<vmem>> -> memref<64x256xf32, #tpu.memory_space<vmem>>
        tpu.enqueue_dma source(%dma_start3A_2725 : memref<64x256xf32, #tpu.memory_space<vmem>>) target(%dma_start3A_2722 : memref<64x256xf32, #tpu.memory_space<hbm>>) target_semaphore(%arg13 : memref<!tpu.dma_semaphore, #tpu.memory_space<semaphore_mem>>)
      } else {
      }
      %mul3A_846 = arith.constant 16 : i32
      %mul3A_847 = arith.muli %scan3A_833, %mul3A_846 : i32
      %add3A_848 = vector.broadcast %mul3A_847 : i32 to vector<16xi32>
      %add3A_849 = arith.addi %add3A_848, %iota3A : vector<16xi32>
      %get3A_850 = arith.constant 0 : i32
      %get3A_851 = arith.index_cast %get3A_850 : i32 to index
      %get3A_852 = arith.index_cast %mul3A_847 : i32 to index
      %get3A_853 = tpu.vector_load %arg7[%get3A_851, %get3A_852] {strides = array<i32>} : memref<64x1024xf32, #tpu.memory_space<vmem>>, vector<16xf32>,
      %bitcast3A = vector.bitcast %get3A_853 : vector<16xf32> to vector<16xi32>
      %and3A = arith.constant -64 : i32
      %and3A_854 = vector.broadcast %and3A : i32 to vector<16xi32>
      %and3A_855 = arith.andi %bitcast3A, %and3A_854 : vector<16xi32>
      %or3A = arith.constant 0 : i32
      %or3A_856 = vector.broadcast %or3A : i32 to vector<16xi32>
      %or3A_857 = arith.ori %and3A_855, %or3A_856 : vector<16xi32>
      %bitcast3A_858 = vector.bitcast %or3A_857 : vector<16xi32> to vector<16xf32>
      %max3A = arith.maximumf %broadcast_in_dim3A_5, %bitcast3A_858 : vector<16xf32>
      %min3A = arith.minimumf %broadcast_in_dim3A_5, %bitcast3A_858 : vector<16xf32>
      %max3A_859 = arith.maximumf %broadcast_in_dim3A_5, %min3A : vector<16xf32>
      %min3A_860 = arith.minimumf %broadcast_in_dim3A_5, %min3A : vector<16xf32>
      %max3A_861 = arith.maximumf %broadcast_in_dim3A_5, %min3A_860 : vector<16xf32>
      %min3A_862 = arith.minimumf %broadcast_in_dim3A_5, %min3A_860 : vector<16xf32>
      %max3A_863 = arith.maximumf %broadcast_in_dim3A_5, %min3A_862 : vector<16xf32>
      %min3A_864 = arith.minimumf %broadcast_in_dim3A_5, %min3A_862 : vector<16xf32>
      %max3A_865 = arith.maximumf %broadcast_in_dim3A_5, %min3A_864 : vector<16xf32>
      %min3A_866 = arith.minimumf %broadcast_in_dim3A_5, %min3A_864 : vector<16xf32>
      %max3A_867 = arith.maximumf %broadcast_in_dim3A_5, %min3A_866 : vector<16xf32>
      %min3A_868 = arith.minimumf %broadcast_in_dim3A_5, %min3A_866 : vector<16xf32>
      %max3A_869 = arith.maximumf %broadcast_in_dim3A_5, %min3A_868 : vector<16xf32>
      %min3A_870 = arith.minimumf %broadcast_in_dim3A_5, %min3A_868 : vector<16xf32>
      %max3A_871 = arith.maximumf %broadcast_in_dim3A_5, %min3A_870 : vector<16xf32>
      %get3A_872 = arith.constant 1 : i32
      %get3A_873 = arith.index_cast %get3A_872 : i32 to index
      %get3A_874 = arith.index_cast %mul3A_847 : i32 to index
      %get3A_875 = tpu.vector_load %arg7[%get3A_873, %get3A_874] {strides = array<i32>} : memref<64x1024xf32, #tpu.memory_space<vmem>>, vector<16xf32>,
      %bitcast3A_876 = vector.bitcast %get3A_875 : vector<16xf32> to vector<16xi32>
      %and3A_877 = arith.constant -64 : i32
      %and3A_878 = vector.broadcast %and3A_877 : i32 to vector<16xi32>
      %and3A_879 = arith.andi %bitcast3A_876, %and3A_878 : vector<16xi32>
      %or3A_880 = arith.constant 1 : i32
      %or3A_881 = vector.broadcast %or3A_880 : i32 to vector<16xi32>
      %or3A_882 = arith.ori %and3A_879, %or3A_881 : vector<16xi32>
      %bitcast3A_883 = vector.bitcast %or3A_882 : vector<16xi32> to vector<16xf32>
      %max3A_884 = arith.maximumf %max3A, %bitcast3A_883 : vector<16xf32>
      %min3A_885 = arith.minimumf %max3A, %bitcast3A_883 : vector<16xf32>
      %max3A_886 = arith.maximumf %max3A_859, %min3A_885 : vector<16xf32>
      %min3A_887 = arith.minimumf %max3A_859, %min3A_885 : vector<16xf32>
      %max3A_888 = arith.maximumf %max3A_861, %min3A_887 : vector<16xf32>
      %min3A_889 = arith.minimumf %max3A_861, %min3A_887 : vector<16xf32>
      %max3A_890 = arith.maximumf %max3A_863, %min3A_889 : vector<16xf32>
      %min3A_891 = arith.minimumf %max3A_863, %min3A_889 : vector<16xf32>
      %max3A_892 = arith.maximumf %max3A_865, %min3A_891 : vector<16xf32>
      %min3A_893 = arith.minimumf %max3A_865, %min3A_891 : vector<16xf32>
      %max3A_894 = arith.maximumf %max3A_867, %min3A_893 : vector<16xf32>
      %min3A_895 = arith.minimumf %max3A_867, %min3A_893 : vector<16xf32>
      %max3A_896 = arith.maximumf %max3A_869, %min3A_895 : vector<16xf32>
      %min3A_897 = arith.minimumf %max3A_869, %min3A_895 : vector<16xf32>
      %max3A_898 = arith.maximumf %max3A_871, %min3A_897 : vector<16xf32>
      %get3A_899 = arith.constant 2 : i32
      %get3A_900 = arith.index_cast %get3A_899 : i32 to index
      %get3A_901 = arith.index_cast %mul3A_847 : i32 to index
      %get3A_902 = tpu.vector_load %arg7[%get3A_900, %get3A_901] {strides = array<i32>} : memref<64x1024xf32, #tpu.memory_space<vmem>>, vector<16xf32>,
      %bitcast3A_903 = vector.bitcast %get3A_902 : vector<16xf32> to vector<16xi32>
      %and3A_904 = arith.constant -64 : i32
      %and3A_905 = vector.broadcast %and3A_904 : i32 to vector<16xi32>
      %and3A_906 = arith.andi %bitcast3A_903, %and3A_905 : vector<16xi32>
      %or3A_907 = arith.constant 2 : i32
      %or3A_908 = vector.broadcast %or3A_907 : i32 to vector<16xi32>
      %or3A_909 = arith.ori %and3A_906, %or3A_908 : vector<16xi32>
      %bitcast3A_910 = vector.bitcast %or3A_909 : vector<16xi32> to vector<16xf32>
      %max3A_911 = arith.maximumf %max3A_884, %bitcast3A_910 : vector<16xf32>
      %min3A_912 = arith.minimumf %max3A_884, %bitcast3A_910 : vector<16xf32>
      %max3A_913 = arith.maximumf %max3A_886, %min3A_912 : vector<16xf32>
      %min3A_914 = arith.minimumf %max3A_886, %min3A_912 : vector<16xf32>
      %max3A_915 = arith.maximumf %max3A_888, %min3A_914 : vector<16xf32>
      %min3A_916 = arith.minimumf %max3A_888, %min3A_914 : vector<16xf32>
      %max3A_917 = arith.maximumf %max3A_890, %min3A_916 : vector<16xf32>
      %min3A_918 = arith.minimumf %max3A_890, %min3A_916 : vector<16xf32>
      %max3A_919 = arith.maximumf %max3A_892, %min3A_918 : vector<16xf32>
      %min3A_920 = arith.minimumf %max3A_892, %min3A_918 : vector<16xf32>
      %max3A_921 = arith.maximumf %max3A_894, %min3A_920 : vector<16xf32>
      %min3A_922 = arith.minimumf %max3A_894, %min3A_920 : vector<16xf32>
      %max3A_923 = arith.maximumf %max3A_896, %min3A_922 : vector<16xf32>
      %min3A_924 = arith.minimumf %max3A_896, %min3A_922 : vector<16xf32>
      %max3A_925 = arith.maximumf %max3A_898, %min3A_924 : vector<16xf32>
      %get3A_926 = arith.constant 3 : i32
      %get3A_927 = arith.index_cast %get3A_926 : i32 to index
      %get3A_928 = arith.index_cast %mul3A_847 : i32 to index
      %get3A_929 = tpu.vector_load %arg7[%get3A_927, %get3A_928] {strides = array<i32>} : memref<64x1024xf32, #tpu.memory_space<vmem>>, vector<16xf32>,
      %bitcast3A_930 = vector.bitcast %get3A_929 : vector<16xf32> to vector<16xi32>
      %and3A_931 = arith.constant -64 : i32
      %and3A_932 = vector.broadcast %and3A_931 : i32 to vector<16xi32>
      %and3A_933 = arith.andi %bitcast3A_930, %and3A_932 : vector<16xi32>
      %or3A_934 = arith.constant 3 : i32
      %or3A_935 = vector.broadcast %or3A_934 : i32 to vector<16xi32>
      %or3A_936 = arith.ori %and3A_933, %or3A_935 : vector<16xi32>
      %bitcast3A_937 = vector.bitcast %or3A_936 : vector<16xi32> to vector<16xf32>
      %max3A_938 = arith.maximumf %max3A_911, %bitcast3A_937 : vector<16xf32>
      %min3A_939 = arith.minimumf %max3A_911, %bitcast3A_937 : vector<16xf32>
      %max3A_940 = arith.maximumf %max3A_913, %min3A_939 : vector<16xf32>
      %min3A_941 = arith.minimumf %max3A_913, %min3A_939 : vector<16xf32>
      %max3A_942 = arith.maximumf %max3A_915, %min3A_941 : vector<16xf32>
      %min3A_943 = arith.minimumf %max3A_915, %min3A_941 : vector<16xf32>
      %max3A_944 = arith.maximumf %max3A_917, %min3A_943 : vector<16xf32>
      %min3A_945 = arith.minimumf %max3A_917, %min3A_943 : vector<16xf32>
      %max3A_946 = arith.maximumf %max3A_919, %min3A_945 : vector<16xf32>
      %min3A_947 = arith.minimumf %max3A_919, %min3A_945 : vector<16xf32>
      %max3A_948 = arith.maximumf %max3A_921, %min3A_947 : vector<16xf32>
      %min3A_949 = arith.minimumf %max3A_921, %min3A_947 : vector<16xf32>
      %max3A_950 = arith.maximumf %max3A_923, %min3A_949 : vector<16xf32>
      %min3A_951 = arith.minimumf %max3A_923, %min3A_949 : vector<16xf32>
      %max3A_952 = arith.maximumf %max3A_925, %min3A_951 : vector<16xf32>
      %get3A_953 = arith.constant 4 : i32
      %get3A_954 = arith.index_cast %get3A_953 : i32 to index
      %get3A_955 = arith.index_cast %mul3A_847 : i32 to index
      %get3A_956 = tpu.vector_load %arg7[%get3A_954, %get3A_955] {strides = array<i32>} : memref<64x1024xf32, #tpu.memory_space<vmem>>, vector<16xf32>,
      %bitcast3A_957 = vector.bitcast %get3A_956 : vector<16xf32> to vector<16xi32>
      %and3A_958 = arith.constant -64 : i32
      %and3A_959 = vector.broadcast %and3A_958 : i32 to vector<16xi32>
      %and3A_960 = arith.andi %bitcast3A_957, %and3A_959 : vector<16xi32>
      %or3A_961 = arith.constant 4 : i32
      %or3A_962 = vector.broadcast %or3A_961 : i32 to vector<16xi32>
      %or3A_963 = arith.ori %and3A_960, %or3A_962 : vector<16xi32>
      %bitcast3A_964 = vector.bitcast %or3A_963 : vector<16xi32> to vector<16xf32>
      %max3A_965 = arith.maximumf %max3A_938, %bitcast3A_964 : vector<16xf32>
      %min3A_966 = arith.minimumf %max3A_938, %bitcast3A_964 : vector<16xf32>
      %max3A_967 = arith.maximumf %max3A_940, %min3A_966 : vector<16xf32>
      %min3A_968 = arith.minimumf %max3A_940, %min3A_966 : vector<16xf32>
      %max3A_969 = arith.maximumf %max3A_942, %min3A_968 : vector<16xf32>
      %min3A_970 = arith.minimumf %max3A_942, %min3A_968 : vector<16xf32>
      %max3A_971 = arith.maximumf %max3A_944, %min3A_970 : vector<16xf32>
      %min3A_972 = arith.minimumf %max3A_944, %min3A_970 : vector<16xf32>
      %max3A_973 = arith.maximumf %max3A_946, %min3A_972 : vector<16xf32>
      %min3A_974 = arith.minimumf %max3A_946, %min3A_972 : vector<16xf32>
      %max3A_975 = arith.maximumf %max3A_948, %min3A_974 : vector<16xf32>
      %min3A_976 = arith.minimumf %max3A_948, %min3A_974 : vector<16xf32>
      %max3A_977 = arith.maximumf %max3A_950, %min3A_976 : vector<16xf32>
      %min3A_978 = arith.minimumf %max3A_950, %min3A_976 : vector<16xf32>
      %max3A_979 = arith.maximumf %max3A_952, %min3A_978 : vector<16xf32>
      %get3A_980 = arith.constant 5 : i32
      %get3A_981 = arith.index_cast %get3A_980 : i32 to index
      %get3A_982 = arith.index_cast %mul3A_847 : i32 to index
      %get3A_983 = tpu.vector_load %arg7[%get3A_981, %get3A_982] {strides = array<i32>} : memref<64x1024xf32, #tpu.memory_space<vmem>>, vector<16xf32>,
      %bitcast3A_984 = vector.bitcast %get3A_983 : vector<16xf32> to vector<16xi32>
      %and3A_985 = arith.constant -64 : i32
      %and3A_986 = vector.broadcast %and3A_985 : i32 to vector<16xi32>
      %and3A_987 = arith.andi %bitcast3A_984, %and3A_986 : vector<16xi32>
      %or3A_988 = arith.constant 5 : i32
      %or3A_989 = vector.broadcast %or3A_988 : i32 to vector<16xi32>
      %or3A_990 = arith.ori %and3A_987, %or3A_989 : vector<16xi32>
      %bitcast3A_991 = vector.bitcast %or3A_990 : vector<16xi32> to vector<16xf32>
      %max3A_992 = arith.maximumf %max3A_965, %bitcast3A_991 : vector<16xf32>
      %min3A_993 = arith.minimumf %max3A_965, %bitcast3A_991 : vector<16xf32>
      %max3A_994 = arith.maximumf %max3A_967, %min3A_993 : vector<16xf32>
      %min3A_995 = arith.minimumf %max3A_967, %min3A_993 : vector<16xf32>
      %max3A_996 = arith.maximumf %max3A_969, %min3A_995 : vector<16xf32>
      %min3A_997 = arith.minimumf %max3A_969, %min3A_995 : vector<16xf32>
      %max3A_998 = arith.maximumf %max3A_971, %min3A_997 : vector<16xf32>
      %min3A_999 = arith.minimumf %max3A_971, %min3A_997 : vector<16xf32>
      %max3A_1000 = arith.maximumf %max3A_973, %min3A_999 : vector<16xf32>
      %min3A_1001 = arith.minimumf %max3A_973, %min3A_999 : vector<16xf32>
      %max3A_1002 = arith.maximumf %max3A_975, %min3A_1001 : vector<16xf32>
      %min3A_1003 = arith.minimumf %max3A_975, %min3A_1001 : vector<16xf32>
      %max3A_1004 = arith.maximumf %max3A_977, %min3A_1003 : vector<16xf32>
      %min3A_1005 = arith.minimumf %max3A_977, %min3A_1003 : vector<16xf32>
      %max3A_1006 = arith.maximumf %max3A_979, %min3A_1005 : vector<16xf32>
      %get3A_1007 = arith.constant 6 : i32
      %get3A_1008 = arith.index_cast %get3A_1007 : i32 to index
      %get3A_1009 = arith.index_cast %mul3A_847 : i32 to index
      %get3A_1010 = tpu.vector_load %arg7[%get3A_1008, %get3A_1009] {strides = array<i32>} : memref<64x1024xf32, #tpu.memory_space<vmem>>, vector<16xf32>,
      %bitcast3A_1011 = vector.bitcast %get3A_1010 : vector<16xf32> to vector<16xi32>
      %and3A_1012 = arith.constant -64 : i32
      %and3A_1013 = vector.broadcast %and3A_1012 : i32 to vector<16xi32>
      %and3A_1014 = arith.andi %bitcast3A_1011, %and3A_1013 : vector<16xi32>
      %or3A_1015 = arith.constant 6 : i32
      %or3A_1016 = vector.broadcast %or3A_1015 : i32 to vector<16xi32>
      %or3A_1017 = arith.ori %and3A_1014, %or3A_1016 : vector<16xi32>
      %bitcast3A_1018 = vector.bitcast %or3A_1017 : vector<16xi32> to vector<16xf32>
      %max3A_1019 = arith.maximumf %max3A_992, %bitcast3A_1018 : vector<16xf32>
      %min3A_1020 = arith.minimumf %max3A_992, %bitcast3A_1018 : vector<16xf32>
      %max3A_1021 = arith.maximumf %max3A_994, %min3A_1020 : vector<16xf32>
      %min3A_1022 = arith.minimumf %max3A_994, %min3A_1020 : vector<16xf32>
      %max3A_1023 = arith.maximumf %max3A_996, %min3A_1022 : vector<16xf32>
      %min3A_1024 = arith.minimumf %max3A_996, %min3A_1022 : vector<16xf32>
      %max3A_1025 = arith.maximumf %max3A_998, %min3A_1024 : vector<16xf32>
      %min3A_1026 = arith.minimumf %max3A_998, %min3A_1024 : vector<16xf32>
      %max3A_1027 = arith.maximumf %max3A_1000, %min3A_1026 : vector<16xf32>
      %min3A_1028 = arith.minimumf %max3A_1000, %min3A_1026 : vector<16xf32>
      %max3A_1029 = arith.maximumf %max3A_1002, %min3A_1028 : vector<16xf32>
      %min3A_1030 = arith.minimumf %max3A_1002, %min3A_1028 : vector<16xf32>
      %max3A_1031 = arith.maximumf %max3A_1004, %min3A_1030 : vector<16xf32>
      %min3A_1032 = arith.minimumf %max3A_1004, %min3A_1030 : vector<16xf32>
      %max3A_1033 = arith.maximumf %max3A_1006, %min3A_1032 : vector<16xf32>
      %get3A_1034 = arith.constant 7 : i32
      %get3A_1035 = arith.index_cast %get3A_1034 : i32 to index
      %get3A_1036 = arith.index_cast %mul3A_847 : i32 to index
      %get3A_1037 = tpu.vector_load %arg7[%get3A_1035, %get3A_1036] {strides = array<i32>} : memref<64x1024xf32, #tpu.memory_space<vmem>>, vector<16xf32>,
      %bitcast3A_1038 = vector.bitcast %get3A_1037 : vector<16xf32> to vector<16xi32>
      %and3A_1039 = arith.constant -64 : i32
      %and3A_1040 = vector.broadcast %and3A_1039 : i32 to vector<16xi32>
      %and3A_1041 = arith.andi %bitcast3A_1038, %and3A_1040 : vector<16xi32>
      %or3A_1042 = arith.constant 7 : i32
      %or3A_1043 = vector.broadcast %or3A_1042 : i32 to vector<16xi32>
      %or3A_1044 = arith.ori %and3A_1041, %or3A_1043 : vector<16xi32>
      %bitcast3A_1045 = vector.bitcast %or3A_1044 : vector<16xi32> to vector<16xf32>
      %max3A_1046 = arith.maximumf %max3A_1019, %bitcast3A_1045 : vector<16xf32>
      %min3A_1047 = arith.minimumf %max3A_1019, %bitcast3A_1045 : vector<16xf32>
      %max3A_1048 = arith.maximumf %max3A_1021, %min3A_1047 : vector<16xf32>
      %min3A_1049 = arith.minimumf %max3A_1021, %min3A_1047 : vector<16xf32>
      %max3A_1050 = arith.maximumf %max3A_1023, %min3A_1049 : vector<16xf32>
      %min3A_1051 = arith.minimumf %max3A_1023, %min3A_1049 : vector<16xf32>
      %max3A_1052 = arith.maximumf %max3A_1025, %min3A_1051 : vector<16xf32>
      %min3A_1053 = arith.minimumf %max3A_1025, %min3A_1051 : vector<16xf32>
      %max3A_1054 = arith.maximumf %max3A_1027, %min3A_1053 : vector<16xf32>
      %min3A_1055 = arith.minimumf %max3A_1027, %min3A_1053 : vector<16xf32>
      %max3A_1056 = arith.maximumf %max3A_1029, %min3A_1055 : vector<16xf32>
      %min3A_1057 = arith.minimumf %max3A_1029, %min3A_1055 : vector<16xf32>
      %max3A_1058 = arith.maximumf %max3A_1031, %min3A_1057 : vector<16xf32>
      %min3A_1059 = arith.minimumf %max3A_1031, %min3A_1057 : vector<16xf32>
      %max3A_1060 = arith.maximumf %max3A_1033, %min3A_1059 : vector<16xf32>
      %get3A_1061 = arith.constant 8 : i32
      %get3A_1062 = arith.index_cast %get3A_1061 : i32 to index
      %get3A_1063 = arith.index_cast %mul3A_847 : i32 to index
      %get3A_1064 = tpu.vector_load %arg7[%get3A_1062, %get3A_1063] {strides = array<i32>} : memref<64x1024xf32, #tpu.memory_space<vmem>>, vector<16xf32>,
      %bitcast3A_1065 = vector.bitcast %get3A_1064 : vector<16xf32> to vector<16xi32>
      %and3A_1066 = arith.constant -64 : i32
      %and3A_1067 = vector.broadcast %and3A_1066 : i32 to vector<16xi32>
      %and3A_1068 = arith.andi %bitcast3A_1065, %and3A_1067 : vector<16xi32>
      %or3A_1069 = arith.constant 8 : i32
      %or3A_1070 = vector.broadcast %or3A_1069 : i32 to vector<16xi32>
      %or3A_1071 = arith.ori %and3A_1068, %or3A_1070 : vector<16xi32>
      %bitcast3A_1072 = vector.bitcast %or3A_1071 : vector<16xi32> to vector<16xf32>
      %max3A_1073 = arith.maximumf %max3A_1046, %bitcast3A_1072 : vector<16xf32>
      %min3A_1074 = arith.minimumf %max3A_1046, %bitcast3A_1072 : vector<16xf32>
      %max3A_1075 = arith.maximumf %max3A_1048, %min3A_1074 : vector<16xf32>
      %min3A_1076 = arith.minimumf %max3A_1048, %min3A_1074 : vector<16xf32>
      %max3A_1077 = arith.maximumf %max3A_1050, %min3A_1076 : vector<16xf32>
      %min3A_1078 = arith.minimumf %max3A_1050, %min3A_1076 : vector<16xf32>
      %max3A_1079 = arith.maximumf %max3A_1052, %min3A_1078 : vector<16xf32>
      %min3A_1080 = arith.minimumf %max3A_1052, %min3A_1078 : vector<16xf32>
      %max3A_1081 = arith.maximumf %max3A_1054, %min3A_1080 : vector<16xf32>
      %min3A_1082 = arith.minimumf %max3A_1054, %min3A_1080 : vector<16xf32>
      %max3A_1083 = arith.maximumf %max3A_1056, %min3A_1082 : vector<16xf32>
      %min3A_1084 = arith.minimumf %max3A_1056, %min3A_1082 : vector<16xf32>
      %max3A_1085 = arith.maximumf %max3A_1058, %min3A_1084 : vector<16xf32>
      %min3A_1086 = arith.minimumf %max3A_1058, %min3A_1084 : vector<16xf32>
      %max3A_1087 = arith.maximumf %max3A_1060, %min3A_1086 : vector<16xf32>
      %get3A_1088 = arith.constant 9 : i32
      %get3A_1089 = arith.index_cast %get3A_1088 : i32 to index
      %get3A_1090 = arith.index_cast %mul3A_847 : i32 to index
      %get3A_1091 = tpu.vector_load %arg7[%get3A_1089, %get3A_1090] {strides = array<i32>} : memref<64x1024xf32, #tpu.memory_space<vmem>>, vector<16xf32>,
      %bitcast3A_1092 = vector.bitcast %get3A_1091 : vector<16xf32> to vector<16xi32>
      %and3A_1093 = arith.constant -64 : i32
      %and3A_1094 = vector.broadcast %and3A_1093 : i32 to vector<16xi32>
      %and3A_1095 = arith.andi %bitcast3A_1092, %and3A_1094 : vector<16xi32>
      %or3A_1096 = arith.constant 9 : i32
      %or3A_1097 = vector.broadcast %or3A_1096 : i32 to vector<16xi32>
      %or3A_1098 = arith.ori %and3A_1095, %or3A_1097 : vector<16xi32>
      %bitcast3A_1099 = vector.bitcast %or3A_1098 : vector<16xi32> to vector<16xf32>
      %max3A_1100 = arith.maximumf %max3A_1073, %bitcast3A_1099 : vector<16xf32>
      %min3A_1101 = arith.minimumf %max3A_1073, %bitcast3A_1099 : vector<16xf32>
      %max3A_1102 = arith.maximumf %max3A_1075, %min3A_1101 : vector<16xf32>
      %min3A_1103 = arith.minimumf %max3A_1075, %min3A_1101 : vector<16xf32>
      %max3A_1104 = arith.maximumf %max3A_1077, %min3A_1103 : vector<16xf32>
      %min3A_1105 = arith.minimumf %max3A_1077, %min3A_1103 : vector<16xf32>
      %max3A_1106 = arith.maximumf %max3A_1079, %min3A_1105 : vector<16xf32>
      %min3A_1107 = arith.minimumf %max3A_1079, %min3A_1105 : vector<16xf32>
      %max3A_1108 = arith.maximumf %max3A_1081, %min3A_1107 : vector<16xf32>
      %min3A_1109 = arith.minimumf %max3A_1081, %min3A_1107 : vector<16xf32>
      %max3A_1110 = arith.maximumf %max3A_1083, %min3A_1109 : vector<16xf32>
      %min3A_1111 = arith.minimumf %max3A_1083, %min3A_1109 : vector<16xf32>
      %max3A_1112 = arith.maximumf %max3A_1085, %min3A_1111 : vector<16xf32>
      %min3A_1113 = arith.minimumf %max3A_1085, %min3A_1111 : vector<16xf32>
      %max3A_1114 = arith.maximumf %max3A_1087, %min3A_1113 : vector<16xf32>
      %get3A_1115 = arith.constant 10 : i32
      %get3A_1116 = arith.index_cast %get3A_1115 : i32 to index
      %get3A_1117 = arith.index_cast %mul3A_847 : i32 to index
      %get3A_1118 = tpu.vector_load %arg7[%get3A_1116, %get3A_1117] {strides = array<i32>} : memref<64x1024xf32, #tpu.memory_space<vmem>>, vector<16xf32>,
      %bitcast3A_1119 = vector.bitcast %get3A_1118 : vector<16xf32> to vector<16xi32>
      %and3A_1120 = arith.constant -64 : i32
      %and3A_1121 = vector.broadcast %and3A_1120 : i32 to vector<16xi32>
      %and3A_1122 = arith.andi %bitcast3A_1119, %and3A_1121 : vector<16xi32>
      %or3A_1123 = arith.constant 10 : i32
      %or3A_1124 = vector.broadcast %or3A_1123 : i32 to vector<16xi32>
      %or3A_1125 = arith.ori %and3A_1122, %or3A_1124 : vector<16xi32>
      %bitcast3A_1126 = vector.bitcast %or3A_1125 : vector<16xi32> to vector<16xf32>
      %max3A_1127 = arith.maximumf %max3A_1100, %bitcast3A_1126 : vector<16xf32>
      %min3A_1128 = arith.minimumf %max3A_1100, %bitcast3A_1126 : vector<16xf32>
      %max3A_1129 = arith.maximumf %max3A_1102, %min3A_1128 : vector<16xf32>
      %min3A_1130 = arith.minimumf %max3A_1102, %min3A_1128 : vector<16xf32>
      %max3A_1131 = arith.maximumf %max3A_1104, %min3A_1130 : vector<16xf32>
      %min3A_1132 = arith.minimumf %max3A_1104, %min3A_1130 : vector<16xf32>
      %max3A_1133 = arith.maximumf %max3A_1106, %min3A_1132 : vector<16xf32>
      %min3A_1134 = arith.minimumf %max3A_1106, %min3A_1132 : vector<16xf32>
      %max3A_1135 = arith.maximumf %max3A_1108, %min3A_1134 : vector<16xf32>
      %min3A_1136 = arith.minimumf %max3A_1108, %min3A_1134 : vector<16xf32>
      %max3A_1137 = arith.maximumf %max3A_1110, %min3A_1136 : vector<16xf32>
      %min3A_1138 = arith.minimumf %max3A_1110, %min3A_1136 : vector<16xf32>
      %max3A_1139 = arith.maximumf %max3A_1112, %min3A_1138 : vector<16xf32>
      %min3A_1140 = arith.minimumf %max3A_1112, %min3A_1138 : vector<16xf32>
      %max3A_1141 = arith.maximumf %max3A_1114, %min3A_1140 : vector<16xf32>
      %get3A_1142 = arith.constant 11 : i32
      %get3A_1143 = arith.index_cast %get3A_1142 : i32 to index
      %get3A_1144 = arith.index_cast %mul3A_847 : i32 to index
      %get3A_1145 = tpu.vector_load %arg7[%get3A_1143, %get3A_1144] {strides = array<i32>} : memref<64x1024xf32, #tpu.memory_space<vmem>>, vector<16xf32>,
      %bitcast3A_1146 = vector.bitcast %get3A_1145 : vector<16xf32> to vector<16xi32>
      %and3A_1147 = arith.constant -64 : i32
      %and3A_1148 = vector.broadcast %and3A_1147 : i32 to vector<16xi32>
      %and3A_1149 = arith.andi %bitcast3A_1146, %and3A_1148 : vector<16xi32>
      %or3A_1150 = arith.constant 11 : i32
      %or3A_1151 = vector.broadcast %or3A_1150 : i32 to vector<16xi32>
      %or3A_1152 = arith.ori %and3A_1149, %or3A_1151 : vector<16xi32>
      %bitcast3A_1153 = vector.bitcast %or3A_1152 : vector<16xi32> to vector<16xf32>
      %max3A_1154 = arith.maximumf %max3A_1127, %bitcast3A_1153 : vector<16xf32>
      %min3A_1155 = arith.minimumf %max3A_1127, %bitcast3A_1153 : vector<16xf32>
      %max3A_1156 = arith.maximumf %max3A_1129, %min3A_1155 : vector<16xf32>
      %min3A_1157 = arith.minimumf %max3A_1129, %min3A_1155 : vector<16xf32>
      %max3A_1158 = arith.maximumf %max3A_1131, %min3A_1157 : vector<16xf32>
      %min3A_1159 = arith.minimumf %max3A_1131, %min3A_1157 : vector<16xf32>
      %max3A_1160 = arith.maximumf %max3A_1133, %min3A_1159 : vector<16xf32>
      %min3A_1161 = arith.minimumf %max3A_1133, %min3A_1159 : vector<16xf32>
      %max3A_1162 = arith.maximumf %max3A_1135, %min3A_1161 : vector<16xf32>
      %min3A_1163 = arith.minimumf %max3A_1135, %min3A_1161 : vector<16xf32>
      %max3A_1164 = arith.maximumf %max3A_1137, %min3A_1163 : vector<16xf32>
      %min3A_1165 = arith.minimumf %max3A_1137, %min3A_1163 : vector<16xf32>
      %max3A_1166 = arith.maximumf %max3A_1139, %min3A_1165 : vector<16xf32>
      %min3A_1167 = arith.minimumf %max3A_1139, %min3A_1165 : vector<16xf32>
      %max3A_1168 = arith.maximumf %max3A_1141, %min3A_1167 : vector<16xf32>
      %get3A_1169 = arith.constant 12 : i32
      %get3A_1170 = arith.index_cast %get3A_1169 : i32 to index
      %get3A_1171 = arith.index_cast %mul3A_847 : i32 to index
      %get3A_1172 = tpu.vector_load %arg7[%get3A_1170, %get3A_1171] {strides = array<i32>} : memref<64x1024xf32, #tpu.memory_space<vmem>>, vector<16xf32>,
      %bitcast3A_1173 = vector.bitcast %get3A_1172 : vector<16xf32> to vector<16xi32>
      %and3A_1174 = arith.constant -64 : i32
      %and3A_1175 = vector.broadcast %and3A_1174 : i32 to vector<16xi32>
      %and3A_1176 = arith.andi %bitcast3A_1173, %and3A_1175 : vector<16xi32>
      %or3A_1177 = arith.constant 12 : i32
      %or3A_1178 = vector.broadcast %or3A_1177 : i32 to vector<16xi32>
      %or3A_1179 = arith.ori %and3A_1176, %or3A_1178 : vector<16xi32>
      %bitcast3A_1180 = vector.bitcast %or3A_1179 : vector<16xi32> to vector<16xf32>
      %max3A_1181 = arith.maximumf %max3A_1154, %bitcast3A_1180 : vector<16xf32>
      %min3A_1182 = arith.minimumf %max3A_1154, %bitcast3A_1180 : vector<16xf32>
      %max3A_1183 = arith.maximumf %max3A_1156, %min3A_1182 : vector<16xf32>
      %min3A_1184 = arith.minimumf %max3A_1156, %min3A_1182 : vector<16xf32>
      %max3A_1185 = arith.maximumf %max3A_1158, %min3A_1184 : vector<16xf32>
      %min3A_1186 = arith.minimumf %max3A_1158, %min3A_1184 : vector<16xf32>
      %max3A_1187 = arith.maximumf %max3A_1160, %min3A_1186 : vector<16xf32>
      %min3A_1188 = arith.minimumf %max3A_1160, %min3A_1186 : vector<16xf32>
      %max3A_1189 = arith.maximumf %max3A_1162, %min3A_1188 : vector<16xf32>
      %min3A_1190 = arith.minimumf %max3A_1162, %min3A_1188 : vector<16xf32>
      %max3A_1191 = arith.maximumf %max3A_1164, %min3A_1190 : vector<16xf32>
      %min3A_1192 = arith.minimumf %max3A_1164, %min3A_1190 : vector<16xf32>
      %max3A_1193 = arith.maximumf %max3A_1166, %min3A_1192 : vector<16xf32>
      %min3A_1194 = arith.minimumf %max3A_1166, %min3A_1192 : vector<16xf32>
      %max3A_1195 = arith.maximumf %max3A_1168, %min3A_1194 : vector<16xf32>
      %get3A_1196 = arith.constant 13 : i32
      %get3A_1197 = arith.index_cast %get3A_1196 : i32 to index
      %get3A_1198 = arith.index_cast %mul3A_847 : i32 to index
      %get3A_1199 = tpu.vector_load %arg7[%get3A_1197, %get3A_1198] {strides = array<i32>} : memref<64x1024xf32, #tpu.memory_space<vmem>>, vector<16xf32>,
      %bitcast3A_1200 = vector.bitcast %get3A_1199 : vector<16xf32> to vector<16xi32>
      %and3A_1201 = arith.constant -64 : i32
      %and3A_1202 = vector.broadcast %and3A_1201 : i32 to vector<16xi32>
      %and3A_1203 = arith.andi %bitcast3A_1200, %and3A_1202 : vector<16xi32>
      %or3A_1204 = arith.constant 13 : i32
      %or3A_1205 = vector.broadcast %or3A_1204 : i32 to vector<16xi32>
      %or3A_1206 = arith.ori %and3A_1203, %or3A_1205 : vector<16xi32>
      %bitcast3A_1207 = vector.bitcast %or3A_1206 : vector<16xi32> to vector<16xf32>
      %max3A_1208 = arith.maximumf %max3A_1181, %bitcast3A_1207 : vector<16xf32>
      %min3A_1209 = arith.minimumf %max3A_1181, %bitcast3A_1207 : vector<16xf32>
      %max3A_1210 = arith.maximumf %max3A_1183, %min3A_1209 : vector<16xf32>
      %min3A_1211 = arith.minimumf %max3A_1183, %min3A_1209 : vector<16xf32>
      %max3A_1212 = arith.maximumf %max3A_1185, %min3A_1211 : vector<16xf32>
      %min3A_1213 = arith.minimumf %max3A_1185, %min3A_1211 : vector<16xf32>
      %max3A_1214 = arith.maximumf %max3A_1187, %min3A_1213 : vector<16xf32>
      %min3A_1215 = arith.minimumf %max3A_1187, %min3A_1213 : vector<16xf32>
      %max3A_1216 = arith.maximumf %max3A_1189, %min3A_1215 : vector<16xf32>
      %min3A_1217 = arith.minimumf %max3A_1189, %min3A_1215 : vector<16xf32>
      %max3A_1218 = arith.maximumf %max3A_1191, %min3A_1217 : vector<16xf32>
      %min3A_1219 = arith.minimumf %max3A_1191, %min3A_1217 : vector<16xf32>
      %max3A_1220 = arith.maximumf %max3A_1193, %min3A_1219 : vector<16xf32>
      %min3A_1221 = arith.minimumf %max3A_1193, %min3A_1219 : vector<16xf32>
      %max3A_1222 = arith.maximumf %max3A_1195, %min3A_1221 : vector<16xf32>
      %get3A_1223 = arith.constant 14 : i32
      %get3A_1224 = arith.index_cast %get3A_1223 : i32 to index
      %get3A_1225 = arith.index_cast %mul3A_847 : i32 to index
      %get3A_1226 = tpu.vector_load %arg7[%get3A_1224, %get3A_1225] {strides = array<i32>} : memref<64x1024xf32, #tpu.memory_space<vmem>>, vector<16xf32>,
      %bitcast3A_1227 = vector.bitcast %get3A_1226 : vector<16xf32> to vector<16xi32>
      %and3A_1228 = arith.constant -64 : i32
      %and3A_1229 = vector.broadcast %and3A_1228 : i32 to vector<16xi32>
      %and3A_1230 = arith.andi %bitcast3A_1227, %and3A_1229 : vector<16xi32>
      %or3A_1231 = arith.constant 14 : i32
      %or3A_1232 = vector.broadcast %or3A_1231 : i32 to vector<16xi32>
      %or3A_1233 = arith.ori %and3A_1230, %or3A_1232 : vector<16xi32>
      %bitcast3A_1234 = vector.bitcast %or3A_1233 : vector<16xi32> to vector<16xf32>
      %max3A_1235 = arith.maximumf %max3A_1208, %bitcast3A_1234 : vector<16xf32>
      %min3A_1236 = arith.minimumf %max3A_1208, %bitcast3A_1234 : vector<16xf32>
      %max3A_1237 = arith.maximumf %max3A_1210, %min3A_1236 : vector<16xf32>
      %min3A_1238 = arith.minimumf %max3A_1210, %min3A_1236 : vector<16xf32>
      %max3A_1239 = arith.maximumf %max3A_1212, %min3A_1238 : vector<16xf32>
      %min3A_1240 = arith.minimumf %max3A_1212, %min3A_1238 : vector<16xf32>
      %max3A_1241 = arith.maximumf %max3A_1214, %min3A_1240 : vector<16xf32>
      %min3A_1242 = arith.minimumf %max3A_1214, %min3A_1240 : vector<16xf32>
      %max3A_1243 = arith.maximumf %max3A_1216, %min3A_1242 : vector<16xf32>
      %min3A_1244 = arith.minimumf %max3A_1216, %min3A_1242 : vector<16xf32>
      %max3A_1245 = arith.maximumf %max3A_1218, %min3A_1244 : vector<16xf32>
      %min3A_1246 = arith.minimumf %max3A_1218, %min3A_1244 : vector<16xf32>
      %max3A_1247 = arith.maximumf %max3A_1220, %min3A_1246 : vector<16xf32>
      %min3A_1248 = arith.minimumf %max3A_1220, %min3A_1246 : vector<16xf32>
      %max3A_1249 = arith.maximumf %max3A_1222, %min3A_1248 : vector<16xf32>
      %get3A_1250 = arith.constant 15 : i32
      %get3A_1251 = arith.index_cast %get3A_1250 : i32 to index
      %get3A_1252 = arith.index_cast %mul3A_847 : i32 to index
      %get3A_1253 = tpu.vector_load %arg7[%get3A_1251, %get3A_1252] {strides = array<i32>} : memref<64x1024xf32, #tpu.memory_space<vmem>>, vector<16xf32>,
      %bitcast3A_1254 = vector.bitcast %get3A_1253 : vector<16xf32> to vector<16xi32>
      %and3A_1255 = arith.constant -64 : i32
      %and3A_1256 = vector.broadcast %and3A_1255 : i32 to vector<16xi32>
      %and3A_1257 = arith.andi %bitcast3A_1254, %and3A_1256 : vector<16xi32>
      %or3A_1258 = arith.constant 15 : i32
      %or3A_1259 = vector.broadcast %or3A_1258 : i32 to vector<16xi32>
      %or3A_1260 = arith.ori %and3A_1257, %or3A_1259 : vector<16xi32>
      %bitcast3A_1261 = vector.bitcast %or3A_1260 : vector<16xi32> to vector<16xf32>
      %max3A_1262 = arith.maximumf %max3A_1235, %bitcast3A_1261 : vector<16xf32>
      %min3A_1263 = arith.minimumf %max3A_1235, %bitcast3A_1261 : vector<16xf32>
      %max3A_1264 = arith.maximumf %max3A_1237, %min3A_1263 : vector<16xf32>
      %min3A_1265 = arith.minimumf %max3A_1237, %min3A_1263 : vector<16xf32>
      %max3A_1266 = arith.maximumf %max3A_1239, %min3A_1265 : vector<16xf32>
      %min3A_1267 = arith.minimumf %max3A_1239, %min3A_1265 : vector<16xf32>
      %max3A_1268 = arith.maximumf %max3A_1241, %min3A_1267 : vector<16xf32>
      %min3A_1269 = arith.minimumf %max3A_1241, %min3A_1267 : vector<16xf32>
      %max3A_1270 = arith.maximumf %max3A_1243, %min3A_1269 : vector<16xf32>
      %min3A_1271 = arith.minimumf %max3A_1243, %min3A_1269 : vector<16xf32>
      %max3A_1272 = arith.maximumf %max3A_1245, %min3A_1271 : vector<16xf32>
      %min3A_1273 = arith.minimumf %max3A_1245, %min3A_1271 : vector<16xf32>
      %max3A_1274 = arith.maximumf %max3A_1247, %min3A_1273 : vector<16xf32>
      %min3A_1275 = arith.minimumf %max3A_1247, %min3A_1273 : vector<16xf32>
      %max3A_1276 = arith.maximumf %max3A_1249, %min3A_1275 : vector<16xf32>
      %get3A_1277 = arith.constant 16 : i32
      %get3A_1278 = arith.index_cast %get3A_1277 : i32 to index
      %get3A_1279 = arith.index_cast %mul3A_847 : i32 to index
      %get3A_1280 = tpu.vector_load %arg7[%get3A_1278, %get3A_1279] {strides = array<i32>} : memref<64x1024xf32, #tpu.memory_space<vmem>>, vector<16xf32>,
      %bitcast3A_1281 = vector.bitcast %get3A_1280 : vector<16xf32> to vector<16xi32>
      %and3A_1282 = arith.constant -64 : i32
      %and3A_1283 = vector.broadcast %and3A_1282 : i32 to vector<16xi32>
      %and3A_1284 = arith.andi %bitcast3A_1281, %and3A_1283 : vector<16xi32>
      %or3A_1285 = arith.constant 16 : i32
      %or3A_1286 = vector.broadcast %or3A_1285 : i32 to vector<16xi32>
      %or3A_1287 = arith.ori %and3A_1284, %or3A_1286 : vector<16xi32>
      %bitcast3A_1288 = vector.bitcast %or3A_1287 : vector<16xi32> to vector<16xf32>
      %max3A_1289 = arith.maximumf %max3A_1262, %bitcast3A_1288 : vector<16xf32>
      %min3A_1290 = arith.minimumf %max3A_1262, %bitcast3A_1288 : vector<16xf32>
      %max3A_1291 = arith.maximumf %max3A_1264, %min3A_1290 : vector<16xf32>
      %min3A_1292 = arith.minimumf %max3A_1264, %min3A_1290 : vector<16xf32>
      %max3A_1293 = arith.maximumf %max3A_1266, %min3A_1292 : vector<16xf32>
      %min3A_1294 = arith.minimumf %max3A_1266, %min3A_1292 : vector<16xf32>
      %max3A_1295 = arith.maximumf %max3A_1268, %min3A_1294 : vector<16xf32>
      %min3A_1296 = arith.minimumf %max3A_1268, %min3A_1294 : vector<16xf32>
      %max3A_1297 = arith.maximumf %max3A_1270, %min3A_1296 : vector<16xf32>
      %min3A_1298 = arith.minimumf %max3A_1270, %min3A_1296 : vector<16xf32>
      %max3A_1299 = arith.maximumf %max3A_1272, %min3A_1298 : vector<16xf32>
      %min3A_1300 = arith.minimumf %max3A_1272, %min3A_1298 : vector<16xf32>
      %max3A_1301 = arith.maximumf %max3A_1274, %min3A_1300 : vector<16xf32>
      %min3A_1302 = arith.minimumf %max3A_1274, %min3A_1300 : vector<16xf32>
      %max3A_1303 = arith.maximumf %max3A_1276, %min3A_1302 : vector<16xf32>
      %get3A_1304 = arith.constant 17 : i32
      %get3A_1305 = arith.index_cast %get3A_1304 : i32 to index
      %get3A_1306 = arith.index_cast %mul3A_847 : i32 to index
      %get3A_1307 = tpu.vector_load %arg7[%get3A_1305, %get3A_1306] {strides = array<i32>} : memref<64x1024xf32, #tpu.memory_space<vmem>>, vector<16xf32>,
      %bitcast3A_1308 = vector.bitcast %get3A_1307 : vector<16xf32> to vector<16xi32>
      %and3A_1309 = arith.constant -64 : i32
      %and3A_1310 = vector.broadcast %and3A_1309 : i32 to vector<16xi32>
      %and3A_1311 = arith.andi %bitcast3A_1308, %and3A_1310 : vector<16xi32>
      %or3A_1312 = arith.constant 17 : i32
      %or3A_1313 = vector.broadcast %or3A_1312 : i32 to vector<16xi32>
      %or3A_1314 = arith.ori %and3A_1311, %or3A_1313 : vector<16xi32>
      %bitcast3A_1315 = vector.bitcast %or3A_1314 : vector<16xi32> to vector<16xf32>
      %max3A_1316 = arith.maximumf %max3A_1289, %bitcast3A_1315 : vector<16xf32>
      %min3A_1317 = arith.minimumf %max3A_1289, %bitcast3A_1315 : vector<16xf32>
      %max3A_1318 = arith.maximumf %max3A_1291, %min3A_1317 : vector<16xf32>
      %min3A_1319 = arith.minimumf %max3A_1291, %min3A_1317 : vector<16xf32>
      %max3A_1320 = arith.maximumf %max3A_1293, %min3A_1319 : vector<16xf32>
      %min3A_1321 = arith.minimumf %max3A_1293, %min3A_1319 : vector<16xf32>
      %max3A_1322 = arith.maximumf %max3A_1295, %min3A_1321 : vector<16xf32>
      %min3A_1323 = arith.minimumf %max3A_1295, %min3A_1321 : vector<16xf32>
      %max3A_1324 = arith.maximumf %max3A_1297, %min3A_1323 : vector<16xf32>
      %min3A_1325 = arith.minimumf %max3A_1297, %min3A_1323 : vector<16xf32>
      %max3A_1326 = arith.maximumf %max3A_1299, %min3A_1325 : vector<16xf32>
      %min3A_1327 = arith.minimumf %max3A_1299, %min3A_1325 : vector<16xf32>
      %max3A_1328 = arith.maximumf %max3A_1301, %min3A_1327 : vector<16xf32>
      %min3A_1329 = arith.minimumf %max3A_1301, %min3A_1327 : vector<16xf32>
      %max3A_1330 = arith.maximumf %max3A_1303, %min3A_1329 : vector<16xf32>
      %get3A_1331 = arith.constant 18 : i32
      %get3A_1332 = arith.index_cast %get3A_1331 : i32 to index
      %get3A_1333 = arith.index_cast %mul3A_847 : i32 to index
      %get3A_1334 = tpu.vector_load %arg7[%get3A_1332, %get3A_1333] {strides = array<i32>} : memref<64x1024xf32, #tpu.memory_space<vmem>>, vector<16xf32>,
      %bitcast3A_1335 = vector.bitcast %get3A_1334 : vector<16xf32> to vector<16xi32>
      %and3A_1336 = arith.constant -64 : i32
      %and3A_1337 = vector.broadcast %and3A_1336 : i32 to vector<16xi32>
      %and3A_1338 = arith.andi %bitcast3A_1335, %and3A_1337 : vector<16xi32>
      %or3A_1339 = arith.constant 18 : i32
      %or3A_1340 = vector.broadcast %or3A_1339 : i32 to vector<16xi32>
      %or3A_1341 = arith.ori %and3A_1338, %or3A_1340 : vector<16xi32>
      %bitcast3A_1342 = vector.bitcast %or3A_1341 : vector<16xi32> to vector<16xf32>
      %max3A_1343 = arith.maximumf %max3A_1316, %bitcast3A_1342 : vector<16xf32>
      %min3A_1344 = arith.minimumf %max3A_1316, %bitcast3A_1342 : vector<16xf32>
      %max3A_1345 = arith.maximumf %max3A_1318, %min3A_1344 : vector<16xf32>
      %min3A_1346 = arith.minimumf %max3A_1318, %min3A_1344 : vector<16xf32>
      %max3A_1347 = arith.maximumf %max3A_1320, %min3A_1346 : vector<16xf32>
      %min3A_1348 = arith.minimumf %max3A_1320, %min3A_1346 : vector<16xf32>
      %max3A_1349 = arith.maximumf %max3A_1322, %min3A_1348 : vector<16xf32>
      %min3A_1350 = arith.minimumf %max3A_1322, %min3A_1348 : vector<16xf32>
      %max3A_1351 = arith.maximumf %max3A_1324, %min3A_1350 : vector<16xf32>
      %min3A_1352 = arith.minimumf %max3A_1324, %min3A_1350 : vector<16xf32>
      %max3A_1353 = arith.maximumf %max3A_1326, %min3A_1352 : vector<16xf32>
      %min3A_1354 = arith.minimumf %max3A_1326, %min3A_1352 : vector<16xf32>
      %max3A_1355 = arith.maximumf %max3A_1328, %min3A_1354 : vector<16xf32>
      %min3A_1356 = arith.minimumf %max3A_1328, %min3A_1354 : vector<16xf32>
      %max3A_1357 = arith.maximumf %max3A_1330, %min3A_1356 : vector<16xf32>
      %get3A_1358 = arith.constant 19 : i32
      %get3A_1359 = arith.index_cast %get3A_1358 : i32 to index
      %get3A_1360 = arith.index_cast %mul3A_847 : i32 to index
      %get3A_1361 = tpu.vector_load %arg7[%get3A_1359, %get3A_1360] {strides = array<i32>} : memref<64x1024xf32, #tpu.memory_space<vmem>>, vector<16xf32>,
      %bitcast3A_1362 = vector.bitcast %get3A_1361 : vector<16xf32> to vector<16xi32>
      %and3A_1363 = arith.constant -64 : i32
      %and3A_1364 = vector.broadcast %and3A_1363 : i32 to vector<16xi32>
      %and3A_1365 = arith.andi %bitcast3A_1362, %and3A_1364 : vector<16xi32>
      %or3A_1366 = arith.constant 19 : i32
      %or3A_1367 = vector.broadcast %or3A_1366 : i32 to vector<16xi32>
      %or3A_1368 = arith.ori %and3A_1365, %or3A_1367 : vector<16xi32>
      %bitcast3A_1369 = vector.bitcast %or3A_1368 : vector<16xi32> to vector<16xf32>
      %max3A_1370 = arith.maximumf %max3A_1343, %bitcast3A_1369 : vector<16xf32>
      %min3A_1371 = arith.minimumf %max3A_1343, %bitcast3A_1369 : vector<16xf32>
      %max3A_1372 = arith.maximumf %max3A_1345, %min3A_1371 : vector<16xf32>
      %min3A_1373 = arith.minimumf %max3A_1345, %min3A_1371 : vector<16xf32>
      %max3A_1374 = arith.maximumf %max3A_1347, %min3A_1373 : vector<16xf32>
      %min3A_1375 = arith.minimumf %max3A_1347, %min3A_1373 : vector<16xf32>
      %max3A_1376 = arith.maximumf %max3A_1349, %min3A_1375 : vector<16xf32>
      %min3A_1377 = arith.minimumf %max3A_1349, %min3A_1375 : vector<16xf32>
      %max3A_1378 = arith.maximumf %max3A_1351, %min3A_1377 : vector<16xf32>
      %min3A_1379 = arith.minimumf %max3A_1351, %min3A_1377 : vector<16xf32>
      %max3A_1380 = arith.maximumf %max3A_1353, %min3A_1379 : vector<16xf32>
      %min3A_1381 = arith.minimumf %max3A_1353, %min3A_1379 : vector<16xf32>
      %max3A_1382 = arith.maximumf %max3A_1355, %min3A_1381 : vector<16xf32>
      %min3A_1383 = arith.minimumf %max3A_1355, %min3A_1381 : vector<16xf32>
      %max3A_1384 = arith.maximumf %max3A_1357, %min3A_1383 : vector<16xf32>
      %get3A_1385 = arith.constant 20 : i32
      %get3A_1386 = arith.index_cast %get3A_1385 : i32 to index
      %get3A_1387 = arith.index_cast %mul3A_847 : i32 to index
      %get3A_1388 = tpu.vector_load %arg7[%get3A_1386, %get3A_1387] {strides = array<i32>} : memref<64x1024xf32, #tpu.memory_space<vmem>>, vector<16xf32>,
      %bitcast3A_1389 = vector.bitcast %get3A_1388 : vector<16xf32> to vector<16xi32>
      %and3A_1390 = arith.constant -64 : i32
      %and3A_1391 = vector.broadcast %and3A_1390 : i32 to vector<16xi32>
      %and3A_1392 = arith.andi %bitcast3A_1389, %and3A_1391 : vector<16xi32>
      %or3A_1393 = arith.constant 20 : i32
      %or3A_1394 = vector.broadcast %or3A_1393 : i32 to vector<16xi32>
      %or3A_1395 = arith.ori %and3A_1392, %or3A_1394 : vector<16xi32>
      %bitcast3A_1396 = vector.bitcast %or3A_1395 : vector<16xi32> to vector<16xf32>
      %max3A_1397 = arith.maximumf %max3A_1370, %bitcast3A_1396 : vector<16xf32>
      %min3A_1398 = arith.minimumf %max3A_1370, %bitcast3A_1396 : vector<16xf32>
      %max3A_1399 = arith.maximumf %max3A_1372, %min3A_1398 : vector<16xf32>
      %min3A_1400 = arith.minimumf %max3A_1372, %min3A_1398 : vector<16xf32>
      %max3A_1401 = arith.maximumf %max3A_1374, %min3A_1400 : vector<16xf32>
      %min3A_1402 = arith.minimumf %max3A_1374, %min3A_1400 : vector<16xf32>
      %max3A_1403 = arith.maximumf %max3A_1376, %min3A_1402 : vector<16xf32>
      %min3A_1404 = arith.minimumf %max3A_1376, %min3A_1402 : vector<16xf32>
      %max3A_1405 = arith.maximumf %max3A_1378, %min3A_1404 : vector<16xf32>
      %min3A_1406 = arith.minimumf %max3A_1378, %min3A_1404 : vector<16xf32>
      %max3A_1407 = arith.maximumf %max3A_1380, %min3A_1406 : vector<16xf32>
      %min3A_1408 = arith.minimumf %max3A_1380, %min3A_1406 : vector<16xf32>
      %max3A_1409 = arith.maximumf %max3A_1382, %min3A_1408 : vector<16xf32>
      %min3A_1410 = arith.minimumf %max3A_1382, %min3A_1408 : vector<16xf32>
      %max3A_1411 = arith.maximumf %max3A_1384, %min3A_1410 : vector<16xf32>
      %get3A_1412 = arith.constant 21 : i32
      %get3A_1413 = arith.index_cast %get3A_1412 : i32 to index
      %get3A_1414 = arith.index_cast %mul3A_847 : i32 to index
      %get3A_1415 = tpu.vector_load %arg7[%get3A_1413, %get3A_1414] {strides = array<i32>} : memref<64x1024xf32, #tpu.memory_space<vmem>>, vector<16xf32>,
      %bitcast3A_1416 = vector.bitcast %get3A_1415 : vector<16xf32> to vector<16xi32>
      %and3A_1417 = arith.constant -64 : i32
      %and3A_1418 = vector.broadcast %and3A_1417 : i32 to vector<16xi32>
      %and3A_1419 = arith.andi %bitcast3A_1416, %and3A_1418 : vector<16xi32>
      %or3A_1420 = arith.constant 21 : i32
      %or3A_1421 = vector.broadcast %or3A_1420 : i32 to vector<16xi32>
      %or3A_1422 = arith.ori %and3A_1419, %or3A_1421 : vector<16xi32>
      %bitcast3A_1423 = vector.bitcast %or3A_1422 : vector<16xi32> to vector<16xf32>
      %max3A_1424 = arith.maximumf %max3A_1397, %bitcast3A_1423 : vector<16xf32>
      %min3A_1425 = arith.minimumf %max3A_1397, %bitcast3A_1423 : vector<16xf32>
      %max3A_1426 = arith.maximumf %max3A_1399, %min3A_1425 : vector<16xf32>
      %min3A_1427 = arith.minimumf %max3A_1399, %min3A_1425 : vector<16xf32>
      %max3A_1428 = arith.maximumf %max3A_1401, %min3A_1427 : vector<16xf32>
      %min3A_1429 = arith.minimumf %max3A_1401, %min3A_1427 : vector<16xf32>
      %max3A_1430 = arith.maximumf %max3A_1403, %min3A_1429 : vector<16xf32>
      %min3A_1431 = arith.minimumf %max3A_1403, %min3A_1429 : vector<16xf32>
      %max3A_1432 = arith.maximumf %max3A_1405, %min3A_1431 : vector<16xf32>
      %min3A_1433 = arith.minimumf %max3A_1405, %min3A_1431 : vector<16xf32>
      %max3A_1434 = arith.maximumf %max3A_1407, %min3A_1433 : vector<16xf32>
      %min3A_1435 = arith.minimumf %max3A_1407, %min3A_1433 : vector<16xf32>
      %max3A_1436 = arith.maximumf %max3A_1409, %min3A_1435 : vector<16xf32>
      %min3A_1437 = arith.minimumf %max3A_1409, %min3A_1435 : vector<16xf32>
      %max3A_1438 = arith.maximumf %max3A_1411, %min3A_1437 : vector<16xf32>
      %get3A_1439 = arith.constant 22 : i32
      %get3A_1440 = arith.index_cast %get3A_1439 : i32 to index
      %get3A_1441 = arith.index_cast %mul3A_847 : i32 to index
      %get3A_1442 = tpu.vector_load %arg7[%get3A_1440, %get3A_1441] {strides = array<i32>} : memref<64x1024xf32, #tpu.memory_space<vmem>>, vector<16xf32>,
      %bitcast3A_1443 = vector.bitcast %get3A_1442 : vector<16xf32> to vector<16xi32>
      %and3A_1444 = arith.constant -64 : i32
      %and3A_1445 = vector.broadcast %and3A_1444 : i32 to vector<16xi32>
      %and3A_1446 = arith.andi %bitcast3A_1443, %and3A_1445 : vector<16xi32>
      %or3A_1447 = arith.constant 22 : i32
      %or3A_1448 = vector.broadcast %or3A_1447 : i32 to vector<16xi32>
      %or3A_1449 = arith.ori %and3A_1446, %or3A_1448 : vector<16xi32>
      %bitcast3A_1450 = vector.bitcast %or3A_1449 : vector<16xi32> to vector<16xf32>
      %max3A_1451 = arith.maximumf %max3A_1424, %bitcast3A_1450 : vector<16xf32>
      %min3A_1452 = arith.minimumf %max3A_1424, %bitcast3A_1450 : vector<16xf32>
      %max3A_1453 = arith.maximumf %max3A_1426, %min3A_1452 : vector<16xf32>
      %min3A_1454 = arith.minimumf %max3A_1426, %min3A_1452 : vector<16xf32>
      %max3A_1455 = arith.maximumf %max3A_1428, %min3A_1454 : vector<16xf32>
      %min3A_1456 = arith.minimumf %max3A_1428, %min3A_1454 : vector<16xf32>
      %max3A_1457 = arith.maximumf %max3A_1430, %min3A_1456 : vector<16xf32>
      %min3A_1458 = arith.minimumf %max3A_1430, %min3A_1456 : vector<16xf32>
      %max3A_1459 = arith.maximumf %max3A_1432, %min3A_1458 : vector<16xf32>
      %min3A_1460 = arith.minimumf %max3A_1432, %min3A_1458 : vector<16xf32>
      %max3A_1461 = arith.maximumf %max3A_1434, %min3A_1460 : vector<16xf32>
      %min3A_1462 = arith.minimumf %max3A_1434, %min3A_1460 : vector<16xf32>
      %max3A_1463 = arith.maximumf %max3A_1436, %min3A_1462 : vector<16xf32>
      %min3A_1464 = arith.minimumf %max3A_1436, %min3A_1462 : vector<16xf32>
      %max3A_1465 = arith.maximumf %max3A_1438, %min3A_1464 : vector<16xf32>
      %get3A_1466 = arith.constant 23 : i32
      %get3A_1467 = arith.index_cast %get3A_1466 : i32 to index
      %get3A_1468 = arith.index_cast %mul3A_847 : i32 to index
      %get3A_1469 = tpu.vector_load %arg7[%get3A_1467, %get3A_1468] {strides = array<i32>} : memref<64x1024xf32, #tpu.memory_space<vmem>>, vector<16xf32>,
      %bitcast3A_1470 = vector.bitcast %get3A_1469 : vector<16xf32> to vector<16xi32>
      %and3A_1471 = arith.constant -64 : i32
      %and3A_1472 = vector.broadcast %and3A_1471 : i32 to vector<16xi32>
      %and3A_1473 = arith.andi %bitcast3A_1470, %and3A_1472 : vector<16xi32>
      %or3A_1474 = arith.constant 23 : i32
      %or3A_1475 = vector.broadcast %or3A_1474 : i32 to vector<16xi32>
      %or3A_1476 = arith.ori %and3A_1473, %or3A_1475 : vector<16xi32>
      %bitcast3A_1477 = vector.bitcast %or3A_1476 : vector<16xi32> to vector<16xf32>
      %max3A_1478 = arith.maximumf %max3A_1451, %bitcast3A_1477 : vector<16xf32>
      %min3A_1479 = arith.minimumf %max3A_1451, %bitcast3A_1477 : vector<16xf32>
      %max3A_1480 = arith.maximumf %max3A_1453, %min3A_1479 : vector<16xf32>
      %min3A_1481 = arith.minimumf %max3A_1453, %min3A_1479 : vector<16xf32>
      %max3A_1482 = arith.maximumf %max3A_1455, %min3A_1481 : vector<16xf32>
      %min3A_1483 = arith.minimumf %max3A_1455, %min3A_1481 : vector<16xf32>
      %max3A_1484 = arith.maximumf %max3A_1457, %min3A_1483 : vector<16xf32>
      %min3A_1485 = arith.minimumf %max3A_1457, %min3A_1483 : vector<16xf32>
      %max3A_1486 = arith.maximumf %max3A_1459, %min3A_1485 : vector<16xf32>
      %min3A_1487 = arith.minimumf %max3A_1459, %min3A_1485 : vector<16xf32>
      %max3A_1488 = arith.maximumf %max3A_1461, %min3A_1487 : vector<16xf32>
      %min3A_1489 = arith.minimumf %max3A_1461, %min3A_1487 : vector<16xf32>
      %max3A_1490 = arith.maximumf %max3A_1463, %min3A_1489 : vector<16xf32>
      %min3A_1491 = arith.minimumf %max3A_1463, %min3A_1489 : vector<16xf32>
      %max3A_1492 = arith.maximumf %max3A_1465, %min3A_1491 : vector<16xf32>
      %get3A_1493 = arith.constant 24 : i32
      %get3A_1494 = arith.index_cast %get3A_1493 : i32 to index
      %get3A_1495 = arith.index_cast %mul3A_847 : i32 to index
      %get3A_1496 = tpu.vector_load %arg7[%get3A_1494, %get3A_1495] {strides = array<i32>} : memref<64x1024xf32, #tpu.memory_space<vmem>>, vector<16xf32>,
      %bitcast3A_1497 = vector.bitcast %get3A_1496 : vector<16xf32> to vector<16xi32>
      %and3A_1498 = arith.constant -64 : i32
      %and3A_1499 = vector.broadcast %and3A_1498 : i32 to vector<16xi32>
      %and3A_1500 = arith.andi %bitcast3A_1497, %and3A_1499 : vector<16xi32>
      %or3A_1501 = arith.constant 24 : i32
      %or3A_1502 = vector.broadcast %or3A_1501 : i32 to vector<16xi32>
      %or3A_1503 = arith.ori %and3A_1500, %or3A_1502 : vector<16xi32>
      %bitcast3A_1504 = vector.bitcast %or3A_1503 : vector<16xi32> to vector<16xf32>
      %max3A_1505 = arith.maximumf %max3A_1478, %bitcast3A_1504 : vector<16xf32>
      %min3A_1506 = arith.minimumf %max3A_1478, %bitcast3A_1504 : vector<16xf32>
      %max3A_1507 = arith.maximumf %max3A_1480, %min3A_1506 : vector<16xf32>
      %min3A_1508 = arith.minimumf %max3A_1480, %min3A_1506 : vector<16xf32>
      %max3A_1509 = arith.maximumf %max3A_1482, %min3A_1508 : vector<16xf32>
      %min3A_1510 = arith.minimumf %max3A_1482, %min3A_1508 : vector<16xf32>
      %max3A_1511 = arith.maximumf %max3A_1484, %min3A_1510 : vector<16xf32>
      %min3A_1512 = arith.minimumf %max3A_1484, %min3A_1510 : vector<16xf32>
      %max3A_1513 = arith.maximumf %max3A_1486, %min3A_1512 : vector<16xf32>
      %min3A_1514 = arith.minimumf %max3A_1486, %min3A_1512 : vector<16xf32>
      %max3A_1515 = arith.maximumf %max3A_1488, %min3A_1514 : vector<16xf32>
      %min3A_1516 = arith.minimumf %max3A_1488, %min3A_1514 : vector<16xf32>
      %max3A_1517 = arith.maximumf %max3A_1490, %min3A_1516 : vector<16xf32>
      %min3A_1518 = arith.minimumf %max3A_1490, %min3A_1516 : vector<16xf32>
      %max3A_1519 = arith.maximumf %max3A_1492, %min3A_1518 : vector<16xf32>
      %get3A_1520 = arith.constant 25 : i32
      %get3A_1521 = arith.index_cast %get3A_1520 : i32 to index
      %get3A_1522 = arith.index_cast %mul3A_847 : i32 to index
      %get3A_1523 = tpu.vector_load %arg7[%get3A_1521, %get3A_1522] {strides = array<i32>} : memref<64x1024xf32, #tpu.memory_space<vmem>>, vector<16xf32>,
      %bitcast3A_1524 = vector.bitcast %get3A_1523 : vector<16xf32> to vector<16xi32>
      %and3A_1525 = arith.constant -64 : i32
      %and3A_1526 = vector.broadcast %and3A_1525 : i32 to vector<16xi32>
      %and3A_1527 = arith.andi %bitcast3A_1524, %and3A_1526 : vector<16xi32>
      %or3A_1528 = arith.constant 25 : i32
      %or3A_1529 = vector.broadcast %or3A_1528 : i32 to vector<16xi32>
      %or3A_1530 = arith.ori %and3A_1527, %or3A_1529 : vector<16xi32>
      %bitcast3A_1531 = vector.bitcast %or3A_1530 : vector<16xi32> to vector<16xf32>
      %max3A_1532 = arith.maximumf %max3A_1505, %bitcast3A_1531 : vector<16xf32>
      %min3A_1533 = arith.minimumf %max3A_1505, %bitcast3A_1531 : vector<16xf32>
      %max3A_1534 = arith.maximumf %max3A_1507, %min3A_1533 : vector<16xf32>
      %min3A_1535 = arith.minimumf %max3A_1507, %min3A_1533 : vector<16xf32>
      %max3A_1536 = arith.maximumf %max3A_1509, %min3A_1535 : vector<16xf32>
      %min3A_1537 = arith.minimumf %max3A_1509, %min3A_1535 : vector<16xf32>
      %max3A_1538 = arith.maximumf %max3A_1511, %min3A_1537 : vector<16xf32>
      %min3A_1539 = arith.minimumf %max3A_1511, %min3A_1537 : vector<16xf32>
      %max3A_1540 = arith.maximumf %max3A_1513, %min3A_1539 : vector<16xf32>
      %min3A_1541 = arith.minimumf %max3A_1513, %min3A_1539 : vector<16xf32>
      %max3A_1542 = arith.maximumf %max3A_1515, %min3A_1541 : vector<16xf32>
      %min3A_1543 = arith.minimumf %max3A_1515, %min3A_1541 : vector<16xf32>
      %max3A_1544 = arith.maximumf %max3A_1517, %min3A_1543 : vector<16xf32>
      %min3A_1545 = arith.minimumf %max3A_1517, %min3A_1543 : vector<16xf32>
      %max3A_1546 = arith.maximumf %max3A_1519, %min3A_1545 : vector<16xf32>
      %get3A_1547 = arith.constant 26 : i32
      %get3A_1548 = arith.index_cast %get3A_1547 : i32 to index
      %get3A_1549 = arith.index_cast %mul3A_847 : i32 to index
      %get3A_1550 = tpu.vector_load %arg7[%get3A_1548, %get3A_1549] {strides = array<i32>} : memref<64x1024xf32, #tpu.memory_space<vmem>>, vector<16xf32>,
      %bitcast3A_1551 = vector.bitcast %get3A_1550 : vector<16xf32> to vector<16xi32>
      %and3A_1552 = arith.constant -64 : i32
      %and3A_1553 = vector.broadcast %and3A_1552 : i32 to vector<16xi32>
      %and3A_1554 = arith.andi %bitcast3A_1551, %and3A_1553 : vector<16xi32>
      %or3A_1555 = arith.constant 26 : i32
      %or3A_1556 = vector.broadcast %or3A_1555 : i32 to vector<16xi32>
      %or3A_1557 = arith.ori %and3A_1554, %or3A_1556 : vector<16xi32>
      %bitcast3A_1558 = vector.bitcast %or3A_1557 : vector<16xi32> to vector<16xf32>
      %max3A_1559 = arith.maximumf %max3A_1532, %bitcast3A_1558 : vector<16xf32>
      %min3A_1560 = arith.minimumf %max3A_1532, %bitcast3A_1558 : vector<16xf32>
      %max3A_1561 = arith.maximumf %max3A_1534, %min3A_1560 : vector<16xf32>
      %min3A_1562 = arith.minimumf %max3A_1534, %min3A_1560 : vector<16xf32>
      %max3A_1563 = arith.maximumf %max3A_1536, %min3A_1562 : vector<16xf32>
      %min3A_1564 = arith.minimumf %max3A_1536, %min3A_1562 : vector<16xf32>
      %max3A_1565 = arith.maximumf %max3A_1538, %min3A_1564 : vector<16xf32>
      %min3A_1566 = arith.minimumf %max3A_1538, %min3A_1564 : vector<16xf32>
      %max3A_1567 = arith.maximumf %max3A_1540, %min3A_1566 : vector<16xf32>
      %min3A_1568 = arith.minimumf %max3A_1540, %min3A_1566 : vector<16xf32>
      %max3A_1569 = arith.maximumf %max3A_1542, %min3A_1568 : vector<16xf32>
      %min3A_1570 = arith.minimumf %max3A_1542, %min3A_1568 : vector<16xf32>
      %max3A_1571 = arith.maximumf %max3A_1544, %min3A_1570 : vector<16xf32>
      %min3A_1572 = arith.minimumf %max3A_1544, %min3A_1570 : vector<16xf32>
      %max3A_1573 = arith.maximumf %max3A_1546, %min3A_1572 : vector<16xf32>
      %get3A_1574 = arith.constant 27 : i32
      %get3A_1575 = arith.index_cast %get3A_1574 : i32 to index
      %get3A_1576 = arith.index_cast %mul3A_847 : i32 to index
      %get3A_1577 = tpu.vector_load %arg7[%get3A_1575, %get3A_1576] {strides = array<i32>} : memref<64x1024xf32, #tpu.memory_space<vmem>>, vector<16xf32>,
      %bitcast3A_1578 = vector.bitcast %get3A_1577 : vector<16xf32> to vector<16xi32>
      %and3A_1579 = arith.constant -64 : i32
      %and3A_1580 = vector.broadcast %and3A_1579 : i32 to vector<16xi32>
      %and3A_1581 = arith.andi %bitcast3A_1578, %and3A_1580 : vector<16xi32>
      %or3A_1582 = arith.constant 27 : i32
      %or3A_1583 = vector.broadcast %or3A_1582 : i32 to vector<16xi32>
      %or3A_1584 = arith.ori %and3A_1581, %or3A_1583 : vector<16xi32>
      %bitcast3A_1585 = vector.bitcast %or3A_1584 : vector<16xi32> to vector<16xf32>
      %max3A_1586 = arith.maximumf %max3A_1559, %bitcast3A_1585 : vector<16xf32>
      %min3A_1587 = arith.minimumf %max3A_1559, %bitcast3A_1585 : vector<16xf32>
      %max3A_1588 = arith.maximumf %max3A_1561, %min3A_1587 : vector<16xf32>
      %min3A_1589 = arith.minimumf %max3A_1561, %min3A_1587 : vector<16xf32>
      %max3A_1590 = arith.maximumf %max3A_1563, %min3A_1589 : vector<16xf32>
      %min3A_1591 = arith.minimumf %max3A_1563, %min3A_1589 : vector<16xf32>
      %max3A_1592 = arith.maximumf %max3A_1565, %min3A_1591 : vector<16xf32>
      %min3A_1593 = arith.minimumf %max3A_1565, %min3A_1591 : vector<16xf32>
      %max3A_1594 = arith.maximumf %max3A_1567, %min3A_1593 : vector<16xf32>
      %min3A_1595 = arith.minimumf %max3A_1567, %min3A_1593 : vector<16xf32>
      %max3A_1596 = arith.maximumf %max3A_1569, %min3A_1595 : vector<16xf32>
      %min3A_1597 = arith.minimumf %max3A_1569, %min3A_1595 : vector<16xf32>
      %max3A_1598 = arith.maximumf %max3A_1571, %min3A_1597 : vector<16xf32>
      %min3A_1599 = arith.minimumf %max3A_1571, %min3A_1597 : vector<16xf32>
      %max3A_1600 = arith.maximumf %max3A_1573, %min3A_1599 : vector<16xf32>
      %get3A_1601 = arith.constant 28 : i32
      %get3A_1602 = arith.index_cast %get3A_1601 : i32 to index
      %get3A_1603 = arith.index_cast %mul3A_847 : i32 to index
      %get3A_1604 = tpu.vector_load %arg7[%get3A_1602, %get3A_1603] {strides = array<i32>} : memref<64x1024xf32, #tpu.memory_space<vmem>>, vector<16xf32>,
      %bitcast3A_1605 = vector.bitcast %get3A_1604 : vector<16xf32> to vector<16xi32>
      %and3A_1606 = arith.constant -64 : i32
      %and3A_1607 = vector.broadcast %and3A_1606 : i32 to vector<16xi32>
      %and3A_1608 = arith.andi %bitcast3A_1605, %and3A_1607 : vector<16xi32>
      %or3A_1609 = arith.constant 28 : i32
      %or3A_1610 = vector.broadcast %or3A_1609 : i32 to vector<16xi32>
      %or3A_1611 = arith.ori %and3A_1608, %or3A_1610 : vector<16xi32>
      %bitcast3A_1612 = vector.bitcast %or3A_1611 : vector<16xi32> to vector<16xf32>
      %max3A_1613 = arith.maximumf %max3A_1586, %bitcast3A_1612 : vector<16xf32>
      %min3A_1614 = arith.minimumf %max3A_1586, %bitcast3A_1612 : vector<16xf32>
      %max3A_1615 = arith.maximumf %max3A_1588, %min3A_1614 : vector<16xf32>
      %min3A_1616 = arith.minimumf %max3A_1588, %min3A_1614 : vector<16xf32>
      %max3A_1617 = arith.maximumf %max3A_1590, %min3A_1616 : vector<16xf32>
      %min3A_1618 = arith.minimumf %max3A_1590, %min3A_1616 : vector<16xf32>
      %max3A_1619 = arith.maximumf %max3A_1592, %min3A_1618 : vector<16xf32>
      %min3A_1620 = arith.minimumf %max3A_1592, %min3A_1618 : vector<16xf32>
      %max3A_1621 = arith.maximumf %max3A_1594, %min3A_1620 : vector<16xf32>
      %min3A_1622 = arith.minimumf %max3A_1594, %min3A_1620 : vector<16xf32>
      %max3A_1623 = arith.maximumf %max3A_1596, %min3A_1622 : vector<16xf32>
      %min3A_1624 = arith.minimumf %max3A_1596, %min3A_1622 : vector<16xf32>
      %max3A_1625 = arith.maximumf %max3A_1598, %min3A_1624 : vector<16xf32>
      %min3A_1626 = arith.minimumf %max3A_1598, %min3A_1624 : vector<16xf32>
      %max3A_1627 = arith.maximumf %max3A_1600, %min3A_1626 : vector<16xf32>
      %get3A_1628 = arith.constant 29 : i32
      %get3A_1629 = arith.index_cast %get3A_1628 : i32 to index
      %get3A_1630 = arith.index_cast %mul3A_847 : i32 to index
      %get3A_1631 = tpu.vector_load %arg7[%get3A_1629, %get3A_1630] {strides = array<i32>} : memref<64x1024xf32, #tpu.memory_space<vmem>>, vector<16xf32>,
      %bitcast3A_1632 = vector.bitcast %get3A_1631 : vector<16xf32> to vector<16xi32>
      %and3A_1633 = arith.constant -64 : i32
      %and3A_1634 = vector.broadcast %and3A_1633 : i32 to vector<16xi32>
      %and3A_1635 = arith.andi %bitcast3A_1632, %and3A_1634 : vector<16xi32>
      %or3A_1636 = arith.constant 29 : i32
      %or3A_1637 = vector.broadcast %or3A_1636 : i32 to vector<16xi32>
      %or3A_1638 = arith.ori %and3A_1635, %or3A_1637 : vector<16xi32>
      %bitcast3A_1639 = vector.bitcast %or3A_1638 : vector<16xi32> to vector<16xf32>
      %max3A_1640 = arith.maximumf %max3A_1613, %bitcast3A_1639 : vector<16xf32>
      %min3A_1641 = arith.minimumf %max3A_1613, %bitcast3A_1639 : vector<16xf32>
      %max3A_1642 = arith.maximumf %max3A_1615, %min3A_1641 : vector<16xf32>
      %min3A_1643 = arith.minimumf %max3A_1615, %min3A_1641 : vector<16xf32>
      %max3A_1644 = arith.maximumf %max3A_1617, %min3A_1643 : vector<16xf32>
      %min3A_1645 = arith.minimumf %max3A_1617, %min3A_1643 : vector<16xf32>
      %max3A_1646 = arith.maximumf %max3A_1619, %min3A_1645 : vector<16xf32>
      %min3A_1647 = arith.minimumf %max3A_1619, %min3A_1645 : vector<16xf32>
      %max3A_1648 = arith.maximumf %max3A_1621, %min3A_1647 : vector<16xf32>
      %min3A_1649 = arith.minimumf %max3A_1621, %min3A_1647 : vector<16xf32>
      %max3A_1650 = arith.maximumf %max3A_1623, %min3A_1649 : vector<16xf32>
      %min3A_1651 = arith.minimumf %max3A_1623, %min3A_1649 : vector<16xf32>
      %max3A_1652 = arith.maximumf %max3A_1625, %min3A_1651 : vector<16xf32>
      %min3A_1653 = arith.minimumf %max3A_1625, %min3A_1651 : vector<16xf32>
      %max3A_1654 = arith.maximumf %max3A_1627, %min3A_1653 : vector<16xf32>
      %get3A_1655 = arith.constant 30 : i32
      %get3A_1656 = arith.index_cast %get3A_1655 : i32 to index
      %get3A_1657 = arith.index_cast %mul3A_847 : i32 to index
      %get3A_1658 = tpu.vector_load %arg7[%get3A_1656, %get3A_1657] {strides = array<i32>} : memref<64x1024xf32, #tpu.memory_space<vmem>>, vector<16xf32>,
      %bitcast3A_1659 = vector.bitcast %get3A_1658 : vector<16xf32> to vector<16xi32>
      %and3A_1660 = arith.constant -64 : i32
      %and3A_1661 = vector.broadcast %and3A_1660 : i32 to vector<16xi32>
      %and3A_1662 = arith.andi %bitcast3A_1659, %and3A_1661 : vector<16xi32>
      %or3A_1663 = arith.constant 30 : i32
      %or3A_1664 = vector.broadcast %or3A_1663 : i32 to vector<16xi32>
      %or3A_1665 = arith.ori %and3A_1662, %or3A_1664 : vector<16xi32>
      %bitcast3A_1666 = vector.bitcast %or3A_1665 : vector<16xi32> to vector<16xf32>
      %max3A_1667 = arith.maximumf %max3A_1640, %bitcast3A_1666 : vector<16xf32>
      %min3A_1668 = arith.minimumf %max3A_1640, %bitcast3A_1666 : vector<16xf32>
      %max3A_1669 = arith.maximumf %max3A_1642, %min3A_1668 : vector<16xf32>
      %min3A_1670 = arith.minimumf %max3A_1642, %min3A_1668 : vector<16xf32>
      %max3A_1671 = arith.maximumf %max3A_1644, %min3A_1670 : vector<16xf32>
      %min3A_1672 = arith.minimumf %max3A_1644, %min3A_1670 : vector<16xf32>
      %max3A_1673 = arith.maximumf %max3A_1646, %min3A_1672 : vector<16xf32>
      %min3A_1674 = arith.minimumf %max3A_1646, %min3A_1672 : vector<16xf32>
      %max3A_1675 = arith.maximumf %max3A_1648, %min3A_1674 : vector<16xf32>
      %min3A_1676 = arith.minimumf %max3A_1648, %min3A_1674 : vector<16xf32>
      %max3A_1677 = arith.maximumf %max3A_1650, %min3A_1676 : vector<16xf32>
      %min3A_1678 = arith.minimumf %max3A_1650, %min3A_1676 : vector<16xf32>
      %max3A_1679 = arith.maximumf %max3A_1652, %min3A_1678 : vector<16xf32>
      %min3A_1680 = arith.minimumf %max3A_1652, %min3A_1678 : vector<16xf32>
      %max3A_1681 = arith.maximumf %max3A_1654, %min3A_1680 : vector<16xf32>
      %get3A_1682 = arith.constant 31 : i32
      %get3A_1683 = arith.index_cast %get3A_1682 : i32 to index
      %get3A_1684 = arith.index_cast %mul3A_847 : i32 to index
      %get3A_1685 = tpu.vector_load %arg7[%get3A_1683, %get3A_1684] {strides = array<i32>} : memref<64x1024xf32, #tpu.memory_space<vmem>>, vector<16xf32>,
      %bitcast3A_1686 = vector.bitcast %get3A_1685 : vector<16xf32> to vector<16xi32>
      %and3A_1687 = arith.constant -64 : i32
      %and3A_1688 = vector.broadcast %and3A_1687 : i32 to vector<16xi32>
      %and3A_1689 = arith.andi %bitcast3A_1686, %and3A_1688 : vector<16xi32>
      %or3A_1690 = arith.constant 31 : i32
      %or3A_1691 = vector.broadcast %or3A_1690 : i32 to vector<16xi32>
      %or3A_1692 = arith.ori %and3A_1689, %or3A_1691 : vector<16xi32>
      %bitcast3A_1693 = vector.bitcast %or3A_1692 : vector<16xi32> to vector<16xf32>
      %max3A_1694 = arith.maximumf %max3A_1667, %bitcast3A_1693 : vector<16xf32>
      %min3A_1695 = arith.minimumf %max3A_1667, %bitcast3A_1693 : vector<16xf32>
      %max3A_1696 = arith.maximumf %max3A_1669, %min3A_1695 : vector<16xf32>
      %min3A_1697 = arith.minimumf %max3A_1669, %min3A_1695 : vector<16xf32>
      %max3A_1698 = arith.maximumf %max3A_1671, %min3A_1697 : vector<16xf32>
      %min3A_1699 = arith.minimumf %max3A_1671, %min3A_1697 : vector<16xf32>
      %max3A_1700 = arith.maximumf %max3A_1673, %min3A_1699 : vector<16xf32>
      %min3A_1701 = arith.minimumf %max3A_1673, %min3A_1699 : vector<16xf32>
      %max3A_1702 = arith.maximumf %max3A_1675, %min3A_1701 : vector<16xf32>
      %min3A_1703 = arith.minimumf %max3A_1675, %min3A_1701 : vector<16xf32>
      %max3A_1704 = arith.maximumf %max3A_1677, %min3A_1703 : vector<16xf32>
      %min3A_1705 = arith.minimumf %max3A_1677, %min3A_1703 : vector<16xf32>
      %max3A_1706 = arith.maximumf %max3A_1679, %min3A_1705 : vector<16xf32>
      %min3A_1707 = arith.minimumf %max3A_1679, %min3A_1705 : vector<16xf32>
      %max3A_1708 = arith.maximumf %max3A_1681, %min3A_1707 : vector<16xf32>
      %get3A_1709 = arith.constant 32 : i32
      %get3A_1710 = arith.index_cast %get3A_1709 : i32 to index
      %get3A_1711 = arith.index_cast %mul3A_847 : i32 to index
      %get3A_1712 = tpu.vector_load %arg7[%get3A_1710, %get3A_1711] {strides = array<i32>} : memref<64x1024xf32, #tpu.memory_space<vmem>>, vector<16xf32>,
      %bitcast3A_1713 = vector.bitcast %get3A_1712 : vector<16xf32> to vector<16xi32>
      %and3A_1714 = arith.constant -64 : i32
      %and3A_1715 = vector.broadcast %and3A_1714 : i32 to vector<16xi32>
      %and3A_1716 = arith.andi %bitcast3A_1713, %and3A_1715 : vector<16xi32>
      %or3A_1717 = arith.constant 32 : i32
      %or3A_1718 = vector.broadcast %or3A_1717 : i32 to vector<16xi32>
      %or3A_1719 = arith.ori %and3A_1716, %or3A_1718 : vector<16xi32>
      %bitcast3A_1720 = vector.bitcast %or3A_1719 : vector<16xi32> to vector<16xf32>
      %max3A_1721 = arith.maximumf %max3A_1694, %bitcast3A_1720 : vector<16xf32>
      %min3A_1722 = arith.minimumf %max3A_1694, %bitcast3A_1720 : vector<16xf32>
      %max3A_1723 = arith.maximumf %max3A_1696, %min3A_1722 : vector<16xf32>
      %min3A_1724 = arith.minimumf %max3A_1696, %min3A_1722 : vector<16xf32>
      %max3A_1725 = arith.maximumf %max3A_1698, %min3A_1724 : vector<16xf32>
      %min3A_1726 = arith.minimumf %max3A_1698, %min3A_1724 : vector<16xf32>
      %max3A_1727 = arith.maximumf %max3A_1700, %min3A_1726 : vector<16xf32>
      %min3A_1728 = arith.minimumf %max3A_1700, %min3A_1726 : vector<16xf32>
      %max3A_1729 = arith.maximumf %max3A_1702, %min3A_1728 : vector<16xf32>
      %min3A_1730 = arith.minimumf %max3A_1702, %min3A_1728 : vector<16xf32>
      %max3A_1731 = arith.maximumf %max3A_1704, %min3A_1730 : vector<16xf32>
      %min3A_1732 = arith.minimumf %max3A_1704, %min3A_1730 : vector<16xf32>
      %max3A_1733 = arith.maximumf %max3A_1706, %min3A_1732 : vector<16xf32>
      %min3A_1734 = arith.minimumf %max3A_1706, %min3A_1732 : vector<16xf32>
      %max3A_1735 = arith.maximumf %max3A_1708, %min3A_1734 : vector<16xf32>
      %get3A_1736 = arith.constant 33 : i32
      %get3A_1737 = arith.index_cast %get3A_1736 : i32 to index
      %get3A_1738 = arith.index_cast %mul3A_847 : i32 to index
      %get3A_1739 = tpu.vector_load %arg7[%get3A_1737, %get3A_1738] {strides = array<i32>} : memref<64x1024xf32, #tpu.memory_space<vmem>>, vector<16xf32>,
      %bitcast3A_1740 = vector.bitcast %get3A_1739 : vector<16xf32> to vector<16xi32>
      %and3A_1741 = arith.constant -64 : i32
      %and3A_1742 = vector.broadcast %and3A_1741 : i32 to vector<16xi32>
      %and3A_1743 = arith.andi %bitcast3A_1740, %and3A_1742 : vector<16xi32>
      %or3A_1744 = arith.constant 33 : i32
      %or3A_1745 = vector.broadcast %or3A_1744 : i32 to vector<16xi32>
      %or3A_1746 = arith.ori %and3A_1743, %or3A_1745 : vector<16xi32>
      %bitcast3A_1747 = vector.bitcast %or3A_1746 : vector<16xi32> to vector<16xf32>
      %max3A_1748 = arith.maximumf %max3A_1721, %bitcast3A_1747 : vector<16xf32>
      %min3A_1749 = arith.minimumf %max3A_1721, %bitcast3A_1747 : vector<16xf32>
      %max3A_1750 = arith.maximumf %max3A_1723, %min3A_1749 : vector<16xf32>
      %min3A_1751 = arith.minimumf %max3A_1723, %min3A_1749 : vector<16xf32>
      %max3A_1752 = arith.maximumf %max3A_1725, %min3A_1751 : vector<16xf32>
      %min3A_1753 = arith.minimumf %max3A_1725, %min3A_1751 : vector<16xf32>
      %max3A_1754 = arith.maximumf %max3A_1727, %min3A_1753 : vector<16xf32>
      %min3A_1755 = arith.minimumf %max3A_1727, %min3A_1753 : vector<16xf32>
      %max3A_1756 = arith.maximumf %max3A_1729, %min3A_1755 : vector<16xf32>
      %min3A_1757 = arith.minimumf %max3A_1729, %min3A_1755 : vector<16xf32>
      %max3A_1758 = arith.maximumf %max3A_1731, %min3A_1757 : vector<16xf32>
      %min3A_1759 = arith.minimumf %max3A_1731, %min3A_1757 : vector<16xf32>
      %max3A_1760 = arith.maximumf %max3A_1733, %min3A_1759 : vector<16xf32>
      %min3A_1761 = arith.minimumf %max3A_1733, %min3A_1759 : vector<16xf32>
      %max3A_1762 = arith.maximumf %max3A_1735, %min3A_1761 : vector<16xf32>
      %get3A_1763 = arith.constant 34 : i32
      %get3A_1764 = arith.index_cast %get3A_1763 : i32 to index
      %get3A_1765 = arith.index_cast %mul3A_847 : i32 to index
      %get3A_1766 = tpu.vector_load %arg7[%get3A_1764, %get3A_1765] {strides = array<i32>} : memref<64x1024xf32, #tpu.memory_space<vmem>>, vector<16xf32>,
      %bitcast3A_1767 = vector.bitcast %get3A_1766 : vector<16xf32> to vector<16xi32>
      %and3A_1768 = arith.constant -64 : i32
      %and3A_1769 = vector.broadcast %and3A_1768 : i32 to vector<16xi32>
      %and3A_1770 = arith.andi %bitcast3A_1767, %and3A_1769 : vector<16xi32>
      %or3A_1771 = arith.constant 34 : i32
      %or3A_1772 = vector.broadcast %or3A_1771 : i32 to vector<16xi32>
      %or3A_1773 = arith.ori %and3A_1770, %or3A_1772 : vector<16xi32>
      %bitcast3A_1774 = vector.bitcast %or3A_1773 : vector<16xi32> to vector<16xf32>
      %max3A_1775 = arith.maximumf %max3A_1748, %bitcast3A_1774 : vector<16xf32>
      %min3A_1776 = arith.minimumf %max3A_1748, %bitcast3A_1774 : vector<16xf32>
      %max3A_1777 = arith.maximumf %max3A_1750, %min3A_1776 : vector<16xf32>
      %min3A_1778 = arith.minimumf %max3A_1750, %min3A_1776 : vector<16xf32>
      %max3A_1779 = arith.maximumf %max3A_1752, %min3A_1778 : vector<16xf32>
      %min3A_1780 = arith.minimumf %max3A_1752, %min3A_1778 : vector<16xf32>
      %max3A_1781 = arith.maximumf %max3A_1754, %min3A_1780 : vector<16xf32>
      %min3A_1782 = arith.minimumf %max3A_1754, %min3A_1780 : vector<16xf32>
      %max3A_1783 = arith.maximumf %max3A_1756, %min3A_1782 : vector<16xf32>
      %min3A_1784 = arith.minimumf %max3A_1756, %min3A_1782 : vector<16xf32>
      %max3A_1785 = arith.maximumf %max3A_1758, %min3A_1784 : vector<16xf32>
      %min3A_1786 = arith.minimumf %max3A_1758, %min3A_1784 : vector<16xf32>
      %max3A_1787 = arith.maximumf %max3A_1760, %min3A_1786 : vector<16xf32>
      %min3A_1788 = arith.minimumf %max3A_1760, %min3A_1786 : vector<16xf32>
      %max3A_1789 = arith.maximumf %max3A_1762, %min3A_1788 : vector<16xf32>
      %get3A_1790 = arith.constant 35 : i32
      %get3A_1791 = arith.index_cast %get3A_1790 : i32 to index
      %get3A_1792 = arith.index_cast %mul3A_847 : i32 to index
      %get3A_1793 = tpu.vector_load %arg7[%get3A_1791, %get3A_1792] {strides = array<i32>} : memref<64x1024xf32, #tpu.memory_space<vmem>>, vector<16xf32>,
      %bitcast3A_1794 = vector.bitcast %get3A_1793 : vector<16xf32> to vector<16xi32>
      %and3A_1795 = arith.constant -64 : i32
      %and3A_1796 = vector.broadcast %and3A_1795 : i32 to vector<16xi32>
      %and3A_1797 = arith.andi %bitcast3A_1794, %and3A_1796 : vector<16xi32>
      %or3A_1798 = arith.constant 35 : i32
      %or3A_1799 = vector.broadcast %or3A_1798 : i32 to vector<16xi32>
      %or3A_1800 = arith.ori %and3A_1797, %or3A_1799 : vector<16xi32>
      %bitcast3A_1801 = vector.bitcast %or3A_1800 : vector<16xi32> to vector<16xf32>
      %max3A_1802 = arith.maximumf %max3A_1775, %bitcast3A_1801 : vector<16xf32>
      %min3A_1803 = arith.minimumf %max3A_1775, %bitcast3A_1801 : vector<16xf32>
      %max3A_1804 = arith.maximumf %max3A_1777, %min3A_1803 : vector<16xf32>
      %min3A_1805 = arith.minimumf %max3A_1777, %min3A_1803 : vector<16xf32>
      %max3A_1806 = arith.maximumf %max3A_1779, %min3A_1805 : vector<16xf32>
      %min3A_1807 = arith.minimumf %max3A_1779, %min3A_1805 : vector<16xf32>
      %max3A_1808 = arith.maximumf %max3A_1781, %min3A_1807 : vector<16xf32>
      %min3A_1809 = arith.minimumf %max3A_1781, %min3A_1807 : vector<16xf32>
      %max3A_1810 = arith.maximumf %max3A_1783, %min3A_1809 : vector<16xf32>
      %min3A_1811 = arith.minimumf %max3A_1783, %min3A_1809 : vector<16xf32>
      %max3A_1812 = arith.maximumf %max3A_1785, %min3A_1811 : vector<16xf32>
      %min3A_1813 = arith.minimumf %max3A_1785, %min3A_1811 : vector<16xf32>
      %max3A_1814 = arith.maximumf %max3A_1787, %min3A_1813 : vector<16xf32>
      %min3A_1815 = arith.minimumf %max3A_1787, %min3A_1813 : vector<16xf32>
      %max3A_1816 = arith.maximumf %max3A_1789, %min3A_1815 : vector<16xf32>
      %get3A_1817 = arith.constant 36 : i32
      %get3A_1818 = arith.index_cast %get3A_1817 : i32 to index
      %get3A_1819 = arith.index_cast %mul3A_847 : i32 to index
      %get3A_1820 = tpu.vector_load %arg7[%get3A_1818, %get3A_1819] {strides = array<i32>} : memref<64x1024xf32, #tpu.memory_space<vmem>>, vector<16xf32>,
      %bitcast3A_1821 = vector.bitcast %get3A_1820 : vector<16xf32> to vector<16xi32>
      %and3A_1822 = arith.constant -64 : i32
      %and3A_1823 = vector.broadcast %and3A_1822 : i32 to vector<16xi32>
      %and3A_1824 = arith.andi %bitcast3A_1821, %and3A_1823 : vector<16xi32>
      %or3A_1825 = arith.constant 36 : i32
      %or3A_1826 = vector.broadcast %or3A_1825 : i32 to vector<16xi32>
      %or3A_1827 = arith.ori %and3A_1824, %or3A_1826 : vector<16xi32>
      %bitcast3A_1828 = vector.bitcast %or3A_1827 : vector<16xi32> to vector<16xf32>
      %max3A_1829 = arith.maximumf %max3A_1802, %bitcast3A_1828 : vector<16xf32>
      %min3A_1830 = arith.minimumf %max3A_1802, %bitcast3A_1828 : vector<16xf32>
      %max3A_1831 = arith.maximumf %max3A_1804, %min3A_1830 : vector<16xf32>
      %min3A_1832 = arith.minimumf %max3A_1804, %min3A_1830 : vector<16xf32>
      %max3A_1833 = arith.maximumf %max3A_1806, %min3A_1832 : vector<16xf32>
      %min3A_1834 = arith.minimumf %max3A_1806, %min3A_1832 : vector<16xf32>
      %max3A_1835 = arith.maximumf %max3A_1808, %min3A_1834 : vector<16xf32>
      %min3A_1836 = arith.minimumf %max3A_1808, %min3A_1834 : vector<16xf32>
      %max3A_1837 = arith.maximumf %max3A_1810, %min3A_1836 : vector<16xf32>
      %min3A_1838 = arith.minimumf %max3A_1810, %min3A_1836 : vector<16xf32>
      %max3A_1839 = arith.maximumf %max3A_1812, %min3A_1838 : vector<16xf32>
      %min3A_1840 = arith.minimumf %max3A_1812, %min3A_1838 : vector<16xf32>
      %max3A_1841 = arith.maximumf %max3A_1814, %min3A_1840 : vector<16xf32>
      %min3A_1842 = arith.minimumf %max3A_1814, %min3A_1840 : vector<16xf32>
      %max3A_1843 = arith.maximumf %max3A_1816, %min3A_1842 : vector<16xf32>
      %get3A_1844 = arith.constant 37 : i32
      %get3A_1845 = arith.index_cast %get3A_1844 : i32 to index
      %get3A_1846 = arith.index_cast %mul3A_847 : i32 to index
      %get3A_1847 = tpu.vector_load %arg7[%get3A_1845, %get3A_1846] {strides = array<i32>} : memref<64x1024xf32, #tpu.memory_space<vmem>>, vector<16xf32>,
      %bitcast3A_1848 = vector.bitcast %get3A_1847 : vector<16xf32> to vector<16xi32>
      %and3A_1849 = arith.constant -64 : i32
      %and3A_1850 = vector.broadcast %and3A_1849 : i32 to vector<16xi32>
      %and3A_1851 = arith.andi %bitcast3A_1848, %and3A_1850 : vector<16xi32>
      %or3A_1852 = arith.constant 37 : i32
      %or3A_1853 = vector.broadcast %or3A_1852 : i32 to vector<16xi32>
      %or3A_1854 = arith.ori %and3A_1851, %or3A_1853 : vector<16xi32>
      %bitcast3A_1855 = vector.bitcast %or3A_1854 : vector<16xi32> to vector<16xf32>
      %max3A_1856 = arith.maximumf %max3A_1829, %bitcast3A_1855 : vector<16xf32>
      %min3A_1857 = arith.minimumf %max3A_1829, %bitcast3A_1855 : vector<16xf32>
      %max3A_1858 = arith.maximumf %max3A_1831, %min3A_1857 : vector<16xf32>
      %min3A_1859 = arith.minimumf %max3A_1831, %min3A_1857 : vector<16xf32>
      %max3A_1860 = arith.maximumf %max3A_1833, %min3A_1859 : vector<16xf32>
      %min3A_1861 = arith.minimumf %max3A_1833, %min3A_1859 : vector<16xf32>
      %max3A_1862 = arith.maximumf %max3A_1835, %min3A_1861 : vector<16xf32>
      %min3A_1863 = arith.minimumf %max3A_1835, %min3A_1861 : vector<16xf32>
      %max3A_1864 = arith.maximumf %max3A_1837, %min3A_1863 : vector<16xf32>
      %min3A_1865 = arith.minimumf %max3A_1837, %min3A_1863 : vector<16xf32>
      %max3A_1866 = arith.maximumf %max3A_1839, %min3A_1865 : vector<16xf32>
      %min3A_1867 = arith.minimumf %max3A_1839, %min3A_1865 : vector<16xf32>
      %max3A_1868 = arith.maximumf %max3A_1841, %min3A_1867 : vector<16xf32>
      %min3A_1869 = arith.minimumf %max3A_1841, %min3A_1867 : vector<16xf32>
      %max3A_1870 = arith.maximumf %max3A_1843, %min3A_1869 : vector<16xf32>
      %get3A_1871 = arith.constant 38 : i32
      %get3A_1872 = arith.index_cast %get3A_1871 : i32 to index
      %get3A_1873 = arith.index_cast %mul3A_847 : i32 to index
      %get3A_1874 = tpu.vector_load %arg7[%get3A_1872, %get3A_1873] {strides = array<i32>} : memref<64x1024xf32, #tpu.memory_space<vmem>>, vector<16xf32>,
      %bitcast3A_1875 = vector.bitcast %get3A_1874 : vector<16xf32> to vector<16xi32>
      %and3A_1876 = arith.constant -64 : i32
      %and3A_1877 = vector.broadcast %and3A_1876 : i32 to vector<16xi32>
      %and3A_1878 = arith.andi %bitcast3A_1875, %and3A_1877 : vector<16xi32>
      %or3A_1879 = arith.constant 38 : i32
      %or3A_1880 = vector.broadcast %or3A_1879 : i32 to vector<16xi32>
      %or3A_1881 = arith.ori %and3A_1878, %or3A_1880 : vector<16xi32>
      %bitcast3A_1882 = vector.bitcast %or3A_1881 : vector<16xi32> to vector<16xf32>
      %max3A_1883 = arith.maximumf %max3A_1856, %bitcast3A_1882 : vector<16xf32>
      %min3A_1884 = arith.minimumf %max3A_1856, %bitcast3A_1882 : vector<16xf32>
      %max3A_1885 = arith.maximumf %max3A_1858, %min3A_1884 : vector<16xf32>
      %min3A_1886 = arith.minimumf %max3A_1858, %min3A_1884 : vector<16xf32>
      %max3A_1887 = arith.maximumf %max3A_1860, %min3A_1886 : vector<16xf32>
      %min3A_1888 = arith.minimumf %max3A_1860, %min3A_1886 : vector<16xf32>
      %max3A_1889 = arith.maximumf %max3A_1862, %min3A_1888 : vector<16xf32>
      %min3A_1890 = arith.minimumf %max3A_1862, %min3A_1888 : vector<16xf32>
      %max3A_1891 = arith.maximumf %max3A_1864, %min3A_1890 : vector<16xf32>
      %min3A_1892 = arith.minimumf %max3A_1864, %min3A_1890 : vector<16xf32>
      %max3A_1893 = arith.maximumf %max3A_1866, %min3A_1892 : vector<16xf32>
      %min3A_1894 = arith.minimumf %max3A_1866, %min3A_1892 : vector<16xf32>
      %max3A_1895 = arith.maximumf %max3A_1868, %min3A_1894 : vector<16xf32>
      %min3A_1896 = arith.minimumf %max3A_1868, %min3A_1894 : vector<16xf32>
      %max3A_1897 = arith.maximumf %max3A_1870, %min3A_1896 : vector<16xf32>
      %get3A_1898 = arith.constant 39 : i32
      %get3A_1899 = arith.index_cast %get3A_1898 : i32 to index
      %get3A_1900 = arith.index_cast %mul3A_847 : i32 to index
      %get3A_1901 = tpu.vector_load %arg7[%get3A_1899, %get3A_1900] {strides = array<i32>} : memref<64x1024xf32, #tpu.memory_space<vmem>>, vector<16xf32>,
      %bitcast3A_1902 = vector.bitcast %get3A_1901 : vector<16xf32> to vector<16xi32>
      %and3A_1903 = arith.constant -64 : i32
      %and3A_1904 = vector.broadcast %and3A_1903 : i32 to vector<16xi32>
      %and3A_1905 = arith.andi %bitcast3A_1902, %and3A_1904 : vector<16xi32>
      %or3A_1906 = arith.constant 39 : i32
      %or3A_1907 = vector.broadcast %or3A_1906 : i32 to vector<16xi32>
      %or3A_1908 = arith.ori %and3A_1905, %or3A_1907 : vector<16xi32>
      %bitcast3A_1909 = vector.bitcast %or3A_1908 : vector<16xi32> to vector<16xf32>
      %max3A_1910 = arith.maximumf %max3A_1883, %bitcast3A_1909 : vector<16xf32>
      %min3A_1911 = arith.minimumf %max3A_1883, %bitcast3A_1909 : vector<16xf32>
      %max3A_1912 = arith.maximumf %max3A_1885, %min3A_1911 : vector<16xf32>
      %min3A_1913 = arith.minimumf %max3A_1885, %min3A_1911 : vector<16xf32>
      %max3A_1914 = arith.maximumf %max3A_1887, %min3A_1913 : vector<16xf32>
      %min3A_1915 = arith.minimumf %max3A_1887, %min3A_1913 : vector<16xf32>
      %max3A_1916 = arith.maximumf %max3A_1889, %min3A_1915 : vector<16xf32>
      %min3A_1917 = arith.minimumf %max3A_1889, %min3A_1915 : vector<16xf32>
      %max3A_1918 = arith.maximumf %max3A_1891, %min3A_1917 : vector<16xf32>
      %min3A_1919 = arith.minimumf %max3A_1891, %min3A_1917 : vector<16xf32>
      %max3A_1920 = arith.maximumf %max3A_1893, %min3A_1919 : vector<16xf32>
      %min3A_1921 = arith.minimumf %max3A_1893, %min3A_1919 : vector<16xf32>
      %max3A_1922 = arith.maximumf %max3A_1895, %min3A_1921 : vector<16xf32>
      %min3A_1923 = arith.minimumf %max3A_1895, %min3A_1921 : vector<16xf32>
      %max3A_1924 = arith.maximumf %max3A_1897, %min3A_1923 : vector<16xf32>
      %get3A_1925 = arith.constant 40 : i32
      %get3A_1926 = arith.index_cast %get3A_1925 : i32 to index
      %get3A_1927 = arith.index_cast %mul3A_847 : i32 to index
      %get3A_1928 = tpu.vector_load %arg7[%get3A_1926, %get3A_1927] {strides = array<i32>} : memref<64x1024xf32, #tpu.memory_space<vmem>>, vector<16xf32>,
      %bitcast3A_1929 = vector.bitcast %get3A_1928 : vector<16xf32> to vector<16xi32>
      %and3A_1930 = arith.constant -64 : i32
      %and3A_1931 = vector.broadcast %and3A_1930 : i32 to vector<16xi32>
      %and3A_1932 = arith.andi %bitcast3A_1929, %and3A_1931 : vector<16xi32>
      %or3A_1933 = arith.constant 40 : i32
      %or3A_1934 = vector.broadcast %or3A_1933 : i32 to vector<16xi32>
      %or3A_1935 = arith.ori %and3A_1932, %or3A_1934 : vector<16xi32>
      %bitcast3A_1936 = vector.bitcast %or3A_1935 : vector<16xi32> to vector<16xf32>
      %max3A_1937 = arith.maximumf %max3A_1910, %bitcast3A_1936 : vector<16xf32>
      %min3A_1938 = arith.minimumf %max3A_1910, %bitcast3A_1936 : vector<16xf32>
      %max3A_1939 = arith.maximumf %max3A_1912, %min3A_1938 : vector<16xf32>
      %min3A_1940 = arith.minimumf %max3A_1912, %min3A_1938 : vector<16xf32>
      %max3A_1941 = arith.maximumf %max3A_1914, %min3A_1940 : vector<16xf32>
      %min3A_1942 = arith.minimumf %max3A_1914, %min3A_1940 : vector<16xf32>
      %max3A_1943 = arith.maximumf %max3A_1916, %min3A_1942 : vector<16xf32>
      %min3A_1944 = arith.minimumf %max3A_1916, %min3A_1942 : vector<16xf32>
      %max3A_1945 = arith.maximumf %max3A_1918, %min3A_1944 : vector<16xf32>
      %min3A_1946 = arith.minimumf %max3A_1918, %min3A_1944 : vector<16xf32>
      %max3A_1947 = arith.maximumf %max3A_1920, %min3A_1946 : vector<16xf32>
      %min3A_1948 = arith.minimumf %max3A_1920, %min3A_1946 : vector<16xf32>
      %max3A_1949 = arith.maximumf %max3A_1922, %min3A_1948 : vector<16xf32>
      %min3A_1950 = arith.minimumf %max3A_1922, %min3A_1948 : vector<16xf32>
      %max3A_1951 = arith.maximumf %max3A_1924, %min3A_1950 : vector<16xf32>
      %get3A_1952 = arith.constant 41 : i32
      %get3A_1953 = arith.index_cast %get3A_1952 : i32 to index
      %get3A_1954 = arith.index_cast %mul3A_847 : i32 to index
      %get3A_1955 = tpu.vector_load %arg7[%get3A_1953, %get3A_1954] {strides = array<i32>} : memref<64x1024xf32, #tpu.memory_space<vmem>>, vector<16xf32>,
      %bitcast3A_1956 = vector.bitcast %get3A_1955 : vector<16xf32> to vector<16xi32>
      %and3A_1957 = arith.constant -64 : i32
      %and3A_1958 = vector.broadcast %and3A_1957 : i32 to vector<16xi32>
      %and3A_1959 = arith.andi %bitcast3A_1956, %and3A_1958 : vector<16xi32>
      %or3A_1960 = arith.constant 41 : i32
      %or3A_1961 = vector.broadcast %or3A_1960 : i32 to vector<16xi32>
      %or3A_1962 = arith.ori %and3A_1959, %or3A_1961 : vector<16xi32>
      %bitcast3A_1963 = vector.bitcast %or3A_1962 : vector<16xi32> to vector<16xf32>
      %max3A_1964 = arith.maximumf %max3A_1937, %bitcast3A_1963 : vector<16xf32>
      %min3A_1965 = arith.minimumf %max3A_1937, %bitcast3A_1963 : vector<16xf32>
      %max3A_1966 = arith.maximumf %max3A_1939, %min3A_1965 : vector<16xf32>
      %min3A_1967 = arith.minimumf %max3A_1939, %min3A_1965 : vector<16xf32>
      %max3A_1968 = arith.maximumf %max3A_1941, %min3A_1967 : vector<16xf32>
      %min3A_1969 = arith.minimumf %max3A_1941, %min3A_1967 : vector<16xf32>
      %max3A_1970 = arith.maximumf %max3A_1943, %min3A_1969 : vector<16xf32>
      %min3A_1971 = arith.minimumf %max3A_1943, %min3A_1969 : vector<16xf32>
      %max3A_1972 = arith.maximumf %max3A_1945, %min3A_1971 : vector<16xf32>
      %min3A_1973 = arith.minimumf %max3A_1945, %min3A_1971 : vector<16xf32>
      %max3A_1974 = arith.maximumf %max3A_1947, %min3A_1973 : vector<16xf32>
      %min3A_1975 = arith.minimumf %max3A_1947, %min3A_1973 : vector<16xf32>
      %max3A_1976 = arith.maximumf %max3A_1949, %min3A_1975 : vector<16xf32>
      %min3A_1977 = arith.minimumf %max3A_1949, %min3A_1975 : vector<16xf32>
      %max3A_1978 = arith.maximumf %max3A_1951, %min3A_1977 : vector<16xf32>
      %get3A_1979 = arith.constant 42 : i32
      %get3A_1980 = arith.index_cast %get3A_1979 : i32 to index
      %get3A_1981 = arith.index_cast %mul3A_847 : i32 to index
      %get3A_1982 = tpu.vector_load %arg7[%get3A_1980, %get3A_1981] {strides = array<i32>} : memref<64x1024xf32, #tpu.memory_space<vmem>>, vector<16xf32>,
      %bitcast3A_1983 = vector.bitcast %get3A_1982 : vector<16xf32> to vector<16xi32>
      %and3A_1984 = arith.constant -64 : i32
      %and3A_1985 = vector.broadcast %and3A_1984 : i32 to vector<16xi32>
      %and3A_1986 = arith.andi %bitcast3A_1983, %and3A_1985 : vector<16xi32>
      %or3A_1987 = arith.constant 42 : i32
      %or3A_1988 = vector.broadcast %or3A_1987 : i32 to vector<16xi32>
      %or3A_1989 = arith.ori %and3A_1986, %or3A_1988 : vector<16xi32>
      %bitcast3A_1990 = vector.bitcast %or3A_1989 : vector<16xi32> to vector<16xf32>
      %max3A_1991 = arith.maximumf %max3A_1964, %bitcast3A_1990 : vector<16xf32>
      %min3A_1992 = arith.minimumf %max3A_1964, %bitcast3A_1990 : vector<16xf32>
      %max3A_1993 = arith.maximumf %max3A_1966, %min3A_1992 : vector<16xf32>
      %min3A_1994 = arith.minimumf %max3A_1966, %min3A_1992 : vector<16xf32>
      %max3A_1995 = arith.maximumf %max3A_1968, %min3A_1994 : vector<16xf32>
      %min3A_1996 = arith.minimumf %max3A_1968, %min3A_1994 : vector<16xf32>
      %max3A_1997 = arith.maximumf %max3A_1970, %min3A_1996 : vector<16xf32>
      %min3A_1998 = arith.minimumf %max3A_1970, %min3A_1996 : vector<16xf32>
      %max3A_1999 = arith.maximumf %max3A_1972, %min3A_1998 : vector<16xf32>
      %min3A_2000 = arith.minimumf %max3A_1972, %min3A_1998 : vector<16xf32>
      %max3A_2001 = arith.maximumf %max3A_1974, %min3A_2000 : vector<16xf32>
      %min3A_2002 = arith.minimumf %max3A_1974, %min3A_2000 : vector<16xf32>
      %max3A_2003 = arith.maximumf %max3A_1976, %min3A_2002 : vector<16xf32>
      %min3A_2004 = arith.minimumf %max3A_1976, %min3A_2002 : vector<16xf32>
      %max3A_2005 = arith.maximumf %max3A_1978, %min3A_2004 : vector<16xf32>
      %get3A_2006 = arith.constant 43 : i32
      %get3A_2007 = arith.index_cast %get3A_2006 : i32 to index
      %get3A_2008 = arith.index_cast %mul3A_847 : i32 to index
      %get3A_2009 = tpu.vector_load %arg7[%get3A_2007, %get3A_2008] {strides = array<i32>} : memref<64x1024xf32, #tpu.memory_space<vmem>>, vector<16xf32>,
      %bitcast3A_2010 = vector.bitcast %get3A_2009 : vector<16xf32> to vector<16xi32>
      %and3A_2011 = arith.constant -64 : i32
      %and3A_2012 = vector.broadcast %and3A_2011 : i32 to vector<16xi32>
      %and3A_2013 = arith.andi %bitcast3A_2010, %and3A_2012 : vector<16xi32>
      %or3A_2014 = arith.constant 43 : i32
      %or3A_2015 = vector.broadcast %or3A_2014 : i32 to vector<16xi32>
      %or3A_2016 = arith.ori %and3A_2013, %or3A_2015 : vector<16xi32>
      %bitcast3A_2017 = vector.bitcast %or3A_2016 : vector<16xi32> to vector<16xf32>
      %max3A_2018 = arith.maximumf %max3A_1991, %bitcast3A_2017 : vector<16xf32>
      %min3A_2019 = arith.minimumf %max3A_1991, %bitcast3A_2017 : vector<16xf32>
      %max3A_2020 = arith.maximumf %max3A_1993, %min3A_2019 : vector<16xf32>
      %min3A_2021 = arith.minimumf %max3A_1993, %min3A_2019 : vector<16xf32>
      %max3A_2022 = arith.maximumf %max3A_1995, %min3A_2021 : vector<16xf32>
      %min3A_2023 = arith.minimumf %max3A_1995, %min3A_2021 : vector<16xf32>
      %max3A_2024 = arith.maximumf %max3A_1997, %min3A_2023 : vector<16xf32>
      %min3A_2025 = arith.minimumf %max3A_1997, %min3A_2023 : vector<16xf32>
      %max3A_2026 = arith.maximumf %max3A_1999, %min3A_2025 : vector<16xf32>
      %min3A_2027 = arith.minimumf %max3A_1999, %min3A_2025 : vector<16xf32>
      %max3A_2028 = arith.maximumf %max3A_2001, %min3A_2027 : vector<16xf32>
      %min3A_2029 = arith.minimumf %max3A_2001, %min3A_2027 : vector<16xf32>
      %max3A_2030 = arith.maximumf %max3A_2003, %min3A_2029 : vector<16xf32>
      %min3A_2031 = arith.minimumf %max3A_2003, %min3A_2029 : vector<16xf32>
      %max3A_2032 = arith.maximumf %max3A_2005, %min3A_2031 : vector<16xf32>
      %get3A_2033 = arith.constant 44 : i32
      %get3A_2034 = arith.index_cast %get3A_2033 : i32 to index
      %get3A_2035 = arith.index_cast %mul3A_847 : i32 to index
      %get3A_2036 = tpu.vector_load %arg7[%get3A_2034, %get3A_2035] {strides = array<i32>} : memref<64x1024xf32, #tpu.memory_space<vmem>>, vector<16xf32>,
      %bitcast3A_2037 = vector.bitcast %get3A_2036 : vector<16xf32> to vector<16xi32>
      %and3A_2038 = arith.constant -64 : i32
      %and3A_2039 = vector.broadcast %and3A_2038 : i32 to vector<16xi32>
      %and3A_2040 = arith.andi %bitcast3A_2037, %and3A_2039 : vector<16xi32>
      %or3A_2041 = arith.constant 44 : i32
      %or3A_2042 = vector.broadcast %or3A_2041 : i32 to vector<16xi32>
      %or3A_2043 = arith.ori %and3A_2040, %or3A_2042 : vector<16xi32>
      %bitcast3A_2044 = vector.bitcast %or3A_2043 : vector<16xi32> to vector<16xf32>
      %max3A_2045 = arith.maximumf %max3A_2018, %bitcast3A_2044 : vector<16xf32>
      %min3A_2046 = arith.minimumf %max3A_2018, %bitcast3A_2044 : vector<16xf32>
      %max3A_2047 = arith.maximumf %max3A_2020, %min3A_2046 : vector<16xf32>
      %min3A_2048 = arith.minimumf %max3A_2020, %min3A_2046 : vector<16xf32>
      %max3A_2049 = arith.maximumf %max3A_2022, %min3A_2048 : vector<16xf32>
      %min3A_2050 = arith.minimumf %max3A_2022, %min3A_2048 : vector<16xf32>
      %max3A_2051 = arith.maximumf %max3A_2024, %min3A_2050 : vector<16xf32>
      %min3A_2052 = arith.minimumf %max3A_2024, %min3A_2050 : vector<16xf32>
      %max3A_2053 = arith.maximumf %max3A_2026, %min3A_2052 : vector<16xf32>
      %min3A_2054 = arith.minimumf %max3A_2026, %min3A_2052 : vector<16xf32>
      %max3A_2055 = arith.maximumf %max3A_2028, %min3A_2054 : vector<16xf32>
      %min3A_2056 = arith.minimumf %max3A_2028, %min3A_2054 : vector<16xf32>
      %max3A_2057 = arith.maximumf %max3A_2030, %min3A_2056 : vector<16xf32>
      %min3A_2058 = arith.minimumf %max3A_2030, %min3A_2056 : vector<16xf32>
      %max3A_2059 = arith.maximumf %max3A_2032, %min3A_2058 : vector<16xf32>
      %get3A_2060 = arith.constant 45 : i32
      %get3A_2061 = arith.index_cast %get3A_2060 : i32 to index
      %get3A_2062 = arith.index_cast %mul3A_847 : i32 to index
      %get3A_2063 = tpu.vector_load %arg7[%get3A_2061, %get3A_2062] {strides = array<i32>} : memref<64x1024xf32, #tpu.memory_space<vmem>>, vector<16xf32>,
      %bitcast3A_2064 = vector.bitcast %get3A_2063 : vector<16xf32> to vector<16xi32>
      %and3A_2065 = arith.constant -64 : i32
      %and3A_2066 = vector.broadcast %and3A_2065 : i32 to vector<16xi32>
      %and3A_2067 = arith.andi %bitcast3A_2064, %and3A_2066 : vector<16xi32>
      %or3A_2068 = arith.constant 45 : i32
      %or3A_2069 = vector.broadcast %or3A_2068 : i32 to vector<16xi32>
      %or3A_2070 = arith.ori %and3A_2067, %or3A_2069 : vector<16xi32>
      %bitcast3A_2071 = vector.bitcast %or3A_2070 : vector<16xi32> to vector<16xf32>
      %max3A_2072 = arith.maximumf %max3A_2045, %bitcast3A_2071 : vector<16xf32>
      %min3A_2073 = arith.minimumf %max3A_2045, %bitcast3A_2071 : vector<16xf32>
      %max3A_2074 = arith.maximumf %max3A_2047, %min3A_2073 : vector<16xf32>
      %min3A_2075 = arith.minimumf %max3A_2047, %min3A_2073 : vector<16xf32>
      %max3A_2076 = arith.maximumf %max3A_2049, %min3A_2075 : vector<16xf32>
      %min3A_2077 = arith.minimumf %max3A_2049, %min3A_2075 : vector<16xf32>
      %max3A_2078 = arith.maximumf %max3A_2051, %min3A_2077 : vector<16xf32>
      %min3A_2079 = arith.minimumf %max3A_2051, %min3A_2077 : vector<16xf32>
      %max3A_2080 = arith.maximumf %max3A_2053, %min3A_2079 : vector<16xf32>
      %min3A_2081 = arith.minimumf %max3A_2053, %min3A_2079 : vector<16xf32>
      %max3A_2082 = arith.maximumf %max3A_2055, %min3A_2081 : vector<16xf32>
      %min3A_2083 = arith.minimumf %max3A_2055, %min3A_2081 : vector<16xf32>
      %max3A_2084 = arith.maximumf %max3A_2057, %min3A_2083 : vector<16xf32>
      %min3A_2085 = arith.minimumf %max3A_2057, %min3A_2083 : vector<16xf32>
      %max3A_2086 = arith.maximumf %max3A_2059, %min3A_2085 : vector<16xf32>
      %get3A_2087 = arith.constant 46 : i32
      %get3A_2088 = arith.index_cast %get3A_2087 : i32 to index
      %get3A_2089 = arith.index_cast %mul3A_847 : i32 to index
      %get3A_2090 = tpu.vector_load %arg7[%get3A_2088, %get3A_2089] {strides = array<i32>} : memref<64x1024xf32, #tpu.memory_space<vmem>>, vector<16xf32>,
      %bitcast3A_2091 = vector.bitcast %get3A_2090 : vector<16xf32> to vector<16xi32>
      %and3A_2092 = arith.constant -64 : i32
      %and3A_2093 = vector.broadcast %and3A_2092 : i32 to vector<16xi32>
      %and3A_2094 = arith.andi %bitcast3A_2091, %and3A_2093 : vector<16xi32>
      %or3A_2095 = arith.constant 46 : i32
      %or3A_2096 = vector.broadcast %or3A_2095 : i32 to vector<16xi32>
      %or3A_2097 = arith.ori %and3A_2094, %or3A_2096 : vector<16xi32>
      %bitcast3A_2098 = vector.bitcast %or3A_2097 : vector<16xi32> to vector<16xf32>
      %max3A_2099 = arith.maximumf %max3A_2072, %bitcast3A_2098 : vector<16xf32>
      %min3A_2100 = arith.minimumf %max3A_2072, %bitcast3A_2098 : vector<16xf32>
      %max3A_2101 = arith.maximumf %max3A_2074, %min3A_2100 : vector<16xf32>
      %min3A_2102 = arith.minimumf %max3A_2074, %min3A_2100 : vector<16xf32>
      %max3A_2103 = arith.maximumf %max3A_2076, %min3A_2102 : vector<16xf32>
      %min3A_2104 = arith.minimumf %max3A_2076, %min3A_2102 : vector<16xf32>
      %max3A_2105 = arith.maximumf %max3A_2078, %min3A_2104 : vector<16xf32>
      %min3A_2106 = arith.minimumf %max3A_2078, %min3A_2104 : vector<16xf32>
      %max3A_2107 = arith.maximumf %max3A_2080, %min3A_2106 : vector<16xf32>
      %min3A_2108 = arith.minimumf %max3A_2080, %min3A_2106 : vector<16xf32>
      %max3A_2109 = arith.maximumf %max3A_2082, %min3A_2108 : vector<16xf32>
      %min3A_2110 = arith.minimumf %max3A_2082, %min3A_2108 : vector<16xf32>
      %max3A_2111 = arith.maximumf %max3A_2084, %min3A_2110 : vector<16xf32>
      %min3A_2112 = arith.minimumf %max3A_2084, %min3A_2110 : vector<16xf32>
      %max3A_2113 = arith.maximumf %max3A_2086, %min3A_2112 : vector<16xf32>
      %get3A_2114 = arith.constant 47 : i32
      %get3A_2115 = arith.index_cast %get3A_2114 : i32 to index
      %get3A_2116 = arith.index_cast %mul3A_847 : i32 to index
      %get3A_2117 = tpu.vector_load %arg7[%get3A_2115, %get3A_2116] {strides = array<i32>} : memref<64x1024xf32, #tpu.memory_space<vmem>>, vector<16xf32>,
      %bitcast3A_2118 = vector.bitcast %get3A_2117 : vector<16xf32> to vector<16xi32>
      %and3A_2119 = arith.constant -64 : i32
      %and3A_2120 = vector.broadcast %and3A_2119 : i32 to vector<16xi32>
      %and3A_2121 = arith.andi %bitcast3A_2118, %and3A_2120 : vector<16xi32>
      %or3A_2122 = arith.constant 47 : i32
      %or3A_2123 = vector.broadcast %or3A_2122 : i32 to vector<16xi32>
      %or3A_2124 = arith.ori %and3A_2121, %or3A_2123 : vector<16xi32>
      %bitcast3A_2125 = vector.bitcast %or3A_2124 : vector<16xi32> to vector<16xf32>
      %max3A_2126 = arith.maximumf %max3A_2099, %bitcast3A_2125 : vector<16xf32>
      %min3A_2127 = arith.minimumf %max3A_2099, %bitcast3A_2125 : vector<16xf32>
      %max3A_2128 = arith.maximumf %max3A_2101, %min3A_2127 : vector<16xf32>
      %min3A_2129 = arith.minimumf %max3A_2101, %min3A_2127 : vector<16xf32>
      %max3A_2130 = arith.maximumf %max3A_2103, %min3A_2129 : vector<16xf32>
      %min3A_2131 = arith.minimumf %max3A_2103, %min3A_2129 : vector<16xf32>
      %max3A_2132 = arith.maximumf %max3A_2105, %min3A_2131 : vector<16xf32>
      %min3A_2133 = arith.minimumf %max3A_2105, %min3A_2131 : vector<16xf32>
      %max3A_2134 = arith.maximumf %max3A_2107, %min3A_2133 : vector<16xf32>
      %min3A_2135 = arith.minimumf %max3A_2107, %min3A_2133 : vector<16xf32>
      %max3A_2136 = arith.maximumf %max3A_2109, %min3A_2135 : vector<16xf32>
      %min3A_2137 = arith.minimumf %max3A_2109, %min3A_2135 : vector<16xf32>
      %max3A_2138 = arith.maximumf %max3A_2111, %min3A_2137 : vector<16xf32>
      %min3A_2139 = arith.minimumf %max3A_2111, %min3A_2137 : vector<16xf32>
      %max3A_2140 = arith.maximumf %max3A_2113, %min3A_2139 : vector<16xf32>
      %get3A_2141 = arith.constant 48 : i32
      %get3A_2142 = arith.index_cast %get3A_2141 : i32 to index
      %get3A_2143 = arith.index_cast %mul3A_847 : i32 to index
      %get3A_2144 = tpu.vector_load %arg7[%get3A_2142, %get3A_2143] {strides = array<i32>} : memref<64x1024xf32, #tpu.memory_space<vmem>>, vector<16xf32>,
      %bitcast3A_2145 = vector.bitcast %get3A_2144 : vector<16xf32> to vector<16xi32>
      %and3A_2146 = arith.constant -64 : i32
      %and3A_2147 = vector.broadcast %and3A_2146 : i32 to vector<16xi32>
      %and3A_2148 = arith.andi %bitcast3A_2145, %and3A_2147 : vector<16xi32>
      %or3A_2149 = arith.constant 48 : i32
      %or3A_2150 = vector.broadcast %or3A_2149 : i32 to vector<16xi32>
      %or3A_2151 = arith.ori %and3A_2148, %or3A_2150 : vector<16xi32>
      %bitcast3A_2152 = vector.bitcast %or3A_2151 : vector<16xi32> to vector<16xf32>
      %max3A_2153 = arith.maximumf %max3A_2126, %bitcast3A_2152 : vector<16xf32>
      %min3A_2154 = arith.minimumf %max3A_2126, %bitcast3A_2152 : vector<16xf32>
      %max3A_2155 = arith.maximumf %max3A_2128, %min3A_2154 : vector<16xf32>
      %min3A_2156 = arith.minimumf %max3A_2128, %min3A_2154 : vector<16xf32>
      %max3A_2157 = arith.maximumf %max3A_2130, %min3A_2156 : vector<16xf32>
      %min3A_2158 = arith.minimumf %max3A_2130, %min3A_2156 : vector<16xf32>
      %max3A_2159 = arith.maximumf %max3A_2132, %min3A_2158 : vector<16xf32>
      %min3A_2160 = arith.minimumf %max3A_2132, %min3A_2158 : vector<16xf32>
      %max3A_2161 = arith.maximumf %max3A_2134, %min3A_2160 : vector<16xf32>
      %min3A_2162 = arith.minimumf %max3A_2134, %min3A_2160 : vector<16xf32>
      %max3A_2163 = arith.maximumf %max3A_2136, %min3A_2162 : vector<16xf32>
      %min3A_2164 = arith.minimumf %max3A_2136, %min3A_2162 : vector<16xf32>
      %max3A_2165 = arith.maximumf %max3A_2138, %min3A_2164 : vector<16xf32>
      %min3A_2166 = arith.minimumf %max3A_2138, %min3A_2164 : vector<16xf32>
      %max3A_2167 = arith.maximumf %max3A_2140, %min3A_2166 : vector<16xf32>
      %get3A_2168 = arith.constant 49 : i32
      %get3A_2169 = arith.index_cast %get3A_2168 : i32 to index
      %get3A_2170 = arith.index_cast %mul3A_847 : i32 to index
      %get3A_2171 = tpu.vector_load %arg7[%get3A_2169, %get3A_2170] {strides = array<i32>} : memref<64x1024xf32, #tpu.memory_space<vmem>>, vector<16xf32>,
      %bitcast3A_2172 = vector.bitcast %get3A_2171 : vector<16xf32> to vector<16xi32>
      %and3A_2173 = arith.constant -64 : i32
      %and3A_2174 = vector.broadcast %and3A_2173 : i32 to vector<16xi32>
      %and3A_2175 = arith.andi %bitcast3A_2172, %and3A_2174 : vector<16xi32>
      %or3A_2176 = arith.constant 49 : i32
      %or3A_2177 = vector.broadcast %or3A_2176 : i32 to vector<16xi32>
      %or3A_2178 = arith.ori %and3A_2175, %or3A_2177 : vector<16xi32>
      %bitcast3A_2179 = vector.bitcast %or3A_2178 : vector<16xi32> to vector<16xf32>
      %max3A_2180 = arith.maximumf %max3A_2153, %bitcast3A_2179 : vector<16xf32>
      %min3A_2181 = arith.minimumf %max3A_2153, %bitcast3A_2179 : vector<16xf32>
      %max3A_2182 = arith.maximumf %max3A_2155, %min3A_2181 : vector<16xf32>
      %min3A_2183 = arith.minimumf %max3A_2155, %min3A_2181 : vector<16xf32>
      %max3A_2184 = arith.maximumf %max3A_2157, %min3A_2183 : vector<16xf32>
      %min3A_2185 = arith.minimumf %max3A_2157, %min3A_2183 : vector<16xf32>
      %max3A_2186 = arith.maximumf %max3A_2159, %min3A_2185 : vector<16xf32>
      %min3A_2187 = arith.minimumf %max3A_2159, %min3A_2185 : vector<16xf32>
      %max3A_2188 = arith.maximumf %max3A_2161, %min3A_2187 : vector<16xf32>
      %min3A_2189 = arith.minimumf %max3A_2161, %min3A_2187 : vector<16xf32>
      %max3A_2190 = arith.maximumf %max3A_2163, %min3A_2189 : vector<16xf32>
      %min3A_2191 = arith.minimumf %max3A_2163, %min3A_2189 : vector<16xf32>
      %max3A_2192 = arith.maximumf %max3A_2165, %min3A_2191 : vector<16xf32>
      %min3A_2193 = arith.minimumf %max3A_2165, %min3A_2191 : vector<16xf32>
      %max3A_2194 = arith.maximumf %max3A_2167, %min3A_2193 : vector<16xf32>
      %get3A_2195 = arith.constant 50 : i32
      %get3A_2196 = arith.index_cast %get3A_2195 : i32 to index
      %get3A_2197 = arith.index_cast %mul3A_847 : i32 to index
      %get3A_2198 = tpu.vector_load %arg7[%get3A_2196, %get3A_2197] {strides = array<i32>} : memref<64x1024xf32, #tpu.memory_space<vmem>>, vector<16xf32>,
      %bitcast3A_2199 = vector.bitcast %get3A_2198 : vector<16xf32> to vector<16xi32>
      %and3A_2200 = arith.constant -64 : i32
      %and3A_2201 = vector.broadcast %and3A_2200 : i32 to vector<16xi32>
      %and3A_2202 = arith.andi %bitcast3A_2199, %and3A_2201 : vector<16xi32>
      %or3A_2203 = arith.constant 50 : i32
      %or3A_2204 = vector.broadcast %or3A_2203 : i32 to vector<16xi32>
      %or3A_2205 = arith.ori %and3A_2202, %or3A_2204 : vector<16xi32>
      %bitcast3A_2206 = vector.bitcast %or3A_2205 : vector<16xi32> to vector<16xf32>
      %max3A_2207 = arith.maximumf %max3A_2180, %bitcast3A_2206 : vector<16xf32>
      %min3A_2208 = arith.minimumf %max3A_2180, %bitcast3A_2206 : vector<16xf32>
      %max3A_2209 = arith.maximumf %max3A_2182, %min3A_2208 : vector<16xf32>
      %min3A_2210 = arith.minimumf %max3A_2182, %min3A_2208 : vector<16xf32>
      %max3A_2211 = arith.maximumf %max3A_2184, %min3A_2210 : vector<16xf32>
      %min3A_2212 = arith.minimumf %max3A_2184, %min3A_2210 : vector<16xf32>
      %max3A_2213 = arith.maximumf %max3A_2186, %min3A_2212 : vector<16xf32>
      %min3A_2214 = arith.minimumf %max3A_2186, %min3A_2212 : vector<16xf32>
      %max3A_2215 = arith.maximumf %max3A_2188, %min3A_2214 : vector<16xf32>
      %min3A_2216 = arith.minimumf %max3A_2188, %min3A_2214 : vector<16xf32>
      %max3A_2217 = arith.maximumf %max3A_2190, %min3A_2216 : vector<16xf32>
      %min3A_2218 = arith.minimumf %max3A_2190, %min3A_2216 : vector<16xf32>
      %max3A_2219 = arith.maximumf %max3A_2192, %min3A_2218 : vector<16xf32>
      %min3A_2220 = arith.minimumf %max3A_2192, %min3A_2218 : vector<16xf32>
      %max3A_2221 = arith.maximumf %max3A_2194, %min3A_2220 : vector<16xf32>
      %get3A_2222 = arith.constant 51 : i32
      %get3A_2223 = arith.index_cast %get3A_2222 : i32 to index
      %get3A_2224 = arith.index_cast %mul3A_847 : i32 to index
      %get3A_2225 = tpu.vector_load %arg7[%get3A_2223, %get3A_2224] {strides = array<i32>} : memref<64x1024xf32, #tpu.memory_space<vmem>>, vector<16xf32>,
      %bitcast3A_2226 = vector.bitcast %get3A_2225 : vector<16xf32> to vector<16xi32>
      %and3A_2227 = arith.constant -64 : i32
      %and3A_2228 = vector.broadcast %and3A_2227 : i32 to vector<16xi32>
      %and3A_2229 = arith.andi %bitcast3A_2226, %and3A_2228 : vector<16xi32>
      %or3A_2230 = arith.constant 51 : i32
      %or3A_2231 = vector.broadcast %or3A_2230 : i32 to vector<16xi32>
      %or3A_2232 = arith.ori %and3A_2229, %or3A_2231 : vector<16xi32>
      %bitcast3A_2233 = vector.bitcast %or3A_2232 : vector<16xi32> to vector<16xf32>
      %max3A_2234 = arith.maximumf %max3A_2207, %bitcast3A_2233 : vector<16xf32>
      %min3A_2235 = arith.minimumf %max3A_2207, %bitcast3A_2233 : vector<16xf32>
      %max3A_2236 = arith.maximumf %max3A_2209, %min3A_2235 : vector<16xf32>
      %min3A_2237 = arith.minimumf %max3A_2209, %min3A_2235 : vector<16xf32>
      %max3A_2238 = arith.maximumf %max3A_2211, %min3A_2237 : vector<16xf32>
      %min3A_2239 = arith.minimumf %max3A_2211, %min3A_2237 : vector<16xf32>
      %max3A_2240 = arith.maximumf %max3A_2213, %min3A_2239 : vector<16xf32>
      %min3A_2241 = arith.minimumf %max3A_2213, %min3A_2239 : vector<16xf32>
      %max3A_2242 = arith.maximumf %max3A_2215, %min3A_2241 : vector<16xf32>
      %min3A_2243 = arith.minimumf %max3A_2215, %min3A_2241 : vector<16xf32>
      %max3A_2244 = arith.maximumf %max3A_2217, %min3A_2243 : vector<16xf32>
      %min3A_2245 = arith.minimumf %max3A_2217, %min3A_2243 : vector<16xf32>
      %max3A_2246 = arith.maximumf %max3A_2219, %min3A_2245 : vector<16xf32>
      %min3A_2247 = arith.minimumf %max3A_2219, %min3A_2245 : vector<16xf32>
      %max3A_2248 = arith.maximumf %max3A_2221, %min3A_2247 : vector<16xf32>
      %get3A_2249 = arith.constant 52 : i32
      %get3A_2250 = arith.index_cast %get3A_2249 : i32 to index
      %get3A_2251 = arith.index_cast %mul3A_847 : i32 to index
      %get3A_2252 = tpu.vector_load %arg7[%get3A_2250, %get3A_2251] {strides = array<i32>} : memref<64x1024xf32, #tpu.memory_space<vmem>>, vector<16xf32>,
      %bitcast3A_2253 = vector.bitcast %get3A_2252 : vector<16xf32> to vector<16xi32>
      %and3A_2254 = arith.constant -64 : i32
      %and3A_2255 = vector.broadcast %and3A_2254 : i32 to vector<16xi32>
      %and3A_2256 = arith.andi %bitcast3A_2253, %and3A_2255 : vector<16xi32>
      %or3A_2257 = arith.constant 52 : i32
      %or3A_2258 = vector.broadcast %or3A_2257 : i32 to vector<16xi32>
      %or3A_2259 = arith.ori %and3A_2256, %or3A_2258 : vector<16xi32>
      %bitcast3A_2260 = vector.bitcast %or3A_2259 : vector<16xi32> to vector<16xf32>
      %max3A_2261 = arith.maximumf %max3A_2234, %bitcast3A_2260 : vector<16xf32>
      %min3A_2262 = arith.minimumf %max3A_2234, %bitcast3A_2260 : vector<16xf32>
      %max3A_2263 = arith.maximumf %max3A_2236, %min3A_2262 : vector<16xf32>
      %min3A_2264 = arith.minimumf %max3A_2236, %min3A_2262 : vector<16xf32>
      %max3A_2265 = arith.maximumf %max3A_2238, %min3A_2264 : vector<16xf32>
      %min3A_2266 = arith.minimumf %max3A_2238, %min3A_2264 : vector<16xf32>
      %max3A_2267 = arith.maximumf %max3A_2240, %min3A_2266 : vector<16xf32>
      %min3A_2268 = arith.minimumf %max3A_2240, %min3A_2266 : vector<16xf32>
      %max3A_2269 = arith.maximumf %max3A_2242, %min3A_2268 : vector<16xf32>
      %min3A_2270 = arith.minimumf %max3A_2242, %min3A_2268 : vector<16xf32>
      %max3A_2271 = arith.maximumf %max3A_2244, %min3A_2270 : vector<16xf32>
      %min3A_2272 = arith.minimumf %max3A_2244, %min3A_2270 : vector<16xf32>
      %max3A_2273 = arith.maximumf %max3A_2246, %min3A_2272 : vector<16xf32>
      %min3A_2274 = arith.minimumf %max3A_2246, %min3A_2272 : vector<16xf32>
      %max3A_2275 = arith.maximumf %max3A_2248, %min3A_2274 : vector<16xf32>
      %get3A_2276 = arith.constant 53 : i32
      %get3A_2277 = arith.index_cast %get3A_2276 : i32 to index
      %get3A_2278 = arith.index_cast %mul3A_847 : i32 to index
      %get3A_2279 = tpu.vector_load %arg7[%get3A_2277, %get3A_2278] {strides = array<i32>} : memref<64x1024xf32, #tpu.memory_space<vmem>>, vector<16xf32>,
      %bitcast3A_2280 = vector.bitcast %get3A_2279 : vector<16xf32> to vector<16xi32>
      %and3A_2281 = arith.constant -64 : i32
      %and3A_2282 = vector.broadcast %and3A_2281 : i32 to vector<16xi32>
      %and3A_2283 = arith.andi %bitcast3A_2280, %and3A_2282 : vector<16xi32>
      %or3A_2284 = arith.constant 53 : i32
      %or3A_2285 = vector.broadcast %or3A_2284 : i32 to vector<16xi32>
      %or3A_2286 = arith.ori %and3A_2283, %or3A_2285 : vector<16xi32>
      %bitcast3A_2287 = vector.bitcast %or3A_2286 : vector<16xi32> to vector<16xf32>
      %max3A_2288 = arith.maximumf %max3A_2261, %bitcast3A_2287 : vector<16xf32>
      %min3A_2289 = arith.minimumf %max3A_2261, %bitcast3A_2287 : vector<16xf32>
      %max3A_2290 = arith.maximumf %max3A_2263, %min3A_2289 : vector<16xf32>
      %min3A_2291 = arith.minimumf %max3A_2263, %min3A_2289 : vector<16xf32>
      %max3A_2292 = arith.maximumf %max3A_2265, %min3A_2291 : vector<16xf32>
      %min3A_2293 = arith.minimumf %max3A_2265, %min3A_2291 : vector<16xf32>
      %max3A_2294 = arith.maximumf %max3A_2267, %min3A_2293 : vector<16xf32>
      %min3A_2295 = arith.minimumf %max3A_2267, %min3A_2293 : vector<16xf32>
      %max3A_2296 = arith.maximumf %max3A_2269, %min3A_2295 : vector<16xf32>
      %min3A_2297 = arith.minimumf %max3A_2269, %min3A_2295 : vector<16xf32>
      %max3A_2298 = arith.maximumf %max3A_2271, %min3A_2297 : vector<16xf32>
      %min3A_2299 = arith.minimumf %max3A_2271, %min3A_2297 : vector<16xf32>
      %max3A_2300 = arith.maximumf %max3A_2273, %min3A_2299 : vector<16xf32>
      %min3A_2301 = arith.minimumf %max3A_2273, %min3A_2299 : vector<16xf32>
      %max3A_2302 = arith.maximumf %max3A_2275, %min3A_2301 : vector<16xf32>
      %get3A_2303 = arith.constant 54 : i32
      %get3A_2304 = arith.index_cast %get3A_2303 : i32 to index
      %get3A_2305 = arith.index_cast %mul3A_847 : i32 to index
      %get3A_2306 = tpu.vector_load %arg7[%get3A_2304, %get3A_2305] {strides = array<i32>} : memref<64x1024xf32, #tpu.memory_space<vmem>>, vector<16xf32>,
      %bitcast3A_2307 = vector.bitcast %get3A_2306 : vector<16xf32> to vector<16xi32>
      %and3A_2308 = arith.constant -64 : i32
      %and3A_2309 = vector.broadcast %and3A_2308 : i32 to vector<16xi32>
      %and3A_2310 = arith.andi %bitcast3A_2307, %and3A_2309 : vector<16xi32>
      %or3A_2311 = arith.constant 54 : i32
      %or3A_2312 = vector.broadcast %or3A_2311 : i32 to vector<16xi32>
      %or3A_2313 = arith.ori %and3A_2310, %or3A_2312 : vector<16xi32>
      %bitcast3A_2314 = vector.bitcast %or3A_2313 : vector<16xi32> to vector<16xf32>
      %max3A_2315 = arith.maximumf %max3A_2288, %bitcast3A_2314 : vector<16xf32>
      %min3A_2316 = arith.minimumf %max3A_2288, %bitcast3A_2314 : vector<16xf32>
      %max3A_2317 = arith.maximumf %max3A_2290, %min3A_2316 : vector<16xf32>
      %min3A_2318 = arith.minimumf %max3A_2290, %min3A_2316 : vector<16xf32>
      %max3A_2319 = arith.maximumf %max3A_2292, %min3A_2318 : vector<16xf32>
      %min3A_2320 = arith.minimumf %max3A_2292, %min3A_2318 : vector<16xf32>
      %max3A_2321 = arith.maximumf %max3A_2294, %min3A_2320 : vector<16xf32>
      %min3A_2322 = arith.minimumf %max3A_2294, %min3A_2320 : vector<16xf32>
      %max3A_2323 = arith.maximumf %max3A_2296, %min3A_2322 : vector<16xf32>
      %min3A_2324 = arith.minimumf %max3A_2296, %min3A_2322 : vector<16xf32>
      %max3A_2325 = arith.maximumf %max3A_2298, %min3A_2324 : vector<16xf32>
      %min3A_2326 = arith.minimumf %max3A_2298, %min3A_2324 : vector<16xf32>
      %max3A_2327 = arith.maximumf %max3A_2300, %min3A_2326 : vector<16xf32>
      %min3A_2328 = arith.minimumf %max3A_2300, %min3A_2326 : vector<16xf32>
      %max3A_2329 = arith.maximumf %max3A_2302, %min3A_2328 : vector<16xf32>
      %get3A_2330 = arith.constant 55 : i32
      %get3A_2331 = arith.index_cast %get3A_2330 : i32 to index
      %get3A_2332 = arith.index_cast %mul3A_847 : i32 to index
      %get3A_2333 = tpu.vector_load %arg7[%get3A_2331, %get3A_2332] {strides = array<i32>} : memref<64x1024xf32, #tpu.memory_space<vmem>>, vector<16xf32>,
      %bitcast3A_2334 = vector.bitcast %get3A_2333 : vector<16xf32> to vector<16xi32>
      %and3A_2335 = arith.constant -64 : i32
      %and3A_2336 = vector.broadcast %and3A_2335 : i32 to vector<16xi32>
      %and3A_2337 = arith.andi %bitcast3A_2334, %and3A_2336 : vector<16xi32>
      %or3A_2338 = arith.constant 55 : i32
      %or3A_2339 = vector.broadcast %or3A_2338 : i32 to vector<16xi32>
      %or3A_2340 = arith.ori %and3A_2337, %or3A_2339 : vector<16xi32>
      %bitcast3A_2341 = vector.bitcast %or3A_2340 : vector<16xi32> to vector<16xf32>
      %max3A_2342 = arith.maximumf %max3A_2315, %bitcast3A_2341 : vector<16xf32>
      %min3A_2343 = arith.minimumf %max3A_2315, %bitcast3A_2341 : vector<16xf32>
      %max3A_2344 = arith.maximumf %max3A_2317, %min3A_2343 : vector<16xf32>
      %min3A_2345 = arith.minimumf %max3A_2317, %min3A_2343 : vector<16xf32>
      %max3A_2346 = arith.maximumf %max3A_2319, %min3A_2345 : vector<16xf32>
      %min3A_2347 = arith.minimumf %max3A_2319, %min3A_2345 : vector<16xf32>
      %max3A_2348 = arith.maximumf %max3A_2321, %min3A_2347 : vector<16xf32>
      %min3A_2349 = arith.minimumf %max3A_2321, %min3A_2347 : vector<16xf32>
      %max3A_2350 = arith.maximumf %max3A_2323, %min3A_2349 : vector<16xf32>
      %min3A_2351 = arith.minimumf %max3A_2323, %min3A_2349 : vector<16xf32>
      %max3A_2352 = arith.maximumf %max3A_2325, %min3A_2351 : vector<16xf32>
      %min3A_2353 = arith.minimumf %max3A_2325, %min3A_2351 : vector<16xf32>
      %max3A_2354 = arith.maximumf %max3A_2327, %min3A_2353 : vector<16xf32>
      %min3A_2355 = arith.minimumf %max3A_2327, %min3A_2353 : vector<16xf32>
      %max3A_2356 = arith.maximumf %max3A_2329, %min3A_2355 : vector<16xf32>
      %get3A_2357 = arith.constant 56 : i32
      %get3A_2358 = arith.index_cast %get3A_2357 : i32 to index
      %get3A_2359 = arith.index_cast %mul3A_847 : i32 to index
      %get3A_2360 = tpu.vector_load %arg7[%get3A_2358, %get3A_2359] {strides = array<i32>} : memref<64x1024xf32, #tpu.memory_space<vmem>>, vector<16xf32>,
      %bitcast3A_2361 = vector.bitcast %get3A_2360 : vector<16xf32> to vector<16xi32>
      %and3A_2362 = arith.constant -64 : i32
      %and3A_2363 = vector.broadcast %and3A_2362 : i32 to vector<16xi32>
      %and3A_2364 = arith.andi %bitcast3A_2361, %and3A_2363 : vector<16xi32>
      %or3A_2365 = arith.constant 56 : i32
      %or3A_2366 = vector.broadcast %or3A_2365 : i32 to vector<16xi32>
      %or3A_2367 = arith.ori %and3A_2364, %or3A_2366 : vector<16xi32>
      %bitcast3A_2368 = vector.bitcast %or3A_2367 : vector<16xi32> to vector<16xf32>
      %max3A_2369 = arith.maximumf %max3A_2342, %bitcast3A_2368 : vector<16xf32>
      %min3A_2370 = arith.minimumf %max3A_2342, %bitcast3A_2368 : vector<16xf32>
      %max3A_2371 = arith.maximumf %max3A_2344, %min3A_2370 : vector<16xf32>
      %min3A_2372 = arith.minimumf %max3A_2344, %min3A_2370 : vector<16xf32>
      %max3A_2373 = arith.maximumf %max3A_2346, %min3A_2372 : vector<16xf32>
      %min3A_2374 = arith.minimumf %max3A_2346, %min3A_2372 : vector<16xf32>
      %max3A_2375 = arith.maximumf %max3A_2348, %min3A_2374 : vector<16xf32>
      %min3A_2376 = arith.minimumf %max3A_2348, %min3A_2374 : vector<16xf32>
      %max3A_2377 = arith.maximumf %max3A_2350, %min3A_2376 : vector<16xf32>
      %min3A_2378 = arith.minimumf %max3A_2350, %min3A_2376 : vector<16xf32>
      %max3A_2379 = arith.maximumf %max3A_2352, %min3A_2378 : vector<16xf32>
      %min3A_2380 = arith.minimumf %max3A_2352, %min3A_2378 : vector<16xf32>
      %max3A_2381 = arith.maximumf %max3A_2354, %min3A_2380 : vector<16xf32>
      %min3A_2382 = arith.minimumf %max3A_2354, %min3A_2380 : vector<16xf32>
      %max3A_2383 = arith.maximumf %max3A_2356, %min3A_2382 : vector<16xf32>
      %get3A_2384 = arith.constant 57 : i32
      %get3A_2385 = arith.index_cast %get3A_2384 : i32 to index
      %get3A_2386 = arith.index_cast %mul3A_847 : i32 to index
      %get3A_2387 = tpu.vector_load %arg7[%get3A_2385, %get3A_2386] {strides = array<i32>} : memref<64x1024xf32, #tpu.memory_space<vmem>>, vector<16xf32>,
      %bitcast3A_2388 = vector.bitcast %get3A_2387 : vector<16xf32> to vector<16xi32>
      %and3A_2389 = arith.constant -64 : i32
      %and3A_2390 = vector.broadcast %and3A_2389 : i32 to vector<16xi32>
      %and3A_2391 = arith.andi %bitcast3A_2388, %and3A_2390 : vector<16xi32>
      %or3A_2392 = arith.constant 57 : i32
      %or3A_2393 = vector.broadcast %or3A_2392 : i32 to vector<16xi32>
      %or3A_2394 = arith.ori %and3A_2391, %or3A_2393 : vector<16xi32>
      %bitcast3A_2395 = vector.bitcast %or3A_2394 : vector<16xi32> to vector<16xf32>
      %max3A_2396 = arith.maximumf %max3A_2369, %bitcast3A_2395 : vector<16xf32>
      %min3A_2397 = arith.minimumf %max3A_2369, %bitcast3A_2395 : vector<16xf32>
      %max3A_2398 = arith.maximumf %max3A_2371, %min3A_2397 : vector<16xf32>
      %min3A_2399 = arith.minimumf %max3A_2371, %min3A_2397 : vector<16xf32>
      %max3A_2400 = arith.maximumf %max3A_2373, %min3A_2399 : vector<16xf32>
      %min3A_2401 = arith.minimumf %max3A_2373, %min3A_2399 : vector<16xf32>
      %max3A_2402 = arith.maximumf %max3A_2375, %min3A_2401 : vector<16xf32>
      %min3A_2403 = arith.minimumf %max3A_2375, %min3A_2401 : vector<16xf32>
      %max3A_2404 = arith.maximumf %max3A_2377, %min3A_2403 : vector<16xf32>
      %min3A_2405 = arith.minimumf %max3A_2377, %min3A_2403 : vector<16xf32>
      %max3A_2406 = arith.maximumf %max3A_2379, %min3A_2405 : vector<16xf32>
      %min3A_2407 = arith.minimumf %max3A_2379, %min3A_2405 : vector<16xf32>
      %max3A_2408 = arith.maximumf %max3A_2381, %min3A_2407 : vector<16xf32>
      %min3A_2409 = arith.minimumf %max3A_2381, %min3A_2407 : vector<16xf32>
      %max3A_2410 = arith.maximumf %max3A_2383, %min3A_2409 : vector<16xf32>
      %get3A_2411 = arith.constant 58 : i32
      %get3A_2412 = arith.index_cast %get3A_2411 : i32 to index
      %get3A_2413 = arith.index_cast %mul3A_847 : i32 to index
      %get3A_2414 = tpu.vector_load %arg7[%get3A_2412, %get3A_2413] {strides = array<i32>} : memref<64x1024xf32, #tpu.memory_space<vmem>>, vector<16xf32>,
      %bitcast3A_2415 = vector.bitcast %get3A_2414 : vector<16xf32> to vector<16xi32>
      %and3A_2416 = arith.constant -64 : i32
      %and3A_2417 = vector.broadcast %and3A_2416 : i32 to vector<16xi32>
      %and3A_2418 = arith.andi %bitcast3A_2415, %and3A_2417 : vector<16xi32>
      %or3A_2419 = arith.constant 58 : i32
      %or3A_2420 = vector.broadcast %or3A_2419 : i32 to vector<16xi32>
      %or3A_2421 = arith.ori %and3A_2418, %or3A_2420 : vector<16xi32>
      %bitcast3A_2422 = vector.bitcast %or3A_2421 : vector<16xi32> to vector<16xf32>
      %max3A_2423 = arith.maximumf %max3A_2396, %bitcast3A_2422 : vector<16xf32>
      %min3A_2424 = arith.minimumf %max3A_2396, %bitcast3A_2422 : vector<16xf32>
      %max3A_2425 = arith.maximumf %max3A_2398, %min3A_2424 : vector<16xf32>
      %min3A_2426 = arith.minimumf %max3A_2398, %min3A_2424 : vector<16xf32>
      %max3A_2427 = arith.maximumf %max3A_2400, %min3A_2426 : vector<16xf32>
      %min3A_2428 = arith.minimumf %max3A_2400, %min3A_2426 : vector<16xf32>
      %max3A_2429 = arith.maximumf %max3A_2402, %min3A_2428 : vector<16xf32>
      %min3A_2430 = arith.minimumf %max3A_2402, %min3A_2428 : vector<16xf32>
      %max3A_2431 = arith.maximumf %max3A_2404, %min3A_2430 : vector<16xf32>
      %min3A_2432 = arith.minimumf %max3A_2404, %min3A_2430 : vector<16xf32>
      %max3A_2433 = arith.maximumf %max3A_2406, %min3A_2432 : vector<16xf32>
      %min3A_2434 = arith.minimumf %max3A_2406, %min3A_2432 : vector<16xf32>
      %max3A_2435 = arith.maximumf %max3A_2408, %min3A_2434 : vector<16xf32>
      %min3A_2436 = arith.minimumf %max3A_2408, %min3A_2434 : vector<16xf32>
      %max3A_2437 = arith.maximumf %max3A_2410, %min3A_2436 : vector<16xf32>
      %get3A_2438 = arith.constant 59 : i32
      %get3A_2439 = arith.index_cast %get3A_2438 : i32 to index
      %get3A_2440 = arith.index_cast %mul3A_847 : i32 to index
      %get3A_2441 = tpu.vector_load %arg7[%get3A_2439, %get3A_2440] {strides = array<i32>} : memref<64x1024xf32, #tpu.memory_space<vmem>>, vector<16xf32>,
      %bitcast3A_2442 = vector.bitcast %get3A_2441 : vector<16xf32> to vector<16xi32>
      %and3A_2443 = arith.constant -64 : i32
      %and3A_2444 = vector.broadcast %and3A_2443 : i32 to vector<16xi32>
      %and3A_2445 = arith.andi %bitcast3A_2442, %and3A_2444 : vector<16xi32>
      %or3A_2446 = arith.constant 59 : i32
      %or3A_2447 = vector.broadcast %or3A_2446 : i32 to vector<16xi32>
      %or3A_2448 = arith.ori %and3A_2445, %or3A_2447 : vector<16xi32>
      %bitcast3A_2449 = vector.bitcast %or3A_2448 : vector<16xi32> to vector<16xf32>
      %max3A_2450 = arith.maximumf %max3A_2423, %bitcast3A_2449 : vector<16xf32>
      %min3A_2451 = arith.minimumf %max3A_2423, %bitcast3A_2449 : vector<16xf32>
      %max3A_2452 = arith.maximumf %max3A_2425, %min3A_2451 : vector<16xf32>
      %min3A_2453 = arith.minimumf %max3A_2425, %min3A_2451 : vector<16xf32>
      %max3A_2454 = arith.maximumf %max3A_2427, %min3A_2453 : vector<16xf32>
      %min3A_2455 = arith.minimumf %max3A_2427, %min3A_2453 : vector<16xf32>
      %max3A_2456 = arith.maximumf %max3A_2429, %min3A_2455 : vector<16xf32>
      %min3A_2457 = arith.minimumf %max3A_2429, %min3A_2455 : vector<16xf32>
      %max3A_2458 = arith.maximumf %max3A_2431, %min3A_2457 : vector<16xf32>
      %min3A_2459 = arith.minimumf %max3A_2431, %min3A_2457 : vector<16xf32>
      %max3A_2460 = arith.maximumf %max3A_2433, %min3A_2459 : vector<16xf32>
      %min3A_2461 = arith.minimumf %max3A_2433, %min3A_2459 : vector<16xf32>
      %max3A_2462 = arith.maximumf %max3A_2435, %min3A_2461 : vector<16xf32>
      %min3A_2463 = arith.minimumf %max3A_2435, %min3A_2461 : vector<16xf32>
      %max3A_2464 = arith.maximumf %max3A_2437, %min3A_2463 : vector<16xf32>
      %get3A_2465 = arith.constant 60 : i32
      %get3A_2466 = arith.index_cast %get3A_2465 : i32 to index
      %get3A_2467 = arith.index_cast %mul3A_847 : i32 to index
      %get3A_2468 = tpu.vector_load %arg7[%get3A_2466, %get3A_2467] {strides = array<i32>} : memref<64x1024xf32, #tpu.memory_space<vmem>>, vector<16xf32>,
      %bitcast3A_2469 = vector.bitcast %get3A_2468 : vector<16xf32> to vector<16xi32>
      %and3A_2470 = arith.constant -64 : i32
      %and3A_2471 = vector.broadcast %and3A_2470 : i32 to vector<16xi32>
      %and3A_2472 = arith.andi %bitcast3A_2469, %and3A_2471 : vector<16xi32>
      %or3A_2473 = arith.constant 60 : i32
      %or3A_2474 = vector.broadcast %or3A_2473 : i32 to vector<16xi32>
      %or3A_2475 = arith.ori %and3A_2472, %or3A_2474 : vector<16xi32>
      %bitcast3A_2476 = vector.bitcast %or3A_2475 : vector<16xi32> to vector<16xf32>
      %max3A_2477 = arith.maximumf %max3A_2450, %bitcast3A_2476 : vector<16xf32>
      %min3A_2478 = arith.minimumf %max3A_2450, %bitcast3A_2476 : vector<16xf32>
      %max3A_2479 = arith.maximumf %max3A_2452, %min3A_2478 : vector<16xf32>
      %min3A_2480 = arith.minimumf %max3A_2452, %min3A_2478 : vector<16xf32>
      %max3A_2481 = arith.maximumf %max3A_2454, %min3A_2480 : vector<16xf32>
      %min3A_2482 = arith.minimumf %max3A_2454, %min3A_2480 : vector<16xf32>
      %max3A_2483 = arith.maximumf %max3A_2456, %min3A_2482 : vector<16xf32>
      %min3A_2484 = arith.minimumf %max3A_2456, %min3A_2482 : vector<16xf32>
      %max3A_2485 = arith.maximumf %max3A_2458, %min3A_2484 : vector<16xf32>
      %min3A_2486 = arith.minimumf %max3A_2458, %min3A_2484 : vector<16xf32>
      %max3A_2487 = arith.maximumf %max3A_2460, %min3A_2486 : vector<16xf32>
      %min3A_2488 = arith.minimumf %max3A_2460, %min3A_2486 : vector<16xf32>
      %max3A_2489 = arith.maximumf %max3A_2462, %min3A_2488 : vector<16xf32>
      %min3A_2490 = arith.minimumf %max3A_2462, %min3A_2488 : vector<16xf32>
      %max3A_2491 = arith.maximumf %max3A_2464, %min3A_2490 : vector<16xf32>
      %get3A_2492 = arith.constant 61 : i32
      %get3A_2493 = arith.index_cast %get3A_2492 : i32 to index
      %get3A_2494 = arith.index_cast %mul3A_847 : i32 to index
      %get3A_2495 = tpu.vector_load %arg7[%get3A_2493, %get3A_2494] {strides = array<i32>} : memref<64x1024xf32, #tpu.memory_space<vmem>>, vector<16xf32>,
      %bitcast3A_2496 = vector.bitcast %get3A_2495 : vector<16xf32> to vector<16xi32>
      %and3A_2497 = arith.constant -64 : i32
      %and3A_2498 = vector.broadcast %and3A_2497 : i32 to vector<16xi32>
      %and3A_2499 = arith.andi %bitcast3A_2496, %and3A_2498 : vector<16xi32>
      %or3A_2500 = arith.constant 61 : i32
      %or3A_2501 = vector.broadcast %or3A_2500 : i32 to vector<16xi32>
      %or3A_2502 = arith.ori %and3A_2499, %or3A_2501 : vector<16xi32>
      %bitcast3A_2503 = vector.bitcast %or3A_2502 : vector<16xi32> to vector<16xf32>
      %max3A_2504 = arith.maximumf %max3A_2477, %bitcast3A_2503 : vector<16xf32>
      %min3A_2505 = arith.minimumf %max3A_2477, %bitcast3A_2503 : vector<16xf32>
      %max3A_2506 = arith.maximumf %max3A_2479, %min3A_2505 : vector<16xf32>
      %min3A_2507 = arith.minimumf %max3A_2479, %min3A_2505 : vector<16xf32>
      %max3A_2508 = arith.maximumf %max3A_2481, %min3A_2507 : vector<16xf32>
      %min3A_2509 = arith.minimumf %max3A_2481, %min3A_2507 : vector<16xf32>
      %max3A_2510 = arith.maximumf %max3A_2483, %min3A_2509 : vector<16xf32>
      %min3A_2511 = arith.minimumf %max3A_2483, %min3A_2509 : vector<16xf32>
      %max3A_2512 = arith.maximumf %max3A_2485, %min3A_2511 : vector<16xf32>
      %min3A_2513 = arith.minimumf %max3A_2485, %min3A_2511 : vector<16xf32>
      %max3A_2514 = arith.maximumf %max3A_2487, %min3A_2513 : vector<16xf32>
      %min3A_2515 = arith.minimumf %max3A_2487, %min3A_2513 : vector<16xf32>
      %max3A_2516 = arith.maximumf %max3A_2489, %min3A_2515 : vector<16xf32>
      %min3A_2517 = arith.minimumf %max3A_2489, %min3A_2515 : vector<16xf32>
      %max3A_2518 = arith.maximumf %max3A_2491, %min3A_2517 : vector<16xf32>
      %get3A_2519 = arith.constant 62 : i32
      %get3A_2520 = arith.index_cast %get3A_2519 : i32 to index
      %get3A_2521 = arith.index_cast %mul3A_847 : i32 to index
      %get3A_2522 = tpu.vector_load %arg7[%get3A_2520, %get3A_2521] {strides = array<i32>} : memref<64x1024xf32, #tpu.memory_space<vmem>>, vector<16xf32>,
      %bitcast3A_2523 = vector.bitcast %get3A_2522 : vector<16xf32> to vector<16xi32>
      %and3A_2524 = arith.constant -64 : i32
      %and3A_2525 = vector.broadcast %and3A_2524 : i32 to vector<16xi32>
      %and3A_2526 = arith.andi %bitcast3A_2523, %and3A_2525 : vector<16xi32>
      %or3A_2527 = arith.constant 62 : i32
      %or3A_2528 = vector.broadcast %or3A_2527 : i32 to vector<16xi32>
      %or3A_2529 = arith.ori %and3A_2526, %or3A_2528 : vector<16xi32>
      %bitcast3A_2530 = vector.bitcast %or3A_2529 : vector<16xi32> to vector<16xf32>
      %max3A_2531 = arith.maximumf %max3A_2504, %bitcast3A_2530 : vector<16xf32>
      %min3A_2532 = arith.minimumf %max3A_2504, %bitcast3A_2530 : vector<16xf32>
      %max3A_2533 = arith.maximumf %max3A_2506, %min3A_2532 : vector<16xf32>
      %min3A_2534 = arith.minimumf %max3A_2506, %min3A_2532 : vector<16xf32>
      %max3A_2535 = arith.maximumf %max3A_2508, %min3A_2534 : vector<16xf32>
      %min3A_2536 = arith.minimumf %max3A_2508, %min3A_2534 : vector<16xf32>
      %max3A_2537 = arith.maximumf %max3A_2510, %min3A_2536 : vector<16xf32>
      %min3A_2538 = arith.minimumf %max3A_2510, %min3A_2536 : vector<16xf32>
      %max3A_2539 = arith.maximumf %max3A_2512, %min3A_2538 : vector<16xf32>
      %min3A_2540 = arith.minimumf %max3A_2512, %min3A_2538 : vector<16xf32>
      %max3A_2541 = arith.maximumf %max3A_2514, %min3A_2540 : vector<16xf32>
      %min3A_2542 = arith.minimumf %max3A_2514, %min3A_2540 : vector<16xf32>
      %max3A_2543 = arith.maximumf %max3A_2516, %min3A_2542 : vector<16xf32>
      %min3A_2544 = arith.minimumf %max3A_2516, %min3A_2542 : vector<16xf32>
      %max3A_2545 = arith.maximumf %max3A_2518, %min3A_2544 : vector<16xf32>
      %get3A_2546 = arith.constant 63 : i32
      %get3A_2547 = arith.index_cast %get3A_2546 : i32 to index
      %get3A_2548 = arith.index_cast %mul3A_847 : i32 to index
      %get3A_2549 = tpu.vector_load %arg7[%get3A_2547, %get3A_2548] {strides = array<i32>} : memref<64x1024xf32, #tpu.memory_space<vmem>>, vector<16xf32>,
      %bitcast3A_2550 = vector.bitcast %get3A_2549 : vector<16xf32> to vector<16xi32>
      %and3A_2551 = arith.constant -64 : i32
      %and3A_2552 = vector.broadcast %and3A_2551 : i32 to vector<16xi32>
      %and3A_2553 = arith.andi %bitcast3A_2550, %and3A_2552 : vector<16xi32>
      %or3A_2554 = arith.constant 63 : i32
      %or3A_2555 = vector.broadcast %or3A_2554 : i32 to vector<16xi32>
      %or3A_2556 = arith.ori %and3A_2553, %or3A_2555 : vector<16xi32>
      %bitcast3A_2557 = vector.bitcast %or3A_2556 : vector<16xi32> to vector<16xf32>
      %max3A_2558 = arith.maximumf %max3A_2531, %bitcast3A_2557 : vector<16xf32>
      %min3A_2559 = arith.minimumf %max3A_2531, %bitcast3A_2557 : vector<16xf32>
      %max3A_2560 = arith.maximumf %max3A_2533, %min3A_2559 : vector<16xf32>
      %min3A_2561 = arith.minimumf %max3A_2533, %min3A_2559 : vector<16xf32>
      %max3A_2562 = arith.maximumf %max3A_2535, %min3A_2561 : vector<16xf32>
      %min3A_2563 = arith.minimumf %max3A_2535, %min3A_2561 : vector<16xf32>
      %max3A_2564 = arith.maximumf %max3A_2537, %min3A_2563 : vector<16xf32>
      %min3A_2565 = arith.minimumf %max3A_2537, %min3A_2563 : vector<16xf32>
      %max3A_2566 = arith.maximumf %max3A_2539, %min3A_2565 : vector<16xf32>
      %min3A_2567 = arith.minimumf %max3A_2539, %min3A_2565 : vector<16xf32>
      %max3A_2568 = arith.maximumf %max3A_2541, %min3A_2567 : vector<16xf32>
      %min3A_2569 = arith.minimumf %max3A_2541, %min3A_2567 : vector<16xf32>
      %max3A_2570 = arith.maximumf %max3A_2543, %min3A_2569 : vector<16xf32>
      %min3A_2571 = arith.minimumf %max3A_2543, %min3A_2569 : vector<16xf32>
      %max3A_2572 = arith.maximumf %max3A_2545, %min3A_2571 : vector<16xf32>
      %bitcast3A_2573 = vector.bitcast %max3A_2558 : vector<16xf32> to vector<16xi32>
      %and3A_2574 = arith.constant 63 : i32
      %and3A_2575 = vector.broadcast %and3A_2574 : i32 to vector<16xi32>
      %and3A_2576 = arith.andi %bitcast3A_2573, %and3A_2575 : vector<16xi32>
      %bitcast3A_2577 = vector.bitcast %max3A_2560 : vector<16xf32> to vector<16xi32>
      %and3A_2578 = arith.constant 63 : i32
      %and3A_2579 = vector.broadcast %and3A_2578 : i32 to vector<16xi32>
      %and3A_2580 = arith.andi %bitcast3A_2577, %and3A_2579 : vector<16xi32>
      %bitcast3A_2581 = vector.bitcast %max3A_2562 : vector<16xf32> to vector<16xi32>
      %and3A_2582 = arith.constant 63 : i32
      %and3A_2583 = vector.broadcast %and3A_2582 : i32 to vector<16xi32>
      %and3A_2584 = arith.andi %bitcast3A_2581, %and3A_2583 : vector<16xi32>
      %bitcast3A_2585 = vector.bitcast %max3A_2564 : vector<16xf32> to vector<16xi32>
      %and3A_2586 = arith.constant 63 : i32
      %and3A_2587 = vector.broadcast %and3A_2586 : i32 to vector<16xi32>
      %and3A_2588 = arith.andi %bitcast3A_2585, %and3A_2587 : vector<16xi32>
      %bitcast3A_2589 = vector.bitcast %max3A_2566 : vector<16xf32> to vector<16xi32>
      %and3A_2590 = arith.constant 63 : i32
      %and3A_2591 = vector.broadcast %and3A_2590 : i32 to vector<16xi32>
      %and3A_2592 = arith.andi %bitcast3A_2589, %and3A_2591 : vector<16xi32>
      %bitcast3A_2593 = vector.bitcast %max3A_2568 : vector<16xf32> to vector<16xi32>
      %and3A_2594 = arith.constant 63 : i32
      %and3A_2595 = vector.broadcast %and3A_2594 : i32 to vector<16xi32>
      %and3A_2596 = arith.andi %bitcast3A_2593, %and3A_2595 : vector<16xi32>
      %bitcast3A_2597 = vector.bitcast %max3A_2570 : vector<16xf32> to vector<16xi32>
      %and3A_2598 = arith.constant 63 : i32
      %and3A_2599 = vector.broadcast %and3A_2598 : i32 to vector<16xi32>
      %and3A_2600 = arith.andi %bitcast3A_2597, %and3A_2599 : vector<16xi32>
      %bitcast3A_2601 = vector.bitcast %max3A_2572 : vector<16xf32> to vector<16xi32>
      %and3A_2602 = arith.constant 63 : i32
      %and3A_2603 = vector.broadcast %and3A_2602 : i32 to vector<16xi32>
      %and3A_2604 = arith.andi %bitcast3A_2601, %and3A_2603 : vector<16xi32>
      %gather3A = tpu.vector_load_idx %arg7[%and3A_2576, %add3A_849] : memref<64x1024xf32, #tpu.memory_space<vmem>>[vector<16xi32>, vector<16xi32>], vector<16xf32>,
      %gather3A_2605 = tpu.vector_load_idx %arg7[%and3A_2580, %add3A_849] : memref<64x1024xf32, #tpu.memory_space<vmem>>[vector<16xi32>, vector<16xi32>], vector<16xf32>,
      %gather3A_2606 = tpu.vector_load_idx %arg7[%and3A_2584, %add3A_849] : memref<64x1024xf32, #tpu.memory_space<vmem>>[vector<16xi32>, vector<16xi32>], vector<16xf32>,
      %gather3A_2607 = tpu.vector_load_idx %arg7[%and3A_2588, %add3A_849] : memref<64x1024xf32, #tpu.memory_space<vmem>>[vector<16xi32>, vector<16xi32>], vector<16xf32>,
      %gather3A_2608 = tpu.vector_load_idx %arg7[%and3A_2592, %add3A_849] : memref<64x1024xf32, #tpu.memory_space<vmem>>[vector<16xi32>, vector<16xi32>], vector<16xf32>,
      %gather3A_2609 = tpu.vector_load_idx %arg7[%and3A_2596, %add3A_849] : memref<64x1024xf32, #tpu.memory_space<vmem>>[vector<16xi32>, vector<16xi32>], vector<16xf32>,
      %gather3A_2610 = tpu.vector_load_idx %arg7[%and3A_2600, %add3A_849] : memref<64x1024xf32, #tpu.memory_space<vmem>>[vector<16xi32>, vector<16xi32>], vector<16xf32>,
      %gather3A_2611 = tpu.vector_load_idx %arg7[%and3A_2604, %add3A_849] : memref<64x1024xf32, #tpu.memory_space<vmem>>[vector<16xi32>, vector<16xi32>], vector<16xf32>,
      %sub3A = arith.subf %gather3A_2605, %gather3A : vector<16xf32>
      %exp3A = math.exp %sub3A : vector<16xf32>
      %sub3A_2612 = arith.subf %gather3A_2606, %gather3A : vector<16xf32>
      %exp3A_2613 = math.exp %sub3A_2612 : vector<16xf32>
      %sub3A_2614 = arith.subf %gather3A_2607, %gather3A : vector<16xf32>
      %exp3A_2615 = math.exp %sub3A_2614 : vector<16xf32>
      %sub3A_2616 = arith.subf %gather3A_2608, %gather3A : vector<16xf32>
      %exp3A_2617 = math.exp %sub3A_2616 : vector<16xf32>
      %sub3A_2618 = arith.subf %gather3A_2609, %gather3A : vector<16xf32>
      %exp3A_2619 = math.exp %sub3A_2618 : vector<16xf32>
      %sub3A_2620 = arith.subf %gather3A_2610, %gather3A : vector<16xf32>
      %exp3A_2621 = math.exp %sub3A_2620 : vector<16xf32>
      %sub3A_2622 = arith.subf %gather3A_2611, %gather3A : vector<16xf32>
      %exp3A_2623 = math.exp %sub3A_2622 : vector<16xf32>
      %add3A_2624 = arith.addf %broadcast_in_dim3A_3, %exp3A : vector<16xf32>
      %add3A_2625 = arith.addf %add3A_2624, %exp3A_2613 : vector<16xf32>
      %add3A_2626 = arith.addf %add3A_2625, %exp3A_2615 : vector<16xf32>
      %add3A_2627 = arith.addf %add3A_2626, %exp3A_2617 : vector<16xf32>
      %add3A_2628 = arith.addf %add3A_2627, %exp3A_2619 : vector<16xf32>
      %add3A_2629 = arith.addf %add3A_2628, %exp3A_2621 : vector<16xf32>
      %add3A_2630 = arith.addf %add3A_2629, %exp3A_2623 : vector<16xf32>
      %div3A = arith.constant 1.000000e+00 : f32
      %div3A_2631 = vector.broadcast %div3A : f32 to vector<16xf32>
      %div3A_2632 = arith.divf %div3A_2631, %add3A_2630 : vector<16xf32>
      %swap3A_2633 = arith.constant 0 : i32
      %swap3A_2634 = arith.index_cast %swap3A_2633 : i32 to index
      %swap3A_2635 = arith.index_cast %mul3A_847 : i32 to index
      %swap3A_2636 = tpu.vector_load %arg8[%swap3A_2634, %swap3A_2635] {strides = array<i32>} : memref<8x1024xf32, #tpu.memory_space<vmem>>, vector<16xf32>,
      tpu.vector_store %arg8[%swap3A_2634, %swap3A_2635], %div3A_2632 {strides = array<i32>} : memref<8x1024xf32, #tpu.memory_space<vmem>>, vector<16xf32>,
      %swap3A_2637 = arith.constant 0 : i32
      %swap3A_2638 = arith.index_cast %swap3A_2637 : i32 to index
      %swap3A_2639 = arith.index_cast %mul3A_847 : i32 to index
      %swap3A_2640 = tpu.vector_load %arg9[%swap3A_2638, %swap3A_2639] {strides = array<i32>} : memref<8x1024xi32, #tpu.memory_space<vmem>>, vector<16xi32>,
      tpu.vector_store %arg9[%swap3A_2638, %swap3A_2639], %and3A_2576 {strides = array<i32>} : memref<8x1024xi32, #tpu.memory_space<vmem>>, vector<16xi32>,
      tpu.vector_store_idx %arg10[%iota3A, %and3A_2576], %broadcast_in_dim3A_3 {add = true} : memref<16x64xf32, #tpu.memory_space<vmem>>[vector<16xi32>, vector<16xi32>], vector<16xf32>,
      %mul3A_2641 = arith.mulf %exp3A, %div3A_2632 : vector<16xf32>
      %swap3A_2642 = arith.constant 1 : i32
      %swap3A_2643 = arith.index_cast %swap3A_2642 : i32 to index
      %swap3A_2644 = arith.index_cast %mul3A_847 : i32 to index
      %swap3A_2645 = tpu.vector_load %arg8[%swap3A_2643, %swap3A_2644] {strides = array<i32>} : memref<8x1024xf32, #tpu.memory_space<vmem>>, vector<16xf32>,
      tpu.vector_store %arg8[%swap3A_2643, %swap3A_2644], %mul3A_2641 {strides = array<i32>} : memref<8x1024xf32, #tpu.memory_space<vmem>>, vector<16xf32>,
      %swap3A_2646 = arith.constant 1 : i32
      %swap3A_2647 = arith.index_cast %swap3A_2646 : i32 to index
      %swap3A_2648 = arith.index_cast %mul3A_847 : i32 to index
      %swap3A_2649 = tpu.vector_load %arg9[%swap3A_2647, %swap3A_2648] {strides = array<i32>} : memref<8x1024xi32, #tpu.memory_space<vmem>>, vector<16xi32>,
      tpu.vector_store %arg9[%swap3A_2647, %swap3A_2648], %and3A_2580 {strides = array<i32>} : memref<8x1024xi32, #tpu.memory_space<vmem>>, vector<16xi32>,
      tpu.vector_store_idx %arg10[%iota3A, %and3A_2580], %broadcast_in_dim3A_3 {add = true} : memref<16x64xf32, #tpu.memory_space<vmem>>[vector<16xi32>, vector<16xi32>], vector<16xf32>,
      %mul3A_2650 = arith.mulf %exp3A_2613, %div3A_2632 : vector<16xf32>
      %swap3A_2651 = arith.constant 2 : i32
      %swap3A_2652 = arith.index_cast %swap3A_2651 : i32 to index
      %swap3A_2653 = arith.index_cast %mul3A_847 : i32 to index
      %swap3A_2654 = tpu.vector_load %arg8[%swap3A_2652, %swap3A_2653] {strides = array<i32>} : memref<8x1024xf32, #tpu.memory_space<vmem>>, vector<16xf32>,
      tpu.vector_store %arg8[%swap3A_2652, %swap3A_2653], %mul3A_2650 {strides = array<i32>} : memref<8x1024xf32, #tpu.memory_space<vmem>>, vector<16xf32>,
      %swap3A_2655 = arith.constant 2 : i32
      %swap3A_2656 = arith.index_cast %swap3A_2655 : i32 to index
      %swap3A_2657 = arith.index_cast %mul3A_847 : i32 to index
      %swap3A_2658 = tpu.vector_load %arg9[%swap3A_2656, %swap3A_2657] {strides = array<i32>} : memref<8x1024xi32, #tpu.memory_space<vmem>>, vector<16xi32>,
      tpu.vector_store %arg9[%swap3A_2656, %swap3A_2657], %and3A_2584 {strides = array<i32>} : memref<8x1024xi32, #tpu.memory_space<vmem>>, vector<16xi32>,
      tpu.vector_store_idx %arg10[%iota3A, %and3A_2584], %broadcast_in_dim3A_3 {add = true} : memref<16x64xf32, #tpu.memory_space<vmem>>[vector<16xi32>, vector<16xi32>], vector<16xf32>,
      %mul3A_2659 = arith.mulf %exp3A_2615, %div3A_2632 : vector<16xf32>
      %swap3A_2660 = arith.constant 3 : i32
      %swap3A_2661 = arith.index_cast %swap3A_2660 : i32 to index
      %swap3A_2662 = arith.index_cast %mul3A_847 : i32 to index
      %swap3A_2663 = tpu.vector_load %arg8[%swap3A_2661, %swap3A_2662] {strides = array<i32>} : memref<8x1024xf32, #tpu.memory_space<vmem>>, vector<16xf32>,
      tpu.vector_store %arg8[%swap3A_2661, %swap3A_2662], %mul3A_2659 {strides = array<i32>} : memref<8x1024xf32, #tpu.memory_space<vmem>>, vector<16xf32>,
      %swap3A_2664 = arith.constant 3 : i32
      %swap3A_2665 = arith.index_cast %swap3A_2664 : i32 to index
      %swap3A_2666 = arith.index_cast %mul3A_847 : i32 to index
      %swap3A_2667 = tpu.vector_load %arg9[%swap3A_2665, %swap3A_2666] {strides = array<i32>} : memref<8x1024xi32, #tpu.memory_space<vmem>>, vector<16xi32>,
      tpu.vector_store %arg9[%swap3A_2665, %swap3A_2666], %and3A_2588 {strides = array<i32>} : memref<8x1024xi32, #tpu.memory_space<vmem>>, vector<16xi32>,
      tpu.vector_store_idx %arg10[%iota3A, %and3A_2588], %broadcast_in_dim3A_3 {add = true} : memref<16x64xf32, #tpu.memory_space<vmem>>[vector<16xi32>, vector<16xi32>], vector<16xf32>,
      %mul3A_2668 = arith.mulf %exp3A_2617, %div3A_2632 : vector<16xf32>
      %swap3A_2669 = arith.constant 4 : i32
      %swap3A_2670 = arith.index_cast %swap3A_2669 : i32 to index
      %swap3A_2671 = arith.index_cast %mul3A_847 : i32 to index
      %swap3A_2672 = tpu.vector_load %arg8[%swap3A_2670, %swap3A_2671] {strides = array<i32>} : memref<8x1024xf32, #tpu.memory_space<vmem>>, vector<16xf32>,
      tpu.vector_store %arg8[%swap3A_2670, %swap3A_2671], %mul3A_2668 {strides = array<i32>} : memref<8x1024xf32, #tpu.memory_space<vmem>>, vector<16xf32>,
      %swap3A_2673 = arith.constant 4 : i32
      %swap3A_2674 = arith.index_cast %swap3A_2673 : i32 to index
      %swap3A_2675 = arith.index_cast %mul3A_847 : i32 to index
      %swap3A_2676 = tpu.vector_load %arg9[%swap3A_2674, %swap3A_2675] {strides = array<i32>} : memref<8x1024xi32, #tpu.memory_space<vmem>>, vector<16xi32>,
      tpu.vector_store %arg9[%swap3A_2674, %swap3A_2675], %and3A_2592 {strides = array<i32>} : memref<8x1024xi32, #tpu.memory_space<vmem>>, vector<16xi32>,
      tpu.vector_store_idx %arg10[%iota3A, %and3A_2592], %broadcast_in_dim3A_3 {add = true} : memref<16x64xf32, #tpu.memory_space<vmem>>[vector<16xi32>, vector<16xi32>], vector<16xf32>,
      %mul3A_2677 = arith.mulf %exp3A_2619, %div3A_2632 : vector<16xf32>
      %swap3A_2678 = arith.constant 5 : i32
      %swap3A_2679 = arith.index_cast %swap3A_2678 : i32 to index
      %swap3A_2680 = arith.index_cast %mul3A_847 : i32 to index
      %swap3A_2681 = tpu.vector_load %arg8[%swap3A_2679, %swap3A_2680] {strides = array<i32>} : memref<8x1024xf32, #tpu.memory_space<vmem>>, vector<16xf32>,
      tpu.vector_store %arg8[%swap3A_2679, %swap3A_2680], %mul3A_2677 {strides = array<i32>} : memref<8x1024xf32, #tpu.memory_space<vmem>>, vector<16xf32>,
      %swap3A_2682 = arith.constant 5 : i32
      %swap3A_2683 = arith.index_cast %swap3A_2682 : i32 to index
      %swap3A_2684 = arith.index_cast %mul3A_847 : i32 to index
      %swap3A_2685 = tpu.vector_load %arg9[%swap3A_2683, %swap3A_2684] {strides = array<i32>} : memref<8x1024xi32, #tpu.memory_space<vmem>>, vector<16xi32>,
      tpu.vector_store %arg9[%swap3A_2683, %swap3A_2684], %and3A_2596 {strides = array<i32>} : memref<8x1024xi32, #tpu.memory_space<vmem>>, vector<16xi32>,
      tpu.vector_store_idx %arg10[%iota3A, %and3A_2596], %broadcast_in_dim3A_3 {add = true} : memref<16x64xf32, #tpu.memory_space<vmem>>[vector<16xi32>, vector<16xi32>], vector<16xf32>,
      %mul3A_2686 = arith.mulf %exp3A_2621, %div3A_2632 : vector<16xf32>
      %swap3A_2687 = arith.constant 6 : i32
      %swap3A_2688 = arith.index_cast %swap3A_2687 : i32 to index
      %swap3A_2689 = arith.index_cast %mul3A_847 : i32 to index
      %swap3A_2690 = tpu.vector_load %arg8[%swap3A_2688, %swap3A_2689] {strides = array<i32>} : memref<8x1024xf32, #tpu.memory_space<vmem>>, vector<16xf32>,
      tpu.vector_store %arg8[%swap3A_2688, %swap3A_2689], %mul3A_2686 {strides = array<i32>} : memref<8x1024xf32, #tpu.memory_space<vmem>>, vector<16xf32>,
      %swap3A_2691 = arith.constant 6 : i32
      %swap3A_2692 = arith.index_cast %swap3A_2691 : i32 to index
      %swap3A_2693 = arith.index_cast %mul3A_847 : i32 to index
      %swap3A_2694 = tpu.vector_load %arg9[%swap3A_2692, %swap3A_2693] {strides = array<i32>} : memref<8x1024xi32, #tpu.memory_space<vmem>>, vector<16xi32>,
      tpu.vector_store %arg9[%swap3A_2692, %swap3A_2693], %and3A_2600 {strides = array<i32>} : memref<8x1024xi32, #tpu.memory_space<vmem>>, vector<16xi32>,
      tpu.vector_store_idx %arg10[%iota3A, %and3A_2600], %broadcast_in_dim3A_3 {add = true} : memref<16x64xf32, #tpu.memory_space<vmem>>[vector<16xi32>, vector<16xi32>], vector<16xf32>,
      %mul3A_2695 = arith.mulf %exp3A_2623, %div3A_2632 : vector<16xf32>
      %swap3A_2696 = arith.constant 7 : i32
      %swap3A_2697 = arith.index_cast %swap3A_2696 : i32 to index
      %swap3A_2698 = arith.index_cast %mul3A_847 : i32 to index
      %swap3A_2699 = tpu.vector_load %arg8[%swap3A_2697, %swap3A_2698] {strides = array<i32>} : memref<8x1024xf32, #tpu.memory_space<vmem>>, vector<16xf32>,
      tpu.vector_store %arg8[%swap3A_2697, %swap3A_2698], %mul3A_2695 {strides = array<i32>} : memref<8x1024xf32, #tpu.memory_space<vmem>>, vector<16xf32>,
      %swap3A_2700 = arith.constant 7 : i32
      %swap3A_2701 = arith.index_cast %swap3A_2700 : i32 to index
      %swap3A_2702 = arith.index_cast %mul3A_847 : i32 to index
      %swap3A_2703 = tpu.vector_load %arg9[%swap3A_2701, %swap3A_2702] {strides = array<i32>} : memref<8x1024xi32, #tpu.memory_space<vmem>>, vector<16xi32>,
      tpu.vector_store %arg9[%swap3A_2701, %swap3A_2702], %and3A_2604 {strides = array<i32>} : memref<8x1024xi32, #tpu.memory_space<vmem>>, vector<16xi32>,
      tpu.vector_store_idx %arg10[%iota3A, %and3A_2604], %broadcast_in_dim3A_3 {add = true} : memref<16x64xf32, #tpu.memory_space<vmem>>[vector<16xi32>, vector<16xi32>], vector<16xf32>,
    }
    %scan3A_461 = arith.constant 64 : i32
    "tpu.region"() ({
      %run_scoped3A = tpu.sem_alloc : memref<!tpu.dma_semaphore, #tpu.memory_space<semaphore_mem>>
      %dma_start3A_833 = arith.constant 0 : i32
      %dma_start3A_834 = tpu.memref_slice %arg4[%dma_start3A_833, %mul3A_2] : memref<8x32768xf32, #tpu.memory_space<hbm>> -> memref<8x1024xf32, #tpu.memory_space<hbm>>
      %dma_start3A_835 = arith.constant 0 : i32
      %dma_start3A_836 = tpu.memref_slice %arg4[%dma_start3A_835, %mul3A_2] : memref<8x32768xf32, #tpu.memory_space<hbm>> -> memref<8x1024xf32, #tpu.memory_space<hbm>>
      tpu.enqueue_dma source(%arg8 : memref<8x1024xf32, #tpu.memory_space<vmem>>) target(%dma_start3A_836 : memref<8x1024xf32, #tpu.memory_space<hbm>>) target_semaphore(%run_scoped3A : memref<!tpu.dma_semaphore, #tpu.memory_space<semaphore_mem>>)
      %dma_wait3A_837 = arith.constant 0 : i32
      %dma_wait3A_838 = tpu.memref_slice %arg4[%dma_wait3A_837, %mul3A_2] : memref<8x32768xf32, #tpu.memory_space<hbm>> -> memref<8x1024xf32, #tpu.memory_space<hbm>>
      %dma_wait3A_839 = arith.constant 0 : i32
      %dma_wait3A_840 = tpu.memref_slice %arg4[%dma_wait3A_839, %mul3A_2] : memref<8x32768xf32, #tpu.memory_space<hbm>> -> memref<8x1024xf32, #tpu.memory_space<hbm>>
      tpu.wait_dma2 semaphore(%run_scoped3A : memref<!tpu.dma_semaphore, #tpu.memory_space<semaphore_mem>>) src(%arg8 : memref<8x1024xf32, #tpu.memory_space<vmem>>) dst(%dma_wait3A_840 : memref<8x1024xf32, #tpu.memory_space<hbm>>)
      tpu.yield
    }) : () -> ()
    "tpu.region"() ({
      %run_scoped3A = tpu.sem_alloc : memref<!tpu.dma_semaphore, #tpu.memory_space<semaphore_mem>>
      %dma_start3A_833 = arith.constant 0 : i32
      %dma_start3A_834 = tpu.memref_slice %arg5[%dma_start3A_833, %mul3A_2] : memref<8x32768xi32, #tpu.memory_space<hbm>> -> memref<8x1024xi32, #tpu.memory_space<hbm>>
      %dma_start3A_835 = arith.constant 0 : i32
      %dma_start3A_836 = tpu.memref_slice %arg5[%dma_start3A_835, %mul3A_2] : memref<8x32768xi32, #tpu.memory_space<hbm>> -> memref<8x1024xi32, #tpu.memory_space<hbm>>
      tpu.enqueue_dma source(%arg9 : memref<8x1024xi32, #tpu.memory_space<vmem>>) target(%dma_start3A_836 : memref<8x1024xi32, #tpu.memory_space<hbm>>) target_semaphore(%run_scoped3A : memref<!tpu.dma_semaphore, #tpu.memory_space<semaphore_mem>>)
      %dma_wait3A_837 = arith.constant 0 : i32
      %dma_wait3A_838 = tpu.memref_slice %arg5[%dma_wait3A_837, %mul3A_2] : memref<8x32768xi32, #tpu.memory_space<hbm>> -> memref<8x1024xi32, #tpu.memory_space<hbm>>
      %dma_wait3A_839 = arith.constant 0 : i32
      %dma_wait3A_840 = tpu.memref_slice %arg5[%dma_wait3A_839, %mul3A_2] : memref<8x32768xi32, #tpu.memory_space<hbm>> -> memref<8x1024xi32, #tpu.memory_space<hbm>>
      tpu.wait_dma2 semaphore(%run_scoped3A : memref<!tpu.dma_semaphore, #tpu.memory_space<semaphore_mem>>) src(%arg9 : memref<8x1024xi32, #tpu.memory_space<vmem>>) dst(%dma_wait3A_840 : memref<8x1024xi32, #tpu.memory_space<hbm>>)
      tpu.yield
    }) : () -> ()
    %add3A_462 = arith.constant 0 : i32
    %add3A_463 = arith.addi %mul3A_2, %add3A_462 : i32
    %dma_wait3A_464 = arith.constant 0 : i32
    %dma_wait3A_465 = arith.constant 0 : i32
    %dma_wait3A_466 = tpu.memref_slice %arg7[%dma_wait3A_464, %dma_wait3A_465] : memref<64x1024xf32, #tpu.memory_space<vmem>> -> memref<64x256xf32, #tpu.memory_space<vmem>>
    %dma_wait3A_467 = arith.constant 0 : i32
    %dma_wait3A_468 = tpu.memref_slice %arg3[%dma_wait3A_467, %add3A_463] : memref<64x32768xf32, #tpu.memory_space<hbm>> -> memref<64x256xf32, #tpu.memory_space<hbm>>
    %dma_wait3A_469 = arith.constant 0 : i32
    %dma_wait3A_470 = tpu.memref_slice %arg3[%dma_wait3A_469, %add3A_463] : memref<64x32768xf32, #tpu.memory_space<hbm>> -> memref<64x256xf32, #tpu.memory_space<hbm>>
    %dma_wait3A_471 = arith.constant 0 : i32
    %dma_wait3A_472 = arith.constant 0 : i32
    %dma_wait3A_473 = tpu.memref_slice %arg7[%dma_wait3A_471, %dma_wait3A_472] : memref<64x1024xf32, #tpu.memory_space<vmem>> -> memref<64x256xf32, #tpu.memory_space<vmem>>
    tpu.wait_dma2 semaphore(%arg13 : memref<!tpu.dma_semaphore, #tpu.memory_space<semaphore_mem>>) src(%dma_wait3A_473 : memref<64x256xf32, #tpu.memory_space<vmem>>) dst(%dma_wait3A_470 : memref<64x256xf32, #tpu.memory_space<hbm>>)
    %add3A_474 = arith.constant 256 : i32
    %add3A_475 = arith.addi %mul3A_2, %add3A_474 : i32
    %dma_wait3A_476 = arith.constant 0 : i32
    %dma_wait3A_477 = arith.constant 256 : i32
    %dma_wait3A_478 = tpu.memref_slice %arg7[%dma_wait3A_476, %dma_wait3A_477] : memref<64x1024xf32, #tpu.memory_space<vmem>> -> memref<64x256xf32, #tpu.memory_space<vmem>>
    %dma_wait3A_479 = arith.constant 0 : i32
    %dma_wait3A_480 = tpu.memref_slice %arg3[%dma_wait3A_479, %add3A_475] : memref<64x32768xf32, #tpu.memory_space<hbm>> -> memref<64x256xf32, #tpu.memory_space<hbm>>
    %dma_wait3A_481 = arith.constant 0 : i32
    %dma_wait3A_482 = tpu.memref_slice %arg3[%dma_wait3A_481, %add3A_475] : memref<64x32768xf32, #tpu.memory_space<hbm>> -> memref<64x256xf32, #tpu.memory_space<hbm>>
    %dma_wait3A_483 = arith.constant 0 : i32
    %dma_wait3A_484 = arith.constant 256 : i32
    %dma_wait3A_485 = tpu.memref_slice %arg7[%dma_wait3A_483, %dma_wait3A_484] : memref<64x1024xf32, #tpu.memory_space<vmem>> -> memref<64x256xf32, #tpu.memory_space<vmem>>
    tpu.wait_dma2 semaphore(%arg13 : memref<!tpu.dma_semaphore, #tpu.memory_space<semaphore_mem>>) src(%dma_wait3A_485 : memref<64x256xf32, #tpu.memory_space<vmem>>) dst(%dma_wait3A_482 : memref<64x256xf32, #tpu.memory_space<hbm>>)
    %add3A_486 = arith.constant 512 : i32
    %add3A_487 = arith.addi %mul3A_2, %add3A_486 : i32
    %dma_wait3A_488 = arith.constant 0 : i32
    %dma_wait3A_489 = arith.constant 512 : i32
    %dma_wait3A_490 = tpu.memref_slice %arg7[%dma_wait3A_488, %dma_wait3A_489] : memref<64x1024xf32, #tpu.memory_space<vmem>> -> memref<64x256xf32, #tpu.memory_space<vmem>>
    %dma_wait3A_491 = arith.constant 0 : i32
    %dma_wait3A_492 = tpu.memref_slice %arg3[%dma_wait3A_491, %add3A_487] : memref<64x32768xf32, #tpu.memory_space<hbm>> -> memref<64x256xf32, #tpu.memory_space<hbm>>
    %dma_wait3A_493 = arith.constant 0 : i32
    %dma_wait3A_494 = tpu.memref_slice %arg3[%dma_wait3A_493, %add3A_487] : memref<64x32768xf32, #tpu.memory_space<hbm>> -> memref<64x256xf32, #tpu.memory_space<hbm>>
    %dma_wait3A_495 = arith.constant 0 : i32
    %dma_wait3A_496 = arith.constant 512 : i32
    %dma_wait3A_497 = tpu.memref_slice %arg7[%dma_wait3A_495, %dma_wait3A_496] : memref<64x1024xf32, #tpu.memory_space<vmem>> -> memref<64x256xf32, #tpu.memory_space<vmem>>
    tpu.wait_dma2 semaphore(%arg13 : memref<!tpu.dma_semaphore, #tpu.memory_space<semaphore_mem>>) src(%dma_wait3A_497 : memref<64x256xf32, #tpu.memory_space<vmem>>) dst(%dma_wait3A_494 : memref<64x256xf32, #tpu.memory_space<hbm>>)
    %add3A_498 = arith.constant 768 : i32
    %add3A_499 = arith.addi %mul3A_2, %add3A_498 : i32
    %dma_wait3A_500 = arith.constant 0 : i32
    %dma_wait3A_501 = arith.constant 768 : i32
    %dma_wait3A_502 = tpu.memref_slice %arg7[%dma_wait3A_500, %dma_wait3A_501] : memref<64x1024xf32, #tpu.memory_space<vmem>> -> memref<64x256xf32, #tpu.memory_space<vmem>>
    %dma_wait3A_503 = arith.constant 0 : i32
    %dma_wait3A_504 = tpu.memref_slice %arg3[%dma_wait3A_503, %add3A_499] : memref<64x32768xf32, #tpu.memory_space<hbm>> -> memref<64x256xf32, #tpu.memory_space<hbm>>
    %dma_wait3A_505 = arith.constant 0 : i32
    %dma_wait3A_506 = tpu.memref_slice %arg3[%dma_wait3A_505, %add3A_499] : memref<64x32768xf32, #tpu.memory_space<hbm>> -> memref<64x256xf32, #tpu.memory_space<hbm>>
    %dma_wait3A_507 = arith.constant 0 : i32
    %dma_wait3A_508 = arith.constant 768 : i32
    %dma_wait3A_509 = tpu.memref_slice %arg7[%dma_wait3A_507, %dma_wait3A_508] : memref<64x1024xf32, #tpu.memory_space<vmem>> -> memref<64x256xf32, #tpu.memory_space<vmem>>
    tpu.wait_dma2 semaphore(%arg13 : memref<!tpu.dma_semaphore, #tpu.memory_space<semaphore_mem>>) src(%dma_wait3A_509 : memref<64x256xf32, #tpu.memory_space<vmem>>) dst(%dma_wait3A_506 : memref<64x256xf32, #tpu.memory_space<hbm>>)
    %get3A = arith.constant 0 : i32
    %get3A_510 = arith.index_cast %get3A : i32 to index
    %get3A_511 = arith.constant 0 : index
    %get3A_512 = tpu.vector_load %arg10[%get3A_510, %get3A_511] {strides = array<i32>} : memref<16x64xf32, #tpu.memory_space<vmem>>, vector<16xf32>,
    %get3A_513 = arith.constant 1 : i32
    %get3A_514 = arith.index_cast %get3A_513 : i32 to index
    %get3A_515 = arith.constant 0 : index
    %get3A_516 = tpu.vector_load %arg10[%get3A_514, %get3A_515] {strides = array<i32>} : memref<16x64xf32, #tpu.memory_space<vmem>>, vector<16xf32>,
    %add3A_517 = arith.addf %get3A_512, %get3A_516 : vector<16xf32>
    %get3A_518 = arith.constant 2 : i32
    %get3A_519 = arith.index_cast %get3A_518 : i32 to index
    %get3A_520 = arith.constant 0 : index
    %get3A_521 = tpu.vector_load %arg10[%get3A_519, %get3A_520] {strides = array<i32>} : memref<16x64xf32, #tpu.memory_space<vmem>>, vector<16xf32>,
    %add3A_522 = arith.addf %add3A_517, %get3A_521 : vector<16xf32>
    %get3A_523 = arith.constant 3 : i32
    %get3A_524 = arith.index_cast %get3A_523 : i32 to index
    %get3A_525 = arith.constant 0 : index
    %get3A_526 = tpu.vector_load %arg10[%get3A_524, %get3A_525] {strides = array<i32>} : memref<16x64xf32, #tpu.memory_space<vmem>>, vector<16xf32>,
    %add3A_527 = arith.addf %add3A_522, %get3A_526 : vector<16xf32>
    %get3A_528 = arith.constant 4 : i32
    %get3A_529 = arith.index_cast %get3A_528 : i32 to index
    %get3A_530 = arith.constant 0 : index
    %get3A_531 = tpu.vector_load %arg10[%get3A_529, %get3A_530] {strides = array<i32>} : memref<16x64xf32, #tpu.memory_space<vmem>>, vector<16xf32>,
    %add3A_532 = arith.addf %add3A_527, %get3A_531 : vector<16xf32>
    %get3A_533 = arith.constant 5 : i32
    %get3A_534 = arith.index_cast %get3A_533 : i32 to index
    %get3A_535 = arith.constant 0 : index
    %get3A_536 = tpu.vector_load %arg10[%get3A_534, %get3A_535] {strides = array<i32>} : memref<16x64xf32, #tpu.memory_space<vmem>>, vector<16xf32>,
    %add3A_537 = arith.addf %add3A_532, %get3A_536 : vector<16xf32>
    %get3A_538 = arith.constant 6 : i32
    %get3A_539 = arith.index_cast %get3A_538 : i32 to index
    %get3A_540 = arith.constant 0 : index
    %get3A_541 = tpu.vector_load %arg10[%get3A_539, %get3A_540] {strides = array<i32>} : memref<16x64xf32, #tpu.memory_space<vmem>>, vector<16xf32>,
    %add3A_542 = arith.addf %add3A_537, %get3A_541 : vector<16xf32>
    %get3A_543 = arith.constant 7 : i32
    %get3A_544 = arith.index_cast %get3A_543 : i32 to index
    %get3A_545 = arith.constant 0 : index
    %get3A_546 = tpu.vector_load %arg10[%get3A_544, %get3A_545] {strides = array<i32>} : memref<16x64xf32, #tpu.memory_space<vmem>>, vector<16xf32>,
    %add3A_547 = arith.addf %add3A_542, %get3A_546 : vector<16xf32>
    %get3A_548 = arith.constant 8 : i32
    %get3A_549 = arith.index_cast %get3A_548 : i32 to index
    %get3A_550 = arith.constant 0 : index
    %get3A_551 = tpu.vector_load %arg10[%get3A_549, %get3A_550] {strides = array<i32>} : memref<16x64xf32, #tpu.memory_space<vmem>>, vector<16xf32>,
    %add3A_552 = arith.addf %add3A_547, %get3A_551 : vector<16xf32>
    %get3A_553 = arith.constant 9 : i32
    %get3A_554 = arith.index_cast %get3A_553 : i32 to index
    %get3A_555 = arith.constant 0 : index
    %get3A_556 = tpu.vector_load %arg10[%get3A_554, %get3A_555] {strides = array<i32>} : memref<16x64xf32, #tpu.memory_space<vmem>>, vector<16xf32>,
    %add3A_557 = arith.addf %add3A_552, %get3A_556 : vector<16xf32>
    %get3A_558 = arith.constant 10 : i32
    %get3A_559 = arith.index_cast %get3A_558 : i32 to index
    %get3A_560 = arith.constant 0 : index
    %get3A_561 = tpu.vector_load %arg10[%get3A_559, %get3A_560] {strides = array<i32>} : memref<16x64xf32, #tpu.memory_space<vmem>>, vector<16xf32>,
    %add3A_562 = arith.addf %add3A_557, %get3A_561 : vector<16xf32>
    %get3A_563 = arith.constant 11 : i32
    %get3A_564 = arith.index_cast %get3A_563 : i32 to index
    %get3A_565 = arith.constant 0 : index
    %get3A_566 = tpu.vector_load %arg10[%get3A_564, %get3A_565] {strides = array<i32>} : memref<16x64xf32, #tpu.memory_space<vmem>>, vector<16xf32>,
    %add3A_567 = arith.addf %add3A_562, %get3A_566 : vector<16xf32>
    %get3A_568 = arith.constant 12 : i32
    %get3A_569 = arith.index_cast %get3A_568 : i32 to index
    %get3A_570 = arith.constant 0 : index
    %get3A_571 = tpu.vector_load %arg10[%get3A_569, %get3A_570] {strides = array<i32>} : memref<16x64xf32, #tpu.memory_space<vmem>>, vector<16xf32>,
    %add3A_572 = arith.addf %add3A_567, %get3A_571 : vector<16xf32>
    %get3A_573 = arith.constant 13 : i32
    %get3A_574 = arith.index_cast %get3A_573 : i32 to index
    %get3A_575 = arith.constant 0 : index
    %get3A_576 = tpu.vector_load %arg10[%get3A_574, %get3A_575] {strides = array<i32>} : memref<16x64xf32, #tpu.memory_space<vmem>>, vector<16xf32>,
    %add3A_577 = arith.addf %add3A_572, %get3A_576 : vector<16xf32>
    %get3A_578 = arith.constant 14 : i32
    %get3A_579 = arith.index_cast %get3A_578 : i32 to index
    %get3A_580 = arith.constant 0 : index
    %get3A_581 = tpu.vector_load %arg10[%get3A_579, %get3A_580] {strides = array<i32>} : memref<16x64xf32, #tpu.memory_space<vmem>>, vector<16xf32>,
    %add3A_582 = arith.addf %add3A_577, %get3A_581 : vector<16xf32>
    %get3A_583 = arith.constant 15 : i32
    %get3A_584 = arith.index_cast %get3A_583 : i32 to index
    %get3A_585 = arith.constant 0 : index
    %get3A_586 = tpu.vector_load %arg10[%get3A_584, %get3A_585] {strides = array<i32>} : memref<16x64xf32, #tpu.memory_space<vmem>>, vector<16xf32>,
    %add3A_587 = arith.addf %add3A_582, %get3A_586 : vector<16xf32>
    %swap3A_588 = arith.constant 0 : index
    %swap3A_589 = tpu.vector_load %arg11[%swap3A_588] {strides = array<i32>} : memref<64xf32, #tpu.memory_space<vmem>>, vector<16xf32>,
    tpu.vector_store %arg11[%swap3A_588], %add3A_587 {strides = array<i32>} : memref<64xf32, #tpu.memory_space<vmem>>, vector<16xf32>,
    %get3A_590 = arith.constant 0 : i32
    %get3A_591 = arith.index_cast %get3A_590 : i32 to index
    %get3A_592 = arith.constant 16 : index
    %get3A_593 = tpu.vector_load %arg10[%get3A_591, %get3A_592] {strides = array<i32>} : memref<16x64xf32, #tpu.memory_space<vmem>>, vector<16xf32>,
    %get3A_594 = arith.constant 1 : i32
    %get3A_595 = arith.index_cast %get3A_594 : i32 to index
    %get3A_596 = arith.constant 16 : index
    %get3A_597 = tpu.vector_load %arg10[%get3A_595, %get3A_596] {strides = array<i32>} : memref<16x64xf32, #tpu.memory_space<vmem>>, vector<16xf32>,
    %add3A_598 = arith.addf %get3A_593, %get3A_597 : vector<16xf32>
    %get3A_599 = arith.constant 2 : i32
    %get3A_600 = arith.index_cast %get3A_599 : i32 to index
    %get3A_601 = arith.constant 16 : index
    %get3A_602 = tpu.vector_load %arg10[%get3A_600, %get3A_601] {strides = array<i32>} : memref<16x64xf32, #tpu.memory_space<vmem>>, vector<16xf32>,
    %add3A_603 = arith.addf %add3A_598, %get3A_602 : vector<16xf32>
    %get3A_604 = arith.constant 3 : i32
    %get3A_605 = arith.index_cast %get3A_604 : i32 to index
    %get3A_606 = arith.constant 16 : index
    %get3A_607 = tpu.vector_load %arg10[%get3A_605, %get3A_606] {strides = array<i32>} : memref<16x64xf32, #tpu.memory_space<vmem>>, vector<16xf32>,
    %add3A_608 = arith.addf %add3A_603, %get3A_607 : vector<16xf32>
    %get3A_609 = arith.constant 4 : i32
    %get3A_610 = arith.index_cast %get3A_609 : i32 to index
    %get3A_611 = arith.constant 16 : index
    %get3A_612 = tpu.vector_load %arg10[%get3A_610, %get3A_611] {strides = array<i32>} : memref<16x64xf32, #tpu.memory_space<vmem>>, vector<16xf32>,
    %add3A_613 = arith.addf %add3A_608, %get3A_612 : vector<16xf32>
    %get3A_614 = arith.constant 5 : i32
    %get3A_615 = arith.index_cast %get3A_614 : i32 to index
    %get3A_616 = arith.constant 16 : index
    %get3A_617 = tpu.vector_load %arg10[%get3A_615, %get3A_616] {strides = array<i32>} : memref<16x64xf32, #tpu.memory_space<vmem>>, vector<16xf32>,
    %add3A_618 = arith.addf %add3A_613, %get3A_617 : vector<16xf32>
    %get3A_619 = arith.constant 6 : i32
    %get3A_620 = arith.index_cast %get3A_619 : i32 to index
    %get3A_621 = arith.constant 16 : index
    %get3A_622 = tpu.vector_load %arg10[%get3A_620, %get3A_621] {strides = array<i32>} : memref<16x64xf32, #tpu.memory_space<vmem>>, vector<16xf32>,
    %add3A_623 = arith.addf %add3A_618, %get3A_622 : vector<16xf32>
    %get3A_624 = arith.constant 7 : i32
    %get3A_625 = arith.index_cast %get3A_624 : i32 to index
    %get3A_626 = arith.constant 16 : index
    %get3A_627 = tpu.vector_load %arg10[%get3A_625, %get3A_626] {strides = array<i32>} : memref<16x64xf32, #tpu.memory_space<vmem>>, vector<16xf32>,
    %add3A_628 = arith.addf %add3A_623, %get3A_627 : vector<16xf32>
    %get3A_629 = arith.constant 8 : i32
    %get3A_630 = arith.index_cast %get3A_629 : i32 to index
    %get3A_631 = arith.constant 16 : index
    %get3A_632 = tpu.vector_load %arg10[%get3A_630, %get3A_631] {strides = array<i32>} : memref<16x64xf32, #tpu.memory_space<vmem>>, vector<16xf32>,
    %add3A_633 = arith.addf %add3A_628, %get3A_632 : vector<16xf32>
    %get3A_634 = arith.constant 9 : i32
    %get3A_635 = arith.index_cast %get3A_634 : i32 to index
    %get3A_636 = arith.constant 16 : index
    %get3A_637 = tpu.vector_load %arg10[%get3A_635, %get3A_636] {strides = array<i32>} : memref<16x64xf32, #tpu.memory_space<vmem>>, vector<16xf32>,
    %add3A_638 = arith.addf %add3A_633, %get3A_637 : vector<16xf32>
    %get3A_639 = arith.constant 10 : i32
    %get3A_640 = arith.index_cast %get3A_639 : i32 to index
    %get3A_641 = arith.constant 16 : index
    %get3A_642 = tpu.vector_load %arg10[%get3A_640, %get3A_641] {strides = array<i32>} : memref<16x64xf32, #tpu.memory_space<vmem>>, vector<16xf32>,
    %add3A_643 = arith.addf %add3A_638, %get3A_642 : vector<16xf32>
    %get3A_644 = arith.constant 11 : i32
    %get3A_645 = arith.index_cast %get3A_644 : i32 to index
    %get3A_646 = arith.constant 16 : index
    %get3A_647 = tpu.vector_load %arg10[%get3A_645, %get3A_646] {strides = array<i32>} : memref<16x64xf32, #tpu.memory_space<vmem>>, vector<16xf32>,
    %add3A_648 = arith.addf %add3A_643, %get3A_647 : vector<16xf32>
    %get3A_649 = arith.constant 12 : i32
    %get3A_650 = arith.index_cast %get3A_649 : i32 to index
    %get3A_651 = arith.constant 16 : index
    %get3A_652 = tpu.vector_load %arg10[%get3A_650, %get3A_651] {strides = array<i32>} : memref<16x64xf32, #tpu.memory_space<vmem>>, vector<16xf32>,
    %add3A_653 = arith.addf %add3A_648, %get3A_652 : vector<16xf32>
    %get3A_654 = arith.constant 13 : i32
    %get3A_655 = arith.index_cast %get3A_654 : i32 to index
    %get3A_656 = arith.constant 16 : index
    %get3A_657 = tpu.vector_load %arg10[%get3A_655, %get3A_656] {strides = array<i32>} : memref<16x64xf32, #tpu.memory_space<vmem>>, vector<16xf32>,
    %add3A_658 = arith.addf %add3A_653, %get3A_657 : vector<16xf32>
    %get3A_659 = arith.constant 14 : i32
    %get3A_660 = arith.index_cast %get3A_659 : i32 to index
    %get3A_661 = arith.constant 16 : index
    %get3A_662 = tpu.vector_load %arg10[%get3A_660, %get3A_661] {strides = array<i32>} : memref<16x64xf32, #tpu.memory_space<vmem>>, vector<16xf32>,
    %add3A_663 = arith.addf %add3A_658, %get3A_662 : vector<16xf32>
    %get3A_664 = arith.constant 15 : i32
    %get3A_665 = arith.index_cast %get3A_664 : i32 to index
    %get3A_666 = arith.constant 16 : index
    %get3A_667 = tpu.vector_load %arg10[%get3A_665, %get3A_666] {strides = array<i32>} : memref<16x64xf32, #tpu.memory_space<vmem>>, vector<16xf32>,
    %add3A_668 = arith.addf %add3A_663, %get3A_667 : vector<16xf32>
    %swap3A_669 = arith.constant 16 : index
    %swap3A_670 = tpu.vector_load %arg11[%swap3A_669] {strides = array<i32>} : memref<64xf32, #tpu.memory_space<vmem>>, vector<16xf32>,
    tpu.vector_store %arg11[%swap3A_669], %add3A_668 {strides = array<i32>} : memref<64xf32, #tpu.memory_space<vmem>>, vector<16xf32>,
    %get3A_671 = arith.constant 0 : i32
    %get3A_672 = arith.index_cast %get3A_671 : i32 to index
    %get3A_673 = arith.constant 32 : index
    %get3A_674 = tpu.vector_load %arg10[%get3A_672, %get3A_673] {strides = array<i32>} : memref<16x64xf32, #tpu.memory_space<vmem>>, vector<16xf32>,
    %get3A_675 = arith.constant 1 : i32
    %get3A_676 = arith.index_cast %get3A_675 : i32 to index
    %get3A_677 = arith.constant 32 : index
    %get3A_678 = tpu.vector_load %arg10[%get3A_676, %get3A_677] {strides = array<i32>} : memref<16x64xf32, #tpu.memory_space<vmem>>, vector<16xf32>,
    %add3A_679 = arith.addf %get3A_674, %get3A_678 : vector<16xf32>
    %get3A_680 = arith.constant 2 : i32
    %get3A_681 = arith.index_cast %get3A_680 : i32 to index
    %get3A_682 = arith.constant 32 : index
    %get3A_683 = tpu.vector_load %arg10[%get3A_681, %get3A_682] {strides = array<i32>} : memref<16x64xf32, #tpu.memory_space<vmem>>, vector<16xf32>,
    %add3A_684 = arith.addf %add3A_679, %get3A_683 : vector<16xf32>
    %get3A_685 = arith.constant 3 : i32
    %get3A_686 = arith.index_cast %get3A_685 : i32 to index
    %get3A_687 = arith.constant 32 : index
    %get3A_688 = tpu.vector_load %arg10[%get3A_686, %get3A_687] {strides = array<i32>} : memref<16x64xf32, #tpu.memory_space<vmem>>, vector<16xf32>,
    %add3A_689 = arith.addf %add3A_684, %get3A_688 : vector<16xf32>
    %get3A_690 = arith.constant 4 : i32
    %get3A_691 = arith.index_cast %get3A_690 : i32 to index
    %get3A_692 = arith.constant 32 : index
    %get3A_693 = tpu.vector_load %arg10[%get3A_691, %get3A_692] {strides = array<i32>} : memref<16x64xf32, #tpu.memory_space<vmem>>, vector<16xf32>,
    %add3A_694 = arith.addf %add3A_689, %get3A_693 : vector<16xf32>
    %get3A_695 = arith.constant 5 : i32
    %get3A_696 = arith.index_cast %get3A_695 : i32 to index
    %get3A_697 = arith.constant 32 : index
    %get3A_698 = tpu.vector_load %arg10[%get3A_696, %get3A_697] {strides = array<i32>} : memref<16x64xf32, #tpu.memory_space<vmem>>, vector<16xf32>,
    %add3A_699 = arith.addf %add3A_694, %get3A_698 : vector<16xf32>
    %get3A_700 = arith.constant 6 : i32
    %get3A_701 = arith.index_cast %get3A_700 : i32 to index
    %get3A_702 = arith.constant 32 : index
    %get3A_703 = tpu.vector_load %arg10[%get3A_701, %get3A_702] {strides = array<i32>} : memref<16x64xf32, #tpu.memory_space<vmem>>, vector<16xf32>,
    %add3A_704 = arith.addf %add3A_699, %get3A_703 : vector<16xf32>
    %get3A_705 = arith.constant 7 : i32
    %get3A_706 = arith.index_cast %get3A_705 : i32 to index
    %get3A_707 = arith.constant 32 : index
    %get3A_708 = tpu.vector_load %arg10[%get3A_706, %get3A_707] {strides = array<i32>} : memref<16x64xf32, #tpu.memory_space<vmem>>, vector<16xf32>,
    %add3A_709 = arith.addf %add3A_704, %get3A_708 : vector<16xf32>
    %get3A_710 = arith.constant 8 : i32
    %get3A_711 = arith.index_cast %get3A_710 : i32 to index
    %get3A_712 = arith.constant 32 : index
    %get3A_713 = tpu.vector_load %arg10[%get3A_711, %get3A_712] {strides = array<i32>} : memref<16x64xf32, #tpu.memory_space<vmem>>, vector<16xf32>,
    %add3A_714 = arith.addf %add3A_709, %get3A_713 : vector<16xf32>
    %get3A_715 = arith.constant 9 : i32
    %get3A_716 = arith.index_cast %get3A_715 : i32 to index
    %get3A_717 = arith.constant 32 : index
    %get3A_718 = tpu.vector_load %arg10[%get3A_716, %get3A_717] {strides = array<i32>} : memref<16x64xf32, #tpu.memory_space<vmem>>, vector<16xf32>,
    %add3A_719 = arith.addf %add3A_714, %get3A_718 : vector<16xf32>
    %get3A_720 = arith.constant 10 : i32
    %get3A_721 = arith.index_cast %get3A_720 : i32 to index
    %get3A_722 = arith.constant 32 : index
    %get3A_723 = tpu.vector_load %arg10[%get3A_721, %get3A_722] {strides = array<i32>} : memref<16x64xf32, #tpu.memory_space<vmem>>, vector<16xf32>,
    %add3A_724 = arith.addf %add3A_719, %get3A_723 : vector<16xf32>
    %get3A_725 = arith.constant 11 : i32
    %get3A_726 = arith.index_cast %get3A_725 : i32 to index
    %get3A_727 = arith.constant 32 : index
    %get3A_728 = tpu.vector_load %arg10[%get3A_726, %get3A_727] {strides = array<i32>} : memref<16x64xf32, #tpu.memory_space<vmem>>, vector<16xf32>,
    %add3A_729 = arith.addf %add3A_724, %get3A_728 : vector<16xf32>
    %get3A_730 = arith.constant 12 : i32
    %get3A_731 = arith.index_cast %get3A_730 : i32 to index
    %get3A_732 = arith.constant 32 : index
    %get3A_733 = tpu.vector_load %arg10[%get3A_731, %get3A_732] {strides = array<i32>} : memref<16x64xf32, #tpu.memory_space<vmem>>, vector<16xf32>,
    %add3A_734 = arith.addf %add3A_729, %get3A_733 : vector<16xf32>
    %get3A_735 = arith.constant 13 : i32
    %get3A_736 = arith.index_cast %get3A_735 : i32 to index
    %get3A_737 = arith.constant 32 : index
    %get3A_738 = tpu.vector_load %arg10[%get3A_736, %get3A_737] {strides = array<i32>} : memref<16x64xf32, #tpu.memory_space<vmem>>, vector<16xf32>,
    %add3A_739 = arith.addf %add3A_734, %get3A_738 : vector<16xf32>
    %get3A_740 = arith.constant 14 : i32
    %get3A_741 = arith.index_cast %get3A_740 : i32 to index
    %get3A_742 = arith.constant 32 : index
    %get3A_743 = tpu.vector_load %arg10[%get3A_741, %get3A_742] {strides = array<i32>} : memref<16x64xf32, #tpu.memory_space<vmem>>, vector<16xf32>,
    %add3A_744 = arith.addf %add3A_739, %get3A_743 : vector<16xf32>
    %get3A_745 = arith.constant 15 : i32
    %get3A_746 = arith.index_cast %get3A_745 : i32 to index
    %get3A_747 = arith.constant 32 : index
    %get3A_748 = tpu.vector_load %arg10[%get3A_746, %get3A_747] {strides = array<i32>} : memref<16x64xf32, #tpu.memory_space<vmem>>, vector<16xf32>,
    %add3A_749 = arith.addf %add3A_744, %get3A_748 : vector<16xf32>
    %swap3A_750 = arith.constant 32 : index
    %swap3A_751 = tpu.vector_load %arg11[%swap3A_750] {strides = array<i32>} : memref<64xf32, #tpu.memory_space<vmem>>, vector<16xf32>,
    tpu.vector_store %arg11[%swap3A_750], %add3A_749 {strides = array<i32>} : memref<64xf32, #tpu.memory_space<vmem>>, vector<16xf32>,
    %get3A_752 = arith.constant 0 : i32
    %get3A_753 = arith.index_cast %get3A_752 : i32 to index
    %get3A_754 = arith.constant 48 : index
    %get3A_755 = tpu.vector_load %arg10[%get3A_753, %get3A_754] {strides = array<i32>} : memref<16x64xf32, #tpu.memory_space<vmem>>, vector<16xf32>,
    %get3A_756 = arith.constant 1 : i32
    %get3A_757 = arith.index_cast %get3A_756 : i32 to index
    %get3A_758 = arith.constant 48 : index
    %get3A_759 = tpu.vector_load %arg10[%get3A_757, %get3A_758] {strides = array<i32>} : memref<16x64xf32, #tpu.memory_space<vmem>>, vector<16xf32>,
    %add3A_760 = arith.addf %get3A_755, %get3A_759 : vector<16xf32>
    %get3A_761 = arith.constant 2 : i32
    %get3A_762 = arith.index_cast %get3A_761 : i32 to index
    %get3A_763 = arith.constant 48 : index
    %get3A_764 = tpu.vector_load %arg10[%get3A_762, %get3A_763] {strides = array<i32>} : memref<16x64xf32, #tpu.memory_space<vmem>>, vector<16xf32>,
    %add3A_765 = arith.addf %add3A_760, %get3A_764 : vector<16xf32>
    %get3A_766 = arith.constant 3 : i32
    %get3A_767 = arith.index_cast %get3A_766 : i32 to index
    %get3A_768 = arith.constant 48 : index
    %get3A_769 = tpu.vector_load %arg10[%get3A_767, %get3A_768] {strides = array<i32>} : memref<16x64xf32, #tpu.memory_space<vmem>>, vector<16xf32>,
    %add3A_770 = arith.addf %add3A_765, %get3A_769 : vector<16xf32>
    %get3A_771 = arith.constant 4 : i32
    %get3A_772 = arith.index_cast %get3A_771 : i32 to index
    %get3A_773 = arith.constant 48 : index
    %get3A_774 = tpu.vector_load %arg10[%get3A_772, %get3A_773] {strides = array<i32>} : memref<16x64xf32, #tpu.memory_space<vmem>>, vector<16xf32>,
    %add3A_775 = arith.addf %add3A_770, %get3A_774 : vector<16xf32>
    %get3A_776 = arith.constant 5 : i32
    %get3A_777 = arith.index_cast %get3A_776 : i32 to index
    %get3A_778 = arith.constant 48 : index
    %get3A_779 = tpu.vector_load %arg10[%get3A_777, %get3A_778] {strides = array<i32>} : memref<16x64xf32, #tpu.memory_space<vmem>>, vector<16xf32>,
    %add3A_780 = arith.addf %add3A_775, %get3A_779 : vector<16xf32>
    %get3A_781 = arith.constant 6 : i32
    %get3A_782 = arith.index_cast %get3A_781 : i32 to index
    %get3A_783 = arith.constant 48 : index
    %get3A_784 = tpu.vector_load %arg10[%get3A_782, %get3A_783] {strides = array<i32>} : memref<16x64xf32, #tpu.memory_space<vmem>>, vector<16xf32>,
    %add3A_785 = arith.addf %add3A_780, %get3A_784 : vector<16xf32>
    %get3A_786 = arith.constant 7 : i32
    %get3A_787 = arith.index_cast %get3A_786 : i32 to index
    %get3A_788 = arith.constant 48 : index
    %get3A_789 = tpu.vector_load %arg10[%get3A_787, %get3A_788] {strides = array<i32>} : memref<16x64xf32, #tpu.memory_space<vmem>>, vector<16xf32>,
    %add3A_790 = arith.addf %add3A_785, %get3A_789 : vector<16xf32>
    %get3A_791 = arith.constant 8 : i32
    %get3A_792 = arith.index_cast %get3A_791 : i32 to index
    %get3A_793 = arith.constant 48 : index
    %get3A_794 = tpu.vector_load %arg10[%get3A_792, %get3A_793] {strides = array<i32>} : memref<16x64xf32, #tpu.memory_space<vmem>>, vector<16xf32>,
    %add3A_795 = arith.addf %add3A_790, %get3A_794 : vector<16xf32>
    %get3A_796 = arith.constant 9 : i32
    %get3A_797 = arith.index_cast %get3A_796 : i32 to index
    %get3A_798 = arith.constant 48 : index
    %get3A_799 = tpu.vector_load %arg10[%get3A_797, %get3A_798] {strides = array<i32>} : memref<16x64xf32, #tpu.memory_space<vmem>>, vector<16xf32>,
    %add3A_800 = arith.addf %add3A_795, %get3A_799 : vector<16xf32>
    %get3A_801 = arith.constant 10 : i32
    %get3A_802 = arith.index_cast %get3A_801 : i32 to index
    %get3A_803 = arith.constant 48 : index
    %get3A_804 = tpu.vector_load %arg10[%get3A_802, %get3A_803] {strides = array<i32>} : memref<16x64xf32, #tpu.memory_space<vmem>>, vector<16xf32>,
    %add3A_805 = arith.addf %add3A_800, %get3A_804 : vector<16xf32>
    %get3A_806 = arith.constant 11 : i32
    %get3A_807 = arith.index_cast %get3A_806 : i32 to index
    %get3A_808 = arith.constant 48 : index
    %get3A_809 = tpu.vector_load %arg10[%get3A_807, %get3A_808] {strides = array<i32>} : memref<16x64xf32, #tpu.memory_space<vmem>>, vector<16xf32>,
    %add3A_810 = arith.addf %add3A_805, %get3A_809 : vector<16xf32>
    %get3A_811 = arith.constant 12 : i32
    %get3A_812 = arith.index_cast %get3A_811 : i32 to index
    %get3A_813 = arith.constant 48 : index
    %get3A_814 = tpu.vector_load %arg10[%get3A_812, %get3A_813] {strides = array<i32>} : memref<16x64xf32, #tpu.memory_space<vmem>>, vector<16xf32>,
    %add3A_815 = arith.addf %add3A_810, %get3A_814 : vector<16xf32>
    %get3A_816 = arith.constant 13 : i32
    %get3A_817 = arith.index_cast %get3A_816 : i32 to index
    %get3A_818 = arith.constant 48 : index
    %get3A_819 = tpu.vector_load %arg10[%get3A_817, %get3A_818] {strides = array<i32>} : memref<16x64xf32, #tpu.memory_space<vmem>>, vector<16xf32>,
    %add3A_820 = arith.addf %add3A_815, %get3A_819 : vector<16xf32>
    %get3A_821 = arith.constant 14 : i32
    %get3A_822 = arith.index_cast %get3A_821 : i32 to index
    %get3A_823 = arith.constant 48 : index
    %get3A_824 = tpu.vector_load %arg10[%get3A_822, %get3A_823] {strides = array<i32>} : memref<16x64xf32, #tpu.memory_space<vmem>>, vector<16xf32>,
    %add3A_825 = arith.addf %add3A_820, %get3A_824 : vector<16xf32>
    %get3A_826 = arith.constant 15 : i32
    %get3A_827 = arith.index_cast %get3A_826 : i32 to index
    %get3A_828 = arith.constant 48 : index
    %get3A_829 = tpu.vector_load %arg10[%get3A_827, %get3A_828] {strides = array<i32>} : memref<16x64xf32, #tpu.memory_space<vmem>>, vector<16xf32>,
    %add3A_830 = arith.addf %add3A_825, %get3A_829 : vector<16xf32>
    %swap3A_831 = arith.constant 48 : index
    %swap3A_832 = tpu.vector_load %arg11[%swap3A_831] {strides = array<i32>} : memref<64xf32, #tpu.memory_space<vmem>>, vector<16xf32>,
    tpu.vector_store %arg11[%swap3A_831], %add3A_830 {strides = array<i32>} : memref<64xf32, #tpu.memory_space<vmem>>, vector<16xf32>,
    "tpu.region"() ({
      %run_scoped3A = tpu.sem_alloc : memref<!tpu.dma_semaphore, #tpu.memory_space<semaphore_mem>>
      %dma_start3A_833 = arith.constant 0 : i32
      %dma_start3A_834 = tpu.memref_slice %arg6[%add3A, %dma_start3A_833] : memref<32x64xf32, #tpu.memory_space<hbm>> -> memref<1x64xf32, #tpu.memory_space<hbm>>
      %dma_start3A_835 = tpu.memref_squeeze %dma_start3A_834 : memref<1x64xf32, #tpu.memory_space<hbm>> -> memref<64xf32, #tpu.memory_space<hbm>>
      %dma_start3A_836 = arith.constant 0 : i32
      %dma_start3A_837 = tpu.memref_slice %arg6[%add3A, %dma_start3A_836] : memref<32x64xf32, #tpu.memory_space<hbm>> -> memref<1x64xf32, #tpu.memory_space<hbm>>
      %dma_start3A_838 = tpu.memref_squeeze %dma_start3A_837 : memref<1x64xf32, #tpu.memory_space<hbm>> -> memref<64xf32, #tpu.memory_space<hbm>>
      tpu.enqueue_dma source(%arg11 : memref<64xf32, #tpu.memory_space<vmem>>) target(%dma_start3A_838 : memref<64xf32, #tpu.memory_space<hbm>>) target_semaphore(%run_scoped3A : memref<!tpu.dma_semaphore, #tpu.memory_space<semaphore_mem>>)
      %dma_wait3A_839 = arith.constant 0 : i32
      %dma_wait3A_840 = tpu.memref_slice %arg6[%add3A, %dma_wait3A_839] : memref<32x64xf32, #tpu.memory_space<hbm>> -> memref<1x64xf32, #tpu.memory_space<hbm>>
      %dma_wait3A_841 = tpu.memref_squeeze %dma_wait3A_840 : memref<1x64xf32, #tpu.memory_space<hbm>> -> memref<64xf32, #tpu.memory_space<hbm>>
      %dma_wait3A_842 = arith.constant 0 : i32
      %dma_wait3A_843 = tpu.memref_slice %arg6[%add3A, %dma_wait3A_842] : memref<32x64xf32, #tpu.memory_space<hbm>> -> memref<1x64xf32, #tpu.memory_space<hbm>>
      %dma_wait3A_844 = tpu.memref_squeeze %dma_wait3A_843 : memref<1x64xf32, #tpu.memory_space<hbm>> -> memref<64xf32, #tpu.memory_space<hbm>>
      tpu.wait_dma2 semaphore(%run_scoped3A : memref<!tpu.dma_semaphore, #tpu.memory_space<semaphore_mem>>) src(%arg11 : memref<64xf32, #tpu.memory_space<vmem>>) dst(%dma_wait3A_844 : memref<64xf32, #tpu.memory_space<hbm>>)
      tpu.yield
    }) : () -> ()
    return
  }
}

module attributes {stable_mosaic.version = 14 : i64} {
  func.func @_hist_reduce_body(%arg0: memref<32x64xf32, #tpu.memory_space<vmem>>, %arg1: memref<1x64xf32, #tpu.memory_space<vmem>>) attributes {dimension_semantics = [], scalar_prefetch = 0 : i64, scratch_operands = 0 : i64, tpu.core_type = #tpu.core_type<tc>} {
    %get3A = arith.constant 0 : index
    %get3A_0 = arith.constant 0 : index
    %get3A_1 = vector.load %arg0[%get3A, %get3A_0] : memref<32x64xf32, #tpu.memory_space<vmem>>, vector<32x64xf32>
    %reduce_sum3A = arith.constant dense<0.000000e+00> : vector<64xf32>
    %reduce_sum3A_2 = vector.multi_reduction <add>, %get3A_1, %reduce_sum3A [0] : vector<32x64xf32> to vector<64xf32>
    %broadcast_in_dim3A = vector.shape_cast %reduce_sum3A_2 : vector<64xf32> to vector<1x64xf32>
    %swap3A = arith.constant 0 : index
    %swap3A_3 = arith.constant 0 : index
    %swap3A_4 = vector.load %arg1[%swap3A, %swap3A_3] : memref<1x64xf32, #tpu.memory_space<vmem>>, vector<1x64xf32>
    tpu.vector_store %arg1[%swap3A, %swap3A_3], %broadcast_in_dim3A {strides = array<i32>} : memref<1x64xf32, #tpu.memory_space<vmem>>, vector<1x64xf32>,
    return
  }
}

</mosaic_0001>

<sc_bundles>
// kernel: kernel.4.cloned.1.call-start
scs
__scs_entry_jumppad:
0x0: {  	(pc) =	sbr.rel $0x88, $3  }
0x1: {  	(tag) =	ssettag $0x0;
	lr =	simm.s32 $0x1  }
0x2: {  	[smem:$0x3FA0] =	sst lr;
	_ =	strace $0xD0000000  }
0x3: {  	_ = 	snop  }
0x4: {  	_ = 	snop  }
0x5: {  	_ = 	snop  }
0x6: {  	_ = 	snop  }
0x7: {  	_ = 	snop  }
__scs_overlays_trampoline_lowered:
0x8: {  	[smem:$0x3FAF] =	sst s0  }
0x9: {  	[smem:$0x3FB0] =	sst s1  }
0xa: {  	[smem:$0x3FB1] =	sst s2  }
0xb: {  	[smem:$0x3FB2] =	sst s3  }
0xc: {  	[smem:$0x3FB3] =	sst s4  }
0xd: {  	[smem:$0x3FB4] =	sst s5  }
0xe: {  	[smem:$0x3FB5] =	sst s6  }
0xf: {  	[smem:$0x3FB6] =	sst s7  }
0x10: {  	[smem:$0x3FB7] =	sst s8  }
0x11: {  	[smem:$0x3FB8] =	sst s9;
	s0 =	simm.s32 @!p0 $0x0  }
0x12: {  	s1 =	sld [smem:$0x3F9E];
	s0 =	simm.s32 @p0 $0x1  }
0x13: {  	[smem:$0x3FB9] =	sst s0;
	s0 =	simm.s32 @!p1 $0x0  }
0x14: {  	s2 =	sld [smem:$0x3F9D];
	s0 =	simm.s32 @p1 $0x1  }
0x15: {  	[smem:$0x3FBA] =	sst s0;
	s0 =	simm.s32 @!p2 $0x0  }
0x16: {  	s3 =	sld [smem:$0x3FDB];
	s0 =	simm.s32 @p2 $0x1  }
0x17: {  	s4 =	simm.s32 $0x1BF5;
	[smem:$0x3FBC] =	sst s0  }
0x18: {  	s0 =	sld [smem:$0x3F9F];
	_ =	swait.ge [sflag:s4], $0x0  }
0x19: {  	s7 =	sld [smem:$0x3FA0]  }
0x1a: {  	s8 =	sadd.s32 $0xFFFFE003, lr  }
0x1b: {  	s9 =	sadd.s32 $0xFFFFFEF7, lr;
	s5 =	simm.s32 $0xFFFFFFFF;
	p2 =	slt.u32 s8, $0xFFFFF086  }
0x1c: {  	p1 =	slt.u32 s9, $0xF7A;
	s5 =	simm.s32 @!p2 $0x0  }
0x1d: {  	s5 =	simm.s32 @p1 $0x1;
	p0 =	seq.s32 s7, s2  }
0x1e: {  	s7 =	smul.u32 @!p0 $0xF7A, s2;
	p2 =	seq.s32 @!p0 s5, $0x0  }
0x1f: {  	s9 =	smul.u32 $0xF7A, s1;
	s8 =	simm.s32 @!p0 $0x1BF5;
	p2 =	por !p2, p0  }
0x20: {  	[sflag:s8] =	ssyncset.s32 @!p0 $0xFFFFF086;
	s6 =	sadd.s32 @!p0 s3, s7;
	s7 =	simm.s32 @!p0 $0x108  }
0x21: {  	s3 =	sadd.s32 s3, s9;
	s6 =	sadd.s32 @!p0 $0x88, s6;
	s7 =	simm.s32 @p2 $0x1082  }
0x22: {  	[simem:s7], [sflag:s8] =	dma.local @!p0 [hbm:s6], $0xF7A  }
0x23: {  	s9 =	sor.u32 $0xD0000000, s2;
	s6 =	simm.s32 $0x108;
	_ =	swait.ge @!p0 [sflag:s8], $0x0  }
0x24: {  	s3 =	sadd.s32 $0x88, s3;
	s6 =	simm.s32 @!p1 $0x1082;
	[sflag:s4] =	ssyncset.s32 $0xFFFFF086  }
0x25: {  	[simem:s6], [sflag:s4] =	dma.local [hbm:s3], $0xF7A  }
0x26: {  	[smem:$0x3FA0] =	sst s1;
	(tag) =	ssettag s2;
	_ =	strace s9  }
0x27: {  	s1 =	sld [smem:$0x3FB0]  }
0x28: {  	s2 =	sld [smem:$0x3FB1]  }
0x29: {  	s4 =	sld [smem:$0x3FB3]  }
0x2a: {  	p0 =	seq.s32 s5, $0x0;
	s5 =	sld [smem:$0x3FB4]  }
0x2b: {  	s6 =	sld [smem:$0x3FB5]  }
0x2c: {  	s7 =	sld [smem:$0x3FB6]  }
0x2d: {  	s3 =	simm.s32 $0x108;
	s8 =	sld [smem:$0x3FB7]  }
0x2e: {  	s3 =	simm.s32 @!p0 $0x1082;
	s9 =	sld [smem:$0x3FB8]  }
0x2f: {  	lr =	sadd.s32 s0, s3;
	s0 =	sld [smem:$0x3FAF]  }
0x30: {  	s3 =	sld [smem:$0x3FB2]  }
0x31: {  	[smem:$0x3FBB] =	sst s10  }
0x32: {  	s10 =	sld [smem:$0x3FB9];
	_ =	sdelay $0x3  }
0x33: {  	p0 =	seq.s32 s10, $0x1;
	s10 =	sld [smem:$0x3FBB];
	_ =	sdelay $0x3  }
0x34: {  	[smem:$0x3FBB] =	sst s10  }
0x35: {  	s10 =	sld [smem:$0x3FBA];
	_ =	sdelay $0x3  }
0x36: {  	p1 =	seq.s32 s10, $0x1;
	s10 =	sld [smem:$0x3FBB];
	_ =	sdelay $0x3  }
0x37: {  	[smem:$0x3FBB] =	sst s10  }
0x38: {  	s10 =	sld [smem:$0x3FBC]  }
0x39: {  	_ = 	snop;
	(pc) =	sbr.ind lr, $3  }
0x3a: {  	_ = 	snop  }
0x3b: {  	_ = 	snop  }
0x3c: {  	p2 =	seq.s32 s10, $0x1;
	s10 =	sld [smem:$0x3FBB]  }
0x3d: {  	_ =	shalt  }
0x3e: {  	_ =	shalt  }
0x3f: {  	_ =	shalt  }
0x40: {  	_ =	shalt  }
0x41: {  	_ =	shalt  }
0x42: {  	_ =	shalt  }
0x43: {  	_ =	shalt  }
0x44: {  	_ =	shalt  }
0x45: {  	_ =	shalt  }
0x46: {  	_ =	shalt  }
0x47: {  	_ =	shalt  }
0x48: {  	_ =	shalt  }
0x49: {  	_ =	shalt  }
0x4a: {  	_ =	shalt  }
0x4b: {  	_ =	shalt  }
0x4c: {  	_ =	shalt  }
0x4d: {  	_ =	shalt  }
0x4e: {  	_ =	shalt  }
0x4f: {  	_ =	shalt  }
0x50: {  	_ =	shalt  }
0x51: {  	_ =	shalt  }
0x52: {  	_ =	shalt  }
0x53: {  	_ =	shalt  }
0x54: {  	_ =	shalt  }
0x55: {  	_ =	shalt  }
0x56: {  	_ =	shalt  }
0x57: {  	_ =	shalt  }
0x58: {  	_ =	shalt  }
0x59: {  	_ =	shalt  }
0x5a: {  	_ =	shalt  }
0x5b: {  	_ =	shalt  }
0x5c: {  	_ =	shalt  }
0x5d: {  	_ =	shalt  }
0x5e: {  	_ =	shalt  }
0x5f: {  	_ =	shalt  }
0x60: {  	_ =	shalt  }
0x61: {  	_ =	shalt  }
0x62: {  	_ =	shalt  }
0x63: {  	_ =	shalt  }
0x64: {  	_ =	shalt  }
0x65: {  	_ =	shalt  }
0x66: {  	_ =	shalt  }
0x67: {  	_ =	shalt  }
0x68: {  	_ =	shalt  }
0x69: {  	_ =	shalt  }
0x6a: {  	_ =	shalt  }
0x6b: {  	_ =	shalt  }
0x6c: {  	_ =	shalt  }
0x6d: {  	_ =	shalt  }
0x6e: {  	_ =	shalt  }
0x6f: {  	_ =	shalt  }
0x70: {  	_ =	shalt  }
0x71: {  	_ =	shalt  }
0x72: {  	_ =	shalt  }
0x73: {  	_ =	shalt  }
0x74: {  	_ =	shalt  }
0x75: {  	_ =	shalt  }
0x76: {  	_ =	shalt  }
0x77: {  	_ =	shalt  }
0x78: {  	_ =	shalt  }
0x79: {  	_ =	shalt  }
0x7a: {  	_ =	shalt  }
0x7b: {  	_ =	shalt  }
0x7c: {  	_ =	shalt  }
0x7d: {  	_ =	shalt  }
0x7e: {  	_ =	shalt  }
0x7f: {  	_ =	shalt  }
0x80: {  	_ =	shalt  }
0x81: {  	_ =	shalt  }
0x82: {  	_ =	shalt  }
0x83: {  	_ =	shalt  }
0x84: {  	_ =	shalt  }
0x85: {  	_ =	shalt  }
0x86: {  	_ =	shalt  }
0x87: {  	_ =	shalt  }
.Lfunc_end0:
.L_simem_size_0:
called_computation_lowered:
.L_overlay_start_0:
0x88: {  	s2 =	sld [smem:$0x3FD9]  }
0x89: {  	s3 =	sld [smem:$0x3FFE];
	_ =	sdelay $0x1  }
0x8a: {  	s1 =	srdreg.scid  }
0x8b: {  	s0 =	sand.u32 $0x1, s1  }
0x8c: {  	s14 =	sshll.u32 s0, $0xA;
	s2 =	sadd.s32 s3, s2  }
0x8d: {  	s2 =	sadd.s32 s2, s14  }
0x8e: {  	[smem:$0x3FC7] =	sst s2  }
0x8f: {  	_ = 	snop  }
0x90: {  	s2 =	sld [smem:$0x3FD0];
	_ =	sdelay $0x2  }
0x91: {  	s4 =	simm.s32 $0xA;
	s5 =	simm.s32 $0x10;
	s15 =	sld [smem:$0x3FC9]  }
0x92: {  	[smem:s5], [sflag:s4] =	dma.local [hbm:s2], $0x1  }
0x93: {  	_ =	swait.eq [sflag:s4], $0x1  }
0x94: {  	s16 =	sld [smem:$0x10];
	[sflag:s4] =	ssyncset.done $0x0  }
0x95: {  	s17 =	sld [smem:$0x11];
	[sflag:s4] =	ssyncadd.s32 $0xFFFFFFFF  }
0x96: {  	s18 =	sld [smem:$0x12];
	(tm) =	ssettm $0x1  }
0x97: {  	s6 =	sld [smem:$0x3FFB];
	_ =	sdelay $0x3  }
0x98: {  	_ =	strace s6  }
0x99: {  	s6 =	sld [smem:$0x3FFC];
	_ =	sdelay $0x3  }
0x9a: {  	_ =	strace s6  }
0x9b: {  	s6 =	sld [smem:$0x3FFD];
	_ =	sdelay $0x3  }
0x9c: {  	_ =	strace s6  }
0x9d: {  	_ =	strace $0x8FFFFFFF  }
0x9e: {  	s19 =	sld [smem:$0x3FDB];
	_ =	sdelay $0x1  }
0x9f: {  	s7 =	simm.s32 $_scs_section_size  }
0xa0: {  	s8 =	simm.s32 $_size__tile_overlayer_lowered;
	s9 =	simm.s32 $_tile_overlayer_lowered  }
0xa1: {  	s22 =	simm.s32 $0x1BFF;
	s21 =	sshll.u32 s9, $0x1;
	s6 =	sadd.s32 s7, s19  }
0xa2: {  	s10 =	simm.s32 $0x0;
	s20 =	sshll.u32 s8, $0x1;
	s8 =	sadd.s32 s21, s6  }
0xa3: {  	[timem:s10], [sflag:s22] =	dma.local [hbm:s8], s20  }
0xa4: {  	_ =	swait.ge [sflag:s22], s20  }
0xa5: {  	s7 =	ssub.s32 $0x0, s20;
	[sflag:s22] =	ssyncset.done $0x0  }
0xa6: {  	[sflag:s22] =	ssyncadd.s32 s7;
	_ =	sdelay $0x1  }
0xa7: {  	s23 =	simm.s32 $0x1B8B  }
0xa8: {  	_ =	swait.ge [sflag:s23], $0x1  }
0xa9: {  	[sflag:s23] =	ssyncset.done $0x0  }
0xaa: {  	s25 =	simm.s32 $0x1B8E;
	s24 =	sld [smem:$0x3FFE];
	[sflag:s23] =	ssyncadd.s32 $0xFFFFFFFF  }
0xab: {  	s26 =	simm.s32 $execute0_lowered;
	[smem:$0x3FD2] =	sst s25  }
0xac: {  	s8 =	sshll.u32 s26, $0x1;
	_ =	strace $0x80000046;
	[dreg:$0x1] =	wrdreg $0xFFFFFFFF  }
0xad: {  	s28 =	simm.s32 $_size_execute0_lowered;
	s6 =	sadd.s32 s6, s8;
	[dreg:$0x0] =	wrdreg $0x0  }
0xae: {  	s8 =	sshll.u32 s28, $0x1;
	[dreg:$0x2] =	wrdreg s6  }
0xaf: {  	[dreg:$0x3] =	wrdreg s8  }
0xb0: {  	[dreg:$0x4] =	wrdreg $0xC0  }
0xb1: {  	_ =	task [dreg:s10], $0x5FFFF  }
0xb2: {  	[dreg:$0x1] =	wrdreg $0xFFFFFFFF  }
0xb3: {  	[dreg:$0x0] =	wrdreg $0x60  }
0xb4: {  	[dreg:$0x2] =	wrdreg s15  }
0xb5: {  	[dreg:$0x3] =	wrdreg s16  }
0xb6: {  	[dreg:$0x4] =	wrdreg s17  }
0xb7: {  	[dreg:$0x5] =	wrdreg s18  }
0xb8: {  	[dreg:$0x6] =	wrdreg s24  }
0xb9: {  	[dreg:$0x7] =	wrdreg $0x9  }
0xba: {  	_ =	task.clear_ibuf [dreg:s10], $0x8FFFF;
	_ =	strace $0x90000046  }
0xbb: {  	s29 =	simm.s32 $0x9;
	_ =	strace $0x80000048  }
0xbc: {  	_ =	swait.ge [sflag:s29], $0x1  }
0xbd: {  	[sflag:s29] =	ssyncadd.s32 $0xFFFFFFFF  }
0xbe: {  	_ =	strace $0x90000048  }
0xbf: {  	_ =	sfence  }
0xc0: {  	s30 =	sld [smem:$0x0];
	_ =	sdelay $0x2  }
0xc1: {  	s31 =	sshll.u32 s1, $0xD;
	s1 =	sshrl.u32 s1, $0x2  }
0xc2: {  	s3 =	sand.u32 $0x4000, s31;
	s1 =	sadd.s32 s1, s30  }
0xc3: {  	s0 =	sor.u32 s3, s0;
	s1 =	sshll.u32 s1, $0x11  }
0xc4: {  	s0 =	sor.u32 s1, s0  }
0xc5: {  	s0 =	sadd.s32 $0x8F2B, s0  }
0xc6: {  	[sflag:s0] =	ssyncadd.remote.s32 $0x1  }
0xc7: {  	_ =	sfence.sel $0xFFFF  }
0xc8: {  	[dreg:$0x0] =	wrdreg $0xFFFFFFFF;
	(pc) =	sbr.abs _section_cstart, $3  }
0xc9: {  	[dreg:$0x1] =	wrdreg $0xFFFFFFFF  }
0xca: {  	_ =	task.clear_ibuf [dreg:s10], $0x2FFFF;
	_ =	strace $0x9FFFFFFF  }
0xcb: {  	(tm) =	ssettm $0x7FFFFFFF  }
tec
execute0_lowered:
.L_overlay_start_1:
0x0: {  	(tag) =	ssettag $0x1  }
0x1: {  	s0 =	rddreg [dreg:$0x0]  }
0x2: {  	s1 =	rddreg [dreg:$0x1]  }
0x3: {  	s2 =	rddreg [dreg:$0x2]  }
0x4: {  	s5 =	rddreg [dreg:$0x3]  }
0x5: {  	s4 =	rddreg [dreg:$0x4]  }
0x6: {  	s6 =	srdreg.scid;
	s7 =	stileid.u32  }
0x7: {  	s3 =	simm.s32 $0x0;
	s6 =	sand.u32 $0x1, s6;
	s7 =	sshll.u32 s7, $0x1  }
0x8: {  	[smem:$0x7FF] =	sst s3;
	s7 =	sor.u32 s6, s7  }
0x9: {  	_ =	strace $0x80000047;
	s6 =	ssub.s32 $0x2, s6;
	s12 =	sshll.u32 s7, $0xA  }
0xa: {  	s8 =	sshll.u32 s7, $0x4;
	s9 =	sshrl.u32 s6, $0x1;
	s21 =	sadd.s32 s2, s12  }
0xb: {  	s13 =	sadd.s32 s8, s4;
	s22 =	sadd.s32 s5, s12;
	[dreg:$0x6] =	wrdreg s21  }
0xc: {  	s14 =	ssub.s32 s6, s9;
	[dreg:$0x7] =	wrdreg s22;
	s23 =	sadd.s32 $0xA00, s13  }
0xd: {  	s4 =	sadd.s32 s0, s12;
	s24 =	smax.u32 s14, $0x1;
	[dreg:$0x8] =	wrdreg s23  }
0xe: {  	s25 =	sadd.s32 $0x8000, s4;
	[dreg:$0x9] =	wrdreg s24  }
0xf: {  	s26 =	sadd.s32 $0x10000, s4;
	[dreg:$0xa] =	wrdreg s25  }
0x10: {  	s29 =	sadd.s32 $0x18000, s4;
	[dreg:$0xb] =	wrdreg s26  }
0x11: {  	s18 =	sor.u32 $0x100, s12;
	s30 =	sadd.s32 $0x20000, s4;
	[dreg:$0xc] =	wrdreg s29  }
0x12: {  	s6 =	sor.u32 $0x200, s12;
	s31 =	sadd.s32 $0x28000, s4;
	[dreg:$0xd] =	wrdreg s30  }
0x13: {  	s7 =	sor.u32 $0x300, s12;
	s2 =	sadd.s32 $0x30000, s4;
	[dreg:$0xe] =	wrdreg s31  }
0x14: {  	s8 =	sadd.s32 s0, s18;
	s5 =	sadd.s32 $0x38000, s4;
	[dreg:$0xf] =	wrdreg s2  }
0x15: {  	s11 =	sadd.s32 s1, s12;
	[dreg:$0x10] =	wrdreg s5;
	s12 =	sadd.s32 $0x8000, s8  }
0x16: {  	s13 =	sadd.s32 $0x10000, s8;
	[dreg:$0x11] =	wrdreg s12  }
0x17: {  	s14 =	sadd.s32 $0x18000, s8;
	[dreg:$0x12] =	wrdreg s13  }
0x18: {  	s15 =	sadd.s32 $0x20000, s8;
	[dreg:$0x13] =	wrdreg s14  }
0x19: {  	s16 =	sadd.s32 $0x28000, s8;
	[dreg:$0x14] =	wrdreg s15  }
0x1a: {  	s17 =	sadd.s32 $0x30000, s8;
	[dreg:$0x15] =	wrdreg s16  }
0x1b: {  	s9 =	sadd.s32 s0, s6;
	s19 =	sadd.s32 $0x38000, s8;
	[dreg:$0x16] =	wrdreg s17  }
0x1c: {  	s20 =	sadd.s32 $0x8000, s9;
	[dreg:$0x17] =	wrdreg s19  }
0x1d: {  	s21 =	sadd.s32 $0x10000, s9;
	[dreg:$0x18] =	wrdreg s20  }
0x1e: {  	s22 =	sadd.s32 $0x18000, s9;
	[dreg:$0x19] =	wrdreg s21  }
0x1f: {  	s23 =	sadd.s32 $0x20000, s9;
	[dreg:$0x1a] =	wrdreg s22  }
0x20: {  	s24 =	sadd.s32 $0x28000, s9;
	[dreg:$0x1b] =	wrdreg s23  }
0x21: {  	s25 =	sadd.s32 $0x30000, s9;
	[dreg:$0x1c] =	wrdreg s24  }
0x22: {  	s10 =	sadd.s32 s0, s7;
	s26 =	sadd.s32 $0x38000, s9;
	[dreg:$0x1d] =	wrdreg s25  }
0x23: {  	s29 =	sadd.s32 $0x8000, s10;
	[dreg:$0x1e] =	wrdreg s26  }
.Ltmp0:
0x24: {  	s30 =	sadd.s32 $0x10000, s10;
	[dreg:$0x1f] =	wrdreg s29;
	(pc) =	sbr.rel .LBB2_1-.Ltmp0, $4  }
0x25: {  	s28 =	simm.s32 $0x0;
	s31 =	sadd.s32 $0x18000, s10;
	[smem:$0x7FC] =	sst s30  }
0x26: {  	[smem:$0x7FD] =	sst s31;
	s19 =	sadd.s32 $0x20000, s10;
	s20 =	sadd.s32 $0x28000, s10  }
0x27: {  	v0 =	vlaneseq.u32;
	s21 =	sadd.s32 $0x30000, s10;
	s22 =	sadd.s32 $0x38000, s10;
	s24 =	simm.s32 $0x1  }
0x28: {  	v1 =	vimm.f32 $0.0e+00;
	v2 =	vimm.f32 $1.000000000e+00;
	v3 =	vmul.u32 $0x80, v0;
	s23 =	simm.s32 $0x14000;
	s25 =	simm.s32 $0x3;
	s26 =	simm.s32 $0x2  }
.LBB2_10:
0x29: {  	s0 =	rddreg [dreg:$0x6];
	s2 =	simm.s32 $0x10000  }
0x2a: {  	[hbm4b:s0+s3] =	stream.linear.scatter [tilespmem:s2], [sflag:$0x3], $0x2000, $0x38;
	[tilespmem:$0x14880] =	vst v63  }
0x2b: {  	_ =	swait.ge [sflag:s25], $0x2000  }
0x2c: {  	[sflag:s25] =	ssyncset.done $0x0  }
0x2d: {  	s17 =	simm.s32 $0x12000;
	s16 =	rddreg [dreg:$0x7];
	[sflag:s25] =	ssyncadd.s32 $0xFFFFE000  }
0x2e: {  	[hbm4b:s16+s3] =	stream.linear.scatter [tilespmem:s17], [sflag:$0x3], $0x2000, $0x38;
	[tilespmem:$0x14880] =	vst v63  }
0x2f: {  	_ =	swait.ge [sflag:s25], $0x2000  }
0x30: {  	[sflag:s25] =	ssyncset.done $0x0  }
0x31: {  	[sflag:s25] =	ssyncadd.s32 $0xFFFFE000  }
0x32: {  	_ =	swait.ge [sflag:s26], $0x4000  }
0x33: {  	[sflag:s26] =	ssyncset.done $0x0  }
0x34: {  	[sflag:s26] =	ssyncadd.s32 $0xFFFFC000  }
0x35: {  	_ =	swait.ge [sflag:s26], $0x4000  }
0x36: {  	[sflag:s26] =	ssyncset.done $0x0  }
0x37: {  	[sflag:s26] =	ssyncadd.s32 $0xFFFFC000  }
0x38: {  	_ =	swait.ge [sflag:s26], $0x4000  }
0x39: {  	[sflag:s26] =	ssyncset.done $0x0  }
0x3a: {  	[sflag:s26] =	ssyncadd.s32 $0xFFFFC000  }
0x3b: {  	_ =	swait.ge [sflag:s26], $0x4000  }
0x3c: {  	[sflag:s26] =	ssyncset.done $0x0  }
0x3d: {  	[sflag:s26] =	ssyncadd.s32 $0xFFFFC000  }
0x3e: {  	v4 =	vld [tilespmem:$0x14000]  }
0x3f: {  	v5 =	vld [tilespmem:$0x14080]  }
0x40: {  	v6 =	vld [tilespmem:$0x14100]  }
0x41: {  	v7 =	vld [tilespmem:$0x14180]  }
0x42: {  	v8 =	vld [tilespmem:$0x14200]  }
0x43: {  	v9 =	vld [tilespmem:$0x14280]  }
0x44: {  	v10 =	vld [tilespmem:$0x14300]  }
0x45: {  	v11 =	vld [tilespmem:$0x14380]  }
0x46: {  	v12 =	vld [tilespmem:$0x14400]  }
0x47: {  	v13 =	vld [tilespmem:$0x14480]  }
0x48: {  	v14 =	vld [tilespmem:$0x14500]  }
0x49: {  	v15 =	vld [tilespmem:$0x14580]  }
0x4a: {  	v16 =	vld [tilespmem:$0x14600]  }
0x4b: {  	v17 =	vld [tilespmem:$0x14680]  }
0x4c: {  	v18 =	vld [tilespmem:$0x14700]  }
0x4d: {  	v19 =	vld [tilespmem:$0x14780]  }
0x4e: {  	v20 =	vld [tilespmem:$0x14010]  }
0x4f: {  	v21 =	vld [tilespmem:$0x14090]  }
0x50: {  	v22 =	vld [tilespmem:$0x14110]  }
0x51: {  	v23 =	vld [tilespmem:$0x14190]  }
0x52: {  	v24 =	vld [tilespmem:$0x14210]  }
0x53: {  	v25 =	vld [tilespmem:$0x14290]  }
0x54: {  	v26 =	vld [tilespmem:$0x14310]  }
0x55: {  	v27 =	vld [tilespmem:$0x14390]  }
0x56: {  	v28 =	vld [tilespmem:$0x14410]  }
0x57: {  	v29 =	vld [tilespmem:$0x14490]  }
0x58: {  	v30 =	vld [tilespmem:$0x14510]  }
0x59: {  	v31 =	vld [tilespmem:$0x14590]  }
0x5a: {  	v32 =	vld [tilespmem:$0x14610]  }
0x5b: {  	v33 =	vld [tilespmem:$0x14690]  }
0x5c: {  	v34 =	vld [tilespmem:$0x14710]  }
0x5d: {  	v35 =	vld [tilespmem:$0x14790]  }
0x5e: {  	v36 =	vld [tilespmem:$0x14020]  }
0x5f: {  	v37 =	vld [tilespmem:$0x140A0]  }
0x60: {  	v38 =	vld [tilespmem:$0x14030]  }
0x61: {  	v39 =	vld [tilespmem:$0x140B0]  }
0x62: {  	v40 =	vld [tilespmem:$0x14120]  }
0x63: {  	v4 =	vadd.f32 v5, v4;
	v5 =	vld [tilespmem:$0x14130]  }
0x64: {  	v59 =	vld [tilespmem:$0x141A0];
	v20 =	vadd.f32 v21, v20  }
0x65: {  	v61 =	vld [tilespmem:$0x141B0];
	v60 =	vadd.f32 v37, v36;
	v4 =	vadd.f32 v6, v4  }
0x66: {  	v63 =	vld [tilespmem:$0x14220];
	v62 =	vadd.f32 v39, v38;
	v20 =	vadd.f32 v22, v20  }
0x67: {  	v39 =	vld [tilespmem:$0x14230];
	v6 =	vadd.f32 v40, v60;
	v4 =	vadd.f32 v7, v4  }
0x68: {  	v40 =	vld [tilespmem:$0x142A0];
	v20 =	vadd.f32 v23, v20;
	v5 =	vadd.f32 v5, v62  }
0x69: {  	v41 =	vld [tilespmem:$0x142B0];
	v6 =	vadd.f32 v59, v6;
	v4 =	vadd.f32 v8, v4  }
0x6a: {  	v42 =	vld [tilespmem:$0x14320];
	v20 =	vadd.f32 v24, v20;
	v5 =	vadd.f32 v61, v5  }
0x6b: {  	v43 =	vld [tilespmem:$0x14330];
	v6 =	vadd.f32 v63, v6;
	v4 =	vadd.f32 v9, v4  }
0x6c: {  	v44 =	vld [tilespmem:$0x143A0];
	v20 =	vadd.f32 v25, v20;
	v5 =	vadd.f32 v39, v5  }
0x6d: {  	v45 =	vld [tilespmem:$0x143B0];
	v6 =	vadd.f32 v40, v6;
	v4 =	vadd.f32 v10, v4  }
0x6e: {  	v46 =	vld [tilespmem:$0x14420];
	v20 =	vadd.f32 v26, v20;
	v5 =	vadd.f32 v41, v5  }
0x6f: {  	v47 =	vld [tilespmem:$0x14430];
	v6 =	vadd.f32 v42, v6;
	v4 =	vadd.f32 v11, v4  }
0x70: {  	v48 =	vld [tilespmem:$0x144A0];
	v20 =	vadd.f32 v27, v20;
	v5 =	vadd.f32 v43, v5  }
0x71: {  	v49 =	vld [tilespmem:$0x144B0];
	v6 =	vadd.f32 v44, v6;
	v4 =	vadd.f32 v12, v4  }
0x72: {  	v51 =	vld [tilespmem:$0x14520];
	v50 =	vadd.f32 v28, v20;
	v5 =	vadd.f32 v45, v5  }
0x73: {  	v52 =	vld [tilespmem:$0x14530];
	v6 =	vadd.f32 v46, v6;
	v4 =	vadd.f32 v13, v4  }
0x74: {  	v53 =	vld [tilespmem:$0x145A0];
	v12 =	vadd.f32 v29, v50;
	v5 =	vadd.f32 v47, v5  }
0x75: {  	v54 =	vld [tilespmem:$0x145B0];
	v6 =	vadd.f32 v48, v6;
	v4 =	vadd.f32 v14, v4  }
0x76: {  	v55 =	vld [tilespmem:$0x14620];
	v12 =	vadd.f32 v30, v12;
	v5 =	vadd.f32 v49, v5  }
0x77: {  	v56 =	vld [tilespmem:$0x14630];
	v6 =	vadd.f32 v51, v6;
	v4 =	vadd.f32 v15, v4  }
0x78: {  	v57 =	vld [tilespmem:$0x146A0];
	v12 =	vadd.f32 v31, v12;
	v5 =	vadd.f32 v52, v5  }
0x79: {  	v58 =	vld [tilespmem:$0x146B0];
	v6 =	vadd.f32 v53, v6;
	v4 =	vadd.f32 v16, v4  }
0x7a: {  	v59 =	vld [tilespmem:$0x14720];
	v12 =	vadd.f32 v32, v12;
	v5 =	vadd.f32 v54, v5  }
0x7b: {  	v60 =	vld [tilespmem:$0x14730];
	v6 =	vadd.f32 v55, v6;
	v4 =	vadd.f32 v17, v4  }
0x7c: {  	v61 =	vld [tilespmem:$0x147A0];
	v12 =	vadd.f32 v33, v12;
	v5 =	vadd.f32 v56, v5  }
0x7d: {  	v62 =	vld [tilespmem:$0x147B0];
	v6 =	vadd.f32 v57, v6;
	v4 =	vadd.f32 v18, v4  }
0x7e: {  	v12 =	vadd.f32 v34, v12;
	v5 =	vadd.f32 v58, v5  }
0x7f: {  	v6 =	vadd.f32 v59, v6;
	v4 =	vadd.f32 v19, v4  }
0x80: {  	v63 =	vadd.f32 v35, v12;
	v5 =	vadd.f32 v60, v5  }
0x81: {  	[tilespmem:$0x14800] =	vst v4;
	v4 =	vadd.f32 v61, v6  }
0x82: {  	[tilespmem:$0x14810] =	vst v63;
	v5 =	vadd.f32 v62, v5  }
0x83: {  	[tilespmem:$0x14820] =	vst v4  }
0x84: {  	s30 =	simm.s32 $0x14800;
	s29 =	rddreg [dreg:$0x8];
	[tilespmem:$0x14830] =	vst v5  }
0x85: {  	[hbm4b:s29+s3] =	stream.linear.scatter [tilespmem:s30], [sflag:$0x3], $0x80, $0x38;
	[tilespmem:$0x14880] =	vst v63  }
0x86: {  	_ =	swait.ge [sflag:s25], $0x80  }
0x87: {  	s28 =	sadd.s32 $0x1, s28;
	s31 =	rddreg [dreg:$0x9]  }
0x88: {  	p0 =	sne.s32 s28, s31  }
.Ltmp1:
0x89: {  	_ = 	snop;
	(pc) =	sbr.rel @!p0 .LBB2_11-.Ltmp1, $3  }
0x8a: {  	_ =	sdelay $0x1  }
0x8b: {  	[sflag:s25] =	ssyncset.done $0x0  }
0x8c: {  	[sflag:s25] =	ssyncadd.s32 $0xFFFFFF80  }
.LBB2_1:
0x8d: {  	[tilespmem:s3], [sflag:$0x1] =	stream.linear.gather [hbm4b:s4+s3], $0x800, $0x38;
	[tilespmem:$0x14880] =	vst v63  }
0x8e: {  	s0 =	rddreg [dreg:$0xa];
	s2 =	simm.s32 $0x2000  }
0x8f: {  	[tilespmem:s2], [sflag:$0x1] =	stream.linear.gather [hbm4b:s0+s3], $0x800, $0x38;
	[tilespmem:$0x14880] =	vst v63  }
0x90: {  	s12 =	rddreg [dreg:$0xb];
	s5 =	simm.s32 $0x4000  }
0x91: {  	[tilespmem:s5], [sflag:$0x1] =	stream.linear.gather [hbm4b:s12+s3], $0x800, $0x38;
	[tilespmem:$0x14880] =	vst v63  }
0x92: {  	s13 =	rddreg [dreg:$0xc];
	s12 =	simm.s32 $0x6000  }
0x93: {  	[tilespmem:s12], [sflag:$0x1] =	stream.linear.gather [hbm4b:s13+s3], $0x800, $0x38;
	[tilespmem:$0x14880] =	vst v63  }
0x94: {  	s14 =	rddreg [dreg:$0xd];
	s13 =	simm.s32 $0x8000  }
0x95: {  	[tilespmem:s13], [sflag:$0x1] =	stream.linear.gather [hbm4b:s14+s3], $0x800, $0x38;
	[tilespmem:$0x14880] =	vst v63  }
0x96: {  	s15 =	rddreg [dreg:$0xe];
	s14 =	simm.s32 $0xA000  }
0x97: {  	[tilespmem:s14], [sflag:$0x1] =	stream.linear.gather [hbm4b:s15+s3], $0x800, $0x38;
	[tilespmem:$0x14880] =	vst v63  }
0x98: {  	s16 =	rddreg [dreg:$0xf];
	s15 =	simm.s32 $0xC000  }
0x99: {  	[tilespmem:s15], [sflag:$0x1] =	stream.linear.gather [hbm4b:s16+s3], $0x800, $0x38;
	[tilespmem:$0x14880] =	vst v63  }
0x9a: {  	s17 =	rddreg [dreg:$0x10];
	s16 =	simm.s32 $0xE000  }
0x9b: {  	[tilespmem:s16], [sflag:$0x1] =	stream.linear.gather [hbm4b:s17+s3], $0x800, $0x38;
	[tilespmem:$0x14880] =	vst v63  }
0x9c: {  	s17 =	simm.s32 $0x800  }
0x9d: {  	[tilespmem:s17], [sflag:$0x1] =	stream.linear.gather [hbm4b:s8+s3], $0x800, $0x38;
	[tilespmem:$0x14880] =	vst v63  }
0x9e: {  	s0 =	rddreg [dreg:$0x11];
	s17 =	simm.s32 $0x2800  }
0x9f: {  	[tilespmem:s17], [sflag:$0x1] =	stream.linear.gather [hbm4b:s0+s3], $0x800, $0x38;
	[tilespmem:$0x14880] =	vst v63  }
0xa0: {  	s0 =	rddreg [dreg:$0x12];
	s17 =	simm.s32 $0x4800  }
0xa1: {  	[tilespmem:s17], [sflag:$0x1] =	stream.linear.gather [hbm4b:s0+s3], $0x800, $0x38;
	[tilespmem:$0x14880] =	vst v63  }
0xa2: {  	s0 =	rddreg [dreg:$0x13];
	s17 =	simm.s32 $0x6800  }
0xa3: {  	[tilespmem:s17], [sflag:$0x1] =	stream.linear.gather [hbm4b:s0+s3], $0x800, $0x38;
	[tilespmem:$0x14880] =	vst v63  }
0xa4: {  	s0 =	rddreg [dreg:$0x14];
	s17 =	simm.s32 $0x8800  }
0xa5: {  	[tilespmem:s17], [sflag:$0x1] =	stream.linear.gather [hbm4b:s0+s3], $0x800, $0x38;
	[tilespmem:$0x14880] =	vst v63  }
0xa6: {  	s0 =	rddreg [dreg:$0x15];
	s17 =	simm.s32 $0xA800  }
0xa7: {  	[tilespmem:s17], [sflag:$0x1] =	stream.linear.gather [hbm4b:s0+s3], $0x800, $0x38;
	[tilespmem:$0x14880] =	vst v63  }
0xa8: {  	s0 =	rddreg [dreg:$0x16];
	s17 =	simm.s32 $0xC800  }
0xa9: {  	[tilespmem:s17], [sflag:$0x1] =	stream.linear.gather [hbm4b:s0+s3], $0x800, $0x38;
	[tilespmem:$0x14880] =	vst v63  }
0xaa: {  	s0 =	rddreg [dreg:$0x17];
	s17 =	simm.s32 $0xE800  }
0xab: {  	[tilespmem:s17], [sflag:$0x1] =	stream.linear.gather [hbm4b:s0+s3], $0x800, $0x38;
	[tilespmem:$0x14880] =	vst v63  }
0xac: {  	s17 =	simm.s32 $0x1000  }
0xad: {  	[tilespmem:s17], [sflag:$0x1] =	stream.linear.gather [hbm4b:s9+s3], $0x800, $0x38;
	[tilespmem:$0x14880] =	vst v63  }
0xae: {  	s0 =	rddreg [dreg:$0x18];
	s17 =	simm.s32 $0x3000  }
0xaf: {  	[tilespmem:s17], [sflag:$0x1] =	stream.linear.gather [hbm4b:s0+s3], $0x800, $0x38;
	[tilespmem:$0x14880] =	vst v63  }
0xb0: {  	s0 =	rddreg [dreg:$0x19];
	s17 =	simm.s32 $0x5000  }
0xb1: {  	[tilespmem:s17], [sflag:$0x1] =	stream.linear.gather [hbm4b:s0+s3], $0x800, $0x38;
	[tilespmem:$0x14880] =	vst v63  }
0xb2: {  	s0 =	rddreg [dreg:$0x1a];
	s17 =	simm.s32 $0x7000  }
0xb3: {  	[tilespmem:s17], [sflag:$0x1] =	stream.linear.gather [hbm4b:s0+s3], $0x800, $0x38;
	[tilespmem:$0x14880] =	vst v63  }
0xb4: {  	s0 =	rddreg [dreg:$0x1b];
	s17 =	simm.s32 $0x9000  }
0xb5: {  	[tilespmem:s17], [sflag:$0x1] =	stream.linear.gather [hbm4b:s0+s3], $0x800, $0x38;
	[tilespmem:$0x14880] =	vst v63  }
0xb6: {  	s0 =	rddreg [dreg:$0x1c];
	s17 =	simm.s32 $0xB000  }
0xb7: {  	[tilespmem:s17], [sflag:$0x1] =	stream.linear.gather [hbm4b:s0+s3], $0x800, $0x38;
	[tilespmem:$0x14880] =	vst v63  }
0xb8: {  	s0 =	rddreg [dreg:$0x1d];
	s17 =	simm.s32 $0xD000  }
0xb9: {  	[tilespmem:s17], [sflag:$0x1] =	stream.linear.gather [hbm4b:s0+s3], $0x800, $0x38;
	[tilespmem:$0x14880] =	vst v63  }
0xba: {  	s0 =	rddreg [dreg:$0x1e];
	s17 =	simm.s32 $0xF000  }
0xbb: {  	[tilespmem:s17], [sflag:$0x1] =	stream.linear.gather [hbm4b:s0+s3], $0x800, $0x38;
	[tilespmem:$0x14880] =	vst v63  }
0xbc: {  	s17 =	simm.s32 $0x1800  }
0xbd: {  	[tilespmem:s17], [sflag:$0x1] =	stream.linear.gather [hbm4b:s10+s3], $0x800, $0x38;
	[tilespmem:$0x14880] =	vst v63  }
0xbe: {  	s0 =	rddreg [dreg:$0x1f];
	s17 =	simm.s32 $0x3800  }
0xbf: {  	[tilespmem:s17], [sflag:$0x1] =	stream.linear.gather [hbm4b:s0+s3], $0x800, $0x38;
	[tilespmem:$0x14880] =	vst v63  }
0xc0: {  	s0 =	sld [smem:$0x7FC];
	_ =	sdelay $0x1  }
0xc1: {  	s17 =	simm.s32 $0x5800  }
0xc2: {  	[tilespmem:s17], [sflag:$0x1] =	stream.linear.gather [hbm4b:s0+s3], $0x800, $0x38;
	[tilespmem:$0x14880] =	vst v63  }
0xc3: {  	s0 =	sld [smem:$0x7FD];
	_ =	sdelay $0x1  }
0xc4: {  	s17 =	simm.s32 $0x7800  }
0xc5: {  	[tilespmem:s17], [sflag:$0x1] =	stream.linear.gather [hbm4b:s0+s3], $0x800, $0x38;
	[tilespmem:$0x14880] =	vst v63  }
0xc6: {  	s17 =	simm.s32 $0x9800  }
0xc7: {  	[tilespmem:s17], [sflag:$0x1] =	stream.linear.gather [hbm4b:s19+s3], $0x800, $0x38;
	[tilespmem:$0x14880] =	vst v63  }
0xc8: {  	s17 =	simm.s32 $0xB800  }
0xc9: {  	[tilespmem:s17], [sflag:$0x1] =	stream.linear.gather [hbm4b:s20+s3], $0x800, $0x38;
	[tilespmem:$0x14880] =	vst v63  }
0xca: {  	s17 =	simm.s32 $0xD800  }
0xcb: {  	[tilespmem:s17], [sflag:$0x1] =	stream.linear.gather [hbm4b:s21+s3], $0x800, $0x38;
	[tilespmem:$0x14880] =	vst v63  }
0xcc: {  	s17 =	simm.s32 $0xF800  }
0xcd: {  	[tilespmem:s17], [sflag:$0x1] =	stream.linear.gather [hbm4b:s22+s3], $0x800, $0x38;
	[tilespmem:$0x14880] =	vst v63  }
0xce: {  	[tilespmem:$0x14000] =	vst v1  }
0xcf: {  	[tilespmem:$0x14010] =	vst v1  }
0xd0: {  	[tilespmem:$0x14020] =	vst v1  }
0xd1: {  	[tilespmem:$0x14030] =	vst v1  }
0xd2: {  	[tilespmem:$0x14080] =	vst v1  }
0xd3: {  	[tilespmem:$0x14090] =	vst v1  }
0xd4: {  	[tilespmem:$0x140A0] =	vst v1  }
0xd5: {  	[tilespmem:$0x140B0] =	vst v1  }
0xd6: {  	[tilespmem:$0x14100] =	vst v1  }
0xd7: {  	[tilespmem:$0x14110] =	vst v1  }
0xd8: {  	[tilespmem:$0x14120] =	vst v1  }
0xd9: {  	[tilespmem:$0x14130] =	vst v1  }
0xda: {  	[tilespmem:$0x14180] =	vst v1  }
0xdb: {  	[tilespmem:$0x14190] =	vst v1  }
0xdc: {  	[tilespmem:$0x141A0] =	vst v1  }
0xdd: {  	[tilespmem:$0x141B0] =	vst v1  }
0xde: {  	[tilespmem:$0x14200] =	vst v1  }
0xdf: {  	[tilespmem:$0x14210] =	vst v1  }
0xe0: {  	[tilespmem:$0x14220] =	vst v1  }
0xe1: {  	[tilespmem:$0x14230] =	vst v1  }
0xe2: {  	[tilespmem:$0x14280] =	vst v1  }
0xe3: {  	[tilespmem:$0x14290] =	vst v1  }
0xe4: {  	[tilespmem:$0x142A0] =	vst v1  }
0xe5: {  	[tilespmem:$0x142B0] =	vst v1  }
0xe6: {  	[tilespmem:$0x14300] =	vst v1  }
0xe7: {  	[tilespmem:$0x14310] =	vst v1  }
0xe8: {  	[tilespmem:$0x14320] =	vst v1  }
0xe9: {  	[tilespmem:$0x14330] =	vst v1  }
0xea: {  	[tilespmem:$0x14380] =	vst v1  }
0xeb: {  	[tilespmem:$0x14390] =	vst v1  }
0xec: {  	[tilespmem:$0x143A0] =	vst v1  }
0xed: {  	[tilespmem:$0x143B0] =	vst v1  }
0xee: {  	[tilespmem:$0x14400] =	vst v1  }
0xef: {  	[tilespmem:$0x14410] =	vst v1  }
0xf0: {  	[tilespmem:$0x14420] =	vst v1  }
0xf1: {  	[tilespmem:$0x14430] =	vst v1  }
0xf2: {  	[tilespmem:$0x14480] =	vst v1  }
0xf3: {  	[tilespmem:$0x14490] =	vst v1  }
0xf4: {  	[tilespmem:$0x144A0] =	vst v1  }
0xf5: {  	[tilespmem:$0x144B0] =	vst v1  }
0xf6: {  	[tilespmem:$0x14500] =	vst v1  }
0xf7: {  	[tilespmem:$0x14510] =	vst v1  }
0xf8: {  	[tilespmem:$0x14520] =	vst v1  }
0xf9: {  	[tilespmem:$0x14530] =	vst v1  }
0xfa: {  	[tilespmem:$0x14580] =	vst v1  }
0xfb: {  	[tilespmem:$0x14590] =	vst v1  }
0xfc: {  	[tilespmem:$0x145A0] =	vst v1  }
0xfd: {  	[tilespmem:$0x145B0] =	vst v1  }
0xfe: {  	[tilespmem:$0x14600] =	vst v1  }
0xff: {  	[tilespmem:$0x14610] =	vst v1  }
0x100: {  	[tilespmem:$0x14620] =	vst v1  }
0x101: {  	[tilespmem:$0x14630] =	vst v1  }
0x102: {  	[tilespmem:$0x14680] =	vst v1  }
0x103: {  	[tilespmem:$0x14690] =	vst v1  }
0x104: {  	[tilespmem:$0x146A0] =	vst v1  }
0x105: {  	[tilespmem:$0x146B0] =	vst v1  }
0x106: {  	[tilespmem:$0x14700] =	vst v1  }
0x107: {  	[tilespmem:$0x14710] =	vst v1  }
0x108: {  	[tilespmem:$0x14720] =	vst v1  }
0x109: {  	[tilespmem:$0x14730] =	vst v1  }
0x10a: {  	[tilespmem:$0x14780] =	vst v1  }
0x10b: {  	[tilespmem:$0x14790] =	vst v1  }
0x10c: {  	[tilespmem:$0x147A0] =	vst v1  }
0x10d: {  	[tilespmem:$0x147B0] =	vst v1  }
0x10e: {  	_ =	swait.ge [sflag:s24], $0x4000  }
0x10f: {  	[sflag:s24] =	ssyncset.done $0x0  }
0x110: {  	[sflag:s24] =	ssyncadd.s32 $0xFFFFC000  }
0x111: {  	[hbm4b:s11+s3] =	stream.linear.scatter [tilespmem:s3], [sflag:$0x2], $0x800, $0x38;
	[tilespmem:$0x14880] =	vst v63  }
0x112: {  	s17 =	sadd.s32 $0x8000, s11  }
0x113: {  	[hbm4b:s17+s3] =	stream.linear.scatter [tilespmem:s2], [sflag:$0x2], $0x800, $0x38;
	[tilespmem:$0x14880] =	vst v63  }
0x114: {  	s2 =	sadd.s32 $0x10000, s11  }
0x115: {  	[hbm4b:s2+s3] =	stream.linear.scatter [tilespmem:s5], [sflag:$0x2], $0x800, $0x38;
	[tilespmem:$0x14880] =	vst v63  }
0x116: {  	s5 =	sadd.s32 $0x18000, s11  }
0x117: {  	[hbm4b:s5+s3] =	stream.linear.scatter [tilespmem:s12], [sflag:$0x2], $0x800, $0x38;
	[tilespmem:$0x14880] =	vst v63  }
0x118: {  	s12 =	sadd.s32 $0x20000, s11  }
0x119: {  	[hbm4b:s12+s3] =	stream.linear.scatter [tilespmem:s13], [sflag:$0x2], $0x800, $0x38;
	[tilespmem:$0x14880] =	vst v63  }
0x11a: {  	s13 =	sadd.s32 $0x28000, s11  }
0x11b: {  	[hbm4b:s13+s3] =	stream.linear.scatter [tilespmem:s14], [sflag:$0x2], $0x800, $0x38;
	[tilespmem:$0x14880] =	vst v63  }
.Ltmp2:
0x11c: {  	_ = 	snop;
	(pc) =	sbr.rel .LBB2_2-.Ltmp2, $4  }
0x11d: {  	s29 =	simm.s32 $0x0;
	s14 =	sadd.s32 $0x30000, s11  }
0x11e: {  	[hbm4b:s14+s3] =	stream.linear.scatter [tilespmem:s15], [sflag:$0x2], $0x800, $0x38;
	[tilespmem:$0x14880] =	vst v63  }
0x11f: {  	s30 =	simm.s32 $0x0;
	s31 =	simm.s32 $0x0;
	s17 =	sadd.s32 $0x38000, s11  }
0x120: {  	[hbm4b:s17+s3] =	stream.linear.scatter [tilespmem:s16], [sflag:$0x2], $0x800, $0x38;
	[tilespmem:$0x14880] =	vst v63  }
.LBB2_7:
0x121: {  	s0 =	simm.s32 $0xF800;
	s2 =	simm.s32 $0xD800;
	s12 =	simm.s32 $0xB800  }
0x122: {  	s13 =	simm.s32 $0x9800;
	s14 =	simm.s32 $0x7800;
	s15 =	simm.s32 $0x5800  }
0x123: {  	s16 =	simm.s32 $0x3800;
	s17 =	simm.s32 $0x1800;
	s5 =	smov.u32 s7  }
.LBB2_8:
0x124: {  	_ =	swait.ge [sflag:s24], $0x4000  }
0x125: {  	[sflag:s24] =	ssyncset.done $0x0  }
0x126: {  	s5 =	sadd.s32 s1, s5;
	[sflag:s24] =	ssyncadd.s32 $0xFFFFC000  }
0x127: {  	[hbm4b:s5+s3] =	stream.linear.scatter [tilespmem:s17], [sflag:$0x2], $0x800, $0x38;
	[tilespmem:$0x14880] =	vst v63  }
0x128: {  	s17 =	sadd.s32 $0x8000, s5  }
0x129: {  	[hbm4b:s17+s3] =	stream.linear.scatter [tilespmem:s16], [sflag:$0x2], $0x800, $0x38;
	[tilespmem:$0x14880] =	vst v63  }
0x12a: {  	s17 =	sadd.s32 $0x10000, s5  }
0x12b: {  	[hbm4b:s17+s3] =	stream.linear.scatter [tilespmem:s15], [sflag:$0x2], $0x800, $0x38;
	[tilespmem:$0x14880] =	vst v63  }
0x12c: {  	s16 =	sadd.s32 $0x18000, s5  }
0x12d: {  	[hbm4b:s16+s3] =	stream.linear.scatter [tilespmem:s14], [sflag:$0x2], $0x800, $0x38;
	[tilespmem:$0x14880] =	vst v63  }
0x12e: {  	s17 =	sadd.s32 $0x20000, s5  }
0x12f: {  	[hbm4b:s17+s3] =	stream.linear.scatter [tilespmem:s13], [sflag:$0x2], $0x800, $0x38;
	[tilespmem:$0x14880] =	vst v63  }
0x130: {  	s15 =	sadd.s32 $0x28000, s5  }
0x131: {  	[hbm4b:s15+s3] =	stream.linear.scatter [tilespmem:s12], [sflag:$0x2], $0x800, $0x38;
	[tilespmem:$0x14880] =	vst v63  }
0x132: {  	s16 =	sadd.s32 $0x30000, s5  }
0x133: {  	[hbm4b:s16+s3] =	stream.linear.scatter [tilespmem:s2], [sflag:$0x2], $0x800, $0x38;
	[tilespmem:$0x14880] =	vst v63  }
0x134: {  	s17 =	sadd.s32 $0x38000, s5  }
0x135: {  	[hbm4b:s17+s3] =	stream.linear.scatter [tilespmem:s0], [sflag:$0x2], $0x800, $0x38;
	[tilespmem:$0x14880] =	vst v63  }
.LBB2_9:
0x136: {  	s0 =	sand.u32 $0x70, s30;
	s2 =	sand.u32 $0x1C00, s29  }
0x137: {  	s0 =	sor.u32 s0, s2  }
0x138: {  	v4 =	vld [tilespmem:s0+$0x80]  }
0x139: {  	v5 =	vld [tilespmem:s0+$0x0]  }
0x13a: {  	v6 =	vld [tilespmem:s0+$0x100]  }
0x13b: {  	s17 =	sor.u32 s29, s30;
	v8 =	vld [tilespmem:s0+$0x180]  }
0x13c: {  	s2 =	sor.u32 $0x380, s17;
	v28 =	vld [tilespmem:s0+$0x280]  }
0x13d: {  	v38 =	vld [tilespmem:s2+$0x0]  }
0x13e: {  	v44 =	vld [tilespmem:s0+$0x2000]  }
0x13f: {  	v53 =	vld [tilespmem:s0+$0x2080];
	_ =	sdelay $0x1  }
0x140: {  	v7 =	vand.u32 $0xFFFFFFC0, v4  }
0x141: {  	v4 =	vmov s30;
	v9 =	vand.u32 $0xFFFFFFC0, v5;
	v5 =	vor.u32 s30, v0  }
0x142: {  	v6 =	vand.u32 $0xFFFFFFC0, v6;
	v25 =	vand.u32 $0xFFFFFFC0, v8;
	v33 =	vand.u32 $0xFFFFFFC0, v28  }
0x143: {  	v42 =	vand.u32 $0xFFFFFFC0, v38;
	v51 =	vand.u32 $0xFFFFFFC0, v44;
	v59 =	vand.u32 $0xFFFFFFC0, v53  }
0x144: {  	v24 =	vld [tilespmem:s0+$0x200];
	v7 =	vor.u32 $0x1, v7;
	v10 =	vmin.f32 v9, $-Inf;
	v6 =	vor.u32 $0x2, v6  }
0x145: {  	v34 =	vld [tilespmem:s0+$0x300];
	v62 =	vor.u32 $0x9, v59;
	v4 =	vshll.u32 v4, $0x3;
	v5 =	vand.u32 $0x7F, v5  }
0x146: {  	v60 =	vld [tilespmem:s0+$0x2100];
	v11 =	vmin.f32 v9, v7;
	v7 =	vmax.f32 v9, v7;
	v4 =	vand.u32 $0x1C00, v4  }
0x147: {  	v23 =	vmin.f32 v10, v11;
	v11 =	vmax.f32 v10, v11;
	v12 =	vmax.f32 v7, v6  }
0x148: {  	v6 =	vmin.f32 v7, v6;
	v7 =	vor.u32 $0x3, v25;
	v9 =	vmax.f32 v10, v23  }
0x149: {  	v26 =	vmax.f32 v11, v6;
	v6 =	vmin.f32 v11, v6;
	v13 =	vmin.f32 v12, v7  }
0x14a: {  	v7 =	vmax.f32 v12, v7;
	v10 =	vand.u32 $0xFFFFFFC0, v24;
	v12 =	vand.u32 $0xFFFFFFC0, v34  }
0x14b: {  	v24 =	vand.u32 $0xFFFFFFC0, v60;
	v11 =	vmax.f32 v9, v6;
	v6 =	vmin.f32 v9, v6  }
0x14c: {  	v27 =	vmin.f32 v26, v13;
	v8 =	vmax.f32 v26, v13;
	v10 =	vor.u32 $0x4, v10  }
0x14d: {  	v12 =	vor.u32 $0x6, v12;
	v26 =	vor.u32 $0xA, v24;
	v6 =	vmax.f32 v9, v6  }
0x14e: {  	v29 =	vmin.f32 v11, v27;
	v9 =	vmax.f32 v11, v27;
	v31 =	vmin.f32 v7, v10  }
0x14f: {  	v7 =	vmax.f32 v7, v10;
	v30 =	vmin.f32 v6, v29;
	v13 =	vmax.f32 v6, v29  }
0x150: {  	v32 =	vmax.f32 v8, v31;
	v8 =	vmin.f32 v8, v31;
	v6 =	vmax.f32 v6, v30  }
0x151: {  	v11 =	vmax.f32 v9, v8;
	v8 =	vmin.f32 v9, v8;
	v9 =	vor.u32 $0x5, v33  }
0x152: {  	v14 =	vmax.f32 v13, v8;
	v8 =	vmin.f32 v13, v8;
	v15 =	vmin.f32 v7, v9  }
0x153: {  	v7 =	vmax.f32 v7, v9;
	v13 =	vmax.f32 v6, v8;
	v8 =	vmin.f32 v6, v8  }
0x154: {  	v27 =	vld [tilespmem:s0+$0x2180];
	v35 =	vmin.f32 v32, v15;
	v36 =	vmax.f32 v32, v15;
	v16 =	vmin.f32 v7, v12  }
0x155: {  	v7 =	vmax.f32 v7, v12;
	v6 =	vmax.f32 v6, v8;
	v8 =	vmin.f32 v11, v35  }
0x156: {  	v37 =	vmax.f32 v11, v35;
	v11 =	vmax.f32 v14, v8;
	v8 =	vmin.f32 v14, v8  }
0x157: {  	v40 =	vmin.f32 v36, v16;
	v39 =	vmax.f32 v13, v8;
	v8 =	vmin.f32 v13, v8  }
0x158: {  	v9 =	vmax.f32 v36, v16;
	v13 =	vmax.f32 v6, v8;
	v8 =	vmin.f32 v6, v8  }
0x159: {  	v44 =	vld [tilespmem:s0+$0x2280];
	v35 =	vand.u32 $0xFFFFFFC0, v27;
	v6 =	vmax.f32 v6, v8;
	v8 =	vmin.f32 v37, v40  }
0x15a: {  	v41 =	vmax.f32 v37, v40;
	v10 =	vmax.f32 v11, v8;
	v8 =	vmin.f32 v11, v8  }
0x15b: {  	v11 =	vor.u32 $0x7, v42;
	v43 =	vmax.f32 v39, v8;
	v8 =	vmin.f32 v39, v8  }
0x15c: {  	v46 =	vmin.f32 v7, v11;
	v7 =	vmax.f32 v7, v11;
	v45 =	vmax.f32 v13, v8  }
0x15d: {  	v8 =	vmin.f32 v13, v8;
	v18 =	vmin.f32 v9, v46;
	v9 =	vmax.f32 v9, v46  }
0x15e: {  	v13 =	vor.u32 $0x8, v51;
	v51 =	vand.u32 $0xFFFFFFC0, v44;
	v17 =	vmax.f32 v6, v8  }
0x15f: {  	v8 =	vmin.f32 v6, v8;
	v47 =	vmin.f32 v41, v18;
	v48 =	vmax.f32 v41, v18  }
0x160: {  	v20 =	vld [tilespmem:s0+$0x2380];
	v55 =	vmin.f32 v7, v13;
	v7 =	vmax.f32 v7, v13;
	v53 =	vor.u32 $0xD, v51  }
0x161: {  	v37 =	vld [tilespmem:s0+$0x2200];
	v6 =	vmax.f32 v6, v8;
	v49 =	vmin.f32 v10, v47;
	v8 =	vmax.f32 v10, v47  }
0x162: {  	v56 =	vmin.f32 v9, v55;
	v9 =	vmax.f32 v9, v55;
	v21 =	vmin.f32 v7, v62  }
0x163: {  	v7 =	vmax.f32 v7, v62;
	v50 =	vmin.f32 v43, v49;
	v12 =	vmax.f32 v43, v49  }
0x164: {  	v57 =	vmin.f32 v48, v56;
	v11 =	vmax.f32 v48, v56;
	v22 =	vmin.f32 v9, v21  }
0x165: {  	v9 =	vmax.f32 v9, v21;
	v29 =	vmin.f32 v7, v26;
	v7 =	vmax.f32 v7, v26  }
0x166: {  	v43 =	vand.u32 $0xFFFFFFC0, v37;
	v26 =	vand.u32 $0xFFFFFFC0, v20;
	v52 =	vmin.f32 v45, v50  }
0x167: {  	v10 =	vmax.f32 v45, v50;
	v58 =	vmax.f32 v8, v57;
	v8 =	vmin.f32 v8, v57  }
0x168: {  	v23 =	vmax.f32 v11, v22;
	v31 =	vmin.f32 v9, v29;
	v9 =	vmax.f32 v9, v29  }
0x169: {  	v54 =	vmin.f32 v17, v52;
	v13 =	vmax.f32 v12, v8;
	v8 =	vmin.f32 v12, v8  }
0x16a: {  	v14 =	vmax.f32 v17, v52;
	v61 =	vmax.f32 v10, v8;
	v8 =	vmin.f32 v10, v8  }
0x16b: {  	v6 =	vmax.f32 v6, v54;
	v63 =	vmax.f32 v14, v8;
	v8 =	vmin.f32 v14, v8  }
0x16c: {  	v46 =	vor.u32 $0xC, v43;
	v6 =	vmax.f32 v6, v8;
	v8 =	vmin.f32 v11, v22  }
0x16d: {  	v29 =	vor.u32 $0xF, v26;
	v54 =	vld [tilespmem:s0+$0x2300];
	v11 =	vmax.f32 v58, v8;
	v8 =	vmin.f32 v58, v8  }
0x16e: {  	v32 =	vmin.f32 v23, v31;
	v10 =	vmax.f32 v23, v31;
	v25 =	vmax.f32 v13, v8  }
0x16f: {  	v8 =	vmin.f32 v13, v8;
	v33 =	vmin.f32 v11, v32;
	v13 =	vor.u32 $0xB, v35  }
0x170: {  	v28 =	vmax.f32 v61, v8;
	v8 =	vmin.f32 v61, v8;
	v34 =	vmin.f32 v25, v33  }
0x171: {  	v12 =	vmax.f32 v25, v33;
	v39 =	vmin.f32 v7, v13;
	v7 =	vmax.f32 v7, v13  }
0x172: {  	v62 =	vand.u32 $0xFFFFFFC0, v54;
	v30 =	vmax.f32 v63, v8;
	v8 =	vmin.f32 v63, v8  }
0x173: {  	v27 =	vld [tilespmem:s0+$0x4000];
	v36 =	vmin.f32 v28, v34;
	v40 =	vmin.f32 v9, v39;
	v9 =	vmax.f32 v9, v39  }
0x174: {  	v48 =	vmin.f32 v7, v46;
	v7 =	vmax.f32 v7, v46;
	v6 =	vmax.f32 v6, v8  }
0x175: {  	v8 =	vmax.f32 v11, v32;
	v11 =	vmax.f32 v28, v34;
	v38 =	vmin.f32 v30, v36  }
0x176: {  	v14 =	vmax.f32 v30, v36;
	v41 =	vmin.f32 v10, v40;
	v10 =	vmax.f32 v10, v40  }
0x177: {  	v49 =	vmin.f32 v9, v48;
	v9 =	vmax.f32 v9, v48;
	v56 =	vmin.f32 v7, v53  }
0x178: {  	v7 =	vmax.f32 v7, v53;
	v34 =	vand.u32 $0xFFFFFFC0, v27;
	v6 =	vmax.f32 v6, v38  }
0x179: {  	v42 =	vmax.f32 v8, v41;
	v8 =	vmin.f32 v8, v41;
	v50 =	vmax.f32 v10, v49  }
0x17a: {  	v58 =	vmin.f32 v9, v56;
	v13 =	vmax.f32 v12, v8;
	v8 =	vmin.f32 v12, v8  }
0x17b: {  	v9 =	vmax.f32 v9, v56;
	v45 =	vmax.f32 v11, v8;
	v8 =	vmin.f32 v11, v8  }
0x17c: {  	v36 =	vor.u32 $0x10, v34;
	v47 =	vmax.f32 v14, v8;
	v8 =	vmin.f32 v14, v8  }
0x17d: {  	v37 =	vld [tilespmem:s0+$0x4080];
	v59 =	vmin.f32 v50, v58;
	v6 =	vmax.f32 v6, v8;
	v8 =	vmin.f32 v10, v49  }
0x17e: {  	v11 =	vmax.f32 v50, v58;
	v10 =	vmax.f32 v42, v8;
	v8 =	vmin.f32 v42, v8  }
0x17f: {  	v52 =	vmax.f32 v13, v8;
	v8 =	vmin.f32 v13, v8;
	v60 =	vmin.f32 v10, v59  }
0x180: {  	v13 =	vor.u32 $0xE, v62;
	v55 =	vmax.f32 v45, v8;
	v8 =	vmin.f32 v45, v8  }
0x181: {  	v61 =	vmin.f32 v52, v60;
	v12 =	vmax.f32 v52, v60;
	v22 =	vmin.f32 v7, v13  }
0x182: {  	v7 =	vmax.f32 v7, v13;
	v45 =	vand.u32 $0xFFFFFFC0, v37;
	v57 =	vmax.f32 v47, v8  }
0x183: {  	v54 =	vld [tilespmem:s0+$0x4180];
	v8 =	vmin.f32 v47, v8;
	v63 =	vmin.f32 v55, v61;
	v23 =	vmin.f32 v9, v22  }
0x184: {  	v9 =	vmax.f32 v9, v22;
	v31 =	vmin.f32 v7, v29;
	v7 =	vmax.f32 v7, v29  }
0x185: {  	v6 =	vmax.f32 v6, v8;
	v8 =	vmax.f32 v10, v59;
	v10 =	vmax.f32 v55, v61  }
0x186: {  	v21 =	vmin.f32 v57, v63;
	v14 =	vmax.f32 v57, v63;
	v24 =	vmin.f32 v11, v23  }
0x187: {  	v11 =	vmax.f32 v11, v23;
	v32 =	vmin.f32 v9, v31;
	v9 =	vmax.f32 v9, v31  }
0x188: {  	v39 =	vmin.f32 v7, v36;
	v7 =	vmax.f32 v7, v36;
	v61 =	vand.u32 $0xFFFFFFC0, v54  }
0x189: {  	v47 =	vld [tilespmem:s0+$0x4100];
	v6 =	vmax.f32 v6, v21;
	v25 =	vmax.f32 v8, v24;
	v8 =	vmin.f32 v8, v24  }
0x18a: {  	v31 =	vld [tilespmem:s0+$0x4280];
	v33 =	vmax.f32 v11, v32;
	v41 =	vmin.f32 v9, v39;
	v9 =	vmax.f32 v9, v39  }
0x18b: {  	v63 =	vor.u32 $0x13, v61;
	v21 =	vld [tilespmem:s0+$0x4200];
	v13 =	vmax.f32 v12, v8;
	v8 =	vmin.f32 v12, v8  }
0x18c: {  	v42 =	vmin.f32 v33, v41;
	v28 =	vmax.f32 v10, v8;
	v8 =	vmin.f32 v10, v8  }
0x18d: {  	v10 =	vmax.f32 v33, v41;
	v30 =	vmax.f32 v14, v8;
	v8 =	vmin.f32 v14, v8  }
0x18e: {  	v53 =	vand.u32 $0xFFFFFFC0, v47;
	v6 =	vmax.f32 v6, v8;
	v8 =	vmin.f32 v11, v32  }
0x18f: {  	v56 =	vor.u32 $0x12, v53;
	v11 =	vmax.f32 v25, v8;
	v8 =	vmin.f32 v25, v8  }
0x190: {  	v37 =	vand.u32 $0xFFFFFFC0, v31;
	v29 =	vand.u32 $0xFFFFFFC0, v21;
	v35 =	vmax.f32 v13, v8  }
0x191: {  	v8 =	vmin.f32 v13, v8;
	v43 =	vmin.f32 v11, v42;
	v13 =	vor.u32 $0x11, v45  }
0x192: {  	v38 =	vmax.f32 v28, v8;
	v8 =	vmin.f32 v28, v8;
	v44 =	vmin.f32 v35, v43  }
0x193: {  	v12 =	vmax.f32 v35, v43;
	v49 =	vmin.f32 v7, v13;
	v7 =	vmax.f32 v7, v13  }
0x194: {  	v40 =	vmax.f32 v30, v8;
	v8 =	vmin.f32 v30, v8;
	v46 =	vmin.f32 v38, v44  }
0x195: {  	v50 =	vmin.f32 v9, v49;
	v9 =	vmax.f32 v9, v49;
	v58 =	vmin.f32 v7, v56  }
0x196: {  	v7 =	vmax.f32 v7, v56;
	v6 =	vmax.f32 v6, v8;
	v8 =	vmax.f32 v11, v42  }
0x197: {  	v11 =	vmax.f32 v38, v44;
	v48 =	vmin.f32 v40, v46;
	v14 =	vmax.f32 v40, v46  }
0x198: {  	v51 =	vmin.f32 v10, v50;
	v10 =	vmax.f32 v10, v50;
	v59 =	vmin.f32 v9, v58  }
0x199: {  	v9 =	vmax.f32 v9, v58;
	v23 =	vmin.f32 v7, v63;
	v7 =	vmax.f32 v7, v63  }
0x19a: {  	v38 =	vld [tilespmem:s0+$0x4300];
	v40 =	vor.u32 $0x15, v37;
	v6 =	vmax.f32 v6, v48;
	v52 =	vmax.f32 v8, v51  }
0x19b: {  	v58 =	vld [tilespmem:s0+$0x6000];
	v8 =	vmin.f32 v8, v51;
	v60 =	vmax.f32 v10, v59;
	v25 =	vmin.f32 v9, v23  }
0x19c: {  	v9 =	vmax.f32 v9, v23;
	v48 =	vld [tilespmem:s0+$0x4380];
	v13 =	vmax.f32 v12, v8;
	v8 =	vmin.f32 v12, v8  }
0x19d: {  	v26 =	vmin.f32 v60, v25;
	v55 =	vmax.f32 v11, v8;
	v8 =	vmin.f32 v11, v8  }
0x19e: {  	v11 =	vmax.f32 v60, v25;
	v57 =	vmax.f32 v14, v8;
	v8 =	vmin.f32 v14, v8  }
0x19f: {  	v6 =	vmax.f32 v6, v8;
	v8 =	vmin.f32 v10, v59;
	v45 =	vand.u32 $0xFFFFFFC0, v38  }
0x1a0: {  	v20 =	vand.u32 $0xFFFFFFC0, v58;
	v10 =	vmax.f32 v52, v8;
	v8 =	vmin.f32 v52, v8  }
0x1a1: {  	v47 =	vor.u32 $0x16, v45;
	v56 =	vand.u32 $0xFFFFFFC0, v48;
	v23 =	vor.u32 $0x18, v20  }
0x1a2: {  	v62 =	vmax.f32 v13, v8;
	v8 =	vmin.f32 v13, v8;
	v27 =	vmin.f32 v10, v26  }
0x1a3: {  	v13 =	vor.u32 $0x14, v29;
	v22 =	vmax.f32 v55, v8;
	v8 =	vmin.f32 v55, v8  }
0x1a4: {  	v28 =	vmin.f32 v62, v27;
	v12 =	vmax.f32 v62, v27;
	v33 =	vmin.f32 v7, v13  }
0x1a5: {  	v21 =	vld [tilespmem:s0+$0x6080];
	v7 =	vmax.f32 v7, v13;
	v24 =	vmax.f32 v57, v8;
	v8 =	vmin.f32 v57, v8  }
0x1a6: {  	v58 =	vld [tilespmem:s0+$0x6280];
	v30 =	vmin.f32 v22, v28;
	v34 =	vmin.f32 v9, v33;
	v9 =	vmax.f32 v9, v33  }
0x1a7: {  	v42 =	vmin.f32 v7, v40;
	v7 =	vmax.f32 v7, v40;
	v6 =	vmax.f32 v6, v8  }
0x1a8: {  	v8 =	vmax.f32 v10, v26;
	v10 =	vmax.f32 v22, v28;
	v32 =	vmin.f32 v24, v30  }
0x1a9: {  	v14 =	vmax.f32 v24, v30;
	v35 =	vmin.f32 v11, v34;
	v11 =	vmax.f32 v11, v34  }
0x1aa: {  	v43 =	vmin.f32 v9, v42;
	v9 =	vmax.f32 v9, v42;
	v50 =	vmin.f32 v7, v47  }
0x1ab: {  	v7 =	vmax.f32 v7, v47;
	v28 =	vand.u32 $0xFFFFFFC0, v21;
	v21 =	vand.u32 $0xFFFFFFC0, v58  }
0x1ac: {  	v6 =	vmax.f32 v6, v32;
	v36 =	vmax.f32 v8, v35;
	v8 =	vmin.f32 v8, v35  }
0x1ad: {  	v44 =	vmax.f32 v11, v43;
	v13 =	vmax.f32 v12, v8;
	v8 =	vmin.f32 v12, v8  }
0x1ae: {  	v52 =	vmin.f32 v9, v50;
	v39 =	vmax.f32 v10, v8;
	v8 =	vmin.f32 v10, v8  }
0x1af: {  	v9 =	vmax.f32 v9, v50;
	v41 =	vmax.f32 v14, v8;
	v8 =	vmin.f32 v14, v8  }
0x1b0: {  	v31 =	vld [tilespmem:s0+$0x6100];
	v30 =	vor.u32 $0x19, v28;
	v6 =	vmax.f32 v6, v8;
	v8 =	vmin.f32 v11, v43  }
0x1b1: {  	v53 =	vmin.f32 v44, v52;
	v11 =	vmax.f32 v36, v8;
	v8 =	vmin.f32 v36, v8  }
0x1b2: {  	v10 =	vmax.f32 v44, v52;
	v46 =	vmax.f32 v13, v8;
	v8 =	vmin.f32 v13, v8  }
0x1b3: {  	v54 =	vmin.f32 v11, v53;
	v13 =	vor.u32 $0x17, v56;
	v49 =	vmax.f32 v39, v8  }
0x1b4: {  	v8 =	vmin.f32 v39, v8;
	v55 =	vmin.f32 v46, v54;
	v12 =	vmax.f32 v46, v54  }
0x1b5: {  	v60 =	vmin.f32 v7, v13;
	v7 =	vmax.f32 v7, v13;
	v39 =	vand.u32 $0xFFFFFFC0, v31  }
0x1b6: {  	v51 =	vmax.f32 v41, v8;
	v8 =	vmin.f32 v41, v8;
	v57 =	vmin.f32 v49, v55  }
0x1b7: {  	v48 =	vld [tilespmem:s0+$0x6200];
	v61 =	vmin.f32 v9, v60;
	v9 =	vmax.f32 v9, v60;
	v25 =	vmin.f32 v7, v23  }
0x1b8: {  	v7 =	vmax.f32 v7, v23;
	v6 =	vmax.f32 v6, v8;
	v8 =	vmax.f32 v11, v53  }
0x1b9: {  	v11 =	vmax.f32 v49, v55;
	v59 =	vmin.f32 v51, v57;
	v14 =	vmax.f32 v51, v57  }
0x1ba: {  	v62 =	vmin.f32 v10, v61;
	v10 =	vmax.f32 v10, v61;
	v26 =	vmin.f32 v9, v25  }
0x1bb: {  	v9 =	vmax.f32 v9, v25;
	v33 =	vmin.f32 v7, v30;
	v7 =	vmax.f32 v7, v30  }
0x1bc: {  	v55 =	vand.u32 $0xFFFFFFC0, v48;
	v6 =	vmax.f32 v6, v59;
	v63 =	vmax.f32 v8, v62  }
0x1bd: {  	v41 =	vld [tilespmem:s0+$0x6180];
	v8 =	vmin.f32 v8, v62;
	v27 =	vmax.f32 v10, v26;
	v35 =	vmin.f32 v9, v33  }
0x1be: {  	v9 =	vmax.f32 v9, v33;
	v13 =	vmax.f32 v12, v8;
	v8 =	vmin.f32 v12, v8  }
0x1bf: {  	v57 =	vor.u32 $0x1C, v55;
	v22 =	vmax.f32 v11, v8;
	v8 =	vmin.f32 v11, v8  }
0x1c0: {  	v36 =	vmin.f32 v27, v35;
	v24 =	vmax.f32 v14, v8;
	v8 =	vmin.f32 v14, v8  }
0x1c1: {  	v23 =	vld [tilespmem:s0+$0x6300];
	v11 =	vmax.f32 v27, v35;
	v6 =	vmax.f32 v6, v8;
	v8 =	vmin.f32 v10, v26  }
0x1c2: {  	v30 =	vld [tilespmem:s0+$0x6380];
	v47 =	vand.u32 $0xFFFFFFC0, v41;
	v10 =	vmax.f32 v63, v8;
	v8 =	vmin.f32 v63, v8  }
0x1c3: {  	v50 =	vor.u32 $0x1B, v47;
	v29 =	vmax.f32 v13, v8;
	v8 =	vmin.f32 v13, v8  }
0x1c4: {  	v37 =	vmin.f32 v10, v36;
	v13 =	vor.u32 $0x1A, v39;
	v32 =	vmax.f32 v22, v8  }
0x1c5: {  	v8 =	vmin.f32 v22, v8;
	v38 =	vmin.f32 v29, v37;
	v12 =	vmax.f32 v29, v37  }
0x1c6: {  	v43 =	vmin.f32 v7, v13;
	v7 =	vmax.f32 v7, v13;
	v29 =	vand.u32 $0xFFFFFFC0, v23  }
0x1c7: {  	v37 =	vand.u32 $0xFFFFFFC0, v30;
	v34 =	vmax.f32 v24, v8;
	v8 =	vmin.f32 v24, v8  }
0x1c8: {  	v40 =	vmin.f32 v32, v38;
	v44 =	vmin.f32 v9, v43;
	v9 =	vmax.f32 v9, v43  }
0x1c9: {  	v52 =	vmin.f32 v7, v50;
	v7 =	vmax.f32 v7, v50;
	v39 =	vor.u32 $0x1F, v37  }
0x1ca: {  	v6 =	vmax.f32 v6, v8;
	v8 =	vmax.f32 v10, v36;
	v10 =	vmax.f32 v32, v38  }
0x1cb: {  	v42 =	vmin.f32 v34, v40;
	v14 =	vmax.f32 v34, v40;
	v45 =	vmin.f32 v11, v44  }
0x1cc: {  	v11 =	vmax.f32 v11, v44;
	v53 =	vmin.f32 v9, v52;
	v9 =	vmax.f32 v9, v52  }
0x1cd: {  	v60 =	vmin.f32 v7, v57;
	v7 =	vmax.f32 v7, v57;
	v32 =	vor.u32 $0x1E, v29  }
0x1ce: {  	v6 =	vmax.f32 v6, v42;
	v46 =	vmax.f32 v8, v45;
	v8 =	vmin.f32 v8, v45  }
0x1cf: {  	v40 =	vld [tilespmem:s0+$0x8000];
	v54 =	vmax.f32 v11, v53;
	v13 =	vmax.f32 v12, v8;
	v8 =	vmin.f32 v12, v8  }
0x1d0: {  	v62 =	vmin.f32 v9, v60;
	v49 =	vmax.f32 v10, v8;
	v8 =	vmin.f32 v10, v8  }
0x1d1: {  	v9 =	vmax.f32 v9, v60;
	v51 =	vmax.f32 v14, v8;
	v8 =	vmin.f32 v14, v8  }
0x1d2: {  	v50 =	vld [tilespmem:s0+$0x8080];
	v63 =	vmin.f32 v54, v62;
	v6 =	vmax.f32 v6, v8;
	v8 =	vmin.f32 v11, v53  }
0x1d3: {  	v10 =	vmax.f32 v54, v62;
	v11 =	vmax.f32 v46, v8;
	v8 =	vmin.f32 v46, v8  }
0x1d4: {  	v48 =	vand.u32 $0xFFFFFFC0, v40;
	v56 =	vmax.f32 v13, v8;
	v8 =	vmin.f32 v13, v8  }
0x1d5: {  	v19 =	vmin.f32 v11, v63;
	v13 =	vor.u32 $0x1D, v21;
	v59 =	vmax.f32 v49, v8  }
0x1d6: {  	v8 =	vmin.f32 v49, v8;
	v20 =	vmin.f32 v56, v19;
	v12 =	vmax.f32 v56, v19  }
0x1d7: {  	v25 =	vmin.f32 v7, v13;
	v7 =	vmax.f32 v7, v13;
	v56 =	vand.u32 $0xFFFFFFC0, v50  }
0x1d8: {  	v61 =	vmax.f32 v51, v8;
	v8 =	vmin.f32 v51, v8;
	v22 =	vmin.f32 v59, v20  }
0x1d9: {  	v57 =	vld [tilespmem:s0+$0x8100];
	v26 =	vmin.f32 v9, v25;
	v9 =	vmax.f32 v9, v25;
	v34 =	vmin.f32 v7, v32  }
0x1da: {  	v7 =	vmax.f32 v7, v32;
	v6 =	vmax.f32 v6, v8;
	v8 =	vmax.f32 v11, v63  }
0x1db: {  	v11 =	vmax.f32 v59, v20;
	v24 =	vmin.f32 v61, v22;
	v14 =	vmax.f32 v61, v22  }
0x1dc: {  	v27 =	vmin.f32 v10, v26;
	v10 =	vmax.f32 v10, v26;
	v35 =	vmin.f32 v9, v34  }
0x1dd: {  	v9 =	vmax.f32 v9, v34;
	v42 =	vmin.f32 v7, v39;
	v7 =	vmax.f32 v7, v39  }
0x1de: {  	v59 =	vor.u32 $0x21, v56;
	v20 =	vand.u32 $0xFFFFFFC0, v57;
	v6 =	vmax.f32 v6, v24  }
0x1df: {  	v28 =	vmax.f32 v8, v27;
	v8 =	vmin.f32 v8, v27;
	v36 =	vmax.f32 v10, v35  }
0x1e0: {  	v44 =	vmin.f32 v9, v42;
	v13 =	vmax.f32 v12, v8;
	v8 =	vmin.f32 v12, v8  }
0x1e1: {  	v9 =	vmax.f32 v9, v42;
	v31 =	vmax.f32 v11, v8;
	v8 =	vmin.f32 v11, v8  }
0x1e2: {  	v22 =	vor.u32 $0x22, v20;
	v33 =	vmax.f32 v14, v8;
	v8 =	vmin.f32 v14, v8  }
0x1e3: {  	v23 =	vld [tilespmem:s0+$0x8180];
	v45 =	vmin.f32 v36, v44;
	v6 =	vmax.f32 v6, v8;
	v8 =	vmin.f32 v10, v35  }
0x1e4: {  	v11 =	vmax.f32 v36, v44;
	v10 =	vmax.f32 v28, v8;
	v8 =	vmin.f32 v28, v8  }
0x1e5: {  	v38 =	vmax.f32 v13, v8;
	v8 =	vmin.f32 v13, v8;
	v46 =	vmin.f32 v10, v45  }
0x1e6: {  	v13 =	vor.u32 $0x20, v48;
	v41 =	vmax.f32 v31, v8;
	v8 =	vmin.f32 v31, v8  }
0x1e7: {  	v47 =	vmin.f32 v38, v46;
	v12 =	vmax.f32 v38, v46;
	v52 =	vmin.f32 v7, v13  }
0x1e8: {  	v7 =	vmax.f32 v7, v13;
	v31 =	vand.u32 $0xFFFFFFC0, v23;
	v43 =	vmax.f32 v33, v8  }
0x1e9: {  	v40 =	vld [tilespmem:s0+$0x8280];
	v8 =	vmin.f32 v33, v8;
	v49 =	vmin.f32 v41, v47;
	v53 =	vmin.f32 v9, v52  }
0x1ea: {  	v9 =	vmax.f32 v9, v52;
	v61 =	vmin.f32 v7, v59;
	v7 =	vmax.f32 v7, v59  }
0x1eb: {  	v6 =	vmax.f32 v6, v8;
	v8 =	vmax.f32 v10, v45;
	v10 =	vmax.f32 v41, v47  }
0x1ec: {  	v51 =	vmin.f32 v43, v49;
	v14 =	vmax.f32 v43, v49;
	v54 =	vmin.f32 v11, v53  }
0x1ed: {  	v11 =	vmax.f32 v11, v53;
	v62 =	vmin.f32 v9, v61;
	v9 =	vmax.f32 v9, v61  }
0x1ee: {  	v25 =	vmin.f32 v7, v22;
	v7 =	vmax.f32 v7, v22;
	v47 =	vand.u32 $0xFFFFFFC0, v40  }
0x1ef: {  	v33 =	vld [tilespmem:s0+$0x8200];
	v6 =	vmax.f32 v6, v51;
	v55 =	vmax.f32 v8, v54;
	v8 =	vmin.f32 v8, v54  }
0x1f0: {  	v63 =	vmax.f32 v11, v62;
	v27 =	vmin.f32 v9, v25;
	v9 =	vmax.f32 v9, v25  }
0x1f1: {  	v49 =	vor.u32 $0x25, v47;
	v13 =	vmax.f32 v12, v8;
	v8 =	vmin.f32 v12, v8  }
0x1f2: {  	v28 =	vmin.f32 v63, v27;
	v58 =	vmax.f32 v10, v8;
	v8 =	vmin.f32 v10, v8  }
0x1f3: {  	v10 =	vmax.f32 v63, v27;
	v60 =	vmax.f32 v14, v8;
	v8 =	vmin.f32 v14, v8  }
0x1f4: {  	v50 =	vld [tilespmem:s0+$0x8300];
	v39 =	vand.u32 $0xFFFFFFC0, v33;
	v6 =	vmax.f32 v6, v8;
	v8 =	vmin.f32 v11, v62  }
0x1f5: {  	v42 =	vor.u32 $0x24, v39;
	v11 =	vmax.f32 v55, v8;
	v8 =	vmin.f32 v55, v8  }
0x1f6: {  	v21 =	vmax.f32 v13, v8;
	v8 =	vmin.f32 v13, v8;
	v29 =	vmin.f32 v11, v28  }
0x1f7: {  	v13 =	vor.u32 $0x23, v31;
	v24 =	vmax.f32 v58, v8;
	v8 =	vmin.f32 v58, v8  }
0x1f8: {  	v30 =	vmin.f32 v21, v29;
	v12 =	vmax.f32 v21, v29;
	v35 =	vmin.f32 v7, v13  }
0x1f9: {  	v7 =	vmax.f32 v7, v13;
	v58 =	vand.u32 $0xFFFFFFC0, v50;
	v26 =	vmax.f32 v60, v8  }
0x1fa: {  	v23 =	vld [tilespmem:s0+$0xA000];
	v8 =	vmin.f32 v60, v8;
	v32 =	vmin.f32 v24, v30;
	v36 =	vmin.f32 v9, v35  }
0x1fb: {  	v9 =	vmax.f32 v9, v35;
	v44 =	vmin.f32 v7, v42;
	v7 =	vmax.f32 v7, v42  }
0x1fc: {  	v6 =	vmax.f32 v6, v8;
	v8 =	vmax.f32 v11, v28;
	v11 =	vmax.f32 v24, v30  }
0x1fd: {  	v34 =	vmin.f32 v26, v32;
	v14 =	vmax.f32 v26, v32;
	v37 =	vmin.f32 v10, v36  }
0x1fe: {  	v10 =	vmax.f32 v10, v36;
	v45 =	vmin.f32 v9, v44;
	v9 =	vmax.f32 v9, v44  }
0x1ff: {  	v52 =	vmin.f32 v7, v49;
	v7 =	vmax.f32 v7, v49;
	v30 =	vand.u32 $0xFFFFFFC0, v23  }
0x200: {  	v60 =	vld [tilespmem:s0+$0x8380];
	v6 =	vmax.f32 v6, v34;
	v38 =	vmax.f32 v8, v37;
	v8 =	vmin.f32 v8, v37  }
0x201: {  	v46 =	vmax.f32 v10, v45;
	v54 =	vmin.f32 v9, v52;
	v9 =	vmax.f32 v9, v52  }
0x202: {  	v32 =	vor.u32 $0x28, v30;
	v13 =	vmax.f32 v12, v8;
	v8 =	vmin.f32 v12, v8  }
0x203: {  	v55 =	vmin.f32 v46, v54;
	v41 =	vmax.f32 v11, v8;
	v8 =	vmin.f32 v11, v8  }
0x204: {  	v11 =	vmax.f32 v46, v54;
	v43 =	vmax.f32 v14, v8;
	v8 =	vmin.f32 v14, v8  }
0x205: {  	v33 =	vld [tilespmem:s0+$0xA080];
	v22 =	vand.u32 $0xFFFFFFC0, v60;
	v6 =	vmax.f32 v6, v8;
	v8 =	vmin.f32 v10, v45  }
0x206: {  	v25 =	vor.u32 $0x27, v22;
	v10 =	vmax.f32 v38, v8;
	v8 =	vmin.f32 v38, v8  }
0x207: {  	v48 =	vmax.f32 v13, v8;
	v8 =	vmin.f32 v13, v8;
	v56 =	vmin.f32 v10, v55  }
0x208: {  	v13 =	vor.u32 $0x26, v58;
	v51 =	vmax.f32 v41, v8;
	v8 =	vmin.f32 v41, v8  }
0x209: {  	v57 =	vmin.f32 v48, v56;
	v12 =	vmax.f32 v48, v56;
	v62 =	vmin.f32 v7, v13  }
0x20a: {  	v7 =	vmax.f32 v7, v13;
	v41 =	vand.u32 $0xFFFFFFC0, v33;
	v53 =	vmax.f32 v43, v8  }
0x20b: {  	v50 =	vld [tilespmem:s0+$0xA180];
	v8 =	vmin.f32 v43, v8;
	v59 =	vmin.f32 v51, v57;
	v63 =	vmin.f32 v9, v62  }
0x20c: {  	v9 =	vmax.f32 v9, v62;
	v27 =	vmin.f32 v7, v25;
	v7 =	vmax.f32 v7, v25  }
0x20d: {  	v6 =	vmax.f32 v6, v8;
	v8 =	vmax.f32 v10, v55;
	v10 =	vmax.f32 v51, v57  }
0x20e: {  	v61 =	vmin.f32 v53, v59;
	v14 =	vmax.f32 v53, v59;
	v20 =	vmin.f32 v11, v63  }
0x20f: {  	v11 =	vmax.f32 v11, v63;
	v28 =	vmin.f32 v9, v27;
	v9 =	vmax.f32 v9, v27  }
0x210: {  	v35 =	vmin.f32 v7, v32;
	v7 =	vmax.f32 v7, v32;
	v57 =	vand.u32 $0xFFFFFFC0, v50  }
0x211: {  	v43 =	vld [tilespmem:s0+$0xA100];
	v6 =	vmax.f32 v6, v61;
	v21 =	vmax.f32 v8, v20;
	v8 =	vmin.f32 v8, v20  }
0x212: {  	v29 =	vmax.f32 v11, v28;
	v37 =	vmin.f32 v9, v35;
	v9 =	vmax.f32 v9, v35  }
0x213: {  	v59 =	vor.u32 $0x2B, v57;
	v13 =	vmax.f32 v12, v8;
	v8 =	vmin.f32 v12, v8  }
0x214: {  	v38 =	vmin.f32 v29, v37;
	v24 =	vmax.f32 v10, v8;
	v8 =	vmin.f32 v10, v8  }
0x215: {  	v10 =	vmax.f32 v29, v37;
	v26 =	vmax.f32 v14, v8;
	v8 =	vmin.f32 v14, v8  }
0x216: {  	v60 =	vld [tilespmem:s0+$0xA200];
	v49 =	vand.u32 $0xFFFFFFC0, v43;
	v6 =	vmax.f32 v6, v8;
	v8 =	vmin.f32 v11, v28  }
0x217: {  	v52 =	vor.u32 $0x2A, v49;
	v11 =	vmax.f32 v21, v8;
	v8 =	vmin.f32 v21, v8  }
0x218: {  	v31 =	vmax.f32 v13, v8;
	v8 =	vmin.f32 v13, v8;
	v39 =	vmin.f32 v11, v38  }
0x219: {  	v13 =	vor.u32 $0x29, v41;
	v34 =	vmax.f32 v24, v8;
	v8 =	vmin.f32 v24, v8  }
0x21a: {  	v40 =	vmin.f32 v31, v39;
	v12 =	vmax.f32 v31, v39;
	v45 =	vmin.f32 v7, v13  }
0x21b: {  	v7 =	vmax.f32 v7, v13;
	v24 =	vand.u32 $0xFFFFFFC0, v60;
	v36 =	vmax.f32 v26, v8  }
0x21c: {  	v33 =	vld [tilespmem:s0+$0xA300];
	v8 =	vmin.f32 v26, v8;
	v42 =	vmin.f32 v34, v40;
	v46 =	vmin.f32 v9, v45  }
0x21d: {  	v9 =	vmax.f32 v9, v45;
	v54 =	vmin.f32 v7, v52;
	v7 =	vmax.f32 v7, v52  }
0x21e: {  	v6 =	vmax.f32 v6, v8;
	v8 =	vmax.f32 v11, v38;
	v11 =	vmax.f32 v34, v40  }
0x21f: {  	v44 =	vmin.f32 v36, v42;
	v14 =	vmax.f32 v36, v42;
	v47 =	vmin.f32 v10, v46  }
0x220: {  	v10 =	vmax.f32 v10, v46;
	v55 =	vmin.f32 v9, v54;
	v9 =	vmax.f32 v9, v54  }
0x221: {  	v62 =	vmin.f32 v7, v59;
	v7 =	vmax.f32 v7, v59;
	v40 =	vand.u32 $0xFFFFFFC0, v33  }
0x222: {  	v26 =	vld [tilespmem:s0+$0xA280];
	v6 =	vmax.f32 v6, v44;
	v48 =	vmax.f32 v8, v47;
	v8 =	vmin.f32 v8, v47  }
0x223: {  	v56 =	vmax.f32 v10, v55;
	v20 =	vmin.f32 v9, v62;
	v9 =	vmax.f32 v9, v62  }
0x224: {  	v42 =	vor.u32 $0x2E, v40;
	v13 =	vmax.f32 v12, v8;
	v8 =	vmin.f32 v12, v8  }
0x225: {  	v21 =	vmin.f32 v56, v20;
	v51 =	vmax.f32 v11, v8;
	v8 =	vmin.f32 v11, v8  }
0x226: {  	v43 =	vld [tilespmem:s0+$0xA380];
	v11 =	vmax.f32 v56, v20;
	v53 =	vmax.f32 v14, v8;
	v8 =	vmin.f32 v14, v8  }
0x227: {  	v60 =	vld [tilespmem:s0+$0xC080];
	v32 =	vand.u32 $0xFFFFFFC0, v26;
	v6 =	vmax.f32 v6, v8;
	v8 =	vmin.f32 v10, v55  }
0x228: {  	v35 =	vor.u32 $0x2D, v32;
	v10 =	vmax.f32 v48, v8;
	v8 =	vmin.f32 v48, v8  }
0x229: {  	v58 =	vmax.f32 v13, v8;
	v8 =	vmin.f32 v13, v8;
	v22 =	vmin.f32 v10, v21  }
0x22a: {  	v13 =	vor.u32 $0x2C, v24;
	v61 =	vmax.f32 v51, v8;
	v8 =	vmin.f32 v51, v8  }
0x22b: {  	v23 =	vmin.f32 v58, v22;
	v12 =	vmax.f32 v58, v22;
	v28 =	vmin.f32 v7, v13  }
0x22c: {  	v7 =	vmax.f32 v7, v13;
	v51 =	vand.u32 $0xFFFFFFC0, v43;
	v22 =	vand.u32 $0xFFFFFFC0, v60  }
0x22d: {  	v63 =	vmax.f32 v53, v8;
	v8 =	vmin.f32 v53, v8;
	v25 =	vmin.f32 v61, v23  }
0x22e: {  	v29 =	vmin.f32 v9, v28;
	v9 =	vmax.f32 v9, v28;
	v37 =	vmin.f32 v7, v35  }
0x22f: {  	v7 =	vmax.f32 v7, v35;
	v24 =	vor.u32 $0x31, v22;
	v6 =	vmax.f32 v6, v8  }
0x230: {  	v8 =	vmax.f32 v10, v21;
	v10 =	vmax.f32 v61, v23;
	v27 =	vmin.f32 v63, v25  }
0x231: {  	v14 =	vmax.f32 v63, v25;
	v30 =	vmin.f32 v11, v29;
	v11 =	vmax.f32 v11, v29  }
0x232: {  	v38 =	vmin.f32 v9, v37;
	v9 =	vmax.f32 v9, v37;
	v45 =	vmin.f32 v7, v42  }
0x233: {  	v53 =	vld [tilespmem:s0+$0xC000];
	v7 =	vmax.f32 v7, v42;
	v6 =	vmax.f32 v6, v27;
	v31 =	vmax.f32 v8, v30  }
0x234: {  	v8 =	vmin.f32 v8, v30;
	v39 =	vmax.f32 v11, v38;
	v47 =	vmin.f32 v9, v45  }
0x235: {  	v25 =	vld [tilespmem:s0+$0xC100];
	v9 =	vmax.f32 v9, v45;
	v13 =	vmax.f32 v12, v8;
	v8 =	vmin.f32 v12, v8  }
0x236: {  	v48 =	vmin.f32 v39, v47;
	v34 =	vmax.f32 v10, v8;
	v8 =	vmin.f32 v10, v8  }
0x237: {  	v10 =	vmax.f32 v39, v47;
	v36 =	vmax.f32 v14, v8;
	v8 =	vmin.f32 v14, v8  }
0x238: {  	v35 =	vld [tilespmem:s0+$0xC180];
	v59 =	vand.u32 $0xFFFFFFC0, v53;
	v6 =	vmax.f32 v6, v8;
	v8 =	vmin.f32 v11, v38  }
0x239: {  	v42 =	vld [tilespmem:s0+$0xC200];
	v62 =	vor.u32 $0x30, v59;
	v11 =	vmax.f32 v31, v8;
	v8 =	vmin.f32 v31, v8  }
0x23a: {  	v33 =	vand.u32 $0xFFFFFFC0, v25;
	v41 =	vmax.f32 v13, v8;
	v8 =	vmin.f32 v13, v8  }
0x23b: {  	v49 =	vmin.f32 v11, v48;
	v13 =	vor.u32 $0x2F, v51;
	v44 =	vmax.f32 v34, v8  }
0x23c: {  	v8 =	vmin.f32 v34, v8;
	v50 =	vmin.f32 v41, v49;
	v12 =	vmax.f32 v41, v49  }
0x23d: {  	v55 =	vmin.f32 v7, v13;
	v7 =	vmax.f32 v7, v13;
	v41 =	vand.u32 $0xFFFFFFC0, v35  }
0x23e: {  	v49 =	vand.u32 $0xFFFFFFC0, v42;
	v46 =	vmax.f32 v36, v8;
	v8 =	vmin.f32 v36, v8  }
0x23f: {  	v52 =	vmin.f32 v44, v50;
	v56 =	vmin.f32 v9, v55;
	v9 =	vmax.f32 v9, v55  }
0x240: {  	v19 =	vmin.f32 v7, v62;
	v7 =	vmax.f32 v7, v62;
	v51 =	vor.u32 $0x34, v49  }
0x241: {  	v6 =	vmax.f32 v6, v8;
	v8 =	vmax.f32 v11, v48;
	v11 =	vmax.f32 v44, v50  }
0x242: {  	v54 =	vmin.f32 v46, v52;
	v14 =	vmax.f32 v46, v52;
	v57 =	vmin.f32 v10, v56  }
0x243: {  	v10 =	vmax.f32 v10, v56;
	v20 =	vmin.f32 v9, v19;
	v9 =	vmax.f32 v9, v19  }
0x244: {  	v62 =	vld [tilespmem:s0+$0xC300];
	v27 =	vmin.f32 v7, v24;
	v7 =	vmax.f32 v7, v24;
	v44 =	vor.u32 $0x33, v41  }
0x245: {  	v52 =	vld [tilespmem:s0+$0xC280];
	v6 =	vmax.f32 v6, v54;
	v58 =	vmax.f32 v8, v57;
	v8 =	vmin.f32 v8, v57  }
0x246: {  	v21 =	vmax.f32 v10, v20;
	v29 =	vmin.f32 v9, v27;
	v9 =	vmax.f32 v9, v27  }
0x247: {  	v13 =	vmax.f32 v12, v8;
	v8 =	vmin.f32 v12, v8;
	v30 =	vmin.f32 v21, v29  }
0x248: {  	v61 =	vmax.f32 v11, v8;
	v8 =	vmin.f32 v11, v8;
	v11 =	vmax.f32 v21, v29  }
0x249: {  	v63 =	vmax.f32 v14, v8;
	v8 =	vmin.f32 v14, v8;
	v24 =	vand.u32 $0xFFFFFFC0, v62  }
0x24a: {  	v6 =	vmax.f32 v6, v8;
	v8 =	vmin.f32 v10, v20;
	v60 =	vand.u32 $0xFFFFFFC0, v52  }
0x24b: {  	v27 =	vor.u32 $0x36, v24;
	v10 =	vmax.f32 v58, v8;
	v8 =	vmin.f32 v58, v8  }
0x24c: {  	v23 =	vmax.f32 v13, v8;
	v8 =	vmin.f32 v13, v8;
	v31 =	vmin.f32 v10, v30  }
0x24d: {  	v13 =	vor.u32 $0x32, v33;
	v26 =	vmax.f32 v61, v8;
	v8 =	vmin.f32 v61, v8  }
0x24e: {  	v32 =	vmin.f32 v23, v31;
	v12 =	vmax.f32 v23, v31;
	v37 =	vmin.f32 v7, v13  }
0x24f: {  	v7 =	vmax.f32 v7, v13;
	v28 =	vmax.f32 v63, v8;
	v8 =	vmin.f32 v63, v8  }
0x250: {  	v25 =	vld [tilespmem:s0+$0xC380];
	v34 =	vmin.f32 v26, v32;
	v38 =	vmin.f32 v9, v37;
	v9 =	vmax.f32 v9, v37  }
0x251: {  	v46 =	vmin.f32 v7, v44;
	v7 =	vmax.f32 v7, v44;
	v6 =	vmax.f32 v6, v8  }
0x252: {  	v8 =	vmax.f32 v10, v30;
	v10 =	vmax.f32 v26, v32;
	v36 =	vmin.f32 v28, v34  }
0x253: {  	v14 =	vmax.f32 v28, v34;
	v39 =	vmin.f32 v11, v38;
	v11 =	vmax.f32 v11, v38  }
0x254: {  	v47 =	vmin.f32 v9, v46;
	v9 =	vmax.f32 v9, v46;
	v54 =	vmin.f32 v7, v51  }
0x255: {  	v7 =	vmax.f32 v7, v51;
	v32 =	vand.u32 $0xFFFFFFC0, v25;
	v6 =	vmax.f32 v6, v36  }
0x256: {  	v40 =	vmax.f32 v8, v39;
	v8 =	vmin.f32 v8, v39;
	v48 =	vmax.f32 v11, v47  }
0x257: {  	v56 =	vmin.f32 v9, v54;
	v13 =	vmax.f32 v12, v8;
	v8 =	vmin.f32 v12, v8  }
0x258: {  	v9 =	vmax.f32 v9, v54;
	v43 =	vmax.f32 v10, v8;
	v8 =	vmin.f32 v10, v8  }
0x259: {  	v34 =	vor.u32 $0x37, v32;
	v45 =	vmax.f32 v14, v8;
	v8 =	vmin.f32 v14, v8  }
0x25a: {  	v35 =	vld [tilespmem:s0+$0xE000];
	v57 =	vmin.f32 v48, v56;
	v6 =	vmax.f32 v6, v8;
	v8 =	vmin.f32 v11, v47  }
0x25b: {  	v10 =	vmax.f32 v48, v56;
	v11 =	vmax.f32 v40, v8;
	v8 =	vmin.f32 v40, v8  }
0x25c: {  	v50 =	vmax.f32 v13, v8;
	v8 =	vmin.f32 v13, v8;
	v58 =	vmin.f32 v11, v57  }
0x25d: {  	v62 =	vld [tilespmem:s0+$0xE180];
	v13 =	vor.u32 $0x35, v60;
	v53 =	vmax.f32 v43, v8;
	v8 =	vmin.f32 v43, v8  }
0x25e: {  	v59 =	vmin.f32 v50, v58;
	v12 =	vmax.f32 v50, v58;
	v20 =	vmin.f32 v7, v13  }
0x25f: {  	v7 =	vmax.f32 v7, v13;
	v43 =	vand.u32 $0xFFFFFFC0, v35;
	v55 =	vmax.f32 v45, v8  }
0x260: {  	v8 =	vmin.f32 v45, v8;
	v61 =	vmin.f32 v53, v59;
	v21 =	vmin.f32 v9, v20  }
0x261: {  	v52 =	vld [tilespmem:s0+$0xE100];
	v9 =	vmax.f32 v9, v20;
	v29 =	vmin.f32 v7, v27;
	v7 =	vmax.f32 v7, v27  }
0x262: {  	v27 =	vand.u32 $0xFFFFFFC0, v62;
	v6 =	vmax.f32 v6, v8;
	v8 =	vmax.f32 v11, v57  }
0x263: {  	v11 =	vmax.f32 v53, v59;
	v63 =	vmin.f32 v55, v61;
	v14 =	vmax.f32 v55, v61  }
0x264: {  	v22 =	vmin.f32 v10, v21;
	v10 =	vmax.f32 v10, v21;
	v30 =	vmin.f32 v9, v29  }
0x265: {  	v9 =	vmax.f32 v9, v29;
	v37 =	vmin.f32 v7, v34;
	v7 =	vmax.f32 v7, v34  }
0x266: {  	v59 =	vand.u32 $0xFFFFFFC0, v52;
	v6 =	vmax.f32 v6, v63;
	v23 =	vmax.f32 v8, v22  }
0x267: {  	v45 =	vld [tilespmem:s0+$0xE080];
	v8 =	vmin.f32 v8, v22;
	v31 =	vmax.f32 v10, v30;
	v39 =	vmin.f32 v9, v37  }
0x268: {  	v29 =	vld [tilespmem:s0+$0xE200];
	v9 =	vmax.f32 v9, v37;
	v13 =	vmax.f32 v12, v8;
	v8 =	vmin.f32 v12, v8  }
0x269: {  	v61 =	vor.u32 $0x3A, v59;
	v26 =	vmax.f32 v11, v8;
	v8 =	vmin.f32 v11, v8  }
0x26a: {  	v40 =	vmin.f32 v31, v39;
	v28 =	vmax.f32 v14, v8;
	v8 =	vmin.f32 v14, v8  }
0x26b: {  	v11 =	vmax.f32 v31, v39;
	v6 =	vmax.f32 v6, v8;
	v8 =	vmin.f32 v10, v30  }
0x26c: {  	v51 =	vand.u32 $0xFFFFFFC0, v45;
	v10 =	vmax.f32 v23, v8;
	v8 =	vmin.f32 v23, v8  }
0x26d: {  	v54 =	vor.u32 $0x39, v51;
	v35 =	vand.u32 $0xFFFFFFC0, v29;
	v33 =	vmax.f32 v13, v8  }
0x26e: {  	v8 =	vmin.f32 v13, v8;
	v41 =	vmin.f32 v10, v40;
	v13 =	vor.u32 $0x38, v43  }
0x26f: {  	v36 =	vmax.f32 v26, v8;
	v8 =	vmin.f32 v26, v8;
	v42 =	vmin.f32 v33, v41  }
0x270: {  	v12 =	vmax.f32 v33, v41;
	v47 =	vmin.f32 v7, v13;
	v7 =	vmax.f32 v7, v13  }
0x271: {  	v38 =	vmax.f32 v28, v8;
	v8 =	vmin.f32 v28, v8;
	v44 =	vmin.f32 v36, v42  }
0x272: {  	v48 =	vmin.f32 v9, v47;
	v9 =	vmax.f32 v9, v47;
	v56 =	vmin.f32 v7, v54  }
0x273: {  	v7 =	vmax.f32 v7, v54;
	v6 =	vmax.f32 v6, v8;
	v8 =	vmax.f32 v10, v40  }
0x274: {  	v10 =	vmax.f32 v36, v42;
	v46 =	vmin.f32 v38, v44;
	v14 =	vmax.f32 v38, v44  }
0x275: {  	v49 =	vmin.f32 v11, v48;
	v11 =	vmax.f32 v11, v48;
	v57 =	vmin.f32 v9, v56  }
0x276: {  	v9 =	vmax.f32 v9, v56;
	v21 =	vmin.f32 v7, v61;
	v7 =	vmax.f32 v7, v61  }
0x277: {  	v36 =	vld [tilespmem:s0+$0xE280];
	v38 =	vor.u32 $0x3C, v35;
	v6 =	vmax.f32 v6, v46;
	v50 =	vmax.f32 v8, v49  }
0x278: {  	v8 =	vmin.f32 v8, v49;
	v58 =	vmax.f32 v11, v57;
	v23 =	vmin.f32 v9, v21  }
0x279: {  	v9 =	vmax.f32 v9, v21;
	v46 =	vld [tilespmem:s0+$0xE300];
	v13 =	vmax.f32 v12, v8;
	v8 =	vmin.f32 v12, v8  }
0x27a: {  	v24 =	vmin.f32 v58, v23;
	v53 =	vmax.f32 v10, v8;
	v8 =	vmin.f32 v10, v8  }
0x27b: {  	v10 =	vmax.f32 v58, v23;
	v55 =	vmax.f32 v14, v8;
	v8 =	vmin.f32 v14, v8  }
0x27c: {  	v6 =	vmax.f32 v6, v8;
	v8 =	vmin.f32 v11, v57;
	v43 =	vand.u32 $0xFFFFFFC0, v36  }
0x27d: {  	v11 =	vmax.f32 v50, v8;
	v8 =	vmin.f32 v50, v8;
	v45 =	vor.u32 $0x3D, v43  }
0x27e: {  	v54 =	vand.u32 $0xFFFFFFC0, v46;
	v60 =	vmax.f32 v13, v8;
	v8 =	vmin.f32 v13, v8  }
0x27f: {  	v25 =	vmin.f32 v11, v24;
	v13 =	vor.u32 $0x3B, v27;
	v63 =	vmax.f32 v53, v8  }
0x280: {  	v8 =	vmin.f32 v53, v8;
	v26 =	vmin.f32 v60, v25;
	v12 =	vmax.f32 v60, v25  }
0x281: {  	v31 =	vmin.f32 v7, v13;
	v7 =	vmax.f32 v7, v13;
	v22 =	vmax.f32 v55, v8  }
0x282: {  	v8 =	vmin.f32 v55, v8;
	v28 =	vmin.f32 v63, v26;
	v32 =	vmin.f32 v9, v31  }
0x283: {  	v9 =	vmax.f32 v9, v31;
	v40 =	vmin.f32 v7, v38;
	v7 =	vmax.f32 v7, v38  }
0x284: {  	v6 =	vmax.f32 v6, v8;
	v8 =	vmax.f32 v11, v24;
	v11 =	vmax.f32 v63, v26  }
0x285: {  	v30 =	vmin.f32 v22, v28;
	v14 =	vmax.f32 v22, v28;
	v33 =	vmin.f32 v10, v32  }
0x286: {  	v10 =	vmax.f32 v10, v32;
	v41 =	vmin.f32 v9, v40;
	v9 =	vmax.f32 v9, v40  }
0x287: {  	v48 =	vmin.f32 v7, v45;
	v7 =	vmax.f32 v7, v45;
	v6 =	vmax.f32 v6, v30  }
0x288: {  	v55 =	vld [tilespmem:s0+$0xE380];
	v34 =	vmax.f32 v8, v33;
	v8 =	vmin.f32 v8, v33;
	v42 =	vmax.f32 v10, v41  }
0x289: {  	v50 =	vmin.f32 v9, v48;
	v13 =	vmax.f32 v12, v8;
	v8 =	vmin.f32 v12, v8  }
0x28a: {  	v9 =	vmax.f32 v9, v48;
	v37 =	vmax.f32 v11, v8;
	v8 =	vmin.f32 v11, v8  }
0x28b: {  	v51 =	vmin.f32 v42, v50;
	v39 =	vmax.f32 v14, v8;
	v8 =	vmin.f32 v14, v8  }
0x28c: {  	v11 =	vmax.f32 v42, v50;
	v6 =	vmax.f32 v6, v8;
	v8 =	vmin.f32 v10, v41  }
0x28d: {  	v14 =	vor.u32 $0x3F, v55;
	v10 =	vmax.f32 v34, v8;
	v8 =	vmin.f32 v34, v8  }
0x28e: {  	v44 =	vmax.f32 v13, v8;
	v8 =	vmin.f32 v13, v8;
	v52 =	vmin.f32 v10, v51  }
0x28f: {  	v13 =	vor.u32 $0x3E, v54;
	v47 =	vmax.f32 v37, v8;
	v8 =	vmin.f32 v37, v8  }
0x290: {  	v53 =	vmin.f32 v44, v52;
	v12 =	vmax.f32 v44, v52;
	v58 =	vmin.f32 v7, v13  }
0x291: {  	v7 =	vmax.f32 v7, v13;
	v49 =	vmax.f32 v39, v8;
	v8 =	vmin.f32 v39, v8  }
0x292: {  	v56 =	vmin.f32 v47, v53;
	v59 =	vmin.f32 v9, v58;
	v9 =	vmax.f32 v9, v58  }
0x293: {  	v63 =	vmin.f32 v7, v14;
	v14 =	vmax.f32 v7, v14;
	v6 =	vmax.f32 v6, v8  }
0x294: {  	v8 =	vmax.f32 v10, v51;
	v10 =	vmax.f32 v47, v53;
	v57 =	vmin.f32 v49, v56  }
0x295: {  	v15 =	vmax.f32 v49, v56;
	v60 =	vmin.f32 v11, v59;
	v11 =	vmax.f32 v11, v59  }
0x296: {  	v22 =	vmin.f32 v9, v63;
	v9 =	vmax.f32 v9, v63;
	v29 =	vshll.u32 v14, $0xA  }
0x297: {  	v30 =	vshll.u32 v14, $0x7;
	v6 =	vmax.f32 v6, v57;
	v61 =	vmin.f32 v8, v60  }
0x298: {  	v8 =	vmax.f32 v8, v60;
	v19 =	vmin.f32 v11, v22;
	v11 =	vmax.f32 v11, v22  }
0x299: {  	v16 =	vand.u32 $0x380, v30;
	v31 =	vshll.u32 v9, $0xA;
	v17 =	vshll.u32 v9, $0x7  }
0x29a: {  	v62 =	vmin.f32 v12, v61;
	v12 =	vmax.f32 v12, v61;
	v24 =	vmin.f32 v8, v19  }
0x29b: {  	v8 =	vmax.f32 v8, v19;
	v17 =	vand.u32 $0x380, v17;
	v32 =	vshll.u32 v11, $0xA  }
0x29c: {  	v18 =	vshll.u32 v11, $0x7;
	v21 =	vmin.f32 v10, v62;
	v10 =	vmax.f32 v10, v62  }
0x29d: {  	v25 =	vmin.f32 v12, v24;
	v12 =	vmax.f32 v12, v24;
	v18 =	vand.u32 $0x380, v18  }
0x29e: {  	v33 =	vshll.u32 v8, $0xA;
	v19 =	vshll.u32 v8, $0x7;
	v23 =	vmin.f32 v15, v21  }
0x29f: {  	v15 =	vmax.f32 v15, v21;
	v26 =	vmin.f32 v10, v25;
	v7 =	vmax.f32 v10, v25  }
0x2a0: {  	v19 =	vand.u32 $0x380, v19;
	v34 =	vshll.u32 v12, $0xA;
	v20 =	vshll.u32 v12, $0x7  }
0x2a1: {  	v27 =	vmax.f32 v15, v26;
	v28 =	vmin.f32 v15, v26;
	v15 =	vand.u32 $0xE000, v29  }
0x2a2: {  	v13 =	vmax.f32 v6, v23;
	v15 =	vor.u32 v15, v16;
	v16 =	vand.u32 $0xE000, v31  }
0x2a3: {  	v20 =	vand.u32 $0x380, v20;
	v15 =	vor.u32 v4, v15;
	v16 =	vor.u32 v16, v17  }
0x2a4: {  	v17 =	vand.u32 $0xE000, v32;
	v15 =	vor.u32 v5, v15;
	v16 =	vor.u32 v4, v16  }
0x2a5: {  	v35 =	vshll.u32 v7, $0xA;
	v17 =	vor.u32 v17, v18;
	v16 =	vor.u32 v5, v16  }
0x2a6: {  	v21 =	vshll.u32 v7, $0x7;
	v18 =	vand.u32 $0xE000, v33;
	v17 =	vor.u32 v4, v17  }
0x2a7: {  	v21 =	vand.u32 $0x380, v21;
	v18 =	vor.u32 v18, v19;
	v17 =	vor.u32 v5, v17  }
0x2a8: {  	v10 =	vmax.f32 v13, v28;
	v19 =	vand.u32 $0xE000, v34;
	v18 =	vor.u32 v4, v18  }
0x2a9: {  	v39 =	vshll.u32 v27, $0xA;
	v19 =	vor.u32 v19, v20;
	v18 =	vor.u32 v5, v18;
	v15 =	vld.idx.msk [tilespmem:v15+s3+$0x0], $0xffff  }
0x2aa: {  	v40 =	vshll.u32 v27, $0x7;
	v20 =	vand.u32 $0xE000, v35;
	v19 =	vor.u32 v4, v19;
	v36 =	vld.idx.msk [tilespmem:v16+s3+$0x0], $0xffff  }
0x2ab: {  	v41 =	vshll.u32 v10, $0xA;
	v38 =	vor.u32 v20, v21;
	v37 =	vor.u32 v5, v19  }
0x2ac: {  	v20 =	vand.u32 $0xE000, v39;
	v21 =	vand.u32 $0x380, v40;
	v19 =	vor.u32 v4, v38;
	v17 =	vld.idx.msk [tilespmem:v17+s3+$0x0], $0xffff  }
0x2ad: {  	v22 =	vshll.u32 v10, $0x7;
	v20 =	vor.u32 v20, v21;
	v19 =	vor.u32 v5, v19  }
0x2ae: {  	v22 =	vand.u32 $0x380, v22;
	v21 =	vand.u32 $0xE000, v41;
	v20 =	vor.u32 v4, v20;
	v18 =	vld.idx.msk [tilespmem:v18+s3+$0x0], $0xffff  }
0x2af: {  	v21 =	vor.u32 v21, v22;
	v20 =	vor.u32 v5, v20;
	v13 =	vsub.f32 v36, v15  }
0x2b0: {  	v4 =	vor.u32 v4, v21;
	v16 =	vld.idx.msk [tilespmem:v37+s3+$0x0], $0xffff  }
0x2b1: {  	v4 =	vor.u32 v5, v4;
	v42 =	vsub.f32 v17, v15;
	v5 =	vmul.f32 $1.442695020e+00, v13  }
0x2b2: {  	v43 =	vld.idx.msk [tilespmem:v19+s3+$0x0], $0xffff  }
0x2b3: {  	v44 =	vsub.f32 v18, v15;
	(erf) = vpow2.f32 v5;
	v5 =	vmul.f32 $1.442695020e+00, v42  }
0x2b4: {  	v45 =	vld.idx.msk [tilespmem:v20+s3+$0x0], $0xffff  }
0x2b5: {  	v46 =	vsub.f32 v16, v15;
	(erf) = vpow2.f32 v5;
	v5 =	vmul.f32 $1.442695020e+00, v44;
	_ =	sdelay $0x1  }
0x2b6: {  	v4 =	vld.idx.msk [tilespmem:v4+s3+$0x0], $0xffff;
	v47 =	vsub.f32 v43, v15;
	(erf) = vpow2.f32 v5;
	v5 =	vmul.f32 $1.442695020e+00, v46;
	_ =	sdelay $0x1  }
0x2b7: {  	v48 =	vsub.f32 v45, v15;
	(erf) = vpow2.f32 v5;
	v5 =	vmul.f32 $1.442695020e+00, v47;
	_ =	sdelay $0x1  }
0x2b8: {  	(erf) = vpow2.f32 v5;
	v5 =	vmul.f32 $1.442695020e+00, v48  }
0x2b9: {  	v4 =	vsub.f32 v4, v15;
	v49 =	vpop (erf)  }
0x2ba: {  	(erf) = vpow2.f32 v5;
	v5 =	vadd.f32 $1.000000000e+00, v49  }
0x2bb: {  	v4 =	vmul.f32 $1.442695020e+00, v4  }
0x2bc: {  	v50 =	vpop (erf)  }
0x2bd: {  	(erf) = vpow2.f32 v4;
	v4 =	vadd.f32 v50, v5  }
0x2be: {  	v5 =	vpop (erf)  }
0x2bf: {  	v4 =	vadd.f32 v5, v4  }
0x2c0: {  	v51 =	vpop (erf)  }
0x2c1: {  	v4 =	vadd.f32 v51, v4  }
0x2c2: {  	v52 =	vpop (erf)  }
0x2c3: {  	v4 =	vadd.f32 v52, v4  }
0x2c4: {  	v53 =	vpop (erf)  }
0x2c5: {  	v4 =	vadd.f32 v53, v4  }
0x2c6: {  	v54 =	vpop (erf)  }
0x2c7: {  	v4 =	vadd.f32 v54, v4;
	_ =	sdelay $0x1  }
0x2c8: {  	(erf) = vrcp.f32 v4;
	_ =	sdelay $0x4  }
0x2c9: {  	v4 =	vand.u32 $0x3F, v14  }
0x2ca: {  	v14 =	vor.u32 v3, v4;
	_ =	sdelay $0x1  }
0x2cb: {  	v9 =	vand.u32 $0x3F, v9  }
0x2cc: {  	v56 =	vor.u32 v3, v9;
	[tilespmem:s0+$0x12000] =	vst v4;
	v55 =	vpop (erf)  }
0x2cd: {  	[tilespmem:s0+$0x10000] =	vst v55;
	v4 =	vmul.f32 v55, v49  }
0x2ce: {  	v11 =	vand.u32 $0x3F, v11;
	[tilespmem:v14+s23+$0x0] =	vst.idx.add.f32.msk $0xffff, v2  }
0x2cf: {  	[tilespmem:s0+$0x10080] =	vst v4;
	v4 =	vor.u32 v3, v11  }
0x2d0: {  	v57 =	vmul.f32 v55, v50;
	[tilespmem:s0+$0x12080] =	vst v9  }
0x2d1: {  	v8 =	vand.u32 $0x3F, v8;
	[tilespmem:v56+s23+$0x0] =	vst.idx.add.f32.msk $0xffff, v2  }
0x2d2: {  	v58 =	vor.u32 v3, v8;
	[tilespmem:s0+$0x10100] =	vst v57  }
0x2d3: {  	v5 =	vmul.f32 v55, v5;
	[tilespmem:s0+$0x12100] =	vst v11  }
0x2d4: {  	v59 =	vand.u32 $0x3F, v12;
	[tilespmem:v4+s23+$0x0] =	vst.idx.add.f32.msk $0xffff, v2  }
0x2d5: {  	v4 =	vor.u32 v3, v59;
	[tilespmem:s0+$0x10180] =	vst v5  }
0x2d6: {  	[tilespmem:s0+$0x12180] =	vst v8;
	v5 =	vmul.f32 v55, v51  }
0x2d7: {  	v7 =	vand.u32 $0x3F, v7;
	[tilespmem:v58+s23+$0x0] =	vst.idx.add.f32.msk $0xffff, v2  }
0x2d8: {  	[tilespmem:s0+$0x10200] =	vst v5;
	v5 =	vor.u32 v3, v7  }
0x2d9: {  	v60 =	vmul.f32 v55, v52;
	[tilespmem:s0+$0x12200] =	vst v59  }
0x2da: {  	v6 =	vand.u32 $0x3F, v27;
	[tilespmem:v4+s23+$0x0] =	vst.idx.add.f32.msk $0xffff, v2  }
0x2db: {  	v4 =	vor.u32 v3, v6;
	[tilespmem:s0+$0x10280] =	vst v60  }
0x2dc: {  	v61 =	vmul.f32 v55, v53;
	[tilespmem:s0+$0x12280] =	vst v7  }
0x2dd: {  	s30 =	sadd.s32 $0x10, s30;
	v62 =	vand.u32 $0x3F, v10;
	[tilespmem:v5+s23+$0x0] =	vst.idx.add.f32.msk $0xffff, v2  }
0x2de: {  	p0 =	sne.s32 s30, $0x400;
	v5 =	vor.u32 v3, v62;
	[tilespmem:s0+$0x10300] =	vst v61  }
.Ltmp3:
0x2df: {  	v63 =	vmul.f32 v55, v54;
	[tilespmem:s0+$0x12300] =	vst v6;
	(pc) =	sbr.rel @!p0 .LBB2_10-.Ltmp3, $4  }
0x2e0: {  	[tilespmem:v4+s23+$0x0] =	vst.idx.add.f32.msk $0xffff, v2  }
0x2e1: {  	[tilespmem:s2+$0x10000] =	vst v63  }
0x2e2: {  	[tilespmem:s2+$0x12000] =	vst v62  }
0x2e3: {  	s31 =	sadd.s32 $0x1, s31;
	s29 =	sadd.s32 $0x80, s29;
	[tilespmem:v5+s23+$0x0] =	vst.idx.add.f32.msk $0xffff, v2  }
.LBB2_2:
0x2e4: {  	p0 =	seq.s32 s31, $0x10  }
.Ltmp4:
0x2e5: {  	_ = 	snop;
	(pc) =	sbr.rel @p0 .LBB2_3-.Ltmp4, $1  }
0x2e6: {  	_ =	sdelay $0x3  }
0x2e7: {  	p0 =	seq.s32 s31, $0x30  }
.Ltmp5:
0x2e8: {  	_ = 	snop;
	(pc) =	sbr.rel @p0 .LBB2_7-.Ltmp5, $1  }
0x2e9: {  	_ =	sdelay $0x3  }
0x2ea: {  	p0 =	sne.s32 s31, $0x20  }
.Ltmp6:
0x2eb: {  	_ = 	snop;
	(pc) =	sbr.rel @p0 .LBB2_9-.Ltmp6, $1  }
0x2ec: {  	_ =	sdelay $0x3  }
.Ltmp7:
0x2ed: {  	(pc) =	sbr.rel .LBB2_8-.Ltmp7, $4  }
0x2ee: {  	_ = 	snop  }
0x2ef: {  	s0 =	simm.s32 $0xF000;
	s2 =	simm.s32 $0xD000;
	s12 =	simm.s32 $0xB000  }
0x2f0: {  	s13 =	simm.s32 $0x9000;
	s14 =	simm.s32 $0x7000;
	s15 =	simm.s32 $0x5000  }
0x2f1: {  	s16 =	simm.s32 $0x3000;
	s17 =	simm.s32 $0x1000;
	s5 =	smov.u32 s6  }
.LBB2_3:
.Ltmp8:
0x2f2: {  	(pc) =	sbr.rel .LBB2_8-.Ltmp8, $4  }
0x2f3: {  	_ = 	snop  }
0x2f4: {  	s0 =	simm.s32 $0xE800;
	s2 =	simm.s32 $0xC800;
	s12 =	simm.s32 $0xA800  }
0x2f5: {  	s13 =	simm.s32 $0x8800;
	s14 =	simm.s32 $0x6800;
	s15 =	simm.s32 $0x4800  }
0x2f6: {  	s16 =	simm.s32 $0x2800;
	s17 =	simm.s32 $0x800;
	s5 =	smov.u32 s18  }
.LBB2_11:
0x2f7: {  	_ =	sfence.sel $0x180000  }
0x2f8: {  	[bflag:$0x0] =	sbarrier.arrive $0xFFFF  }
0x2f9: {  	_ =	strace $0x90000047  }
0x2fa: {  	s0 =	stileid.u32;
	[bflag:$0x2] =	sbarrier.arrive $0xFFFF  }
0x2fb: {  	p0 =	sne.s32 s0, $0x0;
	s0 =	rddreg [dreg:$0x5]  }
0x2fc: {  	s0 =	sadd.s32 @!p0 $0x100000, s0  }
0x2fd: {  	[sflag:s0] =	ssyncadd.tile.s32 @!p0 $0x1;
	_ =	shalt  }
.Lfunc_end2:
_tile_overlayer_lowered:
.L_overlay_start_2:
0x2fe: {  	(tag) =	ssettag $0x2  }
0x2ff: {  	s0 =	rddreg [dreg:$0x0];
	s2 =	stileid.u32  }
0x300: {  	s1 =	rddreg [dreg:$0x1];
	p0 =	sne.s32 s2, $0x0  }
0x301: {  	s3 =	rddreg [dreg:$0x2];
	[bflag:$0x3] =	sbarrier.arrive $0xFFFF;
	s2 =	simm.s32 @!p0 $0x1C03  }
0x302: {  	[timem:s3], [sflag:s2] =	dma.local @!p0 [hbm:s0], s1  }
0x303: {  	s0 =	simm.s32 @!p0 $0x3  }
0x304: {  	_ =	swait.ge @!p0 [sflag:s0], s1  }
0x305: {  	s1 =	ssub.s32 @!p0 $0x0, s1;
	[sflag:s0] =	ssyncset.done @!p0 $0x0  }
0x306: {  	[sflag:s0] =	ssyncadd.s32 @!p0 s1  }
0x307: {  	[bflag:$0x3] =	sbarrier.arrive $0xFFFF  }
0x308: {  	_ =	shalt  }

</sc_bundles>
